<compile_context>
chip_gen: v7x
topology: tpu7x:2x2x1
jax: 0.10.2.dev20260603
libtpu: 0.0.44.dev20260713+nightly
codegen_flags: <defaults>
</compile_context>

<pallas_src>
import jax
import jax.numpy as jnp
from jax import lax
from jax.experimental import pallas as pl
from jax.experimental.pallas import tpu as pltpu
from jax.experimental.pallas import tpu_sc as plsc

_N = 10000
_E = 320000
_D = 128
_NC = 2
_NS = 16
_NW = _NC * _NS
_CS = 128
_CH = 80
_NPAD = 10240
_KB = 16


def _make_sc_agg(with_counts):
  mesh = plsc.VectorSubcoreMesh(core_axis_name="c", subcore_axis_name="s")
  out_type = [jax.ShapeDtypeStruct((_NC, _NPAD, _D), jnp.float32)]
  scratch = [
      pltpu.VMEM((_KB, _CS), jnp.int32),
      pltpu.VMEM((_KB, _CS), jnp.int32),
      pltpu.VMEM((_CS, _D), jnp.float32),
      pltpu.VMEM((_CS, _D), jnp.float32),
      pltpu.SemaphoreType.DMA,
      pltpu.SemaphoreType.DMA,
      pltpu.VMEM_SHARED((_NPAD, _D), jnp.float32),
  ]
  if with_counts:
    out_type.append(jax.ShapeDtypeStruct((_NC, _NPAD, _D), jnp.float32))
  rpt = _NPAD // _NS

  def body(h_hbm, src_hbm, dst_hbm, *refs):
    if with_counts:
      out_sum, out_cnt, src_v, dst_v, rows_v, rows2_v, sem, sem2, acc_sh = refs
    else:
      out_sum, src_v, dst_v, rows_v, rows2_v, sem, sem2, acc_sh = refs
      out_cnt = None
    bufs = (rows_v, rows2_v)
    sems = (sem, sem2)
    cid = lax.axis_index("c")
    sid = lax.axis_index("s")
    wid = cid * _NS + sid
    z16 = jnp.zeros((16,), jnp.float32)
    o16 = jnp.ones((16,), jnp.float32)

    def _fill(v16):
      def _frow(i, c):
        for k in range(_D // 16):
          rows_v[i, pl.ds(k * 16, 16)] = v16
        return c

      lax.fori_loop(0, _CS, _frow, 0)

    def _zero_table():
      for k in range(rpt // _CS):
        base = sid * rpt + k * _CS
        pltpu.sync_copy(rows_v, acc_sh.at[pl.ds(base, _CS)])

    def _copy_out(dst_hbm_ref):
      for k in range(rpt // _CS):
        base = sid * rpt + k * _CS
        pltpu.sync_copy(acc_sh.at[pl.ds(base, _CS)], rows_v)
        pltpu.sync_copy(rows_v, dst_hbm_ref.at[cid, pl.ds(base, _CS)])

    _fill(z16)
    _zero_table()
    plsc.subcore_barrier()

    def _batch(bi, c):
      pltpu.sync_copy(src_hbm.at[wid, pl.ds(bi * _KB, _KB)], src_v)
      pltpu.sync_copy(dst_hbm.at[wid, pl.ds(bi * _KB, _KB)], dst_v)
      cps = [pltpu.async_copy(h_hbm.at[src_v.at[0]], bufs[0], sems[0])]
      for j in range(_KB):
        b = j % 2
        cps[j].wait()
        if j + 1 < _KB:
          cps.append(
              pltpu.async_copy(h_hbm.at[src_v.at[j + 1]], bufs[1 - b],
                               sems[1 - b]))
        pltpu.sync_copy(bufs[b], acc_sh.at[dst_v.at[j]], add=True)
      return c

    lax.fori_loop(0, _CH // _KB, _batch, 0)
    plsc.subcore_barrier()
    _copy_out(out_sum)

    if with_counts:
      plsc.subcore_barrier()
      _fill(z16)
      _zero_table()
      plsc.subcore_barrier()
      _fill(o16)

      def _cbatch(bi, c):
        pltpu.sync_copy(dst_hbm.at[wid, pl.ds(bi * _KB, _KB)], dst_v)
        cps = [pltpu.async_copy(rows_v, acc_sh.at[dst_v.at[j]], sem, add=True)
               for j in range(_KB)]
        for cp in cps:
          cp.wait()
        return c

      lax.fori_loop(0, _CH // _KB, _cbatch, 0)
      plsc.subcore_barrier()
      _copy_out(out_cnt)

  return pl.kernel(body, out_type, mesh=mesh, scratch_types=scratch)


_sc_agg_counts = _make_sc_agg(True)
_sc_agg = _make_sc_agg(False)

_BR = 1000


def _dgt(a, b):
  return lax.dot_general(a, b, (((1,), (1,)), ((), ())),
                         precision=lax.Precision.HIGHEST,
                         preferred_element_type=jnp.float32)


def _tc1_body(x_ref, s0_ref, s1_ref, c0_ref, c1_ref, w_ref, b_ref, o_ref):
  cnt = c0_ref[...] + c1_ref[...]
  inv = 1.0 / jnp.maximum(cnt, 1.0)
  msk = jnp.where(cnt > 0.0, 1.0, 0.0)
  s = (s0_ref[...] + s1_ref[...]) * inv
  w = w_ref[...]
  pre = _dgt(x_ref[...], w[:, :_D] - w[:, _D:]) + _dgt(s, w[:, _D:]) + b_ref[...]
  o_ref[...] = jnp.maximum(pre * msk, 0.0)


_tc1 = pl.pallas_call(
    _tc1_body,
    grid=(_N // _BR,),
    in_specs=[
        pl.BlockSpec((_BR, _D), lambda i: (i, 0)),
        pl.BlockSpec((_BR, _D), lambda i: (i, 0)),
        pl.BlockSpec((_BR, _D), lambda i: (i, 0)),
        pl.BlockSpec((_BR, _D), lambda i: (i, 0)),
        pl.BlockSpec((_BR, _D), lambda i: (i, 0)),
        pl.BlockSpec((_D, 2 * _D), lambda i: (0, 0)),
        pl.BlockSpec((1, _D), lambda i: (0, 0)),
    ],
    out_specs=pl.BlockSpec((_BR, _D), lambda i: (i, 0)),
    out_shape=jax.ShapeDtypeStruct((_N, _D), jnp.float32),
)


def _tc2_body(x_ref, h1_ref, s0_ref, s1_ref, c0_ref, c1_ref, w2_ref, b2_ref,
              wf_ref, bf_ref, o_ref):
  cnt = c0_ref[...] + c1_ref[...]
  inv = 1.0 / jnp.maximum(cnt, 1.0)
  msk = jnp.where(cnt > 0.0, 1.0, 0.0)
  s = (s0_ref[...] + s1_ref[...]) * inv
  w2 = w2_ref[...]
  h1 = h1_ref[...]
  pre = _dgt(h1, w2[:, :_D] - w2[:, _D:]) + _dgt(s, w2[:, _D:]) + b2_ref[...]
  h2 = jnp.maximum(pre * msk, 0.0)
  wf = wf_ref[...]
  o_ref[...] = (_dgt(x_ref[...], wf[:, :_D]) + _dgt(h1, wf[:, _D:2 * _D])
                + _dgt(h2, wf[:, 2 * _D:]) + bf_ref[...])


_tc2 = pl.pallas_call(
    _tc2_body,
    grid=(_N // _BR,),
    in_specs=[
        pl.BlockSpec((_BR, _D), lambda i: (i, 0)),
        pl.BlockSpec((_BR, _D), lambda i: (i, 0)),
        pl.BlockSpec((_BR, _D), lambda i: (i, 0)),
        pl.BlockSpec((_BR, _D), lambda i: (i, 0)),
        pl.BlockSpec((_BR, _D), lambda i: (i, 0)),
        pl.BlockSpec((_BR, _D), lambda i: (i, 0)),
        pl.BlockSpec((_D, 2 * _D), lambda i: (0, 0)),
        pl.BlockSpec((1, _D), lambda i: (0, 0)),
        pl.BlockSpec((_D, 3 * _D), lambda i: (0, 0)),
        pl.BlockSpec((1, _D), lambda i: (0, 0)),
    ],
    out_specs=pl.BlockSpec((_BR, _D), lambda i: (i, 0)),
    out_shape=jax.ShapeDtypeStruct((_N, _D), jnp.float32),
)


def kernel(x, edge_index, W1, b1, W2, b2, Wf, bf):
  src = edge_index[0].astype(jnp.int32)
  dst = edge_index[1].astype(jnp.int32)
  pad = _NW * _CH * _CS - _E
  src_t = jnp.concatenate([src, jnp.zeros((pad,), jnp.int32)]).reshape(
      _NW, _CH, _CS)
  dst_t = jnp.concatenate([dst, jnp.full((pad,), _N, jnp.int32)]).reshape(
      _NW, _CH, _CS)
  sums1, cnts = _sc_agg_counts(x, src_t, dst_t)
  h1 = _tc1(x, sums1[0], sums1[1], cnts[0], cnts[1], W1, b1.reshape(1, _D))
  (sums2,) = _sc_agg(h1, src_t, dst_t)
  return _tc2(x, h1, sums2[0], sums2[1], cnts[0], cnts[1], W2,
              b2.reshape(1, _D), Wf, bf.reshape(1, _D))

# --- scband reference (transcript-rebuilt; emitter-appended) ---
"""Pipeline reference for scband-edge-gnn-40888088658022 (READ-ONLY COPY).

The authoritative reference and input builder live on the scoring server;
editing this copy changes nothing except your own understanding.
"""

import jax, jax.numpy as jnp
import numpy as np

N = 10000
E = 320000
D = 128
OUT = 128


def setup_inputs(seed: int = 0) -> dict:
    key = jax.random.key(seed)
    ks = jax.random.split(key, 8)
    x = jax.random.normal(ks[0], (N, D), dtype=jnp.float32)
    edge_index = jax.random.randint(ks[1], (2, E), 0, N)
    # EdgeConv layer 1: Linear(2*128 -> 128)
    W1 = jax.random.normal(ks[2], (OUT, 2 * D), dtype=jnp.float32) * 0.05
    b1 = jnp.zeros((OUT,), dtype=jnp.float32)
    # EdgeConv layer 2: Linear(2*128 -> 128)
    W2 = jax.random.normal(ks[3], (OUT, 2 * OUT), dtype=jnp.float32) * 0.05
    b2 = jnp.zeros((OUT,), dtype=jnp.float32)
    # final: Linear(in=128 + 2*128=384 -> 128) because cat=True
    Wf = jax.random.normal(ks[4], (OUT, D + 2 * OUT), dtype=jnp.float32) * 0.05
    bf = jnp.zeros((OUT,), dtype=jnp.float32)
    return {"x": x, "edge_index": edge_index, "W1": W1, "b1": b1, "W2": W2, "b2": b2, "Wf": Wf, "bf": bf}


def _edge_conv_mean(h, src, dst, W, b):
    # PyG EdgeConv: message = nn([x_i, x_j - x_i]) with x_i = x[dst], x_j = x[src]; aggr='mean' at dst
    h_i = h[dst]
    h_j = h[src]
    msg = jnp.concatenate([h_i, h_j - h_i], axis=-1) @ W.T + b
    s = jax.ops.segment_sum(msg, dst, num_segments=N)
    cnt = jax.ops.segment_sum(jnp.ones((E,), dtype=msg.dtype), dst, num_segments=N)
    return s / jnp.maximum(cnt, 1.0)[:, None]


def reference(x, edge_index, W1, b1, W2, b2, Wf, bf):
    src = edge_index[0]
    dst = edge_index[1]
    xs = [x]
    h = x
    for W, b in ((W1, b1), (W2, b2)):
        h = jax.nn.relu(_edge_conv_mean(h, src, dst, W, b))
        xs.append(h)
    h = jnp.concatenate(xs, axis=-1)  # cat=True
    # dropout p=0.0 and eval mode -> no-op
    out = h @ Wf.T + bf  # lin=True
    return out

if __name__ == "__main__":
    import jax
    _d = setup_inputs()
    print(jax.jit(kernel)(*tuple(_d.values())))

</pallas_src>

<mosaic_0001>
#map = affine_map<(d0, d1) -> (0, 0)>
#map1 = affine_map<(d0, d1) -> (0, 0, 0)>
module attributes {stable_mosaic.version = 14 : i64} {
  func.func @body(%arg0: i32, %arg1: i32, %arg2: memref<10000x128xf32, #tpu.memory_space<hbm>>, %arg3: memref<32x80x128xi32, #tpu.memory_space<hbm>>, %arg4: memref<32x80x128xi32, #tpu.memory_space<hbm>>, %arg5: memref<2x10240x128xf32, #tpu.memory_space<hbm>>, %arg6: memref<16x128xi32, #tpu.memory_space<vmem>>, %arg7: memref<16x128xi32, #tpu.memory_space<vmem>>, %arg8: memref<128x128xf32, #tpu.memory_space<vmem>>, %arg9: memref<128x128xf32, #tpu.memory_space<vmem>>, %arg10: memref<!tpu.dma_semaphore, #tpu.memory_space<semaphore_mem>>, %arg11: memref<!tpu.dma_semaphore, #tpu.memory_space<semaphore_mem>>, %arg12: memref<10240x128xf32, #tpu.memory_space<vmem_shared>>) attributes {dimension_semantics = [#tpu.dimension_semantics<core_parallel>, #tpu.dimension_semantics<subcore_parallel>], iteration_bounds = array<i64: 2, 16>, scalar_prefetch = 0 : i64, scratch_operands = 7 : i64, tpu.core_type = #tpu.core_type<sc_vector_subcore>, window_params = [{transform_indices = #map}, {transform_indices = #map1}, {transform_indices = #map1}, {transform_indices = #map1}]} {
    %mul3A = arith.constant 16 : i32
    %mul3A_0 = arith.muli %arg0, %mul3A : i32
    %add3A = arith.addi %mul3A_0, %arg1 : i32
    %broadcast_in_dim3A = arith.constant 0.000000e+00 : f32
    %broadcast_in_dim3A_1 = vector.broadcast %broadcast_in_dim3A : f32 to vector<16xf32>
    %broadcast_in_dim3A_2 = arith.constant 1.000000e+00 : f32
    %broadcast_in_dim3A_3 = vector.broadcast %broadcast_in_dim3A_2 : f32 to vector<16xf32>
    %scan3A = arith.constant 0 : i32
    %scan3A_4 = arith.constant 0 : i32
    %scan3A_5 = arith.constant 128 : i32
    %scan3A_6 = arith.addi %scan3A_4, %scan3A_5 : i32
    %scan3A_7 = arith.constant 1 : i32
    scf.for %scan3A_56 = %scan3A_4 to %scan3A_6 step %scan3A_7  : i32 {
      %swap3A = arith.index_cast %scan3A_56 : i32 to index
      %swap3A_57 = arith.constant 0 : index
      %swap3A_58 = tpu.vector_load %arg8[%swap3A, %swap3A_57] {strides = array<i32>} : memref<128x128xf32, #tpu.memory_space<vmem>>, vector<1x16xf32>,
      %swap3A_59 = vector.shape_cast %swap3A_58 : vector<1x16xf32> to vector<16xf32>
      %swap3A_60 = vector.shape_cast %broadcast_in_dim3A_1 : vector<16xf32> to vector<1x16xf32>
      tpu.vector_store %arg8[%swap3A, %swap3A_57], %swap3A_60 {strides = array<i32>} : memref<128x128xf32, #tpu.memory_space<vmem>>, vector<1x16xf32>,
      %swap3A_61 = arith.index_cast %scan3A_56 : i32 to index
      %swap3A_62 = arith.constant 16 : index
      %swap3A_63 = tpu.vector_load %arg8[%swap3A_61, %swap3A_62] {strides = array<i32>} : memref<128x128xf32, #tpu.memory_space<vmem>>, vector<1x16xf32>,
      %swap3A_64 = vector.shape_cast %swap3A_63 : vector<1x16xf32> to vector<16xf32>
      %swap3A_65 = vector.shape_cast %broadcast_in_dim3A_1 : vector<16xf32> to vector<1x16xf32>
      tpu.vector_store %arg8[%swap3A_61, %swap3A_62], %swap3A_65 {strides = array<i32>} : memref<128x128xf32, #tpu.memory_space<vmem>>, vector<1x16xf32>,
      %swap3A_66 = arith.index_cast %scan3A_56 : i32 to index
      %swap3A_67 = arith.constant 32 : index
      %swap3A_68 = tpu.vector_load %arg8[%swap3A_66, %swap3A_67] {strides = array<i32>} : memref<128x128xf32, #tpu.memory_space<vmem>>, vector<1x16xf32>,
      %swap3A_69 = vector.shape_cast %swap3A_68 : vector<1x16xf32> to vector<16xf32>
      %swap3A_70 = vector.shape_cast %broadcast_in_dim3A_1 : vector<16xf32> to vector<1x16xf32>
      tpu.vector_store %arg8[%swap3A_66, %swap3A_67], %swap3A_70 {strides = array<i32>} : memref<128x128xf32, #tpu.memory_space<vmem>>, vector<1x16xf32>,
      %swap3A_71 = arith.index_cast %scan3A_56 : i32 to index
      %swap3A_72 = arith.constant 48 : index
      %swap3A_73 = tpu.vector_load %arg8[%swap3A_71, %swap3A_72] {strides = array<i32>} : memref<128x128xf32, #tpu.memory_space<vmem>>, vector<1x16xf32>,
      %swap3A_74 = vector.shape_cast %swap3A_73 : vector<1x16xf32> to vector<16xf32>
      %swap3A_75 = vector.shape_cast %broadcast_in_dim3A_1 : vector<16xf32> to vector<1x16xf32>
      tpu.vector_store %arg8[%swap3A_71, %swap3A_72], %swap3A_75 {strides = array<i32>} : memref<128x128xf32, #tpu.memory_space<vmem>>, vector<1x16xf32>,
      %swap3A_76 = arith.index_cast %scan3A_56 : i32 to index
      %swap3A_77 = arith.constant 64 : index
      %swap3A_78 = tpu.vector_load %arg8[%swap3A_76, %swap3A_77] {strides = array<i32>} : memref<128x128xf32, #tpu.memory_space<vmem>>, vector<1x16xf32>,
      %swap3A_79 = vector.shape_cast %swap3A_78 : vector<1x16xf32> to vector<16xf32>
      %swap3A_80 = vector.shape_cast %broadcast_in_dim3A_1 : vector<16xf32> to vector<1x16xf32>
      tpu.vector_store %arg8[%swap3A_76, %swap3A_77], %swap3A_80 {strides = array<i32>} : memref<128x128xf32, #tpu.memory_space<vmem>>, vector<1x16xf32>,
      %swap3A_81 = arith.index_cast %scan3A_56 : i32 to index
      %swap3A_82 = arith.constant 80 : index
      %swap3A_83 = tpu.vector_load %arg8[%swap3A_81, %swap3A_82] {strides = array<i32>} : memref<128x128xf32, #tpu.memory_space<vmem>>, vector<1x16xf32>,
      %swap3A_84 = vector.shape_cast %swap3A_83 : vector<1x16xf32> to vector<16xf32>
      %swap3A_85 = vector.shape_cast %broadcast_in_dim3A_1 : vector<16xf32> to vector<1x16xf32>
      tpu.vector_store %arg8[%swap3A_81, %swap3A_82], %swap3A_85 {strides = array<i32>} : memref<128x128xf32, #tpu.memory_space<vmem>>, vector<1x16xf32>,
      %swap3A_86 = arith.index_cast %scan3A_56 : i32 to index
      %swap3A_87 = arith.constant 96 : index
      %swap3A_88 = tpu.vector_load %arg8[%swap3A_86, %swap3A_87] {strides = array<i32>} : memref<128x128xf32, #tpu.memory_space<vmem>>, vector<1x16xf32>,
      %swap3A_89 = vector.shape_cast %swap3A_88 : vector<1x16xf32> to vector<16xf32>
      %swap3A_90 = vector.shape_cast %broadcast_in_dim3A_1 : vector<16xf32> to vector<1x16xf32>
      tpu.vector_store %arg8[%swap3A_86, %swap3A_87], %swap3A_90 {strides = array<i32>} : memref<128x128xf32, #tpu.memory_space<vmem>>, vector<1x16xf32>,
      %swap3A_91 = arith.index_cast %scan3A_56 : i32 to index
      %swap3A_92 = arith.constant 112 : index
      %swap3A_93 = tpu.vector_load %arg8[%swap3A_91, %swap3A_92] {strides = array<i32>} : memref<128x128xf32, #tpu.memory_space<vmem>>, vector<1x16xf32>,
      %swap3A_94 = vector.shape_cast %swap3A_93 : vector<1x16xf32> to vector<16xf32>
      %swap3A_95 = vector.shape_cast %broadcast_in_dim3A_1 : vector<16xf32> to vector<1x16xf32>
      tpu.vector_store %arg8[%swap3A_91, %swap3A_92], %swap3A_95 {strides = array<i32>} : memref<128x128xf32, #tpu.memory_space<vmem>>, vector<1x16xf32>,
    }
    %scan3A_8 = arith.constant 128 : i32
    %mul3A_9 = arith.constant 640 : i32
    %mul3A_10 = arith.muli %arg1, %mul3A_9 : i32
    %add3A_11 = arith.constant 0 : i32
    %add3A_12 = arith.addi %mul3A_10, %add3A_11 : i32
    "tpu.region"() ({
      %run_scoped3A = tpu.sem_alloc : memref<!tpu.dma_semaphore, #tpu.memory_space<semaphore_mem>>
      %dma_start3A = arith.constant 0 : i32
      %dma_start3A_56 = tpu.memref_slice %arg12[%add3A_12, %dma_start3A] : memref<10240x128xf32, #tpu.memory_space<vmem_shared>> -> memref<128x128xf32, #tpu.memory_space<vmem_shared>>
      %dma_start3A_57 = arith.constant 0 : i32
      %dma_start3A_58 = tpu.memref_slice %arg12[%add3A_12, %dma_start3A_57] : memref<10240x128xf32, #tpu.memory_space<vmem_shared>> -> memref<128x128xf32, #tpu.memory_space<vmem_shared>>
      tpu.enqueue_dma source(%arg8 : memref<128x128xf32, #tpu.memory_space<vmem>>) target(%dma_start3A_58 : memref<128x128xf32, #tpu.memory_space<vmem_shared>>) target_semaphore(%run_scoped3A : memref<!tpu.dma_semaphore, #tpu.memory_space<semaphore_mem>>)
      %dma_wait3A = arith.constant 0 : i32
      %dma_wait3A_59 = tpu.memref_slice %arg12[%add3A_12, %dma_wait3A] : memref<10240x128xf32, #tpu.memory_space<vmem_shared>> -> memref<128x128xf32, #tpu.memory_space<vmem_shared>>
      %dma_wait3A_60 = arith.constant 0 : i32
      %dma_wait3A_61 = tpu.memref_slice %arg12[%add3A_12, %dma_wait3A_60] : memref<10240x128xf32, #tpu.memory_space<vmem_shared>> -> memref<128x128xf32, #tpu.memory_space<vmem_shared>>
      tpu.wait_dma2 semaphore(%run_scoped3A : memref<!tpu.dma_semaphore, #tpu.memory_space<semaphore_mem>>) src(%arg8 : memref<128x128xf32, #tpu.memory_space<vmem>>) dst(%dma_wait3A_61 : memref<128x128xf32, #tpu.memory_space<vmem_shared>>)
      tpu.yield
    }) : () -> ()
    %mul3A_13 = arith.constant 640 : i32
    %mul3A_14 = arith.muli %arg1, %mul3A_13 : i32
    %add3A_15 = arith.constant 128 : i32
    %add3A_16 = arith.addi %mul3A_14, %add3A_15 : i32
    "tpu.region"() ({
      %run_scoped3A = tpu.sem_alloc : memref<!tpu.dma_semaphore, #tpu.memory_space<semaphore_mem>>
      %dma_start3A = arith.constant 0 : i32
      %dma_start3A_56 = tpu.memref_slice %arg12[%add3A_16, %dma_start3A] : memref<10240x128xf32, #tpu.memory_space<vmem_shared>> -> memref<128x128xf32, #tpu.memory_space<vmem_shared>>
      %dma_start3A_57 = arith.constant 0 : i32
      %dma_start3A_58 = tpu.memref_slice %arg12[%add3A_16, %dma_start3A_57] : memref<10240x128xf32, #tpu.memory_space<vmem_shared>> -> memref<128x128xf32, #tpu.memory_space<vmem_shared>>
      tpu.enqueue_dma source(%arg8 : memref<128x128xf32, #tpu.memory_space<vmem>>) target(%dma_start3A_58 : memref<128x128xf32, #tpu.memory_space<vmem_shared>>) target_semaphore(%run_scoped3A : memref<!tpu.dma_semaphore, #tpu.memory_space<semaphore_mem>>)
      %dma_wait3A = arith.constant 0 : i32
      %dma_wait3A_59 = tpu.memref_slice %arg12[%add3A_16, %dma_wait3A] : memref<10240x128xf32, #tpu.memory_space<vmem_shared>> -> memref<128x128xf32, #tpu.memory_space<vmem_shared>>
      %dma_wait3A_60 = arith.constant 0 : i32
      %dma_wait3A_61 = tpu.memref_slice %arg12[%add3A_16, %dma_wait3A_60] : memref<10240x128xf32, #tpu.memory_space<vmem_shared>> -> memref<128x128xf32, #tpu.memory_space<vmem_shared>>
      tpu.wait_dma2 semaphore(%run_scoped3A : memref<!tpu.dma_semaphore, #tpu.memory_space<semaphore_mem>>) src(%arg8 : memref<128x128xf32, #tpu.memory_space<vmem>>) dst(%dma_wait3A_61 : memref<128x128xf32, #tpu.memory_space<vmem_shared>>)
      tpu.yield
    }) : () -> ()
    %mul3A_17 = arith.constant 640 : i32
    %mul3A_18 = arith.muli %arg1, %mul3A_17 : i32
    %add3A_19 = arith.constant 256 : i32
    %add3A_20 = arith.addi %mul3A_18, %add3A_19 : i32
    "tpu.region"() ({
      %run_scoped3A = tpu.sem_alloc : memref<!tpu.dma_semaphore, #tpu.memory_space<semaphore_mem>>
      %dma_start3A = arith.constant 0 : i32
      %dma_start3A_56 = tpu.memref_slice %arg12[%add3A_20, %dma_start3A] : memref<10240x128xf32, #tpu.memory_space<vmem_shared>> -> memref<128x128xf32, #tpu.memory_space<vmem_shared>>
      %dma_start3A_57 = arith.constant 0 : i32
      %dma_start3A_58 = tpu.memref_slice %arg12[%add3A_20, %dma_start3A_57] : memref<10240x128xf32, #tpu.memory_space<vmem_shared>> -> memref<128x128xf32, #tpu.memory_space<vmem_shared>>
      tpu.enqueue_dma source(%arg8 : memref<128x128xf32, #tpu.memory_space<vmem>>) target(%dma_start3A_58 : memref<128x128xf32, #tpu.memory_space<vmem_shared>>) target_semaphore(%run_scoped3A : memref<!tpu.dma_semaphore, #tpu.memory_space<semaphore_mem>>)
      %dma_wait3A = arith.constant 0 : i32
      %dma_wait3A_59 = tpu.memref_slice %arg12[%add3A_20, %dma_wait3A] : memref<10240x128xf32, #tpu.memory_space<vmem_shared>> -> memref<128x128xf32, #tpu.memory_space<vmem_shared>>
      %dma_wait3A_60 = arith.constant 0 : i32
      %dma_wait3A_61 = tpu.memref_slice %arg12[%add3A_20, %dma_wait3A_60] : memref<10240x128xf32, #tpu.memory_space<vmem_shared>> -> memref<128x128xf32, #tpu.memory_space<vmem_shared>>
      tpu.wait_dma2 semaphore(%run_scoped3A : memref<!tpu.dma_semaphore, #tpu.memory_space<semaphore_mem>>) src(%arg8 : memref<128x128xf32, #tpu.memory_space<vmem>>) dst(%dma_wait3A_61 : memref<128x128xf32, #tpu.memory_space<vmem_shared>>)
      tpu.yield
    }) : () -> ()
    %mul3A_21 = arith.constant 640 : i32
    %mul3A_22 = arith.muli %arg1, %mul3A_21 : i32
    %add3A_23 = arith.constant 384 : i32
    %add3A_24 = arith.addi %mul3A_22, %add3A_23 : i32
    "tpu.region"() ({
      %run_scoped3A = tpu.sem_alloc : memref<!tpu.dma_semaphore, #tpu.memory_space<semaphore_mem>>
      %dma_start3A = arith.constant 0 : i32
      %dma_start3A_56 = tpu.memref_slice %arg12[%add3A_24, %dma_start3A] : memref<10240x128xf32, #tpu.memory_space<vmem_shared>> -> memref<128x128xf32, #tpu.memory_space<vmem_shared>>
      %dma_start3A_57 = arith.constant 0 : i32
      %dma_start3A_58 = tpu.memref_slice %arg12[%add3A_24, %dma_start3A_57] : memref<10240x128xf32, #tpu.memory_space<vmem_shared>> -> memref<128x128xf32, #tpu.memory_space<vmem_shared>>
      tpu.enqueue_dma source(%arg8 : memref<128x128xf32, #tpu.memory_space<vmem>>) target(%dma_start3A_58 : memref<128x128xf32, #tpu.memory_space<vmem_shared>>) target_semaphore(%run_scoped3A : memref<!tpu.dma_semaphore, #tpu.memory_space<semaphore_mem>>)
      %dma_wait3A = arith.constant 0 : i32
      %dma_wait3A_59 = tpu.memref_slice %arg12[%add3A_24, %dma_wait3A] : memref<10240x128xf32, #tpu.memory_space<vmem_shared>> -> memref<128x128xf32, #tpu.memory_space<vmem_shared>>
      %dma_wait3A_60 = arith.constant 0 : i32
      %dma_wait3A_61 = tpu.memref_slice %arg12[%add3A_24, %dma_wait3A_60] : memref<10240x128xf32, #tpu.memory_space<vmem_shared>> -> memref<128x128xf32, #tpu.memory_space<vmem_shared>>
      tpu.wait_dma2 semaphore(%run_scoped3A : memref<!tpu.dma_semaphore, #tpu.memory_space<semaphore_mem>>) src(%arg8 : memref<128x128xf32, #tpu.memory_space<vmem>>) dst(%dma_wait3A_61 : memref<128x128xf32, #tpu.memory_space<vmem_shared>>)
      tpu.yield
    }) : () -> ()
    %mul3A_25 = arith.constant 640 : i32
    %mul3A_26 = arith.muli %arg1, %mul3A_25 : i32
    %add3A_27 = arith.constant 512 : i32
    %add3A_28 = arith.addi %mul3A_26, %add3A_27 : i32
    "tpu.region"() ({
      %run_scoped3A = tpu.sem_alloc : memref<!tpu.dma_semaphore, #tpu.memory_space<semaphore_mem>>
      %dma_start3A = arith.constant 0 : i32
      %dma_start3A_56 = tpu.memref_slice %arg12[%add3A_28, %dma_start3A] : memref<10240x128xf32, #tpu.memory_space<vmem_shared>> -> memref<128x128xf32, #tpu.memory_space<vmem_shared>>
      %dma_start3A_57 = arith.constant 0 : i32
      %dma_start3A_58 = tpu.memref_slice %arg12[%add3A_28, %dma_start3A_57] : memref<10240x128xf32, #tpu.memory_space<vmem_shared>> -> memref<128x128xf32, #tpu.memory_space<vmem_shared>>
      tpu.enqueue_dma source(%arg8 : memref<128x128xf32, #tpu.memory_space<vmem>>) target(%dma_start3A_58 : memref<128x128xf32, #tpu.memory_space<vmem_shared>>) target_semaphore(%run_scoped3A : memref<!tpu.dma_semaphore, #tpu.memory_space<semaphore_mem>>)
      %dma_wait3A = arith.constant 0 : i32
      %dma_wait3A_59 = tpu.memref_slice %arg12[%add3A_28, %dma_wait3A] : memref<10240x128xf32, #tpu.memory_space<vmem_shared>> -> memref<128x128xf32, #tpu.memory_space<vmem_shared>>
      %dma_wait3A_60 = arith.constant 0 : i32
      %dma_wait3A_61 = tpu.memref_slice %arg12[%add3A_28, %dma_wait3A_60] : memref<10240x128xf32, #tpu.memory_space<vmem_shared>> -> memref<128x128xf32, #tpu.memory_space<vmem_shared>>
      tpu.wait_dma2 semaphore(%run_scoped3A : memref<!tpu.dma_semaphore, #tpu.memory_space<semaphore_mem>>) src(%arg8 : memref<128x128xf32, #tpu.memory_space<vmem>>) dst(%dma_wait3A_61 : memref<128x128xf32, #tpu.memory_space<vmem_shared>>)
      tpu.yield
    }) : () -> ()
    %barrier3A = arith.constant 0 : index
    tpu.barrier barrier_id(%barrier3A)
    %scan3A_29 = arith.constant 0 : i32
    %scan3A_30 = arith.constant 0 : i32
    %scan3A_31 = arith.constant 5 : i32
    %scan3A_32 = arith.addi %scan3A_30, %scan3A_31 : i32
    %scan3A_33 = arith.constant 1 : i32
    scf.for %scan3A_56 = %scan3A_30 to %scan3A_32 step %scan3A_33  : i32 {
      %mul3A_57 = arith.constant 16 : i32
      %mul3A_58 = arith.muli %scan3A_56, %mul3A_57 : i32
      "tpu.region"() ({
        %run_scoped3A_298 = tpu.sem_alloc : memref<!tpu.dma_semaphore, #tpu.memory_space<semaphore_mem>>
        %dma_start3A_299 = arith.constant 0 : i32
        %dma_start3A_300 = tpu.memref_slice %arg3[%add3A, %mul3A_58, %dma_start3A_299] : memref<32x80x128xi32, #tpu.memory_space<hbm>> -> memref<1x16x128xi32, #tpu.memory_space<hbm>>
        %dma_start3A_301 = tpu.memref_squeeze %dma_start3A_300 : memref<1x16x128xi32, #tpu.memory_space<hbm>> -> memref<16x128xi32, #tpu.memory_space<hbm>>
        %dma_start3A_302 = arith.constant 0 : i32
        %dma_start3A_303 = tpu.memref_slice %arg3[%add3A, %mul3A_58, %dma_start3A_302] : memref<32x80x128xi32, #tpu.memory_space<hbm>> -> memref<1x16x128xi32, #tpu.memory_space<hbm>>
        %dma_start3A_304 = tpu.memref_squeeze %dma_start3A_303 : memref<1x16x128xi32, #tpu.memory_space<hbm>> -> memref<16x128xi32, #tpu.memory_space<hbm>>
        tpu.enqueue_dma source(%dma_start3A_304 : memref<16x128xi32, #tpu.memory_space<hbm>>) target(%arg6 : memref<16x128xi32, #tpu.memory_space<vmem>>) target_semaphore(%run_scoped3A_298 : memref<!tpu.dma_semaphore, #tpu.memory_space<semaphore_mem>>)
        %dma_wait3A_305 = arith.constant 0 : i32
        %dma_wait3A_306 = tpu.memref_slice %arg3[%add3A, %mul3A_58, %dma_wait3A_305] : memref<32x80x128xi32, #tpu.memory_space<hbm>> -> memref<1x16x128xi32, #tpu.memory_space<hbm>>
        %dma_wait3A_307 = tpu.memref_squeeze %dma_wait3A_306 : memref<1x16x128xi32, #tpu.memory_space<hbm>> -> memref<16x128xi32, #tpu.memory_space<hbm>>
        %dma_wait3A_308 = arith.constant 0 : i32
        %dma_wait3A_309 = tpu.memref_slice %arg3[%add3A, %mul3A_58, %dma_wait3A_308] : memref<32x80x128xi32, #tpu.memory_space<hbm>> -> memref<1x16x128xi32, #tpu.memory_space<hbm>>
        %dma_wait3A_310 = tpu.memref_squeeze %dma_wait3A_309 : memref<1x16x128xi32, #tpu.memory_space<hbm>> -> memref<16x128xi32, #tpu.memory_space<hbm>>
        tpu.wait_dma2 semaphore(%run_scoped3A_298 : memref<!tpu.dma_semaphore, #tpu.memory_space<semaphore_mem>>) src(%dma_wait3A_310 : memref<16x128xi32, #tpu.memory_space<hbm>>) dst(%arg6 : memref<16x128xi32, #tpu.memory_space<vmem>>)
        tpu.yield
      }) : () -> ()
      %mul3A_59 = arith.constant 16 : i32
      %mul3A_60 = arith.muli %scan3A_56, %mul3A_59 : i32
      "tpu.region"() ({
        %run_scoped3A_298 = tpu.sem_alloc : memref<!tpu.dma_semaphore, #tpu.memory_space<semaphore_mem>>
        %dma_start3A_299 = arith.constant 0 : i32
        %dma_start3A_300 = tpu.memref_slice %arg4[%add3A, %mul3A_60, %dma_start3A_299] : memref<32x80x128xi32, #tpu.memory_space<hbm>> -> memref<1x16x128xi32, #tpu.memory_space<hbm>>
        %dma_start3A_301 = tpu.memref_squeeze %dma_start3A_300 : memref<1x16x128xi32, #tpu.memory_space<hbm>> -> memref<16x128xi32, #tpu.memory_space<hbm>>
        %dma_start3A_302 = arith.constant 0 : i32
        %dma_start3A_303 = tpu.memref_slice %arg4[%add3A, %mul3A_60, %dma_start3A_302] : memref<32x80x128xi32, #tpu.memory_space<hbm>> -> memref<1x16x128xi32, #tpu.memory_space<hbm>>
        %dma_start3A_304 = tpu.memref_squeeze %dma_start3A_303 : memref<1x16x128xi32, #tpu.memory_space<hbm>> -> memref<16x128xi32, #tpu.memory_space<hbm>>
        tpu.enqueue_dma source(%dma_start3A_304 : memref<16x128xi32, #tpu.memory_space<hbm>>) target(%arg7 : memref<16x128xi32, #tpu.memory_space<vmem>>) target_semaphore(%run_scoped3A_298 : memref<!tpu.dma_semaphore, #tpu.memory_space<semaphore_mem>>)
        %dma_wait3A_305 = arith.constant 0 : i32
        %dma_wait3A_306 = tpu.memref_slice %arg4[%add3A, %mul3A_60, %dma_wait3A_305] : memref<32x80x128xi32, #tpu.memory_space<hbm>> -> memref<1x16x128xi32, #tpu.memory_space<hbm>>
        %dma_wait3A_307 = tpu.memref_squeeze %dma_wait3A_306 : memref<1x16x128xi32, #tpu.memory_space<hbm>> -> memref<16x128xi32, #tpu.memory_space<hbm>>
        %dma_wait3A_308 = arith.constant 0 : i32
        %dma_wait3A_309 = tpu.memref_slice %arg4[%add3A, %mul3A_60, %dma_wait3A_308] : memref<32x80x128xi32, #tpu.memory_space<hbm>> -> memref<1x16x128xi32, #tpu.memory_space<hbm>>
        %dma_wait3A_310 = tpu.memref_squeeze %dma_wait3A_309 : memref<1x16x128xi32, #tpu.memory_space<hbm>> -> memref<16x128xi32, #tpu.memory_space<hbm>>
        tpu.wait_dma2 semaphore(%run_scoped3A_298 : memref<!tpu.dma_semaphore, #tpu.memory_space<semaphore_mem>>) src(%dma_wait3A_310 : memref<16x128xi32, #tpu.memory_space<hbm>>) dst(%arg7 : memref<16x128xi32, #tpu.memory_space<vmem>>)
        tpu.yield
      }) : () -> ()
      %dma_start3A = arith.constant 0 : i32
      %dma_start3A_61 = arith.constant 0 : i32
      %dma_start3A_62 = tpu.memref_slice %arg6[%dma_start3A, %dma_start3A_61] : memref<16x128xi32, #tpu.memory_space<vmem>> -> memref<1x128xi32, #tpu.memory_space<vmem>>
      %dma_start3A_63 = tpu.memref_squeeze %dma_start3A_62 : memref<1x128xi32, #tpu.memory_space<vmem>> -> memref<128xi32, #tpu.memory_space<vmem>>
      %dma_start3A_64 = arith.constant 0 : i32
      %dma_start3A_65 = arith.constant 0 : i32
      %dma_start3A_66 = tpu.memref_slice %arg2[%dma_start3A_64, %dma_start3A_65] : memref<10000x128xf32, #tpu.memory_space<hbm>> -> memref<10000x128xf32, #tpu.memory_space<hbm>>
      tpu.enqueue_indirect_dma source(%dma_start3A_66 : memref<10000x128xf32, #tpu.memory_space<hbm>>) target(%arg8 : memref<128x128xf32, #tpu.memory_space<vmem>>) offsets(%dma_start3A_63 : memref<128xi32, #tpu.memory_space<vmem>>) semaphore(%arg10 : memref<!tpu.dma_semaphore, #tpu.memory_space<semaphore_mem>>)
      %dma_wait3A = arith.constant 0 : i32
      %dma_wait3A_67 = arith.constant 0 : i32
      %dma_wait3A_68 = tpu.memref_slice %arg6[%dma_wait3A, %dma_wait3A_67] : memref<16x128xi32, #tpu.memory_space<vmem>> -> memref<1x128xi32, #tpu.memory_space<vmem>>
      %dma_wait3A_69 = tpu.memref_squeeze %dma_wait3A_68 : memref<1x128xi32, #tpu.memory_space<vmem>> -> memref<128xi32, #tpu.memory_space<vmem>>
      %dma_wait3A_70 = arith.constant 0 : i32
      %dma_wait3A_71 = arith.constant 0 : i32
      %dma_wait3A_72 = tpu.memref_slice %arg2[%dma_wait3A_70, %dma_wait3A_71] : memref<10000x128xf32, #tpu.memory_space<hbm>> -> memref<10000x128xf32, #tpu.memory_space<hbm>>
      tpu.wait_indirect_dma semaphore(%arg10 : memref<!tpu.dma_semaphore, #tpu.memory_space<semaphore_mem>>) src(%dma_wait3A_72 : memref<10000x128xf32, #tpu.memory_space<hbm>>) dst(%arg8 : memref<128x128xf32, #tpu.memory_space<vmem>>)
      %dma_start3A_73 = arith.constant 1 : i32
      %dma_start3A_74 = arith.constant 0 : i32
      %dma_start3A_75 = tpu.memref_slice %arg6[%dma_start3A_73, %dma_start3A_74] : memref<16x128xi32, #tpu.memory_space<vmem>> -> memref<1x128xi32, #tpu.memory_space<vmem>>
      %dma_start3A_76 = tpu.memref_squeeze %dma_start3A_75 : memref<1x128xi32, #tpu.memory_space<vmem>> -> memref<128xi32, #tpu.memory_space<vmem>>
      %dma_start3A_77 = arith.constant 0 : i32
      %dma_start3A_78 = arith.constant 0 : i32
      %dma_start3A_79 = tpu.memref_slice %arg2[%dma_start3A_77, %dma_start3A_78] : memref<10000x128xf32, #tpu.memory_space<hbm>> -> memref<10000x128xf32, #tpu.memory_space<hbm>>
      tpu.enqueue_indirect_dma source(%dma_start3A_79 : memref<10000x128xf32, #tpu.memory_space<hbm>>) target(%arg9 : memref<128x128xf32, #tpu.memory_space<vmem>>) offsets(%dma_start3A_76 : memref<128xi32, #tpu.memory_space<vmem>>) semaphore(%arg11 : memref<!tpu.dma_semaphore, #tpu.memory_space<semaphore_mem>>)
      %run_scoped3A = arith.constant 0 : i32
      "tpu.region"() ({
        %run_scoped3A_298 = tpu.sem_alloc : memref<!tpu.dma_semaphore, #tpu.memory_space<semaphore_mem>>
        %dma_start3A_299 = arith.constant 0 : i32
        %dma_start3A_300 = tpu.memref_slice %arg7[%run_scoped3A, %dma_start3A_299] : memref<16x128xi32, #tpu.memory_space<vmem>> -> memref<1x128xi32, #tpu.memory_space<vmem>>
        %dma_start3A_301 = tpu.memref_squeeze %dma_start3A_300 : memref<1x128xi32, #tpu.memory_space<vmem>> -> memref<128xi32, #tpu.memory_space<vmem>>
        %dma_start3A_302 = arith.constant 0 : i32
        %dma_start3A_303 = arith.constant 0 : i32
        %dma_start3A_304 = tpu.memref_slice %arg12[%dma_start3A_302, %dma_start3A_303] : memref<10240x128xf32, #tpu.memory_space<vmem_shared>> -> memref<10240x128xf32, #tpu.memory_space<vmem_shared>>
        tpu.enqueue_indirect_dma source(%arg8 : memref<128x128xf32, #tpu.memory_space<vmem>>) target(%dma_start3A_304 : memref<10240x128xf32, #tpu.memory_space<vmem_shared>>) offsets(%dma_start3A_301 : memref<128xi32, #tpu.memory_space<vmem>>) semaphore(%run_scoped3A_298 : memref<!tpu.dma_semaphore, #tpu.memory_space<semaphore_mem>>) {add = true}
        %dma_wait3A_305 = arith.constant 0 : i32
        %dma_wait3A_306 = tpu.memref_slice %arg7[%run_scoped3A, %dma_wait3A_305] : memref<16x128xi32, #tpu.memory_space<vmem>> -> memref<1x128xi32, #tpu.memory_space<vmem>>
        %dma_wait3A_307 = tpu.memref_squeeze %dma_wait3A_306 : memref<1x128xi32, #tpu.memory_space<vmem>> -> memref<128xi32, #tpu.memory_space<vmem>>
        %dma_wait3A_308 = arith.constant 0 : i32
        %dma_wait3A_309 = arith.constant 0 : i32
        %dma_wait3A_310 = tpu.memref_slice %arg12[%dma_wait3A_308, %dma_wait3A_309] : memref<10240x128xf32, #tpu.memory_space<vmem_shared>> -> memref<10240x128xf32, #tpu.memory_space<vmem_shared>>
        tpu.wait_indirect_dma semaphore(%run_scoped3A_298 : memref<!tpu.dma_semaphore, #tpu.memory_space<semaphore_mem>>) src(%arg8 : memref<128x128xf32, #tpu.memory_space<vmem>>) dst(%dma_wait3A_310 : memref<10240x128xf32, #tpu.memory_space<vmem_shared>>)
        tpu.yield
      }) : () -> ()
      %dma_wait3A_80 = arith.constant 1 : i32
      %dma_wait3A_81 = arith.constant 0 : i32
      %dma_wait3A_82 = tpu.memref_slice %arg6[%dma_wait3A_80, %dma_wait3A_81] : memref<16x128xi32, #tpu.memory_space<vmem>> -> memref<1x128xi32, #tpu.memory_space<vmem>>
      %dma_wait3A_83 = tpu.memref_squeeze %dma_wait3A_82 : memref<1x128xi32, #tpu.memory_space<vmem>> -> memref<128xi32, #tpu.memory_space<vmem>>
      %dma_wait3A_84 = arith.constant 0 : i32
      %dma_wait3A_85 = arith.constant 0 : i32
      %dma_wait3A_86 = tpu.memref_slice %arg2[%dma_wait3A_84, %dma_wait3A_85] : memref<10000x128xf32, #tpu.memory_space<hbm>> -> memref<10000x128xf32, #tpu.memory_space<hbm>>
      tpu.wait_indirect_dma semaphore(%arg11 : memref<!tpu.dma_semaphore, #tpu.memory_space<semaphore_mem>>) src(%dma_wait3A_86 : memref<10000x128xf32, #tpu.memory_space<hbm>>) dst(%arg9 : memref<128x128xf32, #tpu.memory_space<vmem>>)
      %dma_start3A_87 = arith.constant 2 : i32
      %dma_start3A_88 = arith.constant 0 : i32
      %dma_start3A_89 = tpu.memref_slice %arg6[%dma_start3A_87, %dma_start3A_88] : memref<16x128xi32, #tpu.memory_space<vmem>> -> memref<1x128xi32, #tpu.memory_space<vmem>>
      %dma_start3A_90 = tpu.memref_squeeze %dma_start3A_89 : memref<1x128xi32, #tpu.memory_space<vmem>> -> memref<128xi32, #tpu.memory_space<vmem>>
      %dma_start3A_91 = arith.constant 0 : i32
      %dma_start3A_92 = arith.constant 0 : i32
      %dma_start3A_93 = tpu.memref_slice %arg2[%dma_start3A_91, %dma_start3A_92] : memref<10000x128xf32, #tpu.memory_space<hbm>> -> memref<10000x128xf32, #tpu.memory_space<hbm>>
      tpu.enqueue_indirect_dma source(%dma_start3A_93 : memref<10000x128xf32, #tpu.memory_space<hbm>>) target(%arg8 : memref<128x128xf32, #tpu.memory_space<vmem>>) offsets(%dma_start3A_90 : memref<128xi32, #tpu.memory_space<vmem>>) semaphore(%arg10 : memref<!tpu.dma_semaphore, #tpu.memory_space<semaphore_mem>>)
      %run_scoped3A_94 = arith.constant 1 : i32
      "tpu.region"() ({
        %run_scoped3A_298 = tpu.sem_alloc : memref<!tpu.dma_semaphore, #tpu.memory_space<semaphore_mem>>
        %dma_start3A_299 = arith.constant 0 : i32
        %dma_start3A_300 = tpu.memref_slice %arg7[%run_scoped3A_94, %dma_start3A_299] : memref<16x128xi32, #tpu.memory_space<vmem>> -> memref<1x128xi32, #tpu.memory_space<vmem>>
        %dma_start3A_301 = tpu.memref_squeeze %dma_start3A_300 : memref<1x128xi32, #tpu.memory_space<vmem>> -> memref<128xi32, #tpu.memory_space<vmem>>
        %dma_start3A_302 = arith.constant 0 : i32
        %dma_start3A_303 = arith.constant 0 : i32
        %dma_start3A_304 = tpu.memref_slice %arg12[%dma_start3A_302, %dma_start3A_303] : memref<10240x128xf32, #tpu.memory_space<vmem_shared>> -> memref<10240x128xf32, #tpu.memory_space<vmem_shared>>
        tpu.enqueue_indirect_dma source(%arg9 : memref<128x128xf32, #tpu.memory_space<vmem>>) target(%dma_start3A_304 : memref<10240x128xf32, #tpu.memory_space<vmem_shared>>) offsets(%dma_start3A_301 : memref<128xi32, #tpu.memory_space<vmem>>) semaphore(%run_scoped3A_298 : memref<!tpu.dma_semaphore, #tpu.memory_space<semaphore_mem>>) {add = true}
        %dma_wait3A_305 = arith.constant 0 : i32
        %dma_wait3A_306 = tpu.memref_slice %arg7[%run_scoped3A_94, %dma_wait3A_305] : memref<16x128xi32, #tpu.memory_space<vmem>> -> memref<1x128xi32, #tpu.memory_space<vmem>>
        %dma_wait3A_307 = tpu.memref_squeeze %dma_wait3A_306 : memref<1x128xi32, #tpu.memory_space<vmem>> -> memref<128xi32, #tpu.memory_space<vmem>>
        %dma_wait3A_308 = arith.constant 0 : i32
        %dma_wait3A_309 = arith.constant 0 : i32
        %dma_wait3A_310 = tpu.memref_slice %arg12[%dma_wait3A_308, %dma_wait3A_309] : memref<10240x128xf32, #tpu.memory_space<vmem_shared>> -> memref<10240x128xf32, #tpu.memory_space<vmem_shared>>
        tpu.wait_indirect_dma semaphore(%run_scoped3A_298 : memref<!tpu.dma_semaphore, #tpu.memory_space<semaphore_mem>>) src(%arg9 : memref<128x128xf32, #tpu.memory_space<vmem>>) dst(%dma_wait3A_310 : memref<10240x128xf32, #tpu.memory_space<vmem_shared>>)
        tpu.yield
      }) : () -> ()
      %dma_wait3A_95 = arith.constant 2 : i32
      %dma_wait3A_96 = arith.constant 0 : i32
      %dma_wait3A_97 = tpu.memref_slice %arg6[%dma_wait3A_95, %dma_wait3A_96] : memref<16x128xi32, #tpu.memory_space<vmem>> -> memref<1x128xi32, #tpu.memory_space<vmem>>
      %dma_wait3A_98 = tpu.memref_squeeze %dma_wait3A_97 : memref<1x128xi32, #tpu.memory_space<vmem>> -> memref<128xi32, #tpu.memory_space<vmem>>
      %dma_wait3A_99 = arith.constant 0 : i32
      %dma_wait3A_100 = arith.constant 0 : i32
      %dma_wait3A_101 = tpu.memref_slice %arg2[%dma_wait3A_99, %dma_wait3A_100] : memref<10000x128xf32, #tpu.memory_space<hbm>> -> memref<10000x128xf32, #tpu.memory_space<hbm>>
      tpu.wait_indirect_dma semaphore(%arg10 : memref<!tpu.dma_semaphore, #tpu.memory_space<semaphore_mem>>) src(%dma_wait3A_101 : memref<10000x128xf32, #tpu.memory_space<hbm>>) dst(%arg8 : memref<128x128xf32, #tpu.memory_space<vmem>>)
      %dma_start3A_102 = arith.constant 3 : i32
      %dma_start3A_103 = arith.constant 0 : i32
      %dma_start3A_104 = tpu.memref_slice %arg6[%dma_start3A_102, %dma_start3A_103] : memref<16x128xi32, #tpu.memory_space<vmem>> -> memref<1x128xi32, #tpu.memory_space<vmem>>
      %dma_start3A_105 = tpu.memref_squeeze %dma_start3A_104 : memref<1x128xi32, #tpu.memory_space<vmem>> -> memref<128xi32, #tpu.memory_space<vmem>>
      %dma_start3A_106 = arith.constant 0 : i32
      %dma_start3A_107 = arith.constant 0 : i32
      %dma_start3A_108 = tpu.memref_slice %arg2[%dma_start3A_106, %dma_start3A_107] : memref<10000x128xf32, #tpu.memory_space<hbm>> -> memref<10000x128xf32, #tpu.memory_space<hbm>>
      tpu.enqueue_indirect_dma source(%dma_start3A_108 : memref<10000x128xf32, #tpu.memory_space<hbm>>) target(%arg9 : memref<128x128xf32, #tpu.memory_space<vmem>>) offsets(%dma_start3A_105 : memref<128xi32, #tpu.memory_space<vmem>>) semaphore(%arg11 : memref<!tpu.dma_semaphore, #tpu.memory_space<semaphore_mem>>)
      %run_scoped3A_109 = arith.constant 2 : i32
      "tpu.region"() ({
        %run_scoped3A_298 = tpu.sem_alloc : memref<!tpu.dma_semaphore, #tpu.memory_space<semaphore_mem>>
        %dma_start3A_299 = arith.constant 0 : i32
        %dma_start3A_300 = tpu.memref_slice %arg7[%run_scoped3A_109, %dma_start3A_299] : memref<16x128xi32, #tpu.memory_space<vmem>> -> memref<1x128xi32, #tpu.memory_space<vmem>>
        %dma_start3A_301 = tpu.memref_squeeze %dma_start3A_300 : memref<1x128xi32, #tpu.memory_space<vmem>> -> memref<128xi32, #tpu.memory_space<vmem>>
        %dma_start3A_302 = arith.constant 0 : i32
        %dma_start3A_303 = arith.constant 0 : i32
        %dma_start3A_304 = tpu.memref_slice %arg12[%dma_start3A_302, %dma_start3A_303] : memref<10240x128xf32, #tpu.memory_space<vmem_shared>> -> memref<10240x128xf32, #tpu.memory_space<vmem_shared>>
        tpu.enqueue_indirect_dma source(%arg8 : memref<128x128xf32, #tpu.memory_space<vmem>>) target(%dma_start3A_304 : memref<10240x128xf32, #tpu.memory_space<vmem_shared>>) offsets(%dma_start3A_301 : memref<128xi32, #tpu.memory_space<vmem>>) semaphore(%run_scoped3A_298 : memref<!tpu.dma_semaphore, #tpu.memory_space<semaphore_mem>>) {add = true}
        %dma_wait3A_305 = arith.constant 0 : i32
        %dma_wait3A_306 = tpu.memref_slice %arg7[%run_scoped3A_109, %dma_wait3A_305] : memref<16x128xi32, #tpu.memory_space<vmem>> -> memref<1x128xi32, #tpu.memory_space<vmem>>
        %dma_wait3A_307 = tpu.memref_squeeze %dma_wait3A_306 : memref<1x128xi32, #tpu.memory_space<vmem>> -> memref<128xi32, #tpu.memory_space<vmem>>
        %dma_wait3A_308 = arith.constant 0 : i32
        %dma_wait3A_309 = arith.constant 0 : i32
        %dma_wait3A_310 = tpu.memref_slice %arg12[%dma_wait3A_308, %dma_wait3A_309] : memref<10240x128xf32, #tpu.memory_space<vmem_shared>> -> memref<10240x128xf32, #tpu.memory_space<vmem_shared>>
        tpu.wait_indirect_dma semaphore(%run_scoped3A_298 : memref<!tpu.dma_semaphore, #tpu.memory_space<semaphore_mem>>) src(%arg8 : memref<128x128xf32, #tpu.memory_space<vmem>>) dst(%dma_wait3A_310 : memref<10240x128xf32, #tpu.memory_space<vmem_shared>>)
        tpu.yield
      }) : () -> ()
      %dma_wait3A_110 = arith.constant 3 : i32
      %dma_wait3A_111 = arith.constant 0 : i32
      %dma_wait3A_112 = tpu.memref_slice %arg6[%dma_wait3A_110, %dma_wait3A_111] : memref<16x128xi32, #tpu.memory_space<vmem>> -> memref<1x128xi32, #tpu.memory_space<vmem>>
      %dma_wait3A_113 = tpu.memref_squeeze %dma_wait3A_112 : memref<1x128xi32, #tpu.memory_space<vmem>> -> memref<128xi32, #tpu.memory_space<vmem>>
      %dma_wait3A_114 = arith.constant 0 : i32
      %dma_wait3A_115 = arith.constant 0 : i32
      %dma_wait3A_116 = tpu.memref_slice %arg2[%dma_wait3A_114, %dma_wait3A_115] : memref<10000x128xf32, #tpu.memory_space<hbm>> -> memref<10000x128xf32, #tpu.memory_space<hbm>>
      tpu.wait_indirect_dma semaphore(%arg11 : memref<!tpu.dma_semaphore, #tpu.memory_space<semaphore_mem>>) src(%dma_wait3A_116 : memref<10000x128xf32, #tpu.memory_space<hbm>>) dst(%arg9 : memref<128x128xf32, #tpu.memory_space<vmem>>)
      %dma_start3A_117 = arith.constant 4 : i32
      %dma_start3A_118 = arith.constant 0 : i32
      %dma_start3A_119 = tpu.memref_slice %arg6[%dma_start3A_117, %dma_start3A_118] : memref<16x128xi32, #tpu.memory_space<vmem>> -> memref<1x128xi32, #tpu.memory_space<vmem>>
      %dma_start3A_120 = tpu.memref_squeeze %dma_start3A_119 : memref<1x128xi32, #tpu.memory_space<vmem>> -> memref<128xi32, #tpu.memory_space<vmem>>
      %dma_start3A_121 = arith.constant 0 : i32
      %dma_start3A_122 = arith.constant 0 : i32
      %dma_start3A_123 = tpu.memref_slice %arg2[%dma_start3A_121, %dma_start3A_122] : memref<10000x128xf32, #tpu.memory_space<hbm>> -> memref<10000x128xf32, #tpu.memory_space<hbm>>
      tpu.enqueue_indirect_dma source(%dma_start3A_123 : memref<10000x128xf32, #tpu.memory_space<hbm>>) target(%arg8 : memref<128x128xf32, #tpu.memory_space<vmem>>) offsets(%dma_start3A_120 : memref<128xi32, #tpu.memory_space<vmem>>) semaphore(%arg10 : memref<!tpu.dma_semaphore, #tpu.memory_space<semaphore_mem>>)
      %run_scoped3A_124 = arith.constant 3 : i32
      "tpu.region"() ({
        %run_scoped3A_298 = tpu.sem_alloc : memref<!tpu.dma_semaphore, #tpu.memory_space<semaphore_mem>>
        %dma_start3A_299 = arith.constant 0 : i32
        %dma_start3A_300 = tpu.memref_slice %arg7[%run_scoped3A_124, %dma_start3A_299] : memref<16x128xi32, #tpu.memory_space<vmem>> -> memref<1x128xi32, #tpu.memory_space<vmem>>
        %dma_start3A_301 = tpu.memref_squeeze %dma_start3A_300 : memref<1x128xi32, #tpu.memory_space<vmem>> -> memref<128xi32, #tpu.memory_space<vmem>>
        %dma_start3A_302 = arith.constant 0 : i32
        %dma_start3A_303 = arith.constant 0 : i32
        %dma_start3A_304 = tpu.memref_slice %arg12[%dma_start3A_302, %dma_start3A_303] : memref<10240x128xf32, #tpu.memory_space<vmem_shared>> -> memref<10240x128xf32, #tpu.memory_space<vmem_shared>>
        tpu.enqueue_indirect_dma source(%arg9 : memref<128x128xf32, #tpu.memory_space<vmem>>) target(%dma_start3A_304 : memref<10240x128xf32, #tpu.memory_space<vmem_shared>>) offsets(%dma_start3A_301 : memref<128xi32, #tpu.memory_space<vmem>>) semaphore(%run_scoped3A_298 : memref<!tpu.dma_semaphore, #tpu.memory_space<semaphore_mem>>) {add = true}
        %dma_wait3A_305 = arith.constant 0 : i32
        %dma_wait3A_306 = tpu.memref_slice %arg7[%run_scoped3A_124, %dma_wait3A_305] : memref<16x128xi32, #tpu.memory_space<vmem>> -> memref<1x128xi32, #tpu.memory_space<vmem>>
        %dma_wait3A_307 = tpu.memref_squeeze %dma_wait3A_306 : memref<1x128xi32, #tpu.memory_space<vmem>> -> memref<128xi32, #tpu.memory_space<vmem>>
        %dma_wait3A_308 = arith.constant 0 : i32
        %dma_wait3A_309 = arith.constant 0 : i32
        %dma_wait3A_310 = tpu.memref_slice %arg12[%dma_wait3A_308, %dma_wait3A_309] : memref<10240x128xf32, #tpu.memory_space<vmem_shared>> -> memref<10240x128xf32, #tpu.memory_space<vmem_shared>>
        tpu.wait_indirect_dma semaphore(%run_scoped3A_298 : memref<!tpu.dma_semaphore, #tpu.memory_space<semaphore_mem>>) src(%arg9 : memref<128x128xf32, #tpu.memory_space<vmem>>) dst(%dma_wait3A_310 : memref<10240x128xf32, #tpu.memory_space<vmem_shared>>)
        tpu.yield
      }) : () -> ()
      %dma_wait3A_125 = arith.constant 4 : i32
      %dma_wait3A_126 = arith.constant 0 : i32
      %dma_wait3A_127 = tpu.memref_slice %arg6[%dma_wait3A_125, %dma_wait3A_126] : memref<16x128xi32, #tpu.memory_space<vmem>> -> memref<1x128xi32, #tpu.memory_space<vmem>>
      %dma_wait3A_128 = tpu.memref_squeeze %dma_wait3A_127 : memref<1x128xi32, #tpu.memory_space<vmem>> -> memref<128xi32, #tpu.memory_space<vmem>>
      %dma_wait3A_129 = arith.constant 0 : i32
      %dma_wait3A_130 = arith.constant 0 : i32
      %dma_wait3A_131 = tpu.memref_slice %arg2[%dma_wait3A_129, %dma_wait3A_130] : memref<10000x128xf32, #tpu.memory_space<hbm>> -> memref<10000x128xf32, #tpu.memory_space<hbm>>
      tpu.wait_indirect_dma semaphore(%arg10 : memref<!tpu.dma_semaphore, #tpu.memory_space<semaphore_mem>>) src(%dma_wait3A_131 : memref<10000x128xf32, #tpu.memory_space<hbm>>) dst(%arg8 : memref<128x128xf32, #tpu.memory_space<vmem>>)
      %dma_start3A_132 = arith.constant 5 : i32
      %dma_start3A_133 = arith.constant 0 : i32
      %dma_start3A_134 = tpu.memref_slice %arg6[%dma_start3A_132, %dma_start3A_133] : memref<16x128xi32, #tpu.memory_space<vmem>> -> memref<1x128xi32, #tpu.memory_space<vmem>>
      %dma_start3A_135 = tpu.memref_squeeze %dma_start3A_134 : memref<1x128xi32, #tpu.memory_space<vmem>> -> memref<128xi32, #tpu.memory_space<vmem>>
      %dma_start3A_136 = arith.constant 0 : i32
      %dma_start3A_137 = arith.constant 0 : i32
      %dma_start3A_138 = tpu.memref_slice %arg2[%dma_start3A_136, %dma_start3A_137] : memref<10000x128xf32, #tpu.memory_space<hbm>> -> memref<10000x128xf32, #tpu.memory_space<hbm>>
      tpu.enqueue_indirect_dma source(%dma_start3A_138 : memref<10000x128xf32, #tpu.memory_space<hbm>>) target(%arg9 : memref<128x128xf32, #tpu.memory_space<vmem>>) offsets(%dma_start3A_135 : memref<128xi32, #tpu.memory_space<vmem>>) semaphore(%arg11 : memref<!tpu.dma_semaphore, #tpu.memory_space<semaphore_mem>>)
      %run_scoped3A_139 = arith.constant 4 : i32
      "tpu.region"() ({
        %run_scoped3A_298 = tpu.sem_alloc : memref<!tpu.dma_semaphore, #tpu.memory_space<semaphore_mem>>
        %dma_start3A_299 = arith.constant 0 : i32
        %dma_start3A_300 = tpu.memref_slice %arg7[%run_scoped3A_139, %dma_start3A_299] : memref<16x128xi32, #tpu.memory_space<vmem>> -> memref<1x128xi32, #tpu.memory_space<vmem>>
        %dma_start3A_301 = tpu.memref_squeeze %dma_start3A_300 : memref<1x128xi32, #tpu.memory_space<vmem>> -> memref<128xi32, #tpu.memory_space<vmem>>
        %dma_start3A_302 = arith.constant 0 : i32
        %dma_start3A_303 = arith.constant 0 : i32
        %dma_start3A_304 = tpu.memref_slice %arg12[%dma_start3A_302, %dma_start3A_303] : memref<10240x128xf32, #tpu.memory_space<vmem_shared>> -> memref<10240x128xf32, #tpu.memory_space<vmem_shared>>
        tpu.enqueue_indirect_dma source(%arg8 : memref<128x128xf32, #tpu.memory_space<vmem>>) target(%dma_start3A_304 : memref<10240x128xf32, #tpu.memory_space<vmem_shared>>) offsets(%dma_start3A_301 : memref<128xi32, #tpu.memory_space<vmem>>) semaphore(%run_scoped3A_298 : memref<!tpu.dma_semaphore, #tpu.memory_space<semaphore_mem>>) {add = true}
        %dma_wait3A_305 = arith.constant 0 : i32
        %dma_wait3A_306 = tpu.memref_slice %arg7[%run_scoped3A_139, %dma_wait3A_305] : memref<16x128xi32, #tpu.memory_space<vmem>> -> memref<1x128xi32, #tpu.memory_space<vmem>>
        %dma_wait3A_307 = tpu.memref_squeeze %dma_wait3A_306 : memref<1x128xi32, #tpu.memory_space<vmem>> -> memref<128xi32, #tpu.memory_space<vmem>>
        %dma_wait3A_308 = arith.constant 0 : i32
        %dma_wait3A_309 = arith.constant 0 : i32
        %dma_wait3A_310 = tpu.memref_slice %arg12[%dma_wait3A_308, %dma_wait3A_309] : memref<10240x128xf32, #tpu.memory_space<vmem_shared>> -> memref<10240x128xf32, #tpu.memory_space<vmem_shared>>
        tpu.wait_indirect_dma semaphore(%run_scoped3A_298 : memref<!tpu.dma_semaphore, #tpu.memory_space<semaphore_mem>>) src(%arg8 : memref<128x128xf32, #tpu.memory_space<vmem>>) dst(%dma_wait3A_310 : memref<10240x128xf32, #tpu.memory_space<vmem_shared>>)
        tpu.yield
      }) : () -> ()
      %dma_wait3A_140 = arith.constant 5 : i32
      %dma_wait3A_141 = arith.constant 0 : i32
      %dma_wait3A_142 = tpu.memref_slice %arg6[%dma_wait3A_140, %dma_wait3A_141] : memref<16x128xi32, #tpu.memory_space<vmem>> -> memref<1x128xi32, #tpu.memory_space<vmem>>
      %dma_wait3A_143 = tpu.memref_squeeze %dma_wait3A_142 : memref<1x128xi32, #tpu.memory_space<vmem>> -> memref<128xi32, #tpu.memory_space<vmem>>
      %dma_wait3A_144 = arith.constant 0 : i32
      %dma_wait3A_145 = arith.constant 0 : i32
      %dma_wait3A_146 = tpu.memref_slice %arg2[%dma_wait3A_144, %dma_wait3A_145] : memref<10000x128xf32, #tpu.memory_space<hbm>> -> memref<10000x128xf32, #tpu.memory_space<hbm>>
      tpu.wait_indirect_dma semaphore(%arg11 : memref<!tpu.dma_semaphore, #tpu.memory_space<semaphore_mem>>) src(%dma_wait3A_146 : memref<10000x128xf32, #tpu.memory_space<hbm>>) dst(%arg9 : memref<128x128xf32, #tpu.memory_space<vmem>>)
      %dma_start3A_147 = arith.constant 6 : i32
      %dma_start3A_148 = arith.constant 0 : i32
      %dma_start3A_149 = tpu.memref_slice %arg6[%dma_start3A_147, %dma_start3A_148] : memref<16x128xi32, #tpu.memory_space<vmem>> -> memref<1x128xi32, #tpu.memory_space<vmem>>
      %dma_start3A_150 = tpu.memref_squeeze %dma_start3A_149 : memref<1x128xi32, #tpu.memory_space<vmem>> -> memref<128xi32, #tpu.memory_space<vmem>>
      %dma_start3A_151 = arith.constant 0 : i32
      %dma_start3A_152 = arith.constant 0 : i32
      %dma_start3A_153 = tpu.memref_slice %arg2[%dma_start3A_151, %dma_start3A_152] : memref<10000x128xf32, #tpu.memory_space<hbm>> -> memref<10000x128xf32, #tpu.memory_space<hbm>>
      tpu.enqueue_indirect_dma source(%dma_start3A_153 : memref<10000x128xf32, #tpu.memory_space<hbm>>) target(%arg8 : memref<128x128xf32, #tpu.memory_space<vmem>>) offsets(%dma_start3A_150 : memref<128xi32, #tpu.memory_space<vmem>>) semaphore(%arg10 : memref<!tpu.dma_semaphore, #tpu.memory_space<semaphore_mem>>)
      %run_scoped3A_154 = arith.constant 5 : i32
      "tpu.region"() ({
        %run_scoped3A_298 = tpu.sem_alloc : memref<!tpu.dma_semaphore, #tpu.memory_space<semaphore_mem>>
        %dma_start3A_299 = arith.constant 0 : i32
        %dma_start3A_300 = tpu.memref_slice %arg7[%run_scoped3A_154, %dma_start3A_299] : memref<16x128xi32, #tpu.memory_space<vmem>> -> memref<1x128xi32, #tpu.memory_space<vmem>>
        %dma_start3A_301 = tpu.memref_squeeze %dma_start3A_300 : memref<1x128xi32, #tpu.memory_space<vmem>> -> memref<128xi32, #tpu.memory_space<vmem>>
        %dma_start3A_302 = arith.constant 0 : i32
        %dma_start3A_303 = arith.constant 0 : i32
        %dma_start3A_304 = tpu.memref_slice %arg12[%dma_start3A_302, %dma_start3A_303] : memref<10240x128xf32, #tpu.memory_space<vmem_shared>> -> memref<10240x128xf32, #tpu.memory_space<vmem_shared>>
        tpu.enqueue_indirect_dma source(%arg9 : memref<128x128xf32, #tpu.memory_space<vmem>>) target(%dma_start3A_304 : memref<10240x128xf32, #tpu.memory_space<vmem_shared>>) offsets(%dma_start3A_301 : memref<128xi32, #tpu.memory_space<vmem>>) semaphore(%run_scoped3A_298 : memref<!tpu.dma_semaphore, #tpu.memory_space<semaphore_mem>>) {add = true}
        %dma_wait3A_305 = arith.constant 0 : i32
        %dma_wait3A_306 = tpu.memref_slice %arg7[%run_scoped3A_154, %dma_wait3A_305] : memref<16x128xi32, #tpu.memory_space<vmem>> -> memref<1x128xi32, #tpu.memory_space<vmem>>
        %dma_wait3A_307 = tpu.memref_squeeze %dma_wait3A_306 : memref<1x128xi32, #tpu.memory_space<vmem>> -> memref<128xi32, #tpu.memory_space<vmem>>
        %dma_wait3A_308 = arith.constant 0 : i32
        %dma_wait3A_309 = arith.constant 0 : i32
        %dma_wait3A_310 = tpu.memref_slice %arg12[%dma_wait3A_308, %dma_wait3A_309] : memref<10240x128xf32, #tpu.memory_space<vmem_shared>> -> memref<10240x128xf32, #tpu.memory_space<vmem_shared>>
        tpu.wait_indirect_dma semaphore(%run_scoped3A_298 : memref<!tpu.dma_semaphore, #tpu.memory_space<semaphore_mem>>) src(%arg9 : memref<128x128xf32, #tpu.memory_space<vmem>>) dst(%dma_wait3A_310 : memref<10240x128xf32, #tpu.memory_space<vmem_shared>>)
        tpu.yield
      }) : () -> ()
      %dma_wait3A_155 = arith.constant 6 : i32
      %dma_wait3A_156 = arith.constant 0 : i32
      %dma_wait3A_157 = tpu.memref_slice %arg6[%dma_wait3A_155, %dma_wait3A_156] : memref<16x128xi32, #tpu.memory_space<vmem>> -> memref<1x128xi32, #tpu.memory_space<vmem>>
      %dma_wait3A_158 = tpu.memref_squeeze %dma_wait3A_157 : memref<1x128xi32, #tpu.memory_space<vmem>> -> memref<128xi32, #tpu.memory_space<vmem>>
      %dma_wait3A_159 = arith.constant 0 : i32
      %dma_wait3A_160 = arith.constant 0 : i32
      %dma_wait3A_161 = tpu.memref_slice %arg2[%dma_wait3A_159, %dma_wait3A_160] : memref<10000x128xf32, #tpu.memory_space<hbm>> -> memref<10000x128xf32, #tpu.memory_space<hbm>>
      tpu.wait_indirect_dma semaphore(%arg10 : memref<!tpu.dma_semaphore, #tpu.memory_space<semaphore_mem>>) src(%dma_wait3A_161 : memref<10000x128xf32, #tpu.memory_space<hbm>>) dst(%arg8 : memref<128x128xf32, #tpu.memory_space<vmem>>)
      %dma_start3A_162 = arith.constant 7 : i32
      %dma_start3A_163 = arith.constant 0 : i32
      %dma_start3A_164 = tpu.memref_slice %arg6[%dma_start3A_162, %dma_start3A_163] : memref<16x128xi32, #tpu.memory_space<vmem>> -> memref<1x128xi32, #tpu.memory_space<vmem>>
      %dma_start3A_165 = tpu.memref_squeeze %dma_start3A_164 : memref<1x128xi32, #tpu.memory_space<vmem>> -> memref<128xi32, #tpu.memory_space<vmem>>
      %dma_start3A_166 = arith.constant 0 : i32
      %dma_start3A_167 = arith.constant 0 : i32
      %dma_start3A_168 = tpu.memref_slice %arg2[%dma_start3A_166, %dma_start3A_167] : memref<10000x128xf32, #tpu.memory_space<hbm>> -> memref<10000x128xf32, #tpu.memory_space<hbm>>
      tpu.enqueue_indirect_dma source(%dma_start3A_168 : memref<10000x128xf32, #tpu.memory_space<hbm>>) target(%arg9 : memref<128x128xf32, #tpu.memory_space<vmem>>) offsets(%dma_start3A_165 : memref<128xi32, #tpu.memory_space<vmem>>) semaphore(%arg11 : memref<!tpu.dma_semaphore, #tpu.memory_space<semaphore_mem>>)
      %run_scoped3A_169 = arith.constant 6 : i32
      "tpu.region"() ({
        %run_scoped3A_298 = tpu.sem_alloc : memref<!tpu.dma_semaphore, #tpu.memory_space<semaphore_mem>>
        %dma_start3A_299 = arith.constant 0 : i32
        %dma_start3A_300 = tpu.memref_slice %arg7[%run_scoped3A_169, %dma_start3A_299] : memref<16x128xi32, #tpu.memory_space<vmem>> -> memref<1x128xi32, #tpu.memory_space<vmem>>
        %dma_start3A_301 = tpu.memref_squeeze %dma_start3A_300 : memref<1x128xi32, #tpu.memory_space<vmem>> -> memref<128xi32, #tpu.memory_space<vmem>>
        %dma_start3A_302 = arith.constant 0 : i32
        %dma_start3A_303 = arith.constant 0 : i32
        %dma_start3A_304 = tpu.memref_slice %arg12[%dma_start3A_302, %dma_start3A_303] : memref<10240x128xf32, #tpu.memory_space<vmem_shared>> -> memref<10240x128xf32, #tpu.memory_space<vmem_shared>>
        tpu.enqueue_indirect_dma source(%arg8 : memref<128x128xf32, #tpu.memory_space<vmem>>) target(%dma_start3A_304 : memref<10240x128xf32, #tpu.memory_space<vmem_shared>>) offsets(%dma_start3A_301 : memref<128xi32, #tpu.memory_space<vmem>>) semaphore(%run_scoped3A_298 : memref<!tpu.dma_semaphore, #tpu.memory_space<semaphore_mem>>) {add = true}
        %dma_wait3A_305 = arith.constant 0 : i32
        %dma_wait3A_306 = tpu.memref_slice %arg7[%run_scoped3A_169, %dma_wait3A_305] : memref<16x128xi32, #tpu.memory_space<vmem>> -> memref<1x128xi32, #tpu.memory_space<vmem>>
        %dma_wait3A_307 = tpu.memref_squeeze %dma_wait3A_306 : memref<1x128xi32, #tpu.memory_space<vmem>> -> memref<128xi32, #tpu.memory_space<vmem>>
        %dma_wait3A_308 = arith.constant 0 : i32
        %dma_wait3A_309 = arith.constant 0 : i32
        %dma_wait3A_310 = tpu.memref_slice %arg12[%dma_wait3A_308, %dma_wait3A_309] : memref<10240x128xf32, #tpu.memory_space<vmem_shared>> -> memref<10240x128xf32, #tpu.memory_space<vmem_shared>>
        tpu.wait_indirect_dma semaphore(%run_scoped3A_298 : memref<!tpu.dma_semaphore, #tpu.memory_space<semaphore_mem>>) src(%arg8 : memref<128x128xf32, #tpu.memory_space<vmem>>) dst(%dma_wait3A_310 : memref<10240x128xf32, #tpu.memory_space<vmem_shared>>)
        tpu.yield
      }) : () -> ()
      %dma_wait3A_170 = arith.constant 7 : i32
      %dma_wait3A_171 = arith.constant 0 : i32
      %dma_wait3A_172 = tpu.memref_slice %arg6[%dma_wait3A_170, %dma_wait3A_171] : memref<16x128xi32, #tpu.memory_space<vmem>> -> memref<1x128xi32, #tpu.memory_space<vmem>>
      %dma_wait3A_173 = tpu.memref_squeeze %dma_wait3A_172 : memref<1x128xi32, #tpu.memory_space<vmem>> -> memref<128xi32, #tpu.memory_space<vmem>>
      %dma_wait3A_174 = arith.constant 0 : i32
      %dma_wait3A_175 = arith.constant 0 : i32
      %dma_wait3A_176 = tpu.memref_slice %arg2[%dma_wait3A_174, %dma_wait3A_175] : memref<10000x128xf32, #tpu.memory_space<hbm>> -> memref<10000x128xf32, #tpu.memory_space<hbm>>
      tpu.wait_indirect_dma semaphore(%arg11 : memref<!tpu.dma_semaphore, #tpu.memory_space<semaphore_mem>>) src(%dma_wait3A_176 : memref<10000x128xf32, #tpu.memory_space<hbm>>) dst(%arg9 : memref<128x128xf32, #tpu.memory_space<vmem>>)
      %dma_start3A_177 = arith.constant 8 : i32
      %dma_start3A_178 = arith.constant 0 : i32
      %dma_start3A_179 = tpu.memref_slice %arg6[%dma_start3A_177, %dma_start3A_178] : memref<16x128xi32, #tpu.memory_space<vmem>> -> memref<1x128xi32, #tpu.memory_space<vmem>>
      %dma_start3A_180 = tpu.memref_squeeze %dma_start3A_179 : memref<1x128xi32, #tpu.memory_space<vmem>> -> memref<128xi32, #tpu.memory_space<vmem>>
      %dma_start3A_181 = arith.constant 0 : i32
      %dma_start3A_182 = arith.constant 0 : i32
      %dma_start3A_183 = tpu.memref_slice %arg2[%dma_start3A_181, %dma_start3A_182] : memref<10000x128xf32, #tpu.memory_space<hbm>> -> memref<10000x128xf32, #tpu.memory_space<hbm>>
      tpu.enqueue_indirect_dma source(%dma_start3A_183 : memref<10000x128xf32, #tpu.memory_space<hbm>>) target(%arg8 : memref<128x128xf32, #tpu.memory_space<vmem>>) offsets(%dma_start3A_180 : memref<128xi32, #tpu.memory_space<vmem>>) semaphore(%arg10 : memref<!tpu.dma_semaphore, #tpu.memory_space<semaphore_mem>>)
      %run_scoped3A_184 = arith.constant 7 : i32
      "tpu.region"() ({
        %run_scoped3A_298 = tpu.sem_alloc : memref<!tpu.dma_semaphore, #tpu.memory_space<semaphore_mem>>
        %dma_start3A_299 = arith.constant 0 : i32
        %dma_start3A_300 = tpu.memref_slice %arg7[%run_scoped3A_184, %dma_start3A_299] : memref<16x128xi32, #tpu.memory_space<vmem>> -> memref<1x128xi32, #tpu.memory_space<vmem>>
        %dma_start3A_301 = tpu.memref_squeeze %dma_start3A_300 : memref<1x128xi32, #tpu.memory_space<vmem>> -> memref<128xi32, #tpu.memory_space<vmem>>
        %dma_start3A_302 = arith.constant 0 : i32
        %dma_start3A_303 = arith.constant 0 : i32
        %dma_start3A_304 = tpu.memref_slice %arg12[%dma_start3A_302, %dma_start3A_303] : memref<10240x128xf32, #tpu.memory_space<vmem_shared>> -> memref<10240x128xf32, #tpu.memory_space<vmem_shared>>
        tpu.enqueue_indirect_dma source(%arg9 : memref<128x128xf32, #tpu.memory_space<vmem>>) target(%dma_start3A_304 : memref<10240x128xf32, #tpu.memory_space<vmem_shared>>) offsets(%dma_start3A_301 : memref<128xi32, #tpu.memory_space<vmem>>) semaphore(%run_scoped3A_298 : memref<!tpu.dma_semaphore, #tpu.memory_space<semaphore_mem>>) {add = true}
        %dma_wait3A_305 = arith.constant 0 : i32
        %dma_wait3A_306 = tpu.memref_slice %arg7[%run_scoped3A_184, %dma_wait3A_305] : memref<16x128xi32, #tpu.memory_space<vmem>> -> memref<1x128xi32, #tpu.memory_space<vmem>>
        %dma_wait3A_307 = tpu.memref_squeeze %dma_wait3A_306 : memref<1x128xi32, #tpu.memory_space<vmem>> -> memref<128xi32, #tpu.memory_space<vmem>>
        %dma_wait3A_308 = arith.constant 0 : i32
        %dma_wait3A_309 = arith.constant 0 : i32
        %dma_wait3A_310 = tpu.memref_slice %arg12[%dma_wait3A_308, %dma_wait3A_309] : memref<10240x128xf32, #tpu.memory_space<vmem_shared>> -> memref<10240x128xf32, #tpu.memory_space<vmem_shared>>
        tpu.wait_indirect_dma semaphore(%run_scoped3A_298 : memref<!tpu.dma_semaphore, #tpu.memory_space<semaphore_mem>>) src(%arg9 : memref<128x128xf32, #tpu.memory_space<vmem>>) dst(%dma_wait3A_310 : memref<10240x128xf32, #tpu.memory_space<vmem_shared>>)
        tpu.yield
      }) : () -> ()
      %dma_wait3A_185 = arith.constant 8 : i32
      %dma_wait3A_186 = arith.constant 0 : i32
      %dma_wait3A_187 = tpu.memref_slice %arg6[%dma_wait3A_185, %dma_wait3A_186] : memref<16x128xi32, #tpu.memory_space<vmem>> -> memref<1x128xi32, #tpu.memory_space<vmem>>
      %dma_wait3A_188 = tpu.memref_squeeze %dma_wait3A_187 : memref<1x128xi32, #tpu.memory_space<vmem>> -> memref<128xi32, #tpu.memory_space<vmem>>
      %dma_wait3A_189 = arith.constant 0 : i32
      %dma_wait3A_190 = arith.constant 0 : i32
      %dma_wait3A_191 = tpu.memref_slice %arg2[%dma_wait3A_189, %dma_wait3A_190] : memref<10000x128xf32, #tpu.memory_space<hbm>> -> memref<10000x128xf32, #tpu.memory_space<hbm>>
      tpu.wait_indirect_dma semaphore(%arg10 : memref<!tpu.dma_semaphore, #tpu.memory_space<semaphore_mem>>) src(%dma_wait3A_191 : memref<10000x128xf32, #tpu.memory_space<hbm>>) dst(%arg8 : memref<128x128xf32, #tpu.memory_space<vmem>>)
      %dma_start3A_192 = arith.constant 9 : i32
      %dma_start3A_193 = arith.constant 0 : i32
      %dma_start3A_194 = tpu.memref_slice %arg6[%dma_start3A_192, %dma_start3A_193] : memref<16x128xi32, #tpu.memory_space<vmem>> -> memref<1x128xi32, #tpu.memory_space<vmem>>
      %dma_start3A_195 = tpu.memref_squeeze %dma_start3A_194 : memref<1x128xi32, #tpu.memory_space<vmem>> -> memref<128xi32, #tpu.memory_space<vmem>>
      %dma_start3A_196 = arith.constant 0 : i32
      %dma_start3A_197 = arith.constant 0 : i32
      %dma_start3A_198 = tpu.memref_slice %arg2[%dma_start3A_196, %dma_start3A_197] : memref<10000x128xf32, #tpu.memory_space<hbm>> -> memref<10000x128xf32, #tpu.memory_space<hbm>>
      tpu.enqueue_indirect_dma source(%dma_start3A_198 : memref<10000x128xf32, #tpu.memory_space<hbm>>) target(%arg9 : memref<128x128xf32, #tpu.memory_space<vmem>>) offsets(%dma_start3A_195 : memref<128xi32, #tpu.memory_space<vmem>>) semaphore(%arg11 : memref<!tpu.dma_semaphore, #tpu.memory_space<semaphore_mem>>)
      %run_scoped3A_199 = arith.constant 8 : i32
      "tpu.region"() ({
        %run_scoped3A_298 = tpu.sem_alloc : memref<!tpu.dma_semaphore, #tpu.memory_space<semaphore_mem>>
        %dma_start3A_299 = arith.constant 0 : i32
        %dma_start3A_300 = tpu.memref_slice %arg7[%run_scoped3A_199, %dma_start3A_299] : memref<16x128xi32, #tpu.memory_space<vmem>> -> memref<1x128xi32, #tpu.memory_space<vmem>>
        %dma_start3A_301 = tpu.memref_squeeze %dma_start3A_300 : memref<1x128xi32, #tpu.memory_space<vmem>> -> memref<128xi32, #tpu.memory_space<vmem>>
        %dma_start3A_302 = arith.constant 0 : i32
        %dma_start3A_303 = arith.constant 0 : i32
        %dma_start3A_304 = tpu.memref_slice %arg12[%dma_start3A_302, %dma_start3A_303] : memref<10240x128xf32, #tpu.memory_space<vmem_shared>> -> memref<10240x128xf32, #tpu.memory_space<vmem_shared>>
        tpu.enqueue_indirect_dma source(%arg8 : memref<128x128xf32, #tpu.memory_space<vmem>>) target(%dma_start3A_304 : memref<10240x128xf32, #tpu.memory_space<vmem_shared>>) offsets(%dma_start3A_301 : memref<128xi32, #tpu.memory_space<vmem>>) semaphore(%run_scoped3A_298 : memref<!tpu.dma_semaphore, #tpu.memory_space<semaphore_mem>>) {add = true}
        %dma_wait3A_305 = arith.constant 0 : i32
        %dma_wait3A_306 = tpu.memref_slice %arg7[%run_scoped3A_199, %dma_wait3A_305] : memref<16x128xi32, #tpu.memory_space<vmem>> -> memref<1x128xi32, #tpu.memory_space<vmem>>
        %dma_wait3A_307 = tpu.memref_squeeze %dma_wait3A_306 : memref<1x128xi32, #tpu.memory_space<vmem>> -> memref<128xi32, #tpu.memory_space<vmem>>
        %dma_wait3A_308 = arith.constant 0 : i32
        %dma_wait3A_309 = arith.constant 0 : i32
        %dma_wait3A_310 = tpu.memref_slice %arg12[%dma_wait3A_308, %dma_wait3A_309] : memref<10240x128xf32, #tpu.memory_space<vmem_shared>> -> memref<10240x128xf32, #tpu.memory_space<vmem_shared>>
        tpu.wait_indirect_dma semaphore(%run_scoped3A_298 : memref<!tpu.dma_semaphore, #tpu.memory_space<semaphore_mem>>) src(%arg8 : memref<128x128xf32, #tpu.memory_space<vmem>>) dst(%dma_wait3A_310 : memref<10240x128xf32, #tpu.memory_space<vmem_shared>>)
        tpu.yield
      }) : () -> ()
      %dma_wait3A_200 = arith.constant 9 : i32
      %dma_wait3A_201 = arith.constant 0 : i32
      %dma_wait3A_202 = tpu.memref_slice %arg6[%dma_wait3A_200, %dma_wait3A_201] : memref<16x128xi32, #tpu.memory_space<vmem>> -> memref<1x128xi32, #tpu.memory_space<vmem>>
      %dma_wait3A_203 = tpu.memref_squeeze %dma_wait3A_202 : memref<1x128xi32, #tpu.memory_space<vmem>> -> memref<128xi32, #tpu.memory_space<vmem>>
      %dma_wait3A_204 = arith.constant 0 : i32
      %dma_wait3A_205 = arith.constant 0 : i32
      %dma_wait3A_206 = tpu.memref_slice %arg2[%dma_wait3A_204, %dma_wait3A_205] : memref<10000x128xf32, #tpu.memory_space<hbm>> -> memref<10000x128xf32, #tpu.memory_space<hbm>>
      tpu.wait_indirect_dma semaphore(%arg11 : memref<!tpu.dma_semaphore, #tpu.memory_space<semaphore_mem>>) src(%dma_wait3A_206 : memref<10000x128xf32, #tpu.memory_space<hbm>>) dst(%arg9 : memref<128x128xf32, #tpu.memory_space<vmem>>)
      %dma_start3A_207 = arith.constant 10 : i32
      %dma_start3A_208 = arith.constant 0 : i32
      %dma_start3A_209 = tpu.memref_slice %arg6[%dma_start3A_207, %dma_start3A_208] : memref<16x128xi32, #tpu.memory_space<vmem>> -> memref<1x128xi32, #tpu.memory_space<vmem>>
      %dma_start3A_210 = tpu.memref_squeeze %dma_start3A_209 : memref<1x128xi32, #tpu.memory_space<vmem>> -> memref<128xi32, #tpu.memory_space<vmem>>
      %dma_start3A_211 = arith.constant 0 : i32
      %dma_start3A_212 = arith.constant 0 : i32
      %dma_start3A_213 = tpu.memref_slice %arg2[%dma_start3A_211, %dma_start3A_212] : memref<10000x128xf32, #tpu.memory_space<hbm>> -> memref<10000x128xf32, #tpu.memory_space<hbm>>
      tpu.enqueue_indirect_dma source(%dma_start3A_213 : memref<10000x128xf32, #tpu.memory_space<hbm>>) target(%arg8 : memref<128x128xf32, #tpu.memory_space<vmem>>) offsets(%dma_start3A_210 : memref<128xi32, #tpu.memory_space<vmem>>) semaphore(%arg10 : memref<!tpu.dma_semaphore, #tpu.memory_space<semaphore_mem>>)
      %run_scoped3A_214 = arith.constant 9 : i32
      "tpu.region"() ({
        %run_scoped3A_298 = tpu.sem_alloc : memref<!tpu.dma_semaphore, #tpu.memory_space<semaphore_mem>>
        %dma_start3A_299 = arith.constant 0 : i32
        %dma_start3A_300 = tpu.memref_slice %arg7[%run_scoped3A_214, %dma_start3A_299] : memref<16x128xi32, #tpu.memory_space<vmem>> -> memref<1x128xi32, #tpu.memory_space<vmem>>
        %dma_start3A_301 = tpu.memref_squeeze %dma_start3A_300 : memref<1x128xi32, #tpu.memory_space<vmem>> -> memref<128xi32, #tpu.memory_space<vmem>>
        %dma_start3A_302 = arith.constant 0 : i32
        %dma_start3A_303 = arith.constant 0 : i32
        %dma_start3A_304 = tpu.memref_slice %arg12[%dma_start3A_302, %dma_start3A_303] : memref<10240x128xf32, #tpu.memory_space<vmem_shared>> -> memref<10240x128xf32, #tpu.memory_space<vmem_shared>>
        tpu.enqueue_indirect_dma source(%arg9 : memref<128x128xf32, #tpu.memory_space<vmem>>) target(%dma_start3A_304 : memref<10240x128xf32, #tpu.memory_space<vmem_shared>>) offsets(%dma_start3A_301 : memref<128xi32, #tpu.memory_space<vmem>>) semaphore(%run_scoped3A_298 : memref<!tpu.dma_semaphore, #tpu.memory_space<semaphore_mem>>) {add = true}
        %dma_wait3A_305 = arith.constant 0 : i32
        %dma_wait3A_306 = tpu.memref_slice %arg7[%run_scoped3A_214, %dma_wait3A_305] : memref<16x128xi32, #tpu.memory_space<vmem>> -> memref<1x128xi32, #tpu.memory_space<vmem>>
        %dma_wait3A_307 = tpu.memref_squeeze %dma_wait3A_306 : memref<1x128xi32, #tpu.memory_space<vmem>> -> memref<128xi32, #tpu.memory_space<vmem>>
        %dma_wait3A_308 = arith.constant 0 : i32
        %dma_wait3A_309 = arith.constant 0 : i32
        %dma_wait3A_310 = tpu.memref_slice %arg12[%dma_wait3A_308, %dma_wait3A_309] : memref<10240x128xf32, #tpu.memory_space<vmem_shared>> -> memref<10240x128xf32, #tpu.memory_space<vmem_shared>>
        tpu.wait_indirect_dma semaphore(%run_scoped3A_298 : memref<!tpu.dma_semaphore, #tpu.memory_space<semaphore_mem>>) src(%arg9 : memref<128x128xf32, #tpu.memory_space<vmem>>) dst(%dma_wait3A_310 : memref<10240x128xf32, #tpu.memory_space<vmem_shared>>)
        tpu.yield
      }) : () -> ()
      %dma_wait3A_215 = arith.constant 10 : i32
      %dma_wait3A_216 = arith.constant 0 : i32
      %dma_wait3A_217 = tpu.memref_slice %arg6[%dma_wait3A_215, %dma_wait3A_216] : memref<16x128xi32, #tpu.memory_space<vmem>> -> memref<1x128xi32, #tpu.memory_space<vmem>>
      %dma_wait3A_218 = tpu.memref_squeeze %dma_wait3A_217 : memref<1x128xi32, #tpu.memory_space<vmem>> -> memref<128xi32, #tpu.memory_space<vmem>>
      %dma_wait3A_219 = arith.constant 0 : i32
      %dma_wait3A_220 = arith.constant 0 : i32
      %dma_wait3A_221 = tpu.memref_slice %arg2[%dma_wait3A_219, %dma_wait3A_220] : memref<10000x128xf32, #tpu.memory_space<hbm>> -> memref<10000x128xf32, #tpu.memory_space<hbm>>
      tpu.wait_indirect_dma semaphore(%arg10 : memref<!tpu.dma_semaphore, #tpu.memory_space<semaphore_mem>>) src(%dma_wait3A_221 : memref<10000x128xf32, #tpu.memory_space<hbm>>) dst(%arg8 : memref<128x128xf32, #tpu.memory_space<vmem>>)
      %dma_start3A_222 = arith.constant 11 : i32
      %dma_start3A_223 = arith.constant 0 : i32
      %dma_start3A_224 = tpu.memref_slice %arg6[%dma_start3A_222, %dma_start3A_223] : memref<16x128xi32, #tpu.memory_space<vmem>> -> memref<1x128xi32, #tpu.memory_space<vmem>>
      %dma_start3A_225 = tpu.memref_squeeze %dma_start3A_224 : memref<1x128xi32, #tpu.memory_space<vmem>> -> memref<128xi32, #tpu.memory_space<vmem>>
      %dma_start3A_226 = arith.constant 0 : i32
      %dma_start3A_227 = arith.constant 0 : i32
      %dma_start3A_228 = tpu.memref_slice %arg2[%dma_start3A_226, %dma_start3A_227] : memref<10000x128xf32, #tpu.memory_space<hbm>> -> memref<10000x128xf32, #tpu.memory_space<hbm>>
      tpu.enqueue_indirect_dma source(%dma_start3A_228 : memref<10000x128xf32, #tpu.memory_space<hbm>>) target(%arg9 : memref<128x128xf32, #tpu.memory_space<vmem>>) offsets(%dma_start3A_225 : memref<128xi32, #tpu.memory_space<vmem>>) semaphore(%arg11 : memref<!tpu.dma_semaphore, #tpu.memory_space<semaphore_mem>>)
      %run_scoped3A_229 = arith.constant 10 : i32
      "tpu.region"() ({
        %run_scoped3A_298 = tpu.sem_alloc : memref<!tpu.dma_semaphore, #tpu.memory_space<semaphore_mem>>
        %dma_start3A_299 = arith.constant 0 : i32
        %dma_start3A_300 = tpu.memref_slice %arg7[%run_scoped3A_229, %dma_start3A_299] : memref<16x128xi32, #tpu.memory_space<vmem>> -> memref<1x128xi32, #tpu.memory_space<vmem>>
        %dma_start3A_301 = tpu.memref_squeeze %dma_start3A_300 : memref<1x128xi32, #tpu.memory_space<vmem>> -> memref<128xi32, #tpu.memory_space<vmem>>
        %dma_start3A_302 = arith.constant 0 : i32
        %dma_start3A_303 = arith.constant 0 : i32
        %dma_start3A_304 = tpu.memref_slice %arg12[%dma_start3A_302, %dma_start3A_303] : memref<10240x128xf32, #tpu.memory_space<vmem_shared>> -> memref<10240x128xf32, #tpu.memory_space<vmem_shared>>
        tpu.enqueue_indirect_dma source(%arg8 : memref<128x128xf32, #tpu.memory_space<vmem>>) target(%dma_start3A_304 : memref<10240x128xf32, #tpu.memory_space<vmem_shared>>) offsets(%dma_start3A_301 : memref<128xi32, #tpu.memory_space<vmem>>) semaphore(%run_scoped3A_298 : memref<!tpu.dma_semaphore, #tpu.memory_space<semaphore_mem>>) {add = true}
        %dma_wait3A_305 = arith.constant 0 : i32
        %dma_wait3A_306 = tpu.memref_slice %arg7[%run_scoped3A_229, %dma_wait3A_305] : memref<16x128xi32, #tpu.memory_space<vmem>> -> memref<1x128xi32, #tpu.memory_space<vmem>>
        %dma_wait3A_307 = tpu.memref_squeeze %dma_wait3A_306 : memref<1x128xi32, #tpu.memory_space<vmem>> -> memref<128xi32, #tpu.memory_space<vmem>>
        %dma_wait3A_308 = arith.constant 0 : i32
        %dma_wait3A_309 = arith.constant 0 : i32
        %dma_wait3A_310 = tpu.memref_slice %arg12[%dma_wait3A_308, %dma_wait3A_309] : memref<10240x128xf32, #tpu.memory_space<vmem_shared>> -> memref<10240x128xf32, #tpu.memory_space<vmem_shared>>
        tpu.wait_indirect_dma semaphore(%run_scoped3A_298 : memref<!tpu.dma_semaphore, #tpu.memory_space<semaphore_mem>>) src(%arg8 : memref<128x128xf32, #tpu.memory_space<vmem>>) dst(%dma_wait3A_310 : memref<10240x128xf32, #tpu.memory_space<vmem_shared>>)
        tpu.yield
      }) : () -> ()
      %dma_wait3A_230 = arith.constant 11 : i32
      %dma_wait3A_231 = arith.constant 0 : i32
      %dma_wait3A_232 = tpu.memref_slice %arg6[%dma_wait3A_230, %dma_wait3A_231] : memref<16x128xi32, #tpu.memory_space<vmem>> -> memref<1x128xi32, #tpu.memory_space<vmem>>
      %dma_wait3A_233 = tpu.memref_squeeze %dma_wait3A_232 : memref<1x128xi32, #tpu.memory_space<vmem>> -> memref<128xi32, #tpu.memory_space<vmem>>
      %dma_wait3A_234 = arith.constant 0 : i32
      %dma_wait3A_235 = arith.constant 0 : i32
      %dma_wait3A_236 = tpu.memref_slice %arg2[%dma_wait3A_234, %dma_wait3A_235] : memref<10000x128xf32, #tpu.memory_space<hbm>> -> memref<10000x128xf32, #tpu.memory_space<hbm>>
      tpu.wait_indirect_dma semaphore(%arg11 : memref<!tpu.dma_semaphore, #tpu.memory_space<semaphore_mem>>) src(%dma_wait3A_236 : memref<10000x128xf32, #tpu.memory_space<hbm>>) dst(%arg9 : memref<128x128xf32, #tpu.memory_space<vmem>>)
      %dma_start3A_237 = arith.constant 12 : i32
      %dma_start3A_238 = arith.constant 0 : i32
      %dma_start3A_239 = tpu.memref_slice %arg6[%dma_start3A_237, %dma_start3A_238] : memref<16x128xi32, #tpu.memory_space<vmem>> -> memref<1x128xi32, #tpu.memory_space<vmem>>
      %dma_start3A_240 = tpu.memref_squeeze %dma_start3A_239 : memref<1x128xi32, #tpu.memory_space<vmem>> -> memref<128xi32, #tpu.memory_space<vmem>>
      %dma_start3A_241 = arith.constant 0 : i32
      %dma_start3A_242 = arith.constant 0 : i32
      %dma_start3A_243 = tpu.memref_slice %arg2[%dma_start3A_241, %dma_start3A_242] : memref<10000x128xf32, #tpu.memory_space<hbm>> -> memref<10000x128xf32, #tpu.memory_space<hbm>>
      tpu.enqueue_indirect_dma source(%dma_start3A_243 : memref<10000x128xf32, #tpu.memory_space<hbm>>) target(%arg8 : memref<128x128xf32, #tpu.memory_space<vmem>>) offsets(%dma_start3A_240 : memref<128xi32, #tpu.memory_space<vmem>>) semaphore(%arg10 : memref<!tpu.dma_semaphore, #tpu.memory_space<semaphore_mem>>)
      %run_scoped3A_244 = arith.constant 11 : i32
      "tpu.region"() ({
        %run_scoped3A_298 = tpu.sem_alloc : memref<!tpu.dma_semaphore, #tpu.memory_space<semaphore_mem>>
        %dma_start3A_299 = arith.constant 0 : i32
        %dma_start3A_300 = tpu.memref_slice %arg7[%run_scoped3A_244, %dma_start3A_299] : memref<16x128xi32, #tpu.memory_space<vmem>> -> memref<1x128xi32, #tpu.memory_space<vmem>>
        %dma_start3A_301 = tpu.memref_squeeze %dma_start3A_300 : memref<1x128xi32, #tpu.memory_space<vmem>> -> memref<128xi32, #tpu.memory_space<vmem>>
        %dma_start3A_302 = arith.constant 0 : i32
        %dma_start3A_303 = arith.constant 0 : i32
        %dma_start3A_304 = tpu.memref_slice %arg12[%dma_start3A_302, %dma_start3A_303] : memref<10240x128xf32, #tpu.memory_space<vmem_shared>> -> memref<10240x128xf32, #tpu.memory_space<vmem_shared>>
        tpu.enqueue_indirect_dma source(%arg9 : memref<128x128xf32, #tpu.memory_space<vmem>>) target(%dma_start3A_304 : memref<10240x128xf32, #tpu.memory_space<vmem_shared>>) offsets(%dma_start3A_301 : memref<128xi32, #tpu.memory_space<vmem>>) semaphore(%run_scoped3A_298 : memref<!tpu.dma_semaphore, #tpu.memory_space<semaphore_mem>>) {add = true}
        %dma_wait3A_305 = arith.constant 0 : i32
        %dma_wait3A_306 = tpu.memref_slice %arg7[%run_scoped3A_244, %dma_wait3A_305] : memref<16x128xi32, #tpu.memory_space<vmem>> -> memref<1x128xi32, #tpu.memory_space<vmem>>
        %dma_wait3A_307 = tpu.memref_squeeze %dma_wait3A_306 : memref<1x128xi32, #tpu.memory_space<vmem>> -> memref<128xi32, #tpu.memory_space<vmem>>
        %dma_wait3A_308 = arith.constant 0 : i32
        %dma_wait3A_309 = arith.constant 0 : i32
        %dma_wait3A_310 = tpu.memref_slice %arg12[%dma_wait3A_308, %dma_wait3A_309] : memref<10240x128xf32, #tpu.memory_space<vmem_shared>> -> memref<10240x128xf32, #tpu.memory_space<vmem_shared>>
        tpu.wait_indirect_dma semaphore(%run_scoped3A_298 : memref<!tpu.dma_semaphore, #tpu.memory_space<semaphore_mem>>) src(%arg9 : memref<128x128xf32, #tpu.memory_space<vmem>>) dst(%dma_wait3A_310 : memref<10240x128xf32, #tpu.memory_space<vmem_shared>>)
        tpu.yield
      }) : () -> ()
      %dma_wait3A_245 = arith.constant 12 : i32
      %dma_wait3A_246 = arith.constant 0 : i32
      %dma_wait3A_247 = tpu.memref_slice %arg6[%dma_wait3A_245, %dma_wait3A_246] : memref<16x128xi32, #tpu.memory_space<vmem>> -> memref<1x128xi32, #tpu.memory_space<vmem>>
      %dma_wait3A_248 = tpu.memref_squeeze %dma_wait3A_247 : memref<1x128xi32, #tpu.memory_space<vmem>> -> memref<128xi32, #tpu.memory_space<vmem>>
      %dma_wait3A_249 = arith.constant 0 : i32
      %dma_wait3A_250 = arith.constant 0 : i32
      %dma_wait3A_251 = tpu.memref_slice %arg2[%dma_wait3A_249, %dma_wait3A_250] : memref<10000x128xf32, #tpu.memory_space<hbm>> -> memref<10000x128xf32, #tpu.memory_space<hbm>>
      tpu.wait_indirect_dma semaphore(%arg10 : memref<!tpu.dma_semaphore, #tpu.memory_space<semaphore_mem>>) src(%dma_wait3A_251 : memref<10000x128xf32, #tpu.memory_space<hbm>>) dst(%arg8 : memref<128x128xf32, #tpu.memory_space<vmem>>)
      %dma_start3A_252 = arith.constant 13 : i32
      %dma_start3A_253 = arith.constant 0 : i32
      %dma_start3A_254 = tpu.memref_slice %arg6[%dma_start3A_252, %dma_start3A_253] : memref<16x128xi32, #tpu.memory_space<vmem>> -> memref<1x128xi32, #tpu.memory_space<vmem>>
      %dma_start3A_255 = tpu.memref_squeeze %dma_start3A_254 : memref<1x128xi32, #tpu.memory_space<vmem>> -> memref<128xi32, #tpu.memory_space<vmem>>
      %dma_start3A_256 = arith.constant 0 : i32
      %dma_start3A_257 = arith.constant 0 : i32
      %dma_start3A_258 = tpu.memref_slice %arg2[%dma_start3A_256, %dma_start3A_257] : memref<10000x128xf32, #tpu.memory_space<hbm>> -> memref<10000x128xf32, #tpu.memory_space<hbm>>
      tpu.enqueue_indirect_dma source(%dma_start3A_258 : memref<10000x128xf32, #tpu.memory_space<hbm>>) target(%arg9 : memref<128x128xf32, #tpu.memory_space<vmem>>) offsets(%dma_start3A_255 : memref<128xi32, #tpu.memory_space<vmem>>) semaphore(%arg11 : memref<!tpu.dma_semaphore, #tpu.memory_space<semaphore_mem>>)
      %run_scoped3A_259 = arith.constant 12 : i32
      "tpu.region"() ({
        %run_scoped3A_298 = tpu.sem_alloc : memref<!tpu.dma_semaphore, #tpu.memory_space<semaphore_mem>>
        %dma_start3A_299 = arith.constant 0 : i32
        %dma_start3A_300 = tpu.memref_slice %arg7[%run_scoped3A_259, %dma_start3A_299] : memref<16x128xi32, #tpu.memory_space<vmem>> -> memref<1x128xi32, #tpu.memory_space<vmem>>
        %dma_start3A_301 = tpu.memref_squeeze %dma_start3A_300 : memref<1x128xi32, #tpu.memory_space<vmem>> -> memref<128xi32, #tpu.memory_space<vmem>>
        %dma_start3A_302 = arith.constant 0 : i32
        %dma_start3A_303 = arith.constant 0 : i32
        %dma_start3A_304 = tpu.memref_slice %arg12[%dma_start3A_302, %dma_start3A_303] : memref<10240x128xf32, #tpu.memory_space<vmem_shared>> -> memref<10240x128xf32, #tpu.memory_space<vmem_shared>>
        tpu.enqueue_indirect_dma source(%arg8 : memref<128x128xf32, #tpu.memory_space<vmem>>) target(%dma_start3A_304 : memref<10240x128xf32, #tpu.memory_space<vmem_shared>>) offsets(%dma_start3A_301 : memref<128xi32, #tpu.memory_space<vmem>>) semaphore(%run_scoped3A_298 : memref<!tpu.dma_semaphore, #tpu.memory_space<semaphore_mem>>) {add = true}
        %dma_wait3A_305 = arith.constant 0 : i32
        %dma_wait3A_306 = tpu.memref_slice %arg7[%run_scoped3A_259, %dma_wait3A_305] : memref<16x128xi32, #tpu.memory_space<vmem>> -> memref<1x128xi32, #tpu.memory_space<vmem>>
        %dma_wait3A_307 = tpu.memref_squeeze %dma_wait3A_306 : memref<1x128xi32, #tpu.memory_space<vmem>> -> memref<128xi32, #tpu.memory_space<vmem>>
        %dma_wait3A_308 = arith.constant 0 : i32
        %dma_wait3A_309 = arith.constant 0 : i32
        %dma_wait3A_310 = tpu.memref_slice %arg12[%dma_wait3A_308, %dma_wait3A_309] : memref<10240x128xf32, #tpu.memory_space<vmem_shared>> -> memref<10240x128xf32, #tpu.memory_space<vmem_shared>>
        tpu.wait_indirect_dma semaphore(%run_scoped3A_298 : memref<!tpu.dma_semaphore, #tpu.memory_space<semaphore_mem>>) src(%arg8 : memref<128x128xf32, #tpu.memory_space<vmem>>) dst(%dma_wait3A_310 : memref<10240x128xf32, #tpu.memory_space<vmem_shared>>)
        tpu.yield
      }) : () -> ()
      %dma_wait3A_260 = arith.constant 13 : i32
      %dma_wait3A_261 = arith.constant 0 : i32
      %dma_wait3A_262 = tpu.memref_slice %arg6[%dma_wait3A_260, %dma_wait3A_261] : memref<16x128xi32, #tpu.memory_space<vmem>> -> memref<1x128xi32, #tpu.memory_space<vmem>>
      %dma_wait3A_263 = tpu.memref_squeeze %dma_wait3A_262 : memref<1x128xi32, #tpu.memory_space<vmem>> -> memref<128xi32, #tpu.memory_space<vmem>>
      %dma_wait3A_264 = arith.constant 0 : i32
      %dma_wait3A_265 = arith.constant 0 : i32
      %dma_wait3A_266 = tpu.memref_slice %arg2[%dma_wait3A_264, %dma_wait3A_265] : memref<10000x128xf32, #tpu.memory_space<hbm>> -> memref<10000x128xf32, #tpu.memory_space<hbm>>
      tpu.wait_indirect_dma semaphore(%arg11 : memref<!tpu.dma_semaphore, #tpu.memory_space<semaphore_mem>>) src(%dma_wait3A_266 : memref<10000x128xf32, #tpu.memory_space<hbm>>) dst(%arg9 : memref<128x128xf32, #tpu.memory_space<vmem>>)
      %dma_start3A_267 = arith.constant 14 : i32
      %dma_start3A_268 = arith.constant 0 : i32
      %dma_start3A_269 = tpu.memref_slice %arg6[%dma_start3A_267, %dma_start3A_268] : memref<16x128xi32, #tpu.memory_space<vmem>> -> memref<1x128xi32, #tpu.memory_space<vmem>>
      %dma_start3A_270 = tpu.memref_squeeze %dma_start3A_269 : memref<1x128xi32, #tpu.memory_space<vmem>> -> memref<128xi32, #tpu.memory_space<vmem>>
      %dma_start3A_271 = arith.constant 0 : i32
      %dma_start3A_272 = arith.constant 0 : i32
      %dma_start3A_273 = tpu.memref_slice %arg2[%dma_start3A_271, %dma_start3A_272] : memref<10000x128xf32, #tpu.memory_space<hbm>> -> memref<10000x128xf32, #tpu.memory_space<hbm>>
      tpu.enqueue_indirect_dma source(%dma_start3A_273 : memref<10000x128xf32, #tpu.memory_space<hbm>>) target(%arg8 : memref<128x128xf32, #tpu.memory_space<vmem>>) offsets(%dma_start3A_270 : memref<128xi32, #tpu.memory_space<vmem>>) semaphore(%arg10 : memref<!tpu.dma_semaphore, #tpu.memory_space<semaphore_mem>>)
      %run_scoped3A_274 = arith.constant 13 : i32
      "tpu.region"() ({
        %run_scoped3A_298 = tpu.sem_alloc : memref<!tpu.dma_semaphore, #tpu.memory_space<semaphore_mem>>
        %dma_start3A_299 = arith.constant 0 : i32
        %dma_start3A_300 = tpu.memref_slice %arg7[%run_scoped3A_274, %dma_start3A_299] : memref<16x128xi32, #tpu.memory_space<vmem>> -> memref<1x128xi32, #tpu.memory_space<vmem>>
        %dma_start3A_301 = tpu.memref_squeeze %dma_start3A_300 : memref<1x128xi32, #tpu.memory_space<vmem>> -> memref<128xi32, #tpu.memory_space<vmem>>
        %dma_start3A_302 = arith.constant 0 : i32
        %dma_start3A_303 = arith.constant 0 : i32
        %dma_start3A_304 = tpu.memref_slice %arg12[%dma_start3A_302, %dma_start3A_303] : memref<10240x128xf32, #tpu.memory_space<vmem_shared>> -> memref<10240x128xf32, #tpu.memory_space<vmem_shared>>
        tpu.enqueue_indirect_dma source(%arg9 : memref<128x128xf32, #tpu.memory_space<vmem>>) target(%dma_start3A_304 : memref<10240x128xf32, #tpu.memory_space<vmem_shared>>) offsets(%dma_start3A_301 : memref<128xi32, #tpu.memory_space<vmem>>) semaphore(%run_scoped3A_298 : memref<!tpu.dma_semaphore, #tpu.memory_space<semaphore_mem>>) {add = true}
        %dma_wait3A_305 = arith.constant 0 : i32
        %dma_wait3A_306 = tpu.memref_slice %arg7[%run_scoped3A_274, %dma_wait3A_305] : memref<16x128xi32, #tpu.memory_space<vmem>> -> memref<1x128xi32, #tpu.memory_space<vmem>>
        %dma_wait3A_307 = tpu.memref_squeeze %dma_wait3A_306 : memref<1x128xi32, #tpu.memory_space<vmem>> -> memref<128xi32, #tpu.memory_space<vmem>>
        %dma_wait3A_308 = arith.constant 0 : i32
        %dma_wait3A_309 = arith.constant 0 : i32
        %dma_wait3A_310 = tpu.memref_slice %arg12[%dma_wait3A_308, %dma_wait3A_309] : memref<10240x128xf32, #tpu.memory_space<vmem_shared>> -> memref<10240x128xf32, #tpu.memory_space<vmem_shared>>
        tpu.wait_indirect_dma semaphore(%run_scoped3A_298 : memref<!tpu.dma_semaphore, #tpu.memory_space<semaphore_mem>>) src(%arg9 : memref<128x128xf32, #tpu.memory_space<vmem>>) dst(%dma_wait3A_310 : memref<10240x128xf32, #tpu.memory_space<vmem_shared>>)
        tpu.yield
      }) : () -> ()
      %dma_wait3A_275 = arith.constant 14 : i32
      %dma_wait3A_276 = arith.constant 0 : i32
      %dma_wait3A_277 = tpu.memref_slice %arg6[%dma_wait3A_275, %dma_wait3A_276] : memref<16x128xi32, #tpu.memory_space<vmem>> -> memref<1x128xi32, #tpu.memory_space<vmem>>
      %dma_wait3A_278 = tpu.memref_squeeze %dma_wait3A_277 : memref<1x128xi32, #tpu.memory_space<vmem>> -> memref<128xi32, #tpu.memory_space<vmem>>
      %dma_wait3A_279 = arith.constant 0 : i32
      %dma_wait3A_280 = arith.constant 0 : i32
      %dma_wait3A_281 = tpu.memref_slice %arg2[%dma_wait3A_279, %dma_wait3A_280] : memref<10000x128xf32, #tpu.memory_space<hbm>> -> memref<10000x128xf32, #tpu.memory_space<hbm>>
      tpu.wait_indirect_dma semaphore(%arg10 : memref<!tpu.dma_semaphore, #tpu.memory_space<semaphore_mem>>) src(%dma_wait3A_281 : memref<10000x128xf32, #tpu.memory_space<hbm>>) dst(%arg8 : memref<128x128xf32, #tpu.memory_space<vmem>>)
      %dma_start3A_282 = arith.constant 15 : i32
      %dma_start3A_283 = arith.constant 0 : i32
      %dma_start3A_284 = tpu.memref_slice %arg6[%dma_start3A_282, %dma_start3A_283] : memref<16x128xi32, #tpu.memory_space<vmem>> -> memref<1x128xi32, #tpu.memory_space<vmem>>
      %dma_start3A_285 = tpu.memref_squeeze %dma_start3A_284 : memref<1x128xi32, #tpu.memory_space<vmem>> -> memref<128xi32, #tpu.memory_space<vmem>>
      %dma_start3A_286 = arith.constant 0 : i32
      %dma_start3A_287 = arith.constant 0 : i32
      %dma_start3A_288 = tpu.memref_slice %arg2[%dma_start3A_286, %dma_start3A_287] : memref<10000x128xf32, #tpu.memory_space<hbm>> -> memref<10000x128xf32, #tpu.memory_space<hbm>>
      tpu.enqueue_indirect_dma source(%dma_start3A_288 : memref<10000x128xf32, #tpu.memory_space<hbm>>) target(%arg9 : memref<128x128xf32, #tpu.memory_space<vmem>>) offsets(%dma_start3A_285 : memref<128xi32, #tpu.memory_space<vmem>>) semaphore(%arg11 : memref<!tpu.dma_semaphore, #tpu.memory_space<semaphore_mem>>)
      %run_scoped3A_289 = arith.constant 14 : i32
      "tpu.region"() ({
        %run_scoped3A_298 = tpu.sem_alloc : memref<!tpu.dma_semaphore, #tpu.memory_space<semaphore_mem>>
        %dma_start3A_299 = arith.constant 0 : i32
        %dma_start3A_300 = tpu.memref_slice %arg7[%run_scoped3A_289, %dma_start3A_299] : memref<16x128xi32, #tpu.memory_space<vmem>> -> memref<1x128xi32, #tpu.memory_space<vmem>>
        %dma_start3A_301 = tpu.memref_squeeze %dma_start3A_300 : memref<1x128xi32, #tpu.memory_space<vmem>> -> memref<128xi32, #tpu.memory_space<vmem>>
        %dma_start3A_302 = arith.constant 0 : i32
        %dma_start3A_303 = arith.constant 0 : i32
        %dma_start3A_304 = tpu.memref_slice %arg12[%dma_start3A_302, %dma_start3A_303] : memref<10240x128xf32, #tpu.memory_space<vmem_shared>> -> memref<10240x128xf32, #tpu.memory_space<vmem_shared>>
        tpu.enqueue_indirect_dma source(%arg8 : memref<128x128xf32, #tpu.memory_space<vmem>>) target(%dma_start3A_304 : memref<10240x128xf32, #tpu.memory_space<vmem_shared>>) offsets(%dma_start3A_301 : memref<128xi32, #tpu.memory_space<vmem>>) semaphore(%run_scoped3A_298 : memref<!tpu.dma_semaphore, #tpu.memory_space<semaphore_mem>>) {add = true}
        %dma_wait3A_305 = arith.constant 0 : i32
        %dma_wait3A_306 = tpu.memref_slice %arg7[%run_scoped3A_289, %dma_wait3A_305] : memref<16x128xi32, #tpu.memory_space<vmem>> -> memref<1x128xi32, #tpu.memory_space<vmem>>
        %dma_wait3A_307 = tpu.memref_squeeze %dma_wait3A_306 : memref<1x128xi32, #tpu.memory_space<vmem>> -> memref<128xi32, #tpu.memory_space<vmem>>
        %dma_wait3A_308 = arith.constant 0 : i32
        %dma_wait3A_309 = arith.constant 0 : i32
        %dma_wait3A_310 = tpu.memref_slice %arg12[%dma_wait3A_308, %dma_wait3A_309] : memref<10240x128xf32, #tpu.memory_space<vmem_shared>> -> memref<10240x128xf32, #tpu.memory_space<vmem_shared>>
        tpu.wait_indirect_dma semaphore(%run_scoped3A_298 : memref<!tpu.dma_semaphore, #tpu.memory_space<semaphore_mem>>) src(%arg8 : memref<128x128xf32, #tpu.memory_space<vmem>>) dst(%dma_wait3A_310 : memref<10240x128xf32, #tpu.memory_space<vmem_shared>>)
        tpu.yield
      }) : () -> ()
      %dma_wait3A_290 = arith.constant 15 : i32
      %dma_wait3A_291 = arith.constant 0 : i32
      %dma_wait3A_292 = tpu.memref_slice %arg6[%dma_wait3A_290, %dma_wait3A_291] : memref<16x128xi32, #tpu.memory_space<vmem>> -> memref<1x128xi32, #tpu.memory_space<vmem>>
      %dma_wait3A_293 = tpu.memref_squeeze %dma_wait3A_292 : memref<1x128xi32, #tpu.memory_space<vmem>> -> memref<128xi32, #tpu.memory_space<vmem>>
      %dma_wait3A_294 = arith.constant 0 : i32
      %dma_wait3A_295 = arith.constant 0 : i32
      %dma_wait3A_296 = tpu.memref_slice %arg2[%dma_wait3A_294, %dma_wait3A_295] : memref<10000x128xf32, #tpu.memory_space<hbm>> -> memref<10000x128xf32, #tpu.memory_space<hbm>>
      tpu.wait_indirect_dma semaphore(%arg11 : memref<!tpu.dma_semaphore, #tpu.memory_space<semaphore_mem>>) src(%dma_wait3A_296 : memref<10000x128xf32, #tpu.memory_space<hbm>>) dst(%arg9 : memref<128x128xf32, #tpu.memory_space<vmem>>)
      %run_scoped3A_297 = arith.constant 15 : i32
      "tpu.region"() ({
        %run_scoped3A_298 = tpu.sem_alloc : memref<!tpu.dma_semaphore, #tpu.memory_space<semaphore_mem>>
        %dma_start3A_299 = arith.constant 0 : i32
        %dma_start3A_300 = tpu.memref_slice %arg7[%run_scoped3A_297, %dma_start3A_299] : memref<16x128xi32, #tpu.memory_space<vmem>> -> memref<1x128xi32, #tpu.memory_space<vmem>>
        %dma_start3A_301 = tpu.memref_squeeze %dma_start3A_300 : memref<1x128xi32, #tpu.memory_space<vmem>> -> memref<128xi32, #tpu.memory_space<vmem>>
        %dma_start3A_302 = arith.constant 0 : i32
        %dma_start3A_303 = arith.constant 0 : i32
        %dma_start3A_304 = tpu.memref_slice %arg12[%dma_start3A_302, %dma_start3A_303] : memref<10240x128xf32, #tpu.memory_space<vmem_shared>> -> memref<10240x128xf32, #tpu.memory_space<vmem_shared>>
        tpu.enqueue_indirect_dma source(%arg9 : memref<128x128xf32, #tpu.memory_space<vmem>>) target(%dma_start3A_304 : memref<10240x128xf32, #tpu.memory_space<vmem_shared>>) offsets(%dma_start3A_301 : memref<128xi32, #tpu.memory_space<vmem>>) semaphore(%run_scoped3A_298 : memref<!tpu.dma_semaphore, #tpu.memory_space<semaphore_mem>>) {add = true}
        %dma_wait3A_305 = arith.constant 0 : i32
        %dma_wait3A_306 = tpu.memref_slice %arg7[%run_scoped3A_297, %dma_wait3A_305] : memref<16x128xi32, #tpu.memory_space<vmem>> -> memref<1x128xi32, #tpu.memory_space<vmem>>
        %dma_wait3A_307 = tpu.memref_squeeze %dma_wait3A_306 : memref<1x128xi32, #tpu.memory_space<vmem>> -> memref<128xi32, #tpu.memory_space<vmem>>
        %dma_wait3A_308 = arith.constant 0 : i32
        %dma_wait3A_309 = arith.constant 0 : i32
        %dma_wait3A_310 = tpu.memref_slice %arg12[%dma_wait3A_308, %dma_wait3A_309] : memref<10240x128xf32, #tpu.memory_space<vmem_shared>> -> memref<10240x128xf32, #tpu.memory_space<vmem_shared>>
        tpu.wait_indirect_dma semaphore(%run_scoped3A_298 : memref<!tpu.dma_semaphore, #tpu.memory_space<semaphore_mem>>) src(%arg9 : memref<128x128xf32, #tpu.memory_space<vmem>>) dst(%dma_wait3A_310 : memref<10240x128xf32, #tpu.memory_space<vmem_shared>>)
        tpu.yield
      }) : () -> ()
    }
    %scan3A_34 = arith.constant 5 : i32
    %barrier3A_35 = arith.constant 0 : index
    tpu.barrier barrier_id(%barrier3A_35)
    %mul3A_36 = arith.constant 640 : i32
    %mul3A_37 = arith.muli %arg1, %mul3A_36 : i32
    %add3A_38 = arith.constant 0 : i32
    %add3A_39 = arith.addi %mul3A_37, %add3A_38 : i32
    "tpu.region"() ({
      %run_scoped3A = tpu.sem_alloc : memref<!tpu.dma_semaphore, #tpu.memory_space<semaphore_mem>>
      %dma_start3A = arith.constant 0 : i32
      %dma_start3A_56 = tpu.memref_slice %arg12[%add3A_39, %dma_start3A] : memref<10240x128xf32, #tpu.memory_space<vmem_shared>> -> memref<128x128xf32, #tpu.memory_space<vmem_shared>>
      %dma_start3A_57 = arith.constant 0 : i32
      %dma_start3A_58 = tpu.memref_slice %arg12[%add3A_39, %dma_start3A_57] : memref<10240x128xf32, #tpu.memory_space<vmem_shared>> -> memref<128x128xf32, #tpu.memory_space<vmem_shared>>
      tpu.enqueue_dma source(%dma_start3A_58 : memref<128x128xf32, #tpu.memory_space<vmem_shared>>) target(%arg8 : memref<128x128xf32, #tpu.memory_space<vmem>>) target_semaphore(%run_scoped3A : memref<!tpu.dma_semaphore, #tpu.memory_space<semaphore_mem>>)
      %dma_wait3A = arith.constant 0 : i32
      %dma_wait3A_59 = tpu.memref_slice %arg12[%add3A_39, %dma_wait3A] : memref<10240x128xf32, #tpu.memory_space<vmem_shared>> -> memref<128x128xf32, #tpu.memory_space<vmem_shared>>
      %dma_wait3A_60 = arith.constant 0 : i32
      %dma_wait3A_61 = tpu.memref_slice %arg12[%add3A_39, %dma_wait3A_60] : memref<10240x128xf32, #tpu.memory_space<vmem_shared>> -> memref<128x128xf32, #tpu.memory_space<vmem_shared>>
      tpu.wait_dma2 semaphore(%run_scoped3A : memref<!tpu.dma_semaphore, #tpu.memory_space<semaphore_mem>>) src(%dma_wait3A_61 : memref<128x128xf32, #tpu.memory_space<vmem_shared>>) dst(%arg8 : memref<128x128xf32, #tpu.memory_space<vmem>>)
      tpu.yield
    }) : () -> ()
    "tpu.region"() ({
      %run_scoped3A = tpu.sem_alloc : memref<!tpu.dma_semaphore, #tpu.memory_space<semaphore_mem>>
      %dma_start3A = arith.constant 0 : i32
      %dma_start3A_56 = tpu.memref_slice %arg5[%arg0, %add3A_39, %dma_start3A] : memref<2x10240x128xf32, #tpu.memory_space<hbm>> -> memref<1x128x128xf32, #tpu.memory_space<hbm>>
      %dma_start3A_57 = tpu.memref_squeeze %dma_start3A_56 : memref<1x128x128xf32, #tpu.memory_space<hbm>> -> memref<128x128xf32, #tpu.memory_space<hbm>>
      %dma_start3A_58 = arith.constant 0 : i32
      %dma_start3A_59 = tpu.memref_slice %arg5[%arg0, %add3A_39, %dma_start3A_58] : memref<2x10240x128xf32, #tpu.memory_space<hbm>> -> memref<1x128x128xf32, #tpu.memory_space<hbm>>
      %dma_start3A_60 = tpu.memref_squeeze %dma_start3A_59 : memref<1x128x128xf32, #tpu.memory_space<hbm>> -> memref<128x128xf32, #tpu.memory_space<hbm>>
      tpu.enqueue_dma source(%arg8 : memref<128x128xf32, #tpu.memory_space<vmem>>) target(%dma_start3A_60 : memref<128x128xf32, #tpu.memory_space<hbm>>) target_semaphore(%run_scoped3A : memref<!tpu.dma_semaphore, #tpu.memory_space<semaphore_mem>>)
      %dma_wait3A = arith.constant 0 : i32
      %dma_wait3A_61 = tpu.memref_slice %arg5[%arg0, %add3A_39, %dma_wait3A] : memref<2x10240x128xf32, #tpu.memory_space<hbm>> -> memref<1x128x128xf32, #tpu.memory_space<hbm>>
      %dma_wait3A_62 = tpu.memref_squeeze %dma_wait3A_61 : memref<1x128x128xf32, #tpu.memory_space<hbm>> -> memref<128x128xf32, #tpu.memory_space<hbm>>
      %dma_wait3A_63 = arith.constant 0 : i32
      %dma_wait3A_64 = tpu.memref_slice %arg5[%arg0, %add3A_39, %dma_wait3A_63] : memref<2x10240x128xf32, #tpu.memory_space<hbm>> -> memref<1x128x128xf32, #tpu.memory_space<hbm>>
      %dma_wait3A_65 = tpu.memref_squeeze %dma_wait3A_64 : memref<1x128x128xf32, #tpu.memory_space<hbm>> -> memref<128x128xf32, #tpu.memory_space<hbm>>
      tpu.wait_dma2 semaphore(%run_scoped3A : memref<!tpu.dma_semaphore, #tpu.memory_space<semaphore_mem>>) src(%arg8 : memref<128x128xf32, #tpu.memory_space<vmem>>) dst(%dma_wait3A_65 : memref<128x128xf32, #tpu.memory_space<hbm>>)
      tpu.yield
    }) : () -> ()
    %mul3A_40 = arith.constant 640 : i32
    %mul3A_41 = arith.muli %arg1, %mul3A_40 : i32
    %add3A_42 = arith.constant 128 : i32
    %add3A_43 = arith.addi %mul3A_41, %add3A_42 : i32
    "tpu.region"() ({
      %run_scoped3A = tpu.sem_alloc : memref<!tpu.dma_semaphore, #tpu.memory_space<semaphore_mem>>
      %dma_start3A = arith.constant 0 : i32
      %dma_start3A_56 = tpu.memref_slice %arg12[%add3A_43, %dma_start3A] : memref<10240x128xf32, #tpu.memory_space<vmem_shared>> -> memref<128x128xf32, #tpu.memory_space<vmem_shared>>
      %dma_start3A_57 = arith.constant 0 : i32
      %dma_start3A_58 = tpu.memref_slice %arg12[%add3A_43, %dma_start3A_57] : memref<10240x128xf32, #tpu.memory_space<vmem_shared>> -> memref<128x128xf32, #tpu.memory_space<vmem_shared>>
      tpu.enqueue_dma source(%dma_start3A_58 : memref<128x128xf32, #tpu.memory_space<vmem_shared>>) target(%arg8 : memref<128x128xf32, #tpu.memory_space<vmem>>) target_semaphore(%run_scoped3A : memref<!tpu.dma_semaphore, #tpu.memory_space<semaphore_mem>>)
      %dma_wait3A = arith.constant 0 : i32
      %dma_wait3A_59 = tpu.memref_slice %arg12[%add3A_43, %dma_wait3A] : memref<10240x128xf32, #tpu.memory_space<vmem_shared>> -> memref<128x128xf32, #tpu.memory_space<vmem_shared>>
      %dma_wait3A_60 = arith.constant 0 : i32
      %dma_wait3A_61 = tpu.memref_slice %arg12[%add3A_43, %dma_wait3A_60] : memref<10240x128xf32, #tpu.memory_space<vmem_shared>> -> memref<128x128xf32, #tpu.memory_space<vmem_shared>>
      tpu.wait_dma2 semaphore(%run_scoped3A : memref<!tpu.dma_semaphore, #tpu.memory_space<semaphore_mem>>) src(%dma_wait3A_61 : memref<128x128xf32, #tpu.memory_space<vmem_shared>>) dst(%arg8 : memref<128x128xf32, #tpu.memory_space<vmem>>)
      tpu.yield
    }) : () -> ()
    "tpu.region"() ({
      %run_scoped3A = tpu.sem_alloc : memref<!tpu.dma_semaphore, #tpu.memory_space<semaphore_mem>>
      %dma_start3A = arith.constant 0 : i32
      %dma_start3A_56 = tpu.memref_slice %arg5[%arg0, %add3A_43, %dma_start3A] : memref<2x10240x128xf32, #tpu.memory_space<hbm>> -> memref<1x128x128xf32, #tpu.memory_space<hbm>>
      %dma_start3A_57 = tpu.memref_squeeze %dma_start3A_56 : memref<1x128x128xf32, #tpu.memory_space<hbm>> -> memref<128x128xf32, #tpu.memory_space<hbm>>
      %dma_start3A_58 = arith.constant 0 : i32
      %dma_start3A_59 = tpu.memref_slice %arg5[%arg0, %add3A_43, %dma_start3A_58] : memref<2x10240x128xf32, #tpu.memory_space<hbm>> -> memref<1x128x128xf32, #tpu.memory_space<hbm>>
      %dma_start3A_60 = tpu.memref_squeeze %dma_start3A_59 : memref<1x128x128xf32, #tpu.memory_space<hbm>> -> memref<128x128xf32, #tpu.memory_space<hbm>>
      tpu.enqueue_dma source(%arg8 : memref<128x128xf32, #tpu.memory_space<vmem>>) target(%dma_start3A_60 : memref<128x128xf32, #tpu.memory_space<hbm>>) target_semaphore(%run_scoped3A : memref<!tpu.dma_semaphore, #tpu.memory_space<semaphore_mem>>)
      %dma_wait3A = arith.constant 0 : i32
      %dma_wait3A_61 = tpu.memref_slice %arg5[%arg0, %add3A_43, %dma_wait3A] : memref<2x10240x128xf32, #tpu.memory_space<hbm>> -> memref<1x128x128xf32, #tpu.memory_space<hbm>>
      %dma_wait3A_62 = tpu.memref_squeeze %dma_wait3A_61 : memref<1x128x128xf32, #tpu.memory_space<hbm>> -> memref<128x128xf32, #tpu.memory_space<hbm>>
      %dma_wait3A_63 = arith.constant 0 : i32
      %dma_wait3A_64 = tpu.memref_slice %arg5[%arg0, %add3A_43, %dma_wait3A_63] : memref<2x10240x128xf32, #tpu.memory_space<hbm>> -> memref<1x128x128xf32, #tpu.memory_space<hbm>>
      %dma_wait3A_65 = tpu.memref_squeeze %dma_wait3A_64 : memref<1x128x128xf32, #tpu.memory_space<hbm>> -> memref<128x128xf32, #tpu.memory_space<hbm>>
      tpu.wait_dma2 semaphore(%run_scoped3A : memref<!tpu.dma_semaphore, #tpu.memory_space<semaphore_mem>>) src(%arg8 : memref<128x128xf32, #tpu.memory_space<vmem>>) dst(%dma_wait3A_65 : memref<128x128xf32, #tpu.memory_space<hbm>>)
      tpu.yield
    }) : () -> ()
    %mul3A_44 = arith.constant 640 : i32
    %mul3A_45 = arith.muli %arg1, %mul3A_44 : i32
    %add3A_46 = arith.constant 256 : i32
    %add3A_47 = arith.addi %mul3A_45, %add3A_46 : i32
    "tpu.region"() ({
      %run_scoped3A = tpu.sem_alloc : memref<!tpu.dma_semaphore, #tpu.memory_space<semaphore_mem>>
      %dma_start3A = arith.constant 0 : i32
      %dma_start3A_56 = tpu.memref_slice %arg12[%add3A_47, %dma_start3A] : memref<10240x128xf32, #tpu.memory_space<vmem_shared>> -> memref<128x128xf32, #tpu.memory_space<vmem_shared>>
      %dma_start3A_57 = arith.constant 0 : i32
      %dma_start3A_58 = tpu.memref_slice %arg12[%add3A_47, %dma_start3A_57] : memref<10240x128xf32, #tpu.memory_space<vmem_shared>> -> memref<128x128xf32, #tpu.memory_space<vmem_shared>>
      tpu.enqueue_dma source(%dma_start3A_58 : memref<128x128xf32, #tpu.memory_space<vmem_shared>>) target(%arg8 : memref<128x128xf32, #tpu.memory_space<vmem>>) target_semaphore(%run_scoped3A : memref<!tpu.dma_semaphore, #tpu.memory_space<semaphore_mem>>)
      %dma_wait3A = arith.constant 0 : i32
      %dma_wait3A_59 = tpu.memref_slice %arg12[%add3A_47, %dma_wait3A] : memref<10240x128xf32, #tpu.memory_space<vmem_shared>> -> memref<128x128xf32, #tpu.memory_space<vmem_shared>>
      %dma_wait3A_60 = arith.constant 0 : i32
      %dma_wait3A_61 = tpu.memref_slice %arg12[%add3A_47, %dma_wait3A_60] : memref<10240x128xf32, #tpu.memory_space<vmem_shared>> -> memref<128x128xf32, #tpu.memory_space<vmem_shared>>
      tpu.wait_dma2 semaphore(%run_scoped3A : memref<!tpu.dma_semaphore, #tpu.memory_space<semaphore_mem>>) src(%dma_wait3A_61 : memref<128x128xf32, #tpu.memory_space<vmem_shared>>) dst(%arg8 : memref<128x128xf32, #tpu.memory_space<vmem>>)
      tpu.yield
    }) : () -> ()
    "tpu.region"() ({
      %run_scoped3A = tpu.sem_alloc : memref<!tpu.dma_semaphore, #tpu.memory_space<semaphore_mem>>
      %dma_start3A = arith.constant 0 : i32
      %dma_start3A_56 = tpu.memref_slice %arg5[%arg0, %add3A_47, %dma_start3A] : memref<2x10240x128xf32, #tpu.memory_space<hbm>> -> memref<1x128x128xf32, #tpu.memory_space<hbm>>
      %dma_start3A_57 = tpu.memref_squeeze %dma_start3A_56 : memref<1x128x128xf32, #tpu.memory_space<hbm>> -> memref<128x128xf32, #tpu.memory_space<hbm>>
      %dma_start3A_58 = arith.constant 0 : i32
      %dma_start3A_59 = tpu.memref_slice %arg5[%arg0, %add3A_47, %dma_start3A_58] : memref<2x10240x128xf32, #tpu.memory_space<hbm>> -> memref<1x128x128xf32, #tpu.memory_space<hbm>>
      %dma_start3A_60 = tpu.memref_squeeze %dma_start3A_59 : memref<1x128x128xf32, #tpu.memory_space<hbm>> -> memref<128x128xf32, #tpu.memory_space<hbm>>
      tpu.enqueue_dma source(%arg8 : memref<128x128xf32, #tpu.memory_space<vmem>>) target(%dma_start3A_60 : memref<128x128xf32, #tpu.memory_space<hbm>>) target_semaphore(%run_scoped3A : memref<!tpu.dma_semaphore, #tpu.memory_space<semaphore_mem>>)
      %dma_wait3A = arith.constant 0 : i32
      %dma_wait3A_61 = tpu.memref_slice %arg5[%arg0, %add3A_47, %dma_wait3A] : memref<2x10240x128xf32, #tpu.memory_space<hbm>> -> memref<1x128x128xf32, #tpu.memory_space<hbm>>
      %dma_wait3A_62 = tpu.memref_squeeze %dma_wait3A_61 : memref<1x128x128xf32, #tpu.memory_space<hbm>> -> memref<128x128xf32, #tpu.memory_space<hbm>>
      %dma_wait3A_63 = arith.constant 0 : i32
      %dma_wait3A_64 = tpu.memref_slice %arg5[%arg0, %add3A_47, %dma_wait3A_63] : memref<2x10240x128xf32, #tpu.memory_space<hbm>> -> memref<1x128x128xf32, #tpu.memory_space<hbm>>
      %dma_wait3A_65 = tpu.memref_squeeze %dma_wait3A_64 : memref<1x128x128xf32, #tpu.memory_space<hbm>> -> memref<128x128xf32, #tpu.memory_space<hbm>>
      tpu.wait_dma2 semaphore(%run_scoped3A : memref<!tpu.dma_semaphore, #tpu.memory_space<semaphore_mem>>) src(%arg8 : memref<128x128xf32, #tpu.memory_space<vmem>>) dst(%dma_wait3A_65 : memref<128x128xf32, #tpu.memory_space<hbm>>)
      tpu.yield
    }) : () -> ()
    %mul3A_48 = arith.constant 640 : i32
    %mul3A_49 = arith.muli %arg1, %mul3A_48 : i32
    %add3A_50 = arith.constant 384 : i32
    %add3A_51 = arith.addi %mul3A_49, %add3A_50 : i32
    "tpu.region"() ({
      %run_scoped3A = tpu.sem_alloc : memref<!tpu.dma_semaphore, #tpu.memory_space<semaphore_mem>>
      %dma_start3A = arith.constant 0 : i32
      %dma_start3A_56 = tpu.memref_slice %arg12[%add3A_51, %dma_start3A] : memref<10240x128xf32, #tpu.memory_space<vmem_shared>> -> memref<128x128xf32, #tpu.memory_space<vmem_shared>>
      %dma_start3A_57 = arith.constant 0 : i32
      %dma_start3A_58 = tpu.memref_slice %arg12[%add3A_51, %dma_start3A_57] : memref<10240x128xf32, #tpu.memory_space<vmem_shared>> -> memref<128x128xf32, #tpu.memory_space<vmem_shared>>
      tpu.enqueue_dma source(%dma_start3A_58 : memref<128x128xf32, #tpu.memory_space<vmem_shared>>) target(%arg8 : memref<128x128xf32, #tpu.memory_space<vmem>>) target_semaphore(%run_scoped3A : memref<!tpu.dma_semaphore, #tpu.memory_space<semaphore_mem>>)
      %dma_wait3A = arith.constant 0 : i32
      %dma_wait3A_59 = tpu.memref_slice %arg12[%add3A_51, %dma_wait3A] : memref<10240x128xf32, #tpu.memory_space<vmem_shared>> -> memref<128x128xf32, #tpu.memory_space<vmem_shared>>
      %dma_wait3A_60 = arith.constant 0 : i32
      %dma_wait3A_61 = tpu.memref_slice %arg12[%add3A_51, %dma_wait3A_60] : memref<10240x128xf32, #tpu.memory_space<vmem_shared>> -> memref<128x128xf32, #tpu.memory_space<vmem_shared>>
      tpu.wait_dma2 semaphore(%run_scoped3A : memref<!tpu.dma_semaphore, #tpu.memory_space<semaphore_mem>>) src(%dma_wait3A_61 : memref<128x128xf32, #tpu.memory_space<vmem_shared>>) dst(%arg8 : memref<128x128xf32, #tpu.memory_space<vmem>>)
      tpu.yield
    }) : () -> ()
    "tpu.region"() ({
      %run_scoped3A = tpu.sem_alloc : memref<!tpu.dma_semaphore, #tpu.memory_space<semaphore_mem>>
      %dma_start3A = arith.constant 0 : i32
      %dma_start3A_56 = tpu.memref_slice %arg5[%arg0, %add3A_51, %dma_start3A] : memref<2x10240x128xf32, #tpu.memory_space<hbm>> -> memref<1x128x128xf32, #tpu.memory_space<hbm>>
      %dma_start3A_57 = tpu.memref_squeeze %dma_start3A_56 : memref<1x128x128xf32, #tpu.memory_space<hbm>> -> memref<128x128xf32, #tpu.memory_space<hbm>>
      %dma_start3A_58 = arith.constant 0 : i32
      %dma_start3A_59 = tpu.memref_slice %arg5[%arg0, %add3A_51, %dma_start3A_58] : memref<2x10240x128xf32, #tpu.memory_space<hbm>> -> memref<1x128x128xf32, #tpu.memory_space<hbm>>
      %dma_start3A_60 = tpu.memref_squeeze %dma_start3A_59 : memref<1x128x128xf32, #tpu.memory_space<hbm>> -> memref<128x128xf32, #tpu.memory_space<hbm>>
      tpu.enqueue_dma source(%arg8 : memref<128x128xf32, #tpu.memory_space<vmem>>) target(%dma_start3A_60 : memref<128x128xf32, #tpu.memory_space<hbm>>) target_semaphore(%run_scoped3A : memref<!tpu.dma_semaphore, #tpu.memory_space<semaphore_mem>>)
      %dma_wait3A = arith.constant 0 : i32
      %dma_wait3A_61 = tpu.memref_slice %arg5[%arg0, %add3A_51, %dma_wait3A] : memref<2x10240x128xf32, #tpu.memory_space<hbm>> -> memref<1x128x128xf32, #tpu.memory_space<hbm>>
      %dma_wait3A_62 = tpu.memref_squeeze %dma_wait3A_61 : memref<1x128x128xf32, #tpu.memory_space<hbm>> -> memref<128x128xf32, #tpu.memory_space<hbm>>
      %dma_wait3A_63 = arith.constant 0 : i32
      %dma_wait3A_64 = tpu.memref_slice %arg5[%arg0, %add3A_51, %dma_wait3A_63] : memref<2x10240x128xf32, #tpu.memory_space<hbm>> -> memref<1x128x128xf32, #tpu.memory_space<hbm>>
      %dma_wait3A_65 = tpu.memref_squeeze %dma_wait3A_64 : memref<1x128x128xf32, #tpu.memory_space<hbm>> -> memref<128x128xf32, #tpu.memory_space<hbm>>
      tpu.wait_dma2 semaphore(%run_scoped3A : memref<!tpu.dma_semaphore, #tpu.memory_space<semaphore_mem>>) src(%arg8 : memref<128x128xf32, #tpu.memory_space<vmem>>) dst(%dma_wait3A_65 : memref<128x128xf32, #tpu.memory_space<hbm>>)
      tpu.yield
    }) : () -> ()
    %mul3A_52 = arith.constant 640 : i32
    %mul3A_53 = arith.muli %arg1, %mul3A_52 : i32
    %add3A_54 = arith.constant 512 : i32
    %add3A_55 = arith.addi %mul3A_53, %add3A_54 : i32
    "tpu.region"() ({
      %run_scoped3A = tpu.sem_alloc : memref<!tpu.dma_semaphore, #tpu.memory_space<semaphore_mem>>
      %dma_start3A = arith.constant 0 : i32
      %dma_start3A_56 = tpu.memref_slice %arg12[%add3A_55, %dma_start3A] : memref<10240x128xf32, #tpu.memory_space<vmem_shared>> -> memref<128x128xf32, #tpu.memory_space<vmem_shared>>
      %dma_start3A_57 = arith.constant 0 : i32
      %dma_start3A_58 = tpu.memref_slice %arg12[%add3A_55, %dma_start3A_57] : memref<10240x128xf32, #tpu.memory_space<vmem_shared>> -> memref<128x128xf32, #tpu.memory_space<vmem_shared>>
      tpu.enqueue_dma source(%dma_start3A_58 : memref<128x128xf32, #tpu.memory_space<vmem_shared>>) target(%arg8 : memref<128x128xf32, #tpu.memory_space<vmem>>) target_semaphore(%run_scoped3A : memref<!tpu.dma_semaphore, #tpu.memory_space<semaphore_mem>>)
      %dma_wait3A = arith.constant 0 : i32
      %dma_wait3A_59 = tpu.memref_slice %arg12[%add3A_55, %dma_wait3A] : memref<10240x128xf32, #tpu.memory_space<vmem_shared>> -> memref<128x128xf32, #tpu.memory_space<vmem_shared>>
      %dma_wait3A_60 = arith.constant 0 : i32
      %dma_wait3A_61 = tpu.memref_slice %arg12[%add3A_55, %dma_wait3A_60] : memref<10240x128xf32, #tpu.memory_space<vmem_shared>> -> memref<128x128xf32, #tpu.memory_space<vmem_shared>>
      tpu.wait_dma2 semaphore(%run_scoped3A : memref<!tpu.dma_semaphore, #tpu.memory_space<semaphore_mem>>) src(%dma_wait3A_61 : memref<128x128xf32, #tpu.memory_space<vmem_shared>>) dst(%arg8 : memref<128x128xf32, #tpu.memory_space<vmem>>)
      tpu.yield
    }) : () -> ()
    "tpu.region"() ({
      %run_scoped3A = tpu.sem_alloc : memref<!tpu.dma_semaphore, #tpu.memory_space<semaphore_mem>>
      %dma_start3A = arith.constant 0 : i32
      %dma_start3A_56 = tpu.memref_slice %arg5[%arg0, %add3A_55, %dma_start3A] : memref<2x10240x128xf32, #tpu.memory_space<hbm>> -> memref<1x128x128xf32, #tpu.memory_space<hbm>>
      %dma_start3A_57 = tpu.memref_squeeze %dma_start3A_56 : memref<1x128x128xf32, #tpu.memory_space<hbm>> -> memref<128x128xf32, #tpu.memory_space<hbm>>
      %dma_start3A_58 = arith.constant 0 : i32
      %dma_start3A_59 = tpu.memref_slice %arg5[%arg0, %add3A_55, %dma_start3A_58] : memref<2x10240x128xf32, #tpu.memory_space<hbm>> -> memref<1x128x128xf32, #tpu.memory_space<hbm>>
      %dma_start3A_60 = tpu.memref_squeeze %dma_start3A_59 : memref<1x128x128xf32, #tpu.memory_space<hbm>> -> memref<128x128xf32, #tpu.memory_space<hbm>>
      tpu.enqueue_dma source(%arg8 : memref<128x128xf32, #tpu.memory_space<vmem>>) target(%dma_start3A_60 : memref<128x128xf32, #tpu.memory_space<hbm>>) target_semaphore(%run_scoped3A : memref<!tpu.dma_semaphore, #tpu.memory_space<semaphore_mem>>)
      %dma_wait3A = arith.constant 0 : i32
      %dma_wait3A_61 = tpu.memref_slice %arg5[%arg0, %add3A_55, %dma_wait3A] : memref<2x10240x128xf32, #tpu.memory_space<hbm>> -> memref<1x128x128xf32, #tpu.memory_space<hbm>>
      %dma_wait3A_62 = tpu.memref_squeeze %dma_wait3A_61 : memref<1x128x128xf32, #tpu.memory_space<hbm>> -> memref<128x128xf32, #tpu.memory_space<hbm>>
      %dma_wait3A_63 = arith.constant 0 : i32
      %dma_wait3A_64 = tpu.memref_slice %arg5[%arg0, %add3A_55, %dma_wait3A_63] : memref<2x10240x128xf32, #tpu.memory_space<hbm>> -> memref<1x128x128xf32, #tpu.memory_space<hbm>>
      %dma_wait3A_65 = tpu.memref_squeeze %dma_wait3A_64 : memref<1x128x128xf32, #tpu.memory_space<hbm>> -> memref<128x128xf32, #tpu.memory_space<hbm>>
      tpu.wait_dma2 semaphore(%run_scoped3A : memref<!tpu.dma_semaphore, #tpu.memory_space<semaphore_mem>>) src(%arg8 : memref<128x128xf32, #tpu.memory_space<vmem>>) dst(%dma_wait3A_65 : memref<128x128xf32, #tpu.memory_space<hbm>>)
      tpu.yield
    }) : () -> ()
    return
  }
}

#map = affine_map<(d0, d1) -> (0, 0)>
#map1 = affine_map<(d0, d1) -> (0, 0, 0)>
module attributes {stable_mosaic.version = 14 : i64} {
  func.func @body(%arg0: i32, %arg1: i32, %arg2: memref<10000x128xf32, #tpu.memory_space<hbm>>, %arg3: memref<32x80x128xi32, #tpu.memory_space<hbm>>, %arg4: memref<32x80x128xi32, #tpu.memory_space<hbm>>, %arg5: memref<2x10240x128xf32, #tpu.memory_space<hbm>>, %arg6: memref<2x10240x128xf32, #tpu.memory_space<hbm>>, %arg7: memref<16x128xi32, #tpu.memory_space<vmem>>, %arg8: memref<16x128xi32, #tpu.memory_space<vmem>>, %arg9: memref<128x128xf32, #tpu.memory_space<vmem>>, %arg10: memref<128x128xf32, #tpu.memory_space<vmem>>, %arg11: memref<!tpu.dma_semaphore, #tpu.memory_space<semaphore_mem>>, %arg12: memref<!tpu.dma_semaphore, #tpu.memory_space<semaphore_mem>>, %arg13: memref<10240x128xf32, #tpu.memory_space<vmem_shared>>) attributes {dimension_semantics = [#tpu.dimension_semantics<core_parallel>, #tpu.dimension_semantics<subcore_parallel>], iteration_bounds = array<i64: 2, 16>, scalar_prefetch = 0 : i64, scratch_operands = 7 : i64, tpu.core_type = #tpu.core_type<sc_vector_subcore>, window_params = [{transform_indices = #map}, {transform_indices = #map1}, {transform_indices = #map1}, {transform_indices = #map1}, {transform_indices = #map1}]} {
    %mul3A = arith.constant 16 : i32
    %mul3A_0 = arith.muli %arg0, %mul3A : i32
    %add3A = arith.addi %mul3A_0, %arg1 : i32
    %broadcast_in_dim3A = arith.constant 0.000000e+00 : f32
    %broadcast_in_dim3A_1 = vector.broadcast %broadcast_in_dim3A : f32 to vector<16xf32>
    %broadcast_in_dim3A_2 = arith.constant 1.000000e+00 : f32
    %broadcast_in_dim3A_3 = vector.broadcast %broadcast_in_dim3A_2 : f32 to vector<16xf32>
    %scan3A = arith.constant 0 : i32
    %scan3A_4 = arith.constant 0 : i32
    %scan3A_5 = arith.constant 128 : i32
    %scan3A_6 = arith.addi %scan3A_4, %scan3A_5 : i32
    %scan3A_7 = arith.constant 1 : i32
    scf.for %scan3A_117 = %scan3A_4 to %scan3A_6 step %scan3A_7  : i32 {
      %swap3A = arith.index_cast %scan3A_117 : i32 to index
      %swap3A_118 = arith.constant 0 : index
      %swap3A_119 = tpu.vector_load %arg9[%swap3A, %swap3A_118] {strides = array<i32>} : memref<128x128xf32, #tpu.memory_space<vmem>>, vector<1x16xf32>,
      %swap3A_120 = vector.shape_cast %swap3A_119 : vector<1x16xf32> to vector<16xf32>
      %swap3A_121 = vector.shape_cast %broadcast_in_dim3A_1 : vector<16xf32> to vector<1x16xf32>
      tpu.vector_store %arg9[%swap3A, %swap3A_118], %swap3A_121 {strides = array<i32>} : memref<128x128xf32, #tpu.memory_space<vmem>>, vector<1x16xf32>,
      %swap3A_122 = arith.index_cast %scan3A_117 : i32 to index
      %swap3A_123 = arith.constant 16 : index
      %swap3A_124 = tpu.vector_load %arg9[%swap3A_122, %swap3A_123] {strides = array<i32>} : memref<128x128xf32, #tpu.memory_space<vmem>>, vector<1x16xf32>,
      %swap3A_125 = vector.shape_cast %swap3A_124 : vector<1x16xf32> to vector<16xf32>
      %swap3A_126 = vector.shape_cast %broadcast_in_dim3A_1 : vector<16xf32> to vector<1x16xf32>
      tpu.vector_store %arg9[%swap3A_122, %swap3A_123], %swap3A_126 {strides = array<i32>} : memref<128x128xf32, #tpu.memory_space<vmem>>, vector<1x16xf32>,
      %swap3A_127 = arith.index_cast %scan3A_117 : i32 to index
      %swap3A_128 = arith.constant 32 : index
      %swap3A_129 = tpu.vector_load %arg9[%swap3A_127, %swap3A_128] {strides = array<i32>} : memref<128x128xf32, #tpu.memory_space<vmem>>, vector<1x16xf32>,
      %swap3A_130 = vector.shape_cast %swap3A_129 : vector<1x16xf32> to vector<16xf32>
      %swap3A_131 = vector.shape_cast %broadcast_in_dim3A_1 : vector<16xf32> to vector<1x16xf32>
      tpu.vector_store %arg9[%swap3A_127, %swap3A_128], %swap3A_131 {strides = array<i32>} : memref<128x128xf32, #tpu.memory_space<vmem>>, vector<1x16xf32>,
      %swap3A_132 = arith.index_cast %scan3A_117 : i32 to index
      %swap3A_133 = arith.constant 48 : index
      %swap3A_134 = tpu.vector_load %arg9[%swap3A_132, %swap3A_133] {strides = array<i32>} : memref<128x128xf32, #tpu.memory_space<vmem>>, vector<1x16xf32>,
      %swap3A_135 = vector.shape_cast %swap3A_134 : vector<1x16xf32> to vector<16xf32>
      %swap3A_136 = vector.shape_cast %broadcast_in_dim3A_1 : vector<16xf32> to vector<1x16xf32>
      tpu.vector_store %arg9[%swap3A_132, %swap3A_133], %swap3A_136 {strides = array<i32>} : memref<128x128xf32, #tpu.memory_space<vmem>>, vector<1x16xf32>,
      %swap3A_137 = arith.index_cast %scan3A_117 : i32 to index
      %swap3A_138 = arith.constant 64 : index
      %swap3A_139 = tpu.vector_load %arg9[%swap3A_137, %swap3A_138] {strides = array<i32>} : memref<128x128xf32, #tpu.memory_space<vmem>>, vector<1x16xf32>,
      %swap3A_140 = vector.shape_cast %swap3A_139 : vector<1x16xf32> to vector<16xf32>
      %swap3A_141 = vector.shape_cast %broadcast_in_dim3A_1 : vector<16xf32> to vector<1x16xf32>
      tpu.vector_store %arg9[%swap3A_137, %swap3A_138], %swap3A_141 {strides = array<i32>} : memref<128x128xf32, #tpu.memory_space<vmem>>, vector<1x16xf32>,
      %swap3A_142 = arith.index_cast %scan3A_117 : i32 to index
      %swap3A_143 = arith.constant 80 : index
      %swap3A_144 = tpu.vector_load %arg9[%swap3A_142, %swap3A_143] {strides = array<i32>} : memref<128x128xf32, #tpu.memory_space<vmem>>, vector<1x16xf32>,
      %swap3A_145 = vector.shape_cast %swap3A_144 : vector<1x16xf32> to vector<16xf32>
      %swap3A_146 = vector.shape_cast %broadcast_in_dim3A_1 : vector<16xf32> to vector<1x16xf32>
      tpu.vector_store %arg9[%swap3A_142, %swap3A_143], %swap3A_146 {strides = array<i32>} : memref<128x128xf32, #tpu.memory_space<vmem>>, vector<1x16xf32>,
      %swap3A_147 = arith.index_cast %scan3A_117 : i32 to index
      %swap3A_148 = arith.constant 96 : index
      %swap3A_149 = tpu.vector_load %arg9[%swap3A_147, %swap3A_148] {strides = array<i32>} : memref<128x128xf32, #tpu.memory_space<vmem>>, vector<1x16xf32>,
      %swap3A_150 = vector.shape_cast %swap3A_149 : vector<1x16xf32> to vector<16xf32>
      %swap3A_151 = vector.shape_cast %broadcast_in_dim3A_1 : vector<16xf32> to vector<1x16xf32>
      tpu.vector_store %arg9[%swap3A_147, %swap3A_148], %swap3A_151 {strides = array<i32>} : memref<128x128xf32, #tpu.memory_space<vmem>>, vector<1x16xf32>,
      %swap3A_152 = arith.index_cast %scan3A_117 : i32 to index
      %swap3A_153 = arith.constant 112 : index
      %swap3A_154 = tpu.vector_load %arg9[%swap3A_152, %swap3A_153] {strides = array<i32>} : memref<128x128xf32, #tpu.memory_space<vmem>>, vector<1x16xf32>,
      %swap3A_155 = vector.shape_cast %swap3A_154 : vector<1x16xf32> to vector<16xf32>
      %swap3A_156 = vector.shape_cast %broadcast_in_dim3A_1 : vector<16xf32> to vector<1x16xf32>
      tpu.vector_store %arg9[%swap3A_152, %swap3A_153], %swap3A_156 {strides = array<i32>} : memref<128x128xf32, #tpu.memory_space<vmem>>, vector<1x16xf32>,
    }
    %scan3A_8 = arith.constant 128 : i32
    %mul3A_9 = arith.constant 640 : i32
    %mul3A_10 = arith.muli %arg1, %mul3A_9 : i32
    %add3A_11 = arith.constant 0 : i32
    %add3A_12 = arith.addi %mul3A_10, %add3A_11 : i32
    "tpu.region"() ({
      %run_scoped3A = tpu.sem_alloc : memref<!tpu.dma_semaphore, #tpu.memory_space<semaphore_mem>>
      %dma_start3A = arith.constant 0 : i32
      %dma_start3A_117 = tpu.memref_slice %arg13[%add3A_12, %dma_start3A] : memref<10240x128xf32, #tpu.memory_space<vmem_shared>> -> memref<128x128xf32, #tpu.memory_space<vmem_shared>>
      %dma_start3A_118 = arith.constant 0 : i32
      %dma_start3A_119 = tpu.memref_slice %arg13[%add3A_12, %dma_start3A_118] : memref<10240x128xf32, #tpu.memory_space<vmem_shared>> -> memref<128x128xf32, #tpu.memory_space<vmem_shared>>
      tpu.enqueue_dma source(%arg9 : memref<128x128xf32, #tpu.memory_space<vmem>>) target(%dma_start3A_119 : memref<128x128xf32, #tpu.memory_space<vmem_shared>>) target_semaphore(%run_scoped3A : memref<!tpu.dma_semaphore, #tpu.memory_space<semaphore_mem>>)
      %dma_wait3A = arith.constant 0 : i32
      %dma_wait3A_120 = tpu.memref_slice %arg13[%add3A_12, %dma_wait3A] : memref<10240x128xf32, #tpu.memory_space<vmem_shared>> -> memref<128x128xf32, #tpu.memory_space<vmem_shared>>
      %dma_wait3A_121 = arith.constant 0 : i32
      %dma_wait3A_122 = tpu.memref_slice %arg13[%add3A_12, %dma_wait3A_121] : memref<10240x128xf32, #tpu.memory_space<vmem_shared>> -> memref<128x128xf32, #tpu.memory_space<vmem_shared>>
      tpu.wait_dma2 semaphore(%run_scoped3A : memref<!tpu.dma_semaphore, #tpu.memory_space<semaphore_mem>>) src(%arg9 : memref<128x128xf32, #tpu.memory_space<vmem>>) dst(%dma_wait3A_122 : memref<128x128xf32, #tpu.memory_space<vmem_shared>>)
      tpu.yield
    }) : () -> ()
    %mul3A_13 = arith.constant 640 : i32
    %mul3A_14 = arith.muli %arg1, %mul3A_13 : i32
    %add3A_15 = arith.constant 128 : i32
    %add3A_16 = arith.addi %mul3A_14, %add3A_15 : i32
    "tpu.region"() ({
      %run_scoped3A = tpu.sem_alloc : memref<!tpu.dma_semaphore, #tpu.memory_space<semaphore_mem>>
      %dma_start3A = arith.constant 0 : i32
      %dma_start3A_117 = tpu.memref_slice %arg13[%add3A_16, %dma_start3A] : memref<10240x128xf32, #tpu.memory_space<vmem_shared>> -> memref<128x128xf32, #tpu.memory_space<vmem_shared>>
      %dma_start3A_118 = arith.constant 0 : i32
      %dma_start3A_119 = tpu.memref_slice %arg13[%add3A_16, %dma_start3A_118] : memref<10240x128xf32, #tpu.memory_space<vmem_shared>> -> memref<128x128xf32, #tpu.memory_space<vmem_shared>>
      tpu.enqueue_dma source(%arg9 : memref<128x128xf32, #tpu.memory_space<vmem>>) target(%dma_start3A_119 : memref<128x128xf32, #tpu.memory_space<vmem_shared>>) target_semaphore(%run_scoped3A : memref<!tpu.dma_semaphore, #tpu.memory_space<semaphore_mem>>)
      %dma_wait3A = arith.constant 0 : i32
      %dma_wait3A_120 = tpu.memref_slice %arg13[%add3A_16, %dma_wait3A] : memref<10240x128xf32, #tpu.memory_space<vmem_shared>> -> memref<128x128xf32, #tpu.memory_space<vmem_shared>>
      %dma_wait3A_121 = arith.constant 0 : i32
      %dma_wait3A_122 = tpu.memref_slice %arg13[%add3A_16, %dma_wait3A_121] : memref<10240x128xf32, #tpu.memory_space<vmem_shared>> -> memref<128x128xf32, #tpu.memory_space<vmem_shared>>
      tpu.wait_dma2 semaphore(%run_scoped3A : memref<!tpu.dma_semaphore, #tpu.memory_space<semaphore_mem>>) src(%arg9 : memref<128x128xf32, #tpu.memory_space<vmem>>) dst(%dma_wait3A_122 : memref<128x128xf32, #tpu.memory_space<vmem_shared>>)
      tpu.yield
    }) : () -> ()
    %mul3A_17 = arith.constant 640 : i32
    %mul3A_18 = arith.muli %arg1, %mul3A_17 : i32
    %add3A_19 = arith.constant 256 : i32
    %add3A_20 = arith.addi %mul3A_18, %add3A_19 : i32
    "tpu.region"() ({
      %run_scoped3A = tpu.sem_alloc : memref<!tpu.dma_semaphore, #tpu.memory_space<semaphore_mem>>
      %dma_start3A = arith.constant 0 : i32
      %dma_start3A_117 = tpu.memref_slice %arg13[%add3A_20, %dma_start3A] : memref<10240x128xf32, #tpu.memory_space<vmem_shared>> -> memref<128x128xf32, #tpu.memory_space<vmem_shared>>
      %dma_start3A_118 = arith.constant 0 : i32
      %dma_start3A_119 = tpu.memref_slice %arg13[%add3A_20, %dma_start3A_118] : memref<10240x128xf32, #tpu.memory_space<vmem_shared>> -> memref<128x128xf32, #tpu.memory_space<vmem_shared>>
      tpu.enqueue_dma source(%arg9 : memref<128x128xf32, #tpu.memory_space<vmem>>) target(%dma_start3A_119 : memref<128x128xf32, #tpu.memory_space<vmem_shared>>) target_semaphore(%run_scoped3A : memref<!tpu.dma_semaphore, #tpu.memory_space<semaphore_mem>>)
      %dma_wait3A = arith.constant 0 : i32
      %dma_wait3A_120 = tpu.memref_slice %arg13[%add3A_20, %dma_wait3A] : memref<10240x128xf32, #tpu.memory_space<vmem_shared>> -> memref<128x128xf32, #tpu.memory_space<vmem_shared>>
      %dma_wait3A_121 = arith.constant 0 : i32
      %dma_wait3A_122 = tpu.memref_slice %arg13[%add3A_20, %dma_wait3A_121] : memref<10240x128xf32, #tpu.memory_space<vmem_shared>> -> memref<128x128xf32, #tpu.memory_space<vmem_shared>>
      tpu.wait_dma2 semaphore(%run_scoped3A : memref<!tpu.dma_semaphore, #tpu.memory_space<semaphore_mem>>) src(%arg9 : memref<128x128xf32, #tpu.memory_space<vmem>>) dst(%dma_wait3A_122 : memref<128x128xf32, #tpu.memory_space<vmem_shared>>)
      tpu.yield
    }) : () -> ()
    %mul3A_21 = arith.constant 640 : i32
    %mul3A_22 = arith.muli %arg1, %mul3A_21 : i32
    %add3A_23 = arith.constant 384 : i32
    %add3A_24 = arith.addi %mul3A_22, %add3A_23 : i32
    "tpu.region"() ({
      %run_scoped3A = tpu.sem_alloc : memref<!tpu.dma_semaphore, #tpu.memory_space<semaphore_mem>>
      %dma_start3A = arith.constant 0 : i32
      %dma_start3A_117 = tpu.memref_slice %arg13[%add3A_24, %dma_start3A] : memref<10240x128xf32, #tpu.memory_space<vmem_shared>> -> memref<128x128xf32, #tpu.memory_space<vmem_shared>>
      %dma_start3A_118 = arith.constant 0 : i32
      %dma_start3A_119 = tpu.memref_slice %arg13[%add3A_24, %dma_start3A_118] : memref<10240x128xf32, #tpu.memory_space<vmem_shared>> -> memref<128x128xf32, #tpu.memory_space<vmem_shared>>
      tpu.enqueue_dma source(%arg9 : memref<128x128xf32, #tpu.memory_space<vmem>>) target(%dma_start3A_119 : memref<128x128xf32, #tpu.memory_space<vmem_shared>>) target_semaphore(%run_scoped3A : memref<!tpu.dma_semaphore, #tpu.memory_space<semaphore_mem>>)
      %dma_wait3A = arith.constant 0 : i32
      %dma_wait3A_120 = tpu.memref_slice %arg13[%add3A_24, %dma_wait3A] : memref<10240x128xf32, #tpu.memory_space<vmem_shared>> -> memref<128x128xf32, #tpu.memory_space<vmem_shared>>
      %dma_wait3A_121 = arith.constant 0 : i32
      %dma_wait3A_122 = tpu.memref_slice %arg13[%add3A_24, %dma_wait3A_121] : memref<10240x128xf32, #tpu.memory_space<vmem_shared>> -> memref<128x128xf32, #tpu.memory_space<vmem_shared>>
      tpu.wait_dma2 semaphore(%run_scoped3A : memref<!tpu.dma_semaphore, #tpu.memory_space<semaphore_mem>>) src(%arg9 : memref<128x128xf32, #tpu.memory_space<vmem>>) dst(%dma_wait3A_122 : memref<128x128xf32, #tpu.memory_space<vmem_shared>>)
      tpu.yield
    }) : () -> ()
    %mul3A_25 = arith.constant 640 : i32
    %mul3A_26 = arith.muli %arg1, %mul3A_25 : i32
    %add3A_27 = arith.constant 512 : i32
    %add3A_28 = arith.addi %mul3A_26, %add3A_27 : i32
    "tpu.region"() ({
      %run_scoped3A = tpu.sem_alloc : memref<!tpu.dma_semaphore, #tpu.memory_space<semaphore_mem>>
      %dma_start3A = arith.constant 0 : i32
      %dma_start3A_117 = tpu.memref_slice %arg13[%add3A_28, %dma_start3A] : memref<10240x128xf32, #tpu.memory_space<vmem_shared>> -> memref<128x128xf32, #tpu.memory_space<vmem_shared>>
      %dma_start3A_118 = arith.constant 0 : i32
      %dma_start3A_119 = tpu.memref_slice %arg13[%add3A_28, %dma_start3A_118] : memref<10240x128xf32, #tpu.memory_space<vmem_shared>> -> memref<128x128xf32, #tpu.memory_space<vmem_shared>>
      tpu.enqueue_dma source(%arg9 : memref<128x128xf32, #tpu.memory_space<vmem>>) target(%dma_start3A_119 : memref<128x128xf32, #tpu.memory_space<vmem_shared>>) target_semaphore(%run_scoped3A : memref<!tpu.dma_semaphore, #tpu.memory_space<semaphore_mem>>)
      %dma_wait3A = arith.constant 0 : i32
      %dma_wait3A_120 = tpu.memref_slice %arg13[%add3A_28, %dma_wait3A] : memref<10240x128xf32, #tpu.memory_space<vmem_shared>> -> memref<128x128xf32, #tpu.memory_space<vmem_shared>>
      %dma_wait3A_121 = arith.constant 0 : i32
      %dma_wait3A_122 = tpu.memref_slice %arg13[%add3A_28, %dma_wait3A_121] : memref<10240x128xf32, #tpu.memory_space<vmem_shared>> -> memref<128x128xf32, #tpu.memory_space<vmem_shared>>
      tpu.wait_dma2 semaphore(%run_scoped3A : memref<!tpu.dma_semaphore, #tpu.memory_space<semaphore_mem>>) src(%arg9 : memref<128x128xf32, #tpu.memory_space<vmem>>) dst(%dma_wait3A_122 : memref<128x128xf32, #tpu.memory_space<vmem_shared>>)
      tpu.yield
    }) : () -> ()
    %barrier3A = arith.constant 0 : index
    tpu.barrier barrier_id(%barrier3A)
    %scan3A_29 = arith.constant 0 : i32
    %scan3A_30 = arith.constant 0 : i32
    %scan3A_31 = arith.constant 5 : i32
    %scan3A_32 = arith.addi %scan3A_30, %scan3A_31 : i32
    %scan3A_33 = arith.constant 1 : i32
    scf.for %scan3A_117 = %scan3A_30 to %scan3A_32 step %scan3A_33  : i32 {
      %mul3A_118 = arith.constant 16 : i32
      %mul3A_119 = arith.muli %scan3A_117, %mul3A_118 : i32
      "tpu.region"() ({
        %run_scoped3A_359 = tpu.sem_alloc : memref<!tpu.dma_semaphore, #tpu.memory_space<semaphore_mem>>
        %dma_start3A_360 = arith.constant 0 : i32
        %dma_start3A_361 = tpu.memref_slice %arg3[%add3A, %mul3A_119, %dma_start3A_360] : memref<32x80x128xi32, #tpu.memory_space<hbm>> -> memref<1x16x128xi32, #tpu.memory_space<hbm>>
        %dma_start3A_362 = tpu.memref_squeeze %dma_start3A_361 : memref<1x16x128xi32, #tpu.memory_space<hbm>> -> memref<16x128xi32, #tpu.memory_space<hbm>>
        %dma_start3A_363 = arith.constant 0 : i32
        %dma_start3A_364 = tpu.memref_slice %arg3[%add3A, %mul3A_119, %dma_start3A_363] : memref<32x80x128xi32, #tpu.memory_space<hbm>> -> memref<1x16x128xi32, #tpu.memory_space<hbm>>
        %dma_start3A_365 = tpu.memref_squeeze %dma_start3A_364 : memref<1x16x128xi32, #tpu.memory_space<hbm>> -> memref<16x128xi32, #tpu.memory_space<hbm>>
        tpu.enqueue_dma source(%dma_start3A_365 : memref<16x128xi32, #tpu.memory_space<hbm>>) target(%arg7 : memref<16x128xi32, #tpu.memory_space<vmem>>) target_semaphore(%run_scoped3A_359 : memref<!tpu.dma_semaphore, #tpu.memory_space<semaphore_mem>>)
        %dma_wait3A_366 = arith.constant 0 : i32
        %dma_wait3A_367 = tpu.memref_slice %arg3[%add3A, %mul3A_119, %dma_wait3A_366] : memref<32x80x128xi32, #tpu.memory_space<hbm>> -> memref<1x16x128xi32, #tpu.memory_space<hbm>>
        %dma_wait3A_368 = tpu.memref_squeeze %dma_wait3A_367 : memref<1x16x128xi32, #tpu.memory_space<hbm>> -> memref<16x128xi32, #tpu.memory_space<hbm>>
        %dma_wait3A_369 = arith.constant 0 : i32
        %dma_wait3A_370 = tpu.memref_slice %arg3[%add3A, %mul3A_119, %dma_wait3A_369] : memref<32x80x128xi32, #tpu.memory_space<hbm>> -> memref<1x16x128xi32, #tpu.memory_space<hbm>>
        %dma_wait3A_371 = tpu.memref_squeeze %dma_wait3A_370 : memref<1x16x128xi32, #tpu.memory_space<hbm>> -> memref<16x128xi32, #tpu.memory_space<hbm>>
        tpu.wait_dma2 semaphore(%run_scoped3A_359 : memref<!tpu.dma_semaphore, #tpu.memory_space<semaphore_mem>>) src(%dma_wait3A_371 : memref<16x128xi32, #tpu.memory_space<hbm>>) dst(%arg7 : memref<16x128xi32, #tpu.memory_space<vmem>>)
        tpu.yield
      }) : () -> ()
      %mul3A_120 = arith.constant 16 : i32
      %mul3A_121 = arith.muli %scan3A_117, %mul3A_120 : i32
      "tpu.region"() ({
        %run_scoped3A_359 = tpu.sem_alloc : memref<!tpu.dma_semaphore, #tpu.memory_space<semaphore_mem>>
        %dma_start3A_360 = arith.constant 0 : i32
        %dma_start3A_361 = tpu.memref_slice %arg4[%add3A, %mul3A_121, %dma_start3A_360] : memref<32x80x128xi32, #tpu.memory_space<hbm>> -> memref<1x16x128xi32, #tpu.memory_space<hbm>>
        %dma_start3A_362 = tpu.memref_squeeze %dma_start3A_361 : memref<1x16x128xi32, #tpu.memory_space<hbm>> -> memref<16x128xi32, #tpu.memory_space<hbm>>
        %dma_start3A_363 = arith.constant 0 : i32
        %dma_start3A_364 = tpu.memref_slice %arg4[%add3A, %mul3A_121, %dma_start3A_363] : memref<32x80x128xi32, #tpu.memory_space<hbm>> -> memref<1x16x128xi32, #tpu.memory_space<hbm>>
        %dma_start3A_365 = tpu.memref_squeeze %dma_start3A_364 : memref<1x16x128xi32, #tpu.memory_space<hbm>> -> memref<16x128xi32, #tpu.memory_space<hbm>>
        tpu.enqueue_dma source(%dma_start3A_365 : memref<16x128xi32, #tpu.memory_space<hbm>>) target(%arg8 : memref<16x128xi32, #tpu.memory_space<vmem>>) target_semaphore(%run_scoped3A_359 : memref<!tpu.dma_semaphore, #tpu.memory_space<semaphore_mem>>)
        %dma_wait3A_366 = arith.constant 0 : i32
        %dma_wait3A_367 = tpu.memref_slice %arg4[%add3A, %mul3A_121, %dma_wait3A_366] : memref<32x80x128xi32, #tpu.memory_space<hbm>> -> memref<1x16x128xi32, #tpu.memory_space<hbm>>
        %dma_wait3A_368 = tpu.memref_squeeze %dma_wait3A_367 : memref<1x16x128xi32, #tpu.memory_space<hbm>> -> memref<16x128xi32, #tpu.memory_space<hbm>>
        %dma_wait3A_369 = arith.constant 0 : i32
        %dma_wait3A_370 = tpu.memref_slice %arg4[%add3A, %mul3A_121, %dma_wait3A_369] : memref<32x80x128xi32, #tpu.memory_space<hbm>> -> memref<1x16x128xi32, #tpu.memory_space<hbm>>
        %dma_wait3A_371 = tpu.memref_squeeze %dma_wait3A_370 : memref<1x16x128xi32, #tpu.memory_space<hbm>> -> memref<16x128xi32, #tpu.memory_space<hbm>>
        tpu.wait_dma2 semaphore(%run_scoped3A_359 : memref<!tpu.dma_semaphore, #tpu.memory_space<semaphore_mem>>) src(%dma_wait3A_371 : memref<16x128xi32, #tpu.memory_space<hbm>>) dst(%arg8 : memref<16x128xi32, #tpu.memory_space<vmem>>)
        tpu.yield
      }) : () -> ()
      %dma_start3A = arith.constant 0 : i32
      %dma_start3A_122 = arith.constant 0 : i32
      %dma_start3A_123 = tpu.memref_slice %arg7[%dma_start3A, %dma_start3A_122] : memref<16x128xi32, #tpu.memory_space<vmem>> -> memref<1x128xi32, #tpu.memory_space<vmem>>
      %dma_start3A_124 = tpu.memref_squeeze %dma_start3A_123 : memref<1x128xi32, #tpu.memory_space<vmem>> -> memref<128xi32, #tpu.memory_space<vmem>>
      %dma_start3A_125 = arith.constant 0 : i32
      %dma_start3A_126 = arith.constant 0 : i32
      %dma_start3A_127 = tpu.memref_slice %arg2[%dma_start3A_125, %dma_start3A_126] : memref<10000x128xf32, #tpu.memory_space<hbm>> -> memref<10000x128xf32, #tpu.memory_space<hbm>>
      tpu.enqueue_indirect_dma source(%dma_start3A_127 : memref<10000x128xf32, #tpu.memory_space<hbm>>) target(%arg9 : memref<128x128xf32, #tpu.memory_space<vmem>>) offsets(%dma_start3A_124 : memref<128xi32, #tpu.memory_space<vmem>>) semaphore(%arg11 : memref<!tpu.dma_semaphore, #tpu.memory_space<semaphore_mem>>)
      %dma_wait3A = arith.constant 0 : i32
      %dma_wait3A_128 = arith.constant 0 : i32
      %dma_wait3A_129 = tpu.memref_slice %arg7[%dma_wait3A, %dma_wait3A_128] : memref<16x128xi32, #tpu.memory_space<vmem>> -> memref<1x128xi32, #tpu.memory_space<vmem>>
      %dma_wait3A_130 = tpu.memref_squeeze %dma_wait3A_129 : memref<1x128xi32, #tpu.memory_space<vmem>> -> memref<128xi32, #tpu.memory_space<vmem>>
      %dma_wait3A_131 = arith.constant 0 : i32
      %dma_wait3A_132 = arith.constant 0 : i32
      %dma_wait3A_133 = tpu.memref_slice %arg2[%dma_wait3A_131, %dma_wait3A_132] : memref<10000x128xf32, #tpu.memory_space<hbm>> -> memref<10000x128xf32, #tpu.memory_space<hbm>>
      tpu.wait_indirect_dma semaphore(%arg11 : memref<!tpu.dma_semaphore, #tpu.memory_space<semaphore_mem>>) src(%dma_wait3A_133 : memref<10000x128xf32, #tpu.memory_space<hbm>>) dst(%arg9 : memref<128x128xf32, #tpu.memory_space<vmem>>)
      %dma_start3A_134 = arith.constant 1 : i32
      %dma_start3A_135 = arith.constant 0 : i32
      %dma_start3A_136 = tpu.memref_slice %arg7[%dma_start3A_134, %dma_start3A_135] : memref<16x128xi32, #tpu.memory_space<vmem>> -> memref<1x128xi32, #tpu.memory_space<vmem>>
      %dma_start3A_137 = tpu.memref_squeeze %dma_start3A_136 : memref<1x128xi32, #tpu.memory_space<vmem>> -> memref<128xi32, #tpu.memory_space<vmem>>
      %dma_start3A_138 = arith.constant 0 : i32
      %dma_start3A_139 = arith.constant 0 : i32
      %dma_start3A_140 = tpu.memref_slice %arg2[%dma_start3A_138, %dma_start3A_139] : memref<10000x128xf32, #tpu.memory_space<hbm>> -> memref<10000x128xf32, #tpu.memory_space<hbm>>
      tpu.enqueue_indirect_dma source(%dma_start3A_140 : memref<10000x128xf32, #tpu.memory_space<hbm>>) target(%arg10 : memref<128x128xf32, #tpu.memory_space<vmem>>) offsets(%dma_start3A_137 : memref<128xi32, #tpu.memory_space<vmem>>) semaphore(%arg12 : memref<!tpu.dma_semaphore, #tpu.memory_space<semaphore_mem>>)
      %run_scoped3A = arith.constant 0 : i32
      "tpu.region"() ({
        %run_scoped3A_359 = tpu.sem_alloc : memref<!tpu.dma_semaphore, #tpu.memory_space<semaphore_mem>>
        %dma_start3A_360 = arith.constant 0 : i32
        %dma_start3A_361 = tpu.memref_slice %arg8[%run_scoped3A, %dma_start3A_360] : memref<16x128xi32, #tpu.memory_space<vmem>> -> memref<1x128xi32, #tpu.memory_space<vmem>>
        %dma_start3A_362 = tpu.memref_squeeze %dma_start3A_361 : memref<1x128xi32, #tpu.memory_space<vmem>> -> memref<128xi32, #tpu.memory_space<vmem>>
        %dma_start3A_363 = arith.constant 0 : i32
        %dma_start3A_364 = arith.constant 0 : i32
        %dma_start3A_365 = tpu.memref_slice %arg13[%dma_start3A_363, %dma_start3A_364] : memref<10240x128xf32, #tpu.memory_space<vmem_shared>> -> memref<10240x128xf32, #tpu.memory_space<vmem_shared>>
        tpu.enqueue_indirect_dma source(%arg9 : memref<128x128xf32, #tpu.memory_space<vmem>>) target(%dma_start3A_365 : memref<10240x128xf32, #tpu.memory_space<vmem_shared>>) offsets(%dma_start3A_362 : memref<128xi32, #tpu.memory_space<vmem>>) semaphore(%run_scoped3A_359 : memref<!tpu.dma_semaphore, #tpu.memory_space<semaphore_mem>>) {add = true}
        %dma_wait3A_366 = arith.constant 0 : i32
        %dma_wait3A_367 = tpu.memref_slice %arg8[%run_scoped3A, %dma_wait3A_366] : memref<16x128xi32, #tpu.memory_space<vmem>> -> memref<1x128xi32, #tpu.memory_space<vmem>>
        %dma_wait3A_368 = tpu.memref_squeeze %dma_wait3A_367 : memref<1x128xi32, #tpu.memory_space<vmem>> -> memref<128xi32, #tpu.memory_space<vmem>>
        %dma_wait3A_369 = arith.constant 0 : i32
        %dma_wait3A_370 = arith.constant 0 : i32
        %dma_wait3A_371 = tpu.memref_slice %arg13[%dma_wait3A_369, %dma_wait3A_370] : memref<10240x128xf32, #tpu.memory_space<vmem_shared>> -> memref<10240x128xf32, #tpu.memory_space<vmem_shared>>
        tpu.wait_indirect_dma semaphore(%run_scoped3A_359 : memref<!tpu.dma_semaphore, #tpu.memory_space<semaphore_mem>>) src(%arg9 : memref<128x128xf32, #tpu.memory_space<vmem>>) dst(%dma_wait3A_371 : memref<10240x128xf32, #tpu.memory_space<vmem_shared>>)
        tpu.yield
      }) : () -> ()
      %dma_wait3A_141 = arith.constant 1 : i32
      %dma_wait3A_142 = arith.constant 0 : i32
      %dma_wait3A_143 = tpu.memref_slice %arg7[%dma_wait3A_141, %dma_wait3A_142] : memref<16x128xi32, #tpu.memory_space<vmem>> -> memref<1x128xi32, #tpu.memory_space<vmem>>
      %dma_wait3A_144 = tpu.memref_squeeze %dma_wait3A_143 : memref<1x128xi32, #tpu.memory_space<vmem>> -> memref<128xi32, #tpu.memory_space<vmem>>
      %dma_wait3A_145 = arith.constant 0 : i32
      %dma_wait3A_146 = arith.constant 0 : i32
      %dma_wait3A_147 = tpu.memref_slice %arg2[%dma_wait3A_145, %dma_wait3A_146] : memref<10000x128xf32, #tpu.memory_space<hbm>> -> memref<10000x128xf32, #tpu.memory_space<hbm>>
      tpu.wait_indirect_dma semaphore(%arg12 : memref<!tpu.dma_semaphore, #tpu.memory_space<semaphore_mem>>) src(%dma_wait3A_147 : memref<10000x128xf32, #tpu.memory_space<hbm>>) dst(%arg10 : memref<128x128xf32, #tpu.memory_space<vmem>>)
      %dma_start3A_148 = arith.constant 2 : i32
      %dma_start3A_149 = arith.constant 0 : i32
      %dma_start3A_150 = tpu.memref_slice %arg7[%dma_start3A_148, %dma_start3A_149] : memref<16x128xi32, #tpu.memory_space<vmem>> -> memref<1x128xi32, #tpu.memory_space<vmem>>
      %dma_start3A_151 = tpu.memref_squeeze %dma_start3A_150 : memref<1x128xi32, #tpu.memory_space<vmem>> -> memref<128xi32, #tpu.memory_space<vmem>>
      %dma_start3A_152 = arith.constant 0 : i32
      %dma_start3A_153 = arith.constant 0 : i32
      %dma_start3A_154 = tpu.memref_slice %arg2[%dma_start3A_152, %dma_start3A_153] : memref<10000x128xf32, #tpu.memory_space<hbm>> -> memref<10000x128xf32, #tpu.memory_space<hbm>>
      tpu.enqueue_indirect_dma source(%dma_start3A_154 : memref<10000x128xf32, #tpu.memory_space<hbm>>) target(%arg9 : memref<128x128xf32, #tpu.memory_space<vmem>>) offsets(%dma_start3A_151 : memref<128xi32, #tpu.memory_space<vmem>>) semaphore(%arg11 : memref<!tpu.dma_semaphore, #tpu.memory_space<semaphore_mem>>)
      %run_scoped3A_155 = arith.constant 1 : i32
      "tpu.region"() ({
        %run_scoped3A_359 = tpu.sem_alloc : memref<!tpu.dma_semaphore, #tpu.memory_space<semaphore_mem>>
        %dma_start3A_360 = arith.constant 0 : i32
        %dma_start3A_361 = tpu.memref_slice %arg8[%run_scoped3A_155, %dma_start3A_360] : memref<16x128xi32, #tpu.memory_space<vmem>> -> memref<1x128xi32, #tpu.memory_space<vmem>>
        %dma_start3A_362 = tpu.memref_squeeze %dma_start3A_361 : memref<1x128xi32, #tpu.memory_space<vmem>> -> memref<128xi32, #tpu.memory_space<vmem>>
        %dma_start3A_363 = arith.constant 0 : i32
        %dma_start3A_364 = arith.constant 0 : i32
        %dma_start3A_365 = tpu.memref_slice %arg13[%dma_start3A_363, %dma_start3A_364] : memref<10240x128xf32, #tpu.memory_space<vmem_shared>> -> memref<10240x128xf32, #tpu.memory_space<vmem_shared>>
        tpu.enqueue_indirect_dma source(%arg10 : memref<128x128xf32, #tpu.memory_space<vmem>>) target(%dma_start3A_365 : memref<10240x128xf32, #tpu.memory_space<vmem_shared>>) offsets(%dma_start3A_362 : memref<128xi32, #tpu.memory_space<vmem>>) semaphore(%run_scoped3A_359 : memref<!tpu.dma_semaphore, #tpu.memory_space<semaphore_mem>>) {add = true}
        %dma_wait3A_366 = arith.constant 0 : i32
        %dma_wait3A_367 = tpu.memref_slice %arg8[%run_scoped3A_155, %dma_wait3A_366] : memref<16x128xi32, #tpu.memory_space<vmem>> -> memref<1x128xi32, #tpu.memory_space<vmem>>
        %dma_wait3A_368 = tpu.memref_squeeze %dma_wait3A_367 : memref<1x128xi32, #tpu.memory_space<vmem>> -> memref<128xi32, #tpu.memory_space<vmem>>
        %dma_wait3A_369 = arith.constant 0 : i32
        %dma_wait3A_370 = arith.constant 0 : i32
        %dma_wait3A_371 = tpu.memref_slice %arg13[%dma_wait3A_369, %dma_wait3A_370] : memref<10240x128xf32, #tpu.memory_space<vmem_shared>> -> memref<10240x128xf32, #tpu.memory_space<vmem_shared>>
        tpu.wait_indirect_dma semaphore(%run_scoped3A_359 : memref<!tpu.dma_semaphore, #tpu.memory_space<semaphore_mem>>) src(%arg10 : memref<128x128xf32, #tpu.memory_space<vmem>>) dst(%dma_wait3A_371 : memref<10240x128xf32, #tpu.memory_space<vmem_shared>>)
        tpu.yield
      }) : () -> ()
      %dma_wait3A_156 = arith.constant 2 : i32
      %dma_wait3A_157 = arith.constant 0 : i32
      %dma_wait3A_158 = tpu.memref_slice %arg7[%dma_wait3A_156, %dma_wait3A_157] : memref<16x128xi32, #tpu.memory_space<vmem>> -> memref<1x128xi32, #tpu.memory_space<vmem>>
      %dma_wait3A_159 = tpu.memref_squeeze %dma_wait3A_158 : memref<1x128xi32, #tpu.memory_space<vmem>> -> memref<128xi32, #tpu.memory_space<vmem>>
      %dma_wait3A_160 = arith.constant 0 : i32
      %dma_wait3A_161 = arith.constant 0 : i32
      %dma_wait3A_162 = tpu.memref_slice %arg2[%dma_wait3A_160, %dma_wait3A_161] : memref<10000x128xf32, #tpu.memory_space<hbm>> -> memref<10000x128xf32, #tpu.memory_space<hbm>>
      tpu.wait_indirect_dma semaphore(%arg11 : memref<!tpu.dma_semaphore, #tpu.memory_space<semaphore_mem>>) src(%dma_wait3A_162 : memref<10000x128xf32, #tpu.memory_space<hbm>>) dst(%arg9 : memref<128x128xf32, #tpu.memory_space<vmem>>)
      %dma_start3A_163 = arith.constant 3 : i32
      %dma_start3A_164 = arith.constant 0 : i32
      %dma_start3A_165 = tpu.memref_slice %arg7[%dma_start3A_163, %dma_start3A_164] : memref<16x128xi32, #tpu.memory_space<vmem>> -> memref<1x128xi32, #tpu.memory_space<vmem>>
      %dma_start3A_166 = tpu.memref_squeeze %dma_start3A_165 : memref<1x128xi32, #tpu.memory_space<vmem>> -> memref<128xi32, #tpu.memory_space<vmem>>
      %dma_start3A_167 = arith.constant 0 : i32
      %dma_start3A_168 = arith.constant 0 : i32
      %dma_start3A_169 = tpu.memref_slice %arg2[%dma_start3A_167, %dma_start3A_168] : memref<10000x128xf32, #tpu.memory_space<hbm>> -> memref<10000x128xf32, #tpu.memory_space<hbm>>
      tpu.enqueue_indirect_dma source(%dma_start3A_169 : memref<10000x128xf32, #tpu.memory_space<hbm>>) target(%arg10 : memref<128x128xf32, #tpu.memory_space<vmem>>) offsets(%dma_start3A_166 : memref<128xi32, #tpu.memory_space<vmem>>) semaphore(%arg12 : memref<!tpu.dma_semaphore, #tpu.memory_space<semaphore_mem>>)
      %run_scoped3A_170 = arith.constant 2 : i32
      "tpu.region"() ({
        %run_scoped3A_359 = tpu.sem_alloc : memref<!tpu.dma_semaphore, #tpu.memory_space<semaphore_mem>>
        %dma_start3A_360 = arith.constant 0 : i32
        %dma_start3A_361 = tpu.memref_slice %arg8[%run_scoped3A_170, %dma_start3A_360] : memref<16x128xi32, #tpu.memory_space<vmem>> -> memref<1x128xi32, #tpu.memory_space<vmem>>
        %dma_start3A_362 = tpu.memref_squeeze %dma_start3A_361 : memref<1x128xi32, #tpu.memory_space<vmem>> -> memref<128xi32, #tpu.memory_space<vmem>>
        %dma_start3A_363 = arith.constant 0 : i32
        %dma_start3A_364 = arith.constant 0 : i32
        %dma_start3A_365 = tpu.memref_slice %arg13[%dma_start3A_363, %dma_start3A_364] : memref<10240x128xf32, #tpu.memory_space<vmem_shared>> -> memref<10240x128xf32, #tpu.memory_space<vmem_shared>>
        tpu.enqueue_indirect_dma source(%arg9 : memref<128x128xf32, #tpu.memory_space<vmem>>) target(%dma_start3A_365 : memref<10240x128xf32, #tpu.memory_space<vmem_shared>>) offsets(%dma_start3A_362 : memref<128xi32, #tpu.memory_space<vmem>>) semaphore(%run_scoped3A_359 : memref<!tpu.dma_semaphore, #tpu.memory_space<semaphore_mem>>) {add = true}
        %dma_wait3A_366 = arith.constant 0 : i32
        %dma_wait3A_367 = tpu.memref_slice %arg8[%run_scoped3A_170, %dma_wait3A_366] : memref<16x128xi32, #tpu.memory_space<vmem>> -> memref<1x128xi32, #tpu.memory_space<vmem>>
        %dma_wait3A_368 = tpu.memref_squeeze %dma_wait3A_367 : memref<1x128xi32, #tpu.memory_space<vmem>> -> memref<128xi32, #tpu.memory_space<vmem>>
        %dma_wait3A_369 = arith.constant 0 : i32
        %dma_wait3A_370 = arith.constant 0 : i32
        %dma_wait3A_371 = tpu.memref_slice %arg13[%dma_wait3A_369, %dma_wait3A_370] : memref<10240x128xf32, #tpu.memory_space<vmem_shared>> -> memref<10240x128xf32, #tpu.memory_space<vmem_shared>>
        tpu.wait_indirect_dma semaphore(%run_scoped3A_359 : memref<!tpu.dma_semaphore, #tpu.memory_space<semaphore_mem>>) src(%arg9 : memref<128x128xf32, #tpu.memory_space<vmem>>) dst(%dma_wait3A_371 : memref<10240x128xf32, #tpu.memory_space<vmem_shared>>)
        tpu.yield
      }) : () -> ()
      %dma_wait3A_171 = arith.constant 3 : i32
      %dma_wait3A_172 = arith.constant 0 : i32
      %dma_wait3A_173 = tpu.memref_slice %arg7[%dma_wait3A_171, %dma_wait3A_172] : memref<16x128xi32, #tpu.memory_space<vmem>> -> memref<1x128xi32, #tpu.memory_space<vmem>>
      %dma_wait3A_174 = tpu.memref_squeeze %dma_wait3A_173 : memref<1x128xi32, #tpu.memory_space<vmem>> -> memref<128xi32, #tpu.memory_space<vmem>>
      %dma_wait3A_175 = arith.constant 0 : i32
      %dma_wait3A_176 = arith.constant 0 : i32
      %dma_wait3A_177 = tpu.memref_slice %arg2[%dma_wait3A_175, %dma_wait3A_176] : memref<10000x128xf32, #tpu.memory_space<hbm>> -> memref<10000x128xf32, #tpu.memory_space<hbm>>
      tpu.wait_indirect_dma semaphore(%arg12 : memref<!tpu.dma_semaphore, #tpu.memory_space<semaphore_mem>>) src(%dma_wait3A_177 : memref<10000x128xf32, #tpu.memory_space<hbm>>) dst(%arg10 : memref<128x128xf32, #tpu.memory_space<vmem>>)
      %dma_start3A_178 = arith.constant 4 : i32
      %dma_start3A_179 = arith.constant 0 : i32
      %dma_start3A_180 = tpu.memref_slice %arg7[%dma_start3A_178, %dma_start3A_179] : memref<16x128xi32, #tpu.memory_space<vmem>> -> memref<1x128xi32, #tpu.memory_space<vmem>>
      %dma_start3A_181 = tpu.memref_squeeze %dma_start3A_180 : memref<1x128xi32, #tpu.memory_space<vmem>> -> memref<128xi32, #tpu.memory_space<vmem>>
      %dma_start3A_182 = arith.constant 0 : i32
      %dma_start3A_183 = arith.constant 0 : i32
      %dma_start3A_184 = tpu.memref_slice %arg2[%dma_start3A_182, %dma_start3A_183] : memref<10000x128xf32, #tpu.memory_space<hbm>> -> memref<10000x128xf32, #tpu.memory_space<hbm>>
      tpu.enqueue_indirect_dma source(%dma_start3A_184 : memref<10000x128xf32, #tpu.memory_space<hbm>>) target(%arg9 : memref<128x128xf32, #tpu.memory_space<vmem>>) offsets(%dma_start3A_181 : memref<128xi32, #tpu.memory_space<vmem>>) semaphore(%arg11 : memref<!tpu.dma_semaphore, #tpu.memory_space<semaphore_mem>>)
      %run_scoped3A_185 = arith.constant 3 : i32
      "tpu.region"() ({
        %run_scoped3A_359 = tpu.sem_alloc : memref<!tpu.dma_semaphore, #tpu.memory_space<semaphore_mem>>
        %dma_start3A_360 = arith.constant 0 : i32
        %dma_start3A_361 = tpu.memref_slice %arg8[%run_scoped3A_185, %dma_start3A_360] : memref<16x128xi32, #tpu.memory_space<vmem>> -> memref<1x128xi32, #tpu.memory_space<vmem>>
        %dma_start3A_362 = tpu.memref_squeeze %dma_start3A_361 : memref<1x128xi32, #tpu.memory_space<vmem>> -> memref<128xi32, #tpu.memory_space<vmem>>
        %dma_start3A_363 = arith.constant 0 : i32
        %dma_start3A_364 = arith.constant 0 : i32
        %dma_start3A_365 = tpu.memref_slice %arg13[%dma_start3A_363, %dma_start3A_364] : memref<10240x128xf32, #tpu.memory_space<vmem_shared>> -> memref<10240x128xf32, #tpu.memory_space<vmem_shared>>
        tpu.enqueue_indirect_dma source(%arg10 : memref<128x128xf32, #tpu.memory_space<vmem>>) target(%dma_start3A_365 : memref<10240x128xf32, #tpu.memory_space<vmem_shared>>) offsets(%dma_start3A_362 : memref<128xi32, #tpu.memory_space<vmem>>) semaphore(%run_scoped3A_359 : memref<!tpu.dma_semaphore, #tpu.memory_space<semaphore_mem>>) {add = true}
        %dma_wait3A_366 = arith.constant 0 : i32
        %dma_wait3A_367 = tpu.memref_slice %arg8[%run_scoped3A_185, %dma_wait3A_366] : memref<16x128xi32, #tpu.memory_space<vmem>> -> memref<1x128xi32, #tpu.memory_space<vmem>>
        %dma_wait3A_368 = tpu.memref_squeeze %dma_wait3A_367 : memref<1x128xi32, #tpu.memory_space<vmem>> -> memref<128xi32, #tpu.memory_space<vmem>>
        %dma_wait3A_369 = arith.constant 0 : i32
        %dma_wait3A_370 = arith.constant 0 : i32
        %dma_wait3A_371 = tpu.memref_slice %arg13[%dma_wait3A_369, %dma_wait3A_370] : memref<10240x128xf32, #tpu.memory_space<vmem_shared>> -> memref<10240x128xf32, #tpu.memory_space<vmem_shared>>
        tpu.wait_indirect_dma semaphore(%run_scoped3A_359 : memref<!tpu.dma_semaphore, #tpu.memory_space<semaphore_mem>>) src(%arg10 : memref<128x128xf32, #tpu.memory_space<vmem>>) dst(%dma_wait3A_371 : memref<10240x128xf32, #tpu.memory_space<vmem_shared>>)
        tpu.yield
      }) : () -> ()
      %dma_wait3A_186 = arith.constant 4 : i32
      %dma_wait3A_187 = arith.constant 0 : i32
      %dma_wait3A_188 = tpu.memref_slice %arg7[%dma_wait3A_186, %dma_wait3A_187] : memref<16x128xi32, #tpu.memory_space<vmem>> -> memref<1x128xi32, #tpu.memory_space<vmem>>
      %dma_wait3A_189 = tpu.memref_squeeze %dma_wait3A_188 : memref<1x128xi32, #tpu.memory_space<vmem>> -> memref<128xi32, #tpu.memory_space<vmem>>
      %dma_wait3A_190 = arith.constant 0 : i32
      %dma_wait3A_191 = arith.constant 0 : i32
      %dma_wait3A_192 = tpu.memref_slice %arg2[%dma_wait3A_190, %dma_wait3A_191] : memref<10000x128xf32, #tpu.memory_space<hbm>> -> memref<10000x128xf32, #tpu.memory_space<hbm>>
      tpu.wait_indirect_dma semaphore(%arg11 : memref<!tpu.dma_semaphore, #tpu.memory_space<semaphore_mem>>) src(%dma_wait3A_192 : memref<10000x128xf32, #tpu.memory_space<hbm>>) dst(%arg9 : memref<128x128xf32, #tpu.memory_space<vmem>>)
      %dma_start3A_193 = arith.constant 5 : i32
      %dma_start3A_194 = arith.constant 0 : i32
      %dma_start3A_195 = tpu.memref_slice %arg7[%dma_start3A_193, %dma_start3A_194] : memref<16x128xi32, #tpu.memory_space<vmem>> -> memref<1x128xi32, #tpu.memory_space<vmem>>
      %dma_start3A_196 = tpu.memref_squeeze %dma_start3A_195 : memref<1x128xi32, #tpu.memory_space<vmem>> -> memref<128xi32, #tpu.memory_space<vmem>>
      %dma_start3A_197 = arith.constant 0 : i32
      %dma_start3A_198 = arith.constant 0 : i32
      %dma_start3A_199 = tpu.memref_slice %arg2[%dma_start3A_197, %dma_start3A_198] : memref<10000x128xf32, #tpu.memory_space<hbm>> -> memref<10000x128xf32, #tpu.memory_space<hbm>>
      tpu.enqueue_indirect_dma source(%dma_start3A_199 : memref<10000x128xf32, #tpu.memory_space<hbm>>) target(%arg10 : memref<128x128xf32, #tpu.memory_space<vmem>>) offsets(%dma_start3A_196 : memref<128xi32, #tpu.memory_space<vmem>>) semaphore(%arg12 : memref<!tpu.dma_semaphore, #tpu.memory_space<semaphore_mem>>)
      %run_scoped3A_200 = arith.constant 4 : i32
      "tpu.region"() ({
        %run_scoped3A_359 = tpu.sem_alloc : memref<!tpu.dma_semaphore, #tpu.memory_space<semaphore_mem>>
        %dma_start3A_360 = arith.constant 0 : i32
        %dma_start3A_361 = tpu.memref_slice %arg8[%run_scoped3A_200, %dma_start3A_360] : memref<16x128xi32, #tpu.memory_space<vmem>> -> memref<1x128xi32, #tpu.memory_space<vmem>>
        %dma_start3A_362 = tpu.memref_squeeze %dma_start3A_361 : memref<1x128xi32, #tpu.memory_space<vmem>> -> memref<128xi32, #tpu.memory_space<vmem>>
        %dma_start3A_363 = arith.constant 0 : i32
        %dma_start3A_364 = arith.constant 0 : i32
        %dma_start3A_365 = tpu.memref_slice %arg13[%dma_start3A_363, %dma_start3A_364] : memref<10240x128xf32, #tpu.memory_space<vmem_shared>> -> memref<10240x128xf32, #tpu.memory_space<vmem_shared>>
        tpu.enqueue_indirect_dma source(%arg9 : memref<128x128xf32, #tpu.memory_space<vmem>>) target(%dma_start3A_365 : memref<10240x128xf32, #tpu.memory_space<vmem_shared>>) offsets(%dma_start3A_362 : memref<128xi32, #tpu.memory_space<vmem>>) semaphore(%run_scoped3A_359 : memref<!tpu.dma_semaphore, #tpu.memory_space<semaphore_mem>>) {add = true}
        %dma_wait3A_366 = arith.constant 0 : i32
        %dma_wait3A_367 = tpu.memref_slice %arg8[%run_scoped3A_200, %dma_wait3A_366] : memref<16x128xi32, #tpu.memory_space<vmem>> -> memref<1x128xi32, #tpu.memory_space<vmem>>
        %dma_wait3A_368 = tpu.memref_squeeze %dma_wait3A_367 : memref<1x128xi32, #tpu.memory_space<vmem>> -> memref<128xi32, #tpu.memory_space<vmem>>
        %dma_wait3A_369 = arith.constant 0 : i32
        %dma_wait3A_370 = arith.constant 0 : i32
        %dma_wait3A_371 = tpu.memref_slice %arg13[%dma_wait3A_369, %dma_wait3A_370] : memref<10240x128xf32, #tpu.memory_space<vmem_shared>> -> memref<10240x128xf32, #tpu.memory_space<vmem_shared>>
        tpu.wait_indirect_dma semaphore(%run_scoped3A_359 : memref<!tpu.dma_semaphore, #tpu.memory_space<semaphore_mem>>) src(%arg9 : memref<128x128xf32, #tpu.memory_space<vmem>>) dst(%dma_wait3A_371 : memref<10240x128xf32, #tpu.memory_space<vmem_shared>>)
        tpu.yield
      }) : () -> ()
      %dma_wait3A_201 = arith.constant 5 : i32
      %dma_wait3A_202 = arith.constant 0 : i32
      %dma_wait3A_203 = tpu.memref_slice %arg7[%dma_wait3A_201, %dma_wait3A_202] : memref<16x128xi32, #tpu.memory_space<vmem>> -> memref<1x128xi32, #tpu.memory_space<vmem>>
      %dma_wait3A_204 = tpu.memref_squeeze %dma_wait3A_203 : memref<1x128xi32, #tpu.memory_space<vmem>> -> memref<128xi32, #tpu.memory_space<vmem>>
      %dma_wait3A_205 = arith.constant 0 : i32
      %dma_wait3A_206 = arith.constant 0 : i32
      %dma_wait3A_207 = tpu.memref_slice %arg2[%dma_wait3A_205, %dma_wait3A_206] : memref<10000x128xf32, #tpu.memory_space<hbm>> -> memref<10000x128xf32, #tpu.memory_space<hbm>>
      tpu.wait_indirect_dma semaphore(%arg12 : memref<!tpu.dma_semaphore, #tpu.memory_space<semaphore_mem>>) src(%dma_wait3A_207 : memref<10000x128xf32, #tpu.memory_space<hbm>>) dst(%arg10 : memref<128x128xf32, #tpu.memory_space<vmem>>)
      %dma_start3A_208 = arith.constant 6 : i32
      %dma_start3A_209 = arith.constant 0 : i32
      %dma_start3A_210 = tpu.memref_slice %arg7[%dma_start3A_208, %dma_start3A_209] : memref<16x128xi32, #tpu.memory_space<vmem>> -> memref<1x128xi32, #tpu.memory_space<vmem>>
      %dma_start3A_211 = tpu.memref_squeeze %dma_start3A_210 : memref<1x128xi32, #tpu.memory_space<vmem>> -> memref<128xi32, #tpu.memory_space<vmem>>
      %dma_start3A_212 = arith.constant 0 : i32
      %dma_start3A_213 = arith.constant 0 : i32
      %dma_start3A_214 = tpu.memref_slice %arg2[%dma_start3A_212, %dma_start3A_213] : memref<10000x128xf32, #tpu.memory_space<hbm>> -> memref<10000x128xf32, #tpu.memory_space<hbm>>
      tpu.enqueue_indirect_dma source(%dma_start3A_214 : memref<10000x128xf32, #tpu.memory_space<hbm>>) target(%arg9 : memref<128x128xf32, #tpu.memory_space<vmem>>) offsets(%dma_start3A_211 : memref<128xi32, #tpu.memory_space<vmem>>) semaphore(%arg11 : memref<!tpu.dma_semaphore, #tpu.memory_space<semaphore_mem>>)
      %run_scoped3A_215 = arith.constant 5 : i32
      "tpu.region"() ({
        %run_scoped3A_359 = tpu.sem_alloc : memref<!tpu.dma_semaphore, #tpu.memory_space<semaphore_mem>>
        %dma_start3A_360 = arith.constant 0 : i32
        %dma_start3A_361 = tpu.memref_slice %arg8[%run_scoped3A_215, %dma_start3A_360] : memref<16x128xi32, #tpu.memory_space<vmem>> -> memref<1x128xi32, #tpu.memory_space<vmem>>
        %dma_start3A_362 = tpu.memref_squeeze %dma_start3A_361 : memref<1x128xi32, #tpu.memory_space<vmem>> -> memref<128xi32, #tpu.memory_space<vmem>>
        %dma_start3A_363 = arith.constant 0 : i32
        %dma_start3A_364 = arith.constant 0 : i32
        %dma_start3A_365 = tpu.memref_slice %arg13[%dma_start3A_363, %dma_start3A_364] : memref<10240x128xf32, #tpu.memory_space<vmem_shared>> -> memref<10240x128xf32, #tpu.memory_space<vmem_shared>>
        tpu.enqueue_indirect_dma source(%arg10 : memref<128x128xf32, #tpu.memory_space<vmem>>) target(%dma_start3A_365 : memref<10240x128xf32, #tpu.memory_space<vmem_shared>>) offsets(%dma_start3A_362 : memref<128xi32, #tpu.memory_space<vmem>>) semaphore(%run_scoped3A_359 : memref<!tpu.dma_semaphore, #tpu.memory_space<semaphore_mem>>) {add = true}
        %dma_wait3A_366 = arith.constant 0 : i32
        %dma_wait3A_367 = tpu.memref_slice %arg8[%run_scoped3A_215, %dma_wait3A_366] : memref<16x128xi32, #tpu.memory_space<vmem>> -> memref<1x128xi32, #tpu.memory_space<vmem>>
        %dma_wait3A_368 = tpu.memref_squeeze %dma_wait3A_367 : memref<1x128xi32, #tpu.memory_space<vmem>> -> memref<128xi32, #tpu.memory_space<vmem>>
        %dma_wait3A_369 = arith.constant 0 : i32
        %dma_wait3A_370 = arith.constant 0 : i32
        %dma_wait3A_371 = tpu.memref_slice %arg13[%dma_wait3A_369, %dma_wait3A_370] : memref<10240x128xf32, #tpu.memory_space<vmem_shared>> -> memref<10240x128xf32, #tpu.memory_space<vmem_shared>>
        tpu.wait_indirect_dma semaphore(%run_scoped3A_359 : memref<!tpu.dma_semaphore, #tpu.memory_space<semaphore_mem>>) src(%arg10 : memref<128x128xf32, #tpu.memory_space<vmem>>) dst(%dma_wait3A_371 : memref<10240x128xf32, #tpu.memory_space<vmem_shared>>)
        tpu.yield
      }) : () -> ()
      %dma_wait3A_216 = arith.constant 6 : i32
      %dma_wait3A_217 = arith.constant 0 : i32
      %dma_wait3A_218 = tpu.memref_slice %arg7[%dma_wait3A_216, %dma_wait3A_217] : memref<16x128xi32, #tpu.memory_space<vmem>> -> memref<1x128xi32, #tpu.memory_space<vmem>>
      %dma_wait3A_219 = tpu.memref_squeeze %dma_wait3A_218 : memref<1x128xi32, #tpu.memory_space<vmem>> -> memref<128xi32, #tpu.memory_space<vmem>>
      %dma_wait3A_220 = arith.constant 0 : i32
      %dma_wait3A_221 = arith.constant 0 : i32
      %dma_wait3A_222 = tpu.memref_slice %arg2[%dma_wait3A_220, %dma_wait3A_221] : memref<10000x128xf32, #tpu.memory_space<hbm>> -> memref<10000x128xf32, #tpu.memory_space<hbm>>
      tpu.wait_indirect_dma semaphore(%arg11 : memref<!tpu.dma_semaphore, #tpu.memory_space<semaphore_mem>>) src(%dma_wait3A_222 : memref<10000x128xf32, #tpu.memory_space<hbm>>) dst(%arg9 : memref<128x128xf32, #tpu.memory_space<vmem>>)
      %dma_start3A_223 = arith.constant 7 : i32
      %dma_start3A_224 = arith.constant 0 : i32
      %dma_start3A_225 = tpu.memref_slice %arg7[%dma_start3A_223, %dma_start3A_224] : memref<16x128xi32, #tpu.memory_space<vmem>> -> memref<1x128xi32, #tpu.memory_space<vmem>>
      %dma_start3A_226 = tpu.memref_squeeze %dma_start3A_225 : memref<1x128xi32, #tpu.memory_space<vmem>> -> memref<128xi32, #tpu.memory_space<vmem>>
      %dma_start3A_227 = arith.constant 0 : i32
      %dma_start3A_228 = arith.constant 0 : i32
      %dma_start3A_229 = tpu.memref_slice %arg2[%dma_start3A_227, %dma_start3A_228] : memref<10000x128xf32, #tpu.memory_space<hbm>> -> memref<10000x128xf32, #tpu.memory_space<hbm>>
      tpu.enqueue_indirect_dma source(%dma_start3A_229 : memref<10000x128xf32, #tpu.memory_space<hbm>>) target(%arg10 : memref<128x128xf32, #tpu.memory_space<vmem>>) offsets(%dma_start3A_226 : memref<128xi32, #tpu.memory_space<vmem>>) semaphore(%arg12 : memref<!tpu.dma_semaphore, #tpu.memory_space<semaphore_mem>>)
      %run_scoped3A_230 = arith.constant 6 : i32
      "tpu.region"() ({
        %run_scoped3A_359 = tpu.sem_alloc : memref<!tpu.dma_semaphore, #tpu.memory_space<semaphore_mem>>
        %dma_start3A_360 = arith.constant 0 : i32
        %dma_start3A_361 = tpu.memref_slice %arg8[%run_scoped3A_230, %dma_start3A_360] : memref<16x128xi32, #tpu.memory_space<vmem>> -> memref<1x128xi32, #tpu.memory_space<vmem>>
        %dma_start3A_362 = tpu.memref_squeeze %dma_start3A_361 : memref<1x128xi32, #tpu.memory_space<vmem>> -> memref<128xi32, #tpu.memory_space<vmem>>
        %dma_start3A_363 = arith.constant 0 : i32
        %dma_start3A_364 = arith.constant 0 : i32
        %dma_start3A_365 = tpu.memref_slice %arg13[%dma_start3A_363, %dma_start3A_364] : memref<10240x128xf32, #tpu.memory_space<vmem_shared>> -> memref<10240x128xf32, #tpu.memory_space<vmem_shared>>
        tpu.enqueue_indirect_dma source(%arg9 : memref<128x128xf32, #tpu.memory_space<vmem>>) target(%dma_start3A_365 : memref<10240x128xf32, #tpu.memory_space<vmem_shared>>) offsets(%dma_start3A_362 : memref<128xi32, #tpu.memory_space<vmem>>) semaphore(%run_scoped3A_359 : memref<!tpu.dma_semaphore, #tpu.memory_space<semaphore_mem>>) {add = true}
        %dma_wait3A_366 = arith.constant 0 : i32
        %dma_wait3A_367 = tpu.memref_slice %arg8[%run_scoped3A_230, %dma_wait3A_366] : memref<16x128xi32, #tpu.memory_space<vmem>> -> memref<1x128xi32, #tpu.memory_space<vmem>>
        %dma_wait3A_368 = tpu.memref_squeeze %dma_wait3A_367 : memref<1x128xi32, #tpu.memory_space<vmem>> -> memref<128xi32, #tpu.memory_space<vmem>>
        %dma_wait3A_369 = arith.constant 0 : i32
        %dma_wait3A_370 = arith.constant 0 : i32
        %dma_wait3A_371 = tpu.memref_slice %arg13[%dma_wait3A_369, %dma_wait3A_370] : memref<10240x128xf32, #tpu.memory_space<vmem_shared>> -> memref<10240x128xf32, #tpu.memory_space<vmem_shared>>
        tpu.wait_indirect_dma semaphore(%run_scoped3A_359 : memref<!tpu.dma_semaphore, #tpu.memory_space<semaphore_mem>>) src(%arg9 : memref<128x128xf32, #tpu.memory_space<vmem>>) dst(%dma_wait3A_371 : memref<10240x128xf32, #tpu.memory_space<vmem_shared>>)
        tpu.yield
      }) : () -> ()
      %dma_wait3A_231 = arith.constant 7 : i32
      %dma_wait3A_232 = arith.constant 0 : i32
      %dma_wait3A_233 = tpu.memref_slice %arg7[%dma_wait3A_231, %dma_wait3A_232] : memref<16x128xi32, #tpu.memory_space<vmem>> -> memref<1x128xi32, #tpu.memory_space<vmem>>
      %dma_wait3A_234 = tpu.memref_squeeze %dma_wait3A_233 : memref<1x128xi32, #tpu.memory_space<vmem>> -> memref<128xi32, #tpu.memory_space<vmem>>
      %dma_wait3A_235 = arith.constant 0 : i32
      %dma_wait3A_236 = arith.constant 0 : i32
      %dma_wait3A_237 = tpu.memref_slice %arg2[%dma_wait3A_235, %dma_wait3A_236] : memref<10000x128xf32, #tpu.memory_space<hbm>> -> memref<10000x128xf32, #tpu.memory_space<hbm>>
      tpu.wait_indirect_dma semaphore(%arg12 : memref<!tpu.dma_semaphore, #tpu.memory_space<semaphore_mem>>) src(%dma_wait3A_237 : memref<10000x128xf32, #tpu.memory_space<hbm>>) dst(%arg10 : memref<128x128xf32, #tpu.memory_space<vmem>>)
      %dma_start3A_238 = arith.constant 8 : i32
      %dma_start3A_239 = arith.constant 0 : i32
      %dma_start3A_240 = tpu.memref_slice %arg7[%dma_start3A_238, %dma_start3A_239] : memref<16x128xi32, #tpu.memory_space<vmem>> -> memref<1x128xi32, #tpu.memory_space<vmem>>
      %dma_start3A_241 = tpu.memref_squeeze %dma_start3A_240 : memref<1x128xi32, #tpu.memory_space<vmem>> -> memref<128xi32, #tpu.memory_space<vmem>>
      %dma_start3A_242 = arith.constant 0 : i32
      %dma_start3A_243 = arith.constant 0 : i32
      %dma_start3A_244 = tpu.memref_slice %arg2[%dma_start3A_242, %dma_start3A_243] : memref<10000x128xf32, #tpu.memory_space<hbm>> -> memref<10000x128xf32, #tpu.memory_space<hbm>>
      tpu.enqueue_indirect_dma source(%dma_start3A_244 : memref<10000x128xf32, #tpu.memory_space<hbm>>) target(%arg9 : memref<128x128xf32, #tpu.memory_space<vmem>>) offsets(%dma_start3A_241 : memref<128xi32, #tpu.memory_space<vmem>>) semaphore(%arg11 : memref<!tpu.dma_semaphore, #tpu.memory_space<semaphore_mem>>)
      %run_scoped3A_245 = arith.constant 7 : i32
      "tpu.region"() ({
        %run_scoped3A_359 = tpu.sem_alloc : memref<!tpu.dma_semaphore, #tpu.memory_space<semaphore_mem>>
        %dma_start3A_360 = arith.constant 0 : i32
        %dma_start3A_361 = tpu.memref_slice %arg8[%run_scoped3A_245, %dma_start3A_360] : memref<16x128xi32, #tpu.memory_space<vmem>> -> memref<1x128xi32, #tpu.memory_space<vmem>>
        %dma_start3A_362 = tpu.memref_squeeze %dma_start3A_361 : memref<1x128xi32, #tpu.memory_space<vmem>> -> memref<128xi32, #tpu.memory_space<vmem>>
        %dma_start3A_363 = arith.constant 0 : i32
        %dma_start3A_364 = arith.constant 0 : i32
        %dma_start3A_365 = tpu.memref_slice %arg13[%dma_start3A_363, %dma_start3A_364] : memref<10240x128xf32, #tpu.memory_space<vmem_shared>> -> memref<10240x128xf32, #tpu.memory_space<vmem_shared>>
        tpu.enqueue_indirect_dma source(%arg10 : memref<128x128xf32, #tpu.memory_space<vmem>>) target(%dma_start3A_365 : memref<10240x128xf32, #tpu.memory_space<vmem_shared>>) offsets(%dma_start3A_362 : memref<128xi32, #tpu.memory_space<vmem>>) semaphore(%run_scoped3A_359 : memref<!tpu.dma_semaphore, #tpu.memory_space<semaphore_mem>>) {add = true}
        %dma_wait3A_366 = arith.constant 0 : i32
        %dma_wait3A_367 = tpu.memref_slice %arg8[%run_scoped3A_245, %dma_wait3A_366] : memref<16x128xi32, #tpu.memory_space<vmem>> -> memref<1x128xi32, #tpu.memory_space<vmem>>
        %dma_wait3A_368 = tpu.memref_squeeze %dma_wait3A_367 : memref<1x128xi32, #tpu.memory_space<vmem>> -> memref<128xi32, #tpu.memory_space<vmem>>
        %dma_wait3A_369 = arith.constant 0 : i32
        %dma_wait3A_370 = arith.constant 0 : i32
        %dma_wait3A_371 = tpu.memref_slice %arg13[%dma_wait3A_369, %dma_wait3A_370] : memref<10240x128xf32, #tpu.memory_space<vmem_shared>> -> memref<10240x128xf32, #tpu.memory_space<vmem_shared>>
        tpu.wait_indirect_dma semaphore(%run_scoped3A_359 : memref<!tpu.dma_semaphore, #tpu.memory_space<semaphore_mem>>) src(%arg10 : memref<128x128xf32, #tpu.memory_space<vmem>>) dst(%dma_wait3A_371 : memref<10240x128xf32, #tpu.memory_space<vmem_shared>>)
        tpu.yield
      }) : () -> ()
      %dma_wait3A_246 = arith.constant 8 : i32
      %dma_wait3A_247 = arith.constant 0 : i32
      %dma_wait3A_248 = tpu.memref_slice %arg7[%dma_wait3A_246, %dma_wait3A_247] : memref<16x128xi32, #tpu.memory_space<vmem>> -> memref<1x128xi32, #tpu.memory_space<vmem>>
      %dma_wait3A_249 = tpu.memref_squeeze %dma_wait3A_248 : memref<1x128xi32, #tpu.memory_space<vmem>> -> memref<128xi32, #tpu.memory_space<vmem>>
      %dma_wait3A_250 = arith.constant 0 : i32
      %dma_wait3A_251 = arith.constant 0 : i32
      %dma_wait3A_252 = tpu.memref_slice %arg2[%dma_wait3A_250, %dma_wait3A_251] : memref<10000x128xf32, #tpu.memory_space<hbm>> -> memref<10000x128xf32, #tpu.memory_space<hbm>>
      tpu.wait_indirect_dma semaphore(%arg11 : memref<!tpu.dma_semaphore, #tpu.memory_space<semaphore_mem>>) src(%dma_wait3A_252 : memref<10000x128xf32, #tpu.memory_space<hbm>>) dst(%arg9 : memref<128x128xf32, #tpu.memory_space<vmem>>)
      %dma_start3A_253 = arith.constant 9 : i32
      %dma_start3A_254 = arith.constant 0 : i32
      %dma_start3A_255 = tpu.memref_slice %arg7[%dma_start3A_253, %dma_start3A_254] : memref<16x128xi32, #tpu.memory_space<vmem>> -> memref<1x128xi32, #tpu.memory_space<vmem>>
      %dma_start3A_256 = tpu.memref_squeeze %dma_start3A_255 : memref<1x128xi32, #tpu.memory_space<vmem>> -> memref<128xi32, #tpu.memory_space<vmem>>
      %dma_start3A_257 = arith.constant 0 : i32
      %dma_start3A_258 = arith.constant 0 : i32
      %dma_start3A_259 = tpu.memref_slice %arg2[%dma_start3A_257, %dma_start3A_258] : memref<10000x128xf32, #tpu.memory_space<hbm>> -> memref<10000x128xf32, #tpu.memory_space<hbm>>
      tpu.enqueue_indirect_dma source(%dma_start3A_259 : memref<10000x128xf32, #tpu.memory_space<hbm>>) target(%arg10 : memref<128x128xf32, #tpu.memory_space<vmem>>) offsets(%dma_start3A_256 : memref<128xi32, #tpu.memory_space<vmem>>) semaphore(%arg12 : memref<!tpu.dma_semaphore, #tpu.memory_space<semaphore_mem>>)
      %run_scoped3A_260 = arith.constant 8 : i32
      "tpu.region"() ({
        %run_scoped3A_359 = tpu.sem_alloc : memref<!tpu.dma_semaphore, #tpu.memory_space<semaphore_mem>>
        %dma_start3A_360 = arith.constant 0 : i32
        %dma_start3A_361 = tpu.memref_slice %arg8[%run_scoped3A_260, %dma_start3A_360] : memref<16x128xi32, #tpu.memory_space<vmem>> -> memref<1x128xi32, #tpu.memory_space<vmem>>
        %dma_start3A_362 = tpu.memref_squeeze %dma_start3A_361 : memref<1x128xi32, #tpu.memory_space<vmem>> -> memref<128xi32, #tpu.memory_space<vmem>>
        %dma_start3A_363 = arith.constant 0 : i32
        %dma_start3A_364 = arith.constant 0 : i32
        %dma_start3A_365 = tpu.memref_slice %arg13[%dma_start3A_363, %dma_start3A_364] : memref<10240x128xf32, #tpu.memory_space<vmem_shared>> -> memref<10240x128xf32, #tpu.memory_space<vmem_shared>>
        tpu.enqueue_indirect_dma source(%arg9 : memref<128x128xf32, #tpu.memory_space<vmem>>) target(%dma_start3A_365 : memref<10240x128xf32, #tpu.memory_space<vmem_shared>>) offsets(%dma_start3A_362 : memref<128xi32, #tpu.memory_space<vmem>>) semaphore(%run_scoped3A_359 : memref<!tpu.dma_semaphore, #tpu.memory_space<semaphore_mem>>) {add = true}
        %dma_wait3A_366 = arith.constant 0 : i32
        %dma_wait3A_367 = tpu.memref_slice %arg8[%run_scoped3A_260, %dma_wait3A_366] : memref<16x128xi32, #tpu.memory_space<vmem>> -> memref<1x128xi32, #tpu.memory_space<vmem>>
        %dma_wait3A_368 = tpu.memref_squeeze %dma_wait3A_367 : memref<1x128xi32, #tpu.memory_space<vmem>> -> memref<128xi32, #tpu.memory_space<vmem>>
        %dma_wait3A_369 = arith.constant 0 : i32
        %dma_wait3A_370 = arith.constant 0 : i32
        %dma_wait3A_371 = tpu.memref_slice %arg13[%dma_wait3A_369, %dma_wait3A_370] : memref<10240x128xf32, #tpu.memory_space<vmem_shared>> -> memref<10240x128xf32, #tpu.memory_space<vmem_shared>>
        tpu.wait_indirect_dma semaphore(%run_scoped3A_359 : memref<!tpu.dma_semaphore, #tpu.memory_space<semaphore_mem>>) src(%arg9 : memref<128x128xf32, #tpu.memory_space<vmem>>) dst(%dma_wait3A_371 : memref<10240x128xf32, #tpu.memory_space<vmem_shared>>)
        tpu.yield
      }) : () -> ()
      %dma_wait3A_261 = arith.constant 9 : i32
      %dma_wait3A_262 = arith.constant 0 : i32
      %dma_wait3A_263 = tpu.memref_slice %arg7[%dma_wait3A_261, %dma_wait3A_262] : memref<16x128xi32, #tpu.memory_space<vmem>> -> memref<1x128xi32, #tpu.memory_space<vmem>>
      %dma_wait3A_264 = tpu.memref_squeeze %dma_wait3A_263 : memref<1x128xi32, #tpu.memory_space<vmem>> -> memref<128xi32, #tpu.memory_space<vmem>>
      %dma_wait3A_265 = arith.constant 0 : i32
      %dma_wait3A_266 = arith.constant 0 : i32
      %dma_wait3A_267 = tpu.memref_slice %arg2[%dma_wait3A_265, %dma_wait3A_266] : memref<10000x128xf32, #tpu.memory_space<hbm>> -> memref<10000x128xf32, #tpu.memory_space<hbm>>
      tpu.wait_indirect_dma semaphore(%arg12 : memref<!tpu.dma_semaphore, #tpu.memory_space<semaphore_mem>>) src(%dma_wait3A_267 : memref<10000x128xf32, #tpu.memory_space<hbm>>) dst(%arg10 : memref<128x128xf32, #tpu.memory_space<vmem>>)
      %dma_start3A_268 = arith.constant 10 : i32
      %dma_start3A_269 = arith.constant 0 : i32
      %dma_start3A_270 = tpu.memref_slice %arg7[%dma_start3A_268, %dma_start3A_269] : memref<16x128xi32, #tpu.memory_space<vmem>> -> memref<1x128xi32, #tpu.memory_space<vmem>>
      %dma_start3A_271 = tpu.memref_squeeze %dma_start3A_270 : memref<1x128xi32, #tpu.memory_space<vmem>> -> memref<128xi32, #tpu.memory_space<vmem>>
      %dma_start3A_272 = arith.constant 0 : i32
      %dma_start3A_273 = arith.constant 0 : i32
      %dma_start3A_274 = tpu.memref_slice %arg2[%dma_start3A_272, %dma_start3A_273] : memref<10000x128xf32, #tpu.memory_space<hbm>> -> memref<10000x128xf32, #tpu.memory_space<hbm>>
      tpu.enqueue_indirect_dma source(%dma_start3A_274 : memref<10000x128xf32, #tpu.memory_space<hbm>>) target(%arg9 : memref<128x128xf32, #tpu.memory_space<vmem>>) offsets(%dma_start3A_271 : memref<128xi32, #tpu.memory_space<vmem>>) semaphore(%arg11 : memref<!tpu.dma_semaphore, #tpu.memory_space<semaphore_mem>>)
      %run_scoped3A_275 = arith.constant 9 : i32
      "tpu.region"() ({
        %run_scoped3A_359 = tpu.sem_alloc : memref<!tpu.dma_semaphore, #tpu.memory_space<semaphore_mem>>
        %dma_start3A_360 = arith.constant 0 : i32
        %dma_start3A_361 = tpu.memref_slice %arg8[%run_scoped3A_275, %dma_start3A_360] : memref<16x128xi32, #tpu.memory_space<vmem>> -> memref<1x128xi32, #tpu.memory_space<vmem>>
        %dma_start3A_362 = tpu.memref_squeeze %dma_start3A_361 : memref<1x128xi32, #tpu.memory_space<vmem>> -> memref<128xi32, #tpu.memory_space<vmem>>
        %dma_start3A_363 = arith.constant 0 : i32
        %dma_start3A_364 = arith.constant 0 : i32
        %dma_start3A_365 = tpu.memref_slice %arg13[%dma_start3A_363, %dma_start3A_364] : memref<10240x128xf32, #tpu.memory_space<vmem_shared>> -> memref<10240x128xf32, #tpu.memory_space<vmem_shared>>
        tpu.enqueue_indirect_dma source(%arg10 : memref<128x128xf32, #tpu.memory_space<vmem>>) target(%dma_start3A_365 : memref<10240x128xf32, #tpu.memory_space<vmem_shared>>) offsets(%dma_start3A_362 : memref<128xi32, #tpu.memory_space<vmem>>) semaphore(%run_scoped3A_359 : memref<!tpu.dma_semaphore, #tpu.memory_space<semaphore_mem>>) {add = true}
        %dma_wait3A_366 = arith.constant 0 : i32
        %dma_wait3A_367 = tpu.memref_slice %arg8[%run_scoped3A_275, %dma_wait3A_366] : memref<16x128xi32, #tpu.memory_space<vmem>> -> memref<1x128xi32, #tpu.memory_space<vmem>>
        %dma_wait3A_368 = tpu.memref_squeeze %dma_wait3A_367 : memref<1x128xi32, #tpu.memory_space<vmem>> -> memref<128xi32, #tpu.memory_space<vmem>>
        %dma_wait3A_369 = arith.constant 0 : i32
        %dma_wait3A_370 = arith.constant 0 : i32
        %dma_wait3A_371 = tpu.memref_slice %arg13[%dma_wait3A_369, %dma_wait3A_370] : memref<10240x128xf32, #tpu.memory_space<vmem_shared>> -> memref<10240x128xf32, #tpu.memory_space<vmem_shared>>
        tpu.wait_indirect_dma semaphore(%run_scoped3A_359 : memref<!tpu.dma_semaphore, #tpu.memory_space<semaphore_mem>>) src(%arg10 : memref<128x128xf32, #tpu.memory_space<vmem>>) dst(%dma_wait3A_371 : memref<10240x128xf32, #tpu.memory_space<vmem_shared>>)
        tpu.yield
      }) : () -> ()
      %dma_wait3A_276 = arith.constant 10 : i32
      %dma_wait3A_277 = arith.constant 0 : i32
      %dma_wait3A_278 = tpu.memref_slice %arg7[%dma_wait3A_276, %dma_wait3A_277] : memref<16x128xi32, #tpu.memory_space<vmem>> -> memref<1x128xi32, #tpu.memory_space<vmem>>
      %dma_wait3A_279 = tpu.memref_squeeze %dma_wait3A_278 : memref<1x128xi32, #tpu.memory_space<vmem>> -> memref<128xi32, #tpu.memory_space<vmem>>
      %dma_wait3A_280 = arith.constant 0 : i32
      %dma_wait3A_281 = arith.constant 0 : i32
      %dma_wait3A_282 = tpu.memref_slice %arg2[%dma_wait3A_280, %dma_wait3A_281] : memref<10000x128xf32, #tpu.memory_space<hbm>> -> memref<10000x128xf32, #tpu.memory_space<hbm>>
      tpu.wait_indirect_dma semaphore(%arg11 : memref<!tpu.dma_semaphore, #tpu.memory_space<semaphore_mem>>) src(%dma_wait3A_282 : memref<10000x128xf32, #tpu.memory_space<hbm>>) dst(%arg9 : memref<128x128xf32, #tpu.memory_space<vmem>>)
      %dma_start3A_283 = arith.constant 11 : i32
      %dma_start3A_284 = arith.constant 0 : i32
      %dma_start3A_285 = tpu.memref_slice %arg7[%dma_start3A_283, %dma_start3A_284] : memref<16x128xi32, #tpu.memory_space<vmem>> -> memref<1x128xi32, #tpu.memory_space<vmem>>
      %dma_start3A_286 = tpu.memref_squeeze %dma_start3A_285 : memref<1x128xi32, #tpu.memory_space<vmem>> -> memref<128xi32, #tpu.memory_space<vmem>>
      %dma_start3A_287 = arith.constant 0 : i32
      %dma_start3A_288 = arith.constant 0 : i32
      %dma_start3A_289 = tpu.memref_slice %arg2[%dma_start3A_287, %dma_start3A_288] : memref<10000x128xf32, #tpu.memory_space<hbm>> -> memref<10000x128xf32, #tpu.memory_space<hbm>>
      tpu.enqueue_indirect_dma source(%dma_start3A_289 : memref<10000x128xf32, #tpu.memory_space<hbm>>) target(%arg10 : memref<128x128xf32, #tpu.memory_space<vmem>>) offsets(%dma_start3A_286 : memref<128xi32, #tpu.memory_space<vmem>>) semaphore(%arg12 : memref<!tpu.dma_semaphore, #tpu.memory_space<semaphore_mem>>)
      %run_scoped3A_290 = arith.constant 10 : i32
      "tpu.region"() ({
        %run_scoped3A_359 = tpu.sem_alloc : memref<!tpu.dma_semaphore, #tpu.memory_space<semaphore_mem>>
        %dma_start3A_360 = arith.constant 0 : i32
        %dma_start3A_361 = tpu.memref_slice %arg8[%run_scoped3A_290, %dma_start3A_360] : memref<16x128xi32, #tpu.memory_space<vmem>> -> memref<1x128xi32, #tpu.memory_space<vmem>>
        %dma_start3A_362 = tpu.memref_squeeze %dma_start3A_361 : memref<1x128xi32, #tpu.memory_space<vmem>> -> memref<128xi32, #tpu.memory_space<vmem>>
        %dma_start3A_363 = arith.constant 0 : i32
        %dma_start3A_364 = arith.constant 0 : i32
        %dma_start3A_365 = tpu.memref_slice %arg13[%dma_start3A_363, %dma_start3A_364] : memref<10240x128xf32, #tpu.memory_space<vmem_shared>> -> memref<10240x128xf32, #tpu.memory_space<vmem_shared>>
        tpu.enqueue_indirect_dma source(%arg9 : memref<128x128xf32, #tpu.memory_space<vmem>>) target(%dma_start3A_365 : memref<10240x128xf32, #tpu.memory_space<vmem_shared>>) offsets(%dma_start3A_362 : memref<128xi32, #tpu.memory_space<vmem>>) semaphore(%run_scoped3A_359 : memref<!tpu.dma_semaphore, #tpu.memory_space<semaphore_mem>>) {add = true}
        %dma_wait3A_366 = arith.constant 0 : i32
        %dma_wait3A_367 = tpu.memref_slice %arg8[%run_scoped3A_290, %dma_wait3A_366] : memref<16x128xi32, #tpu.memory_space<vmem>> -> memref<1x128xi32, #tpu.memory_space<vmem>>
        %dma_wait3A_368 = tpu.memref_squeeze %dma_wait3A_367 : memref<1x128xi32, #tpu.memory_space<vmem>> -> memref<128xi32, #tpu.memory_space<vmem>>
        %dma_wait3A_369 = arith.constant 0 : i32
        %dma_wait3A_370 = arith.constant 0 : i32
        %dma_wait3A_371 = tpu.memref_slice %arg13[%dma_wait3A_369, %dma_wait3A_370] : memref<10240x128xf32, #tpu.memory_space<vmem_shared>> -> memref<10240x128xf32, #tpu.memory_space<vmem_shared>>
        tpu.wait_indirect_dma semaphore(%run_scoped3A_359 : memref<!tpu.dma_semaphore, #tpu.memory_space<semaphore_mem>>) src(%arg9 : memref<128x128xf32, #tpu.memory_space<vmem>>) dst(%dma_wait3A_371 : memref<10240x128xf32, #tpu.memory_space<vmem_shared>>)
        tpu.yield
      }) : () -> ()
      %dma_wait3A_291 = arith.constant 11 : i32
      %dma_wait3A_292 = arith.constant 0 : i32
      %dma_wait3A_293 = tpu.memref_slice %arg7[%dma_wait3A_291, %dma_wait3A_292] : memref<16x128xi32, #tpu.memory_space<vmem>> -> memref<1x128xi32, #tpu.memory_space<vmem>>
      %dma_wait3A_294 = tpu.memref_squeeze %dma_wait3A_293 : memref<1x128xi32, #tpu.memory_space<vmem>> -> memref<128xi32, #tpu.memory_space<vmem>>
      %dma_wait3A_295 = arith.constant 0 : i32
      %dma_wait3A_296 = arith.constant 0 : i32
      %dma_wait3A_297 = tpu.memref_slice %arg2[%dma_wait3A_295, %dma_wait3A_296] : memref<10000x128xf32, #tpu.memory_space<hbm>> -> memref<10000x128xf32, #tpu.memory_space<hbm>>
      tpu.wait_indirect_dma semaphore(%arg12 : memref<!tpu.dma_semaphore, #tpu.memory_space<semaphore_mem>>) src(%dma_wait3A_297 : memref<10000x128xf32, #tpu.memory_space<hbm>>) dst(%arg10 : memref<128x128xf32, #tpu.memory_space<vmem>>)
      %dma_start3A_298 = arith.constant 12 : i32
      %dma_start3A_299 = arith.constant 0 : i32
      %dma_start3A_300 = tpu.memref_slice %arg7[%dma_start3A_298, %dma_start3A_299] : memref<16x128xi32, #tpu.memory_space<vmem>> -> memref<1x128xi32, #tpu.memory_space<vmem>>
      %dma_start3A_301 = tpu.memref_squeeze %dma_start3A_300 : memref<1x128xi32, #tpu.memory_space<vmem>> -> memref<128xi32, #tpu.memory_space<vmem>>
      %dma_start3A_302 = arith.constant 0 : i32
      %dma_start3A_303 = arith.constant 0 : i32
      %dma_start3A_304 = tpu.memref_slice %arg2[%dma_start3A_302, %dma_start3A_303] : memref<10000x128xf32, #tpu.memory_space<hbm>> -> memref<10000x128xf32, #tpu.memory_space<hbm>>
      tpu.enqueue_indirect_dma source(%dma_start3A_304 : memref<10000x128xf32, #tpu.memory_space<hbm>>) target(%arg9 : memref<128x128xf32, #tpu.memory_space<vmem>>) offsets(%dma_start3A_301 : memref<128xi32, #tpu.memory_space<vmem>>) semaphore(%arg11 : memref<!tpu.dma_semaphore, #tpu.memory_space<semaphore_mem>>)
      %run_scoped3A_305 = arith.constant 11 : i32
      "tpu.region"() ({
        %run_scoped3A_359 = tpu.sem_alloc : memref<!tpu.dma_semaphore, #tpu.memory_space<semaphore_mem>>
        %dma_start3A_360 = arith.constant 0 : i32
        %dma_start3A_361 = tpu.memref_slice %arg8[%run_scoped3A_305, %dma_start3A_360] : memref<16x128xi32, #tpu.memory_space<vmem>> -> memref<1x128xi32, #tpu.memory_space<vmem>>
        %dma_start3A_362 = tpu.memref_squeeze %dma_start3A_361 : memref<1x128xi32, #tpu.memory_space<vmem>> -> memref<128xi32, #tpu.memory_space<vmem>>
        %dma_start3A_363 = arith.constant 0 : i32
        %dma_start3A_364 = arith.constant 0 : i32
        %dma_start3A_365 = tpu.memref_slice %arg13[%dma_start3A_363, %dma_start3A_364] : memref<10240x128xf32, #tpu.memory_space<vmem_shared>> -> memref<10240x128xf32, #tpu.memory_space<vmem_shared>>
        tpu.enqueue_indirect_dma source(%arg10 : memref<128x128xf32, #tpu.memory_space<vmem>>) target(%dma_start3A_365 : memref<10240x128xf32, #tpu.memory_space<vmem_shared>>) offsets(%dma_start3A_362 : memref<128xi32, #tpu.memory_space<vmem>>) semaphore(%run_scoped3A_359 : memref<!tpu.dma_semaphore, #tpu.memory_space<semaphore_mem>>) {add = true}
        %dma_wait3A_366 = arith.constant 0 : i32
        %dma_wait3A_367 = tpu.memref_slice %arg8[%run_scoped3A_305, %dma_wait3A_366] : memref<16x128xi32, #tpu.memory_space<vmem>> -> memref<1x128xi32, #tpu.memory_space<vmem>>
        %dma_wait3A_368 = tpu.memref_squeeze %dma_wait3A_367 : memref<1x128xi32, #tpu.memory_space<vmem>> -> memref<128xi32, #tpu.memory_space<vmem>>
        %dma_wait3A_369 = arith.constant 0 : i32
        %dma_wait3A_370 = arith.constant 0 : i32
        %dma_wait3A_371 = tpu.memref_slice %arg13[%dma_wait3A_369, %dma_wait3A_370] : memref<10240x128xf32, #tpu.memory_space<vmem_shared>> -> memref<10240x128xf32, #tpu.memory_space<vmem_shared>>
        tpu.wait_indirect_dma semaphore(%run_scoped3A_359 : memref<!tpu.dma_semaphore, #tpu.memory_space<semaphore_mem>>) src(%arg10 : memref<128x128xf32, #tpu.memory_space<vmem>>) dst(%dma_wait3A_371 : memref<10240x128xf32, #tpu.memory_space<vmem_shared>>)
        tpu.yield
      }) : () -> ()
      %dma_wait3A_306 = arith.constant 12 : i32
      %dma_wait3A_307 = arith.constant 0 : i32
      %dma_wait3A_308 = tpu.memref_slice %arg7[%dma_wait3A_306, %dma_wait3A_307] : memref<16x128xi32, #tpu.memory_space<vmem>> -> memref<1x128xi32, #tpu.memory_space<vmem>>
      %dma_wait3A_309 = tpu.memref_squeeze %dma_wait3A_308 : memref<1x128xi32, #tpu.memory_space<vmem>> -> memref<128xi32, #tpu.memory_space<vmem>>
      %dma_wait3A_310 = arith.constant 0 : i32
      %dma_wait3A_311 = arith.constant 0 : i32
      %dma_wait3A_312 = tpu.memref_slice %arg2[%dma_wait3A_310, %dma_wait3A_311] : memref<10000x128xf32, #tpu.memory_space<hbm>> -> memref<10000x128xf32, #tpu.memory_space<hbm>>
      tpu.wait_indirect_dma semaphore(%arg11 : memref<!tpu.dma_semaphore, #tpu.memory_space<semaphore_mem>>) src(%dma_wait3A_312 : memref<10000x128xf32, #tpu.memory_space<hbm>>) dst(%arg9 : memref<128x128xf32, #tpu.memory_space<vmem>>)
      %dma_start3A_313 = arith.constant 13 : i32
      %dma_start3A_314 = arith.constant 0 : i32
      %dma_start3A_315 = tpu.memref_slice %arg7[%dma_start3A_313, %dma_start3A_314] : memref<16x128xi32, #tpu.memory_space<vmem>> -> memref<1x128xi32, #tpu.memory_space<vmem>>
      %dma_start3A_316 = tpu.memref_squeeze %dma_start3A_315 : memref<1x128xi32, #tpu.memory_space<vmem>> -> memref<128xi32, #tpu.memory_space<vmem>>
      %dma_start3A_317 = arith.constant 0 : i32
      %dma_start3A_318 = arith.constant 0 : i32
      %dma_start3A_319 = tpu.memref_slice %arg2[%dma_start3A_317, %dma_start3A_318] : memref<10000x128xf32, #tpu.memory_space<hbm>> -> memref<10000x128xf32, #tpu.memory_space<hbm>>
      tpu.enqueue_indirect_dma source(%dma_start3A_319 : memref<10000x128xf32, #tpu.memory_space<hbm>>) target(%arg10 : memref<128x128xf32, #tpu.memory_space<vmem>>) offsets(%dma_start3A_316 : memref<128xi32, #tpu.memory_space<vmem>>) semaphore(%arg12 : memref<!tpu.dma_semaphore, #tpu.memory_space<semaphore_mem>>)
      %run_scoped3A_320 = arith.constant 12 : i32
      "tpu.region"() ({
        %run_scoped3A_359 = tpu.sem_alloc : memref<!tpu.dma_semaphore, #tpu.memory_space<semaphore_mem>>
        %dma_start3A_360 = arith.constant 0 : i32
        %dma_start3A_361 = tpu.memref_slice %arg8[%run_scoped3A_320, %dma_start3A_360] : memref<16x128xi32, #tpu.memory_space<vmem>> -> memref<1x128xi32, #tpu.memory_space<vmem>>
        %dma_start3A_362 = tpu.memref_squeeze %dma_start3A_361 : memref<1x128xi32, #tpu.memory_space<vmem>> -> memref<128xi32, #tpu.memory_space<vmem>>
        %dma_start3A_363 = arith.constant 0 : i32
        %dma_start3A_364 = arith.constant 0 : i32
        %dma_start3A_365 = tpu.memref_slice %arg13[%dma_start3A_363, %dma_start3A_364] : memref<10240x128xf32, #tpu.memory_space<vmem_shared>> -> memref<10240x128xf32, #tpu.memory_space<vmem_shared>>
        tpu.enqueue_indirect_dma source(%arg9 : memref<128x128xf32, #tpu.memory_space<vmem>>) target(%dma_start3A_365 : memref<10240x128xf32, #tpu.memory_space<vmem_shared>>) offsets(%dma_start3A_362 : memref<128xi32, #tpu.memory_space<vmem>>) semaphore(%run_scoped3A_359 : memref<!tpu.dma_semaphore, #tpu.memory_space<semaphore_mem>>) {add = true}
        %dma_wait3A_366 = arith.constant 0 : i32
        %dma_wait3A_367 = tpu.memref_slice %arg8[%run_scoped3A_320, %dma_wait3A_366] : memref<16x128xi32, #tpu.memory_space<vmem>> -> memref<1x128xi32, #tpu.memory_space<vmem>>
        %dma_wait3A_368 = tpu.memref_squeeze %dma_wait3A_367 : memref<1x128xi32, #tpu.memory_space<vmem>> -> memref<128xi32, #tpu.memory_space<vmem>>
        %dma_wait3A_369 = arith.constant 0 : i32
        %dma_wait3A_370 = arith.constant 0 : i32
        %dma_wait3A_371 = tpu.memref_slice %arg13[%dma_wait3A_369, %dma_wait3A_370] : memref<10240x128xf32, #tpu.memory_space<vmem_shared>> -> memref<10240x128xf32, #tpu.memory_space<vmem_shared>>
        tpu.wait_indirect_dma semaphore(%run_scoped3A_359 : memref<!tpu.dma_semaphore, #tpu.memory_space<semaphore_mem>>) src(%arg9 : memref<128x128xf32, #tpu.memory_space<vmem>>) dst(%dma_wait3A_371 : memref<10240x128xf32, #tpu.memory_space<vmem_shared>>)
        tpu.yield
      }) : () -> ()
      %dma_wait3A_321 = arith.constant 13 : i32
      %dma_wait3A_322 = arith.constant 0 : i32
      %dma_wait3A_323 = tpu.memref_slice %arg7[%dma_wait3A_321, %dma_wait3A_322] : memref<16x128xi32, #tpu.memory_space<vmem>> -> memref<1x128xi32, #tpu.memory_space<vmem>>
      %dma_wait3A_324 = tpu.memref_squeeze %dma_wait3A_323 : memref<1x128xi32, #tpu.memory_space<vmem>> -> memref<128xi32, #tpu.memory_space<vmem>>
      %dma_wait3A_325 = arith.constant 0 : i32
      %dma_wait3A_326 = arith.constant 0 : i32
      %dma_wait3A_327 = tpu.memref_slice %arg2[%dma_wait3A_325, %dma_wait3A_326] : memref<10000x128xf32, #tpu.memory_space<hbm>> -> memref<10000x128xf32, #tpu.memory_space<hbm>>
      tpu.wait_indirect_dma semaphore(%arg12 : memref<!tpu.dma_semaphore, #tpu.memory_space<semaphore_mem>>) src(%dma_wait3A_327 : memref<10000x128xf32, #tpu.memory_space<hbm>>) dst(%arg10 : memref<128x128xf32, #tpu.memory_space<vmem>>)
      %dma_start3A_328 = arith.constant 14 : i32
      %dma_start3A_329 = arith.constant 0 : i32
      %dma_start3A_330 = tpu.memref_slice %arg7[%dma_start3A_328, %dma_start3A_329] : memref<16x128xi32, #tpu.memory_space<vmem>> -> memref<1x128xi32, #tpu.memory_space<vmem>>
      %dma_start3A_331 = tpu.memref_squeeze %dma_start3A_330 : memref<1x128xi32, #tpu.memory_space<vmem>> -> memref<128xi32, #tpu.memory_space<vmem>>
      %dma_start3A_332 = arith.constant 0 : i32
      %dma_start3A_333 = arith.constant 0 : i32
      %dma_start3A_334 = tpu.memref_slice %arg2[%dma_start3A_332, %dma_start3A_333] : memref<10000x128xf32, #tpu.memory_space<hbm>> -> memref<10000x128xf32, #tpu.memory_space<hbm>>
      tpu.enqueue_indirect_dma source(%dma_start3A_334 : memref<10000x128xf32, #tpu.memory_space<hbm>>) target(%arg9 : memref<128x128xf32, #tpu.memory_space<vmem>>) offsets(%dma_start3A_331 : memref<128xi32, #tpu.memory_space<vmem>>) semaphore(%arg11 : memref<!tpu.dma_semaphore, #tpu.memory_space<semaphore_mem>>)
      %run_scoped3A_335 = arith.constant 13 : i32
      "tpu.region"() ({
        %run_scoped3A_359 = tpu.sem_alloc : memref<!tpu.dma_semaphore, #tpu.memory_space<semaphore_mem>>
        %dma_start3A_360 = arith.constant 0 : i32
        %dma_start3A_361 = tpu.memref_slice %arg8[%run_scoped3A_335, %dma_start3A_360] : memref<16x128xi32, #tpu.memory_space<vmem>> -> memref<1x128xi32, #tpu.memory_space<vmem>>
        %dma_start3A_362 = tpu.memref_squeeze %dma_start3A_361 : memref<1x128xi32, #tpu.memory_space<vmem>> -> memref<128xi32, #tpu.memory_space<vmem>>
        %dma_start3A_363 = arith.constant 0 : i32
        %dma_start3A_364 = arith.constant 0 : i32
        %dma_start3A_365 = tpu.memref_slice %arg13[%dma_start3A_363, %dma_start3A_364] : memref<10240x128xf32, #tpu.memory_space<vmem_shared>> -> memref<10240x128xf32, #tpu.memory_space<vmem_shared>>
        tpu.enqueue_indirect_dma source(%arg10 : memref<128x128xf32, #tpu.memory_space<vmem>>) target(%dma_start3A_365 : memref<10240x128xf32, #tpu.memory_space<vmem_shared>>) offsets(%dma_start3A_362 : memref<128xi32, #tpu.memory_space<vmem>>) semaphore(%run_scoped3A_359 : memref<!tpu.dma_semaphore, #tpu.memory_space<semaphore_mem>>) {add = true}
        %dma_wait3A_366 = arith.constant 0 : i32
        %dma_wait3A_367 = tpu.memref_slice %arg8[%run_scoped3A_335, %dma_wait3A_366] : memref<16x128xi32, #tpu.memory_space<vmem>> -> memref<1x128xi32, #tpu.memory_space<vmem>>
        %dma_wait3A_368 = tpu.memref_squeeze %dma_wait3A_367 : memref<1x128xi32, #tpu.memory_space<vmem>> -> memref<128xi32, #tpu.memory_space<vmem>>
        %dma_wait3A_369 = arith.constant 0 : i32
        %dma_wait3A_370 = arith.constant 0 : i32
        %dma_wait3A_371 = tpu.memref_slice %arg13[%dma_wait3A_369, %dma_wait3A_370] : memref<10240x128xf32, #tpu.memory_space<vmem_shared>> -> memref<10240x128xf32, #tpu.memory_space<vmem_shared>>
        tpu.wait_indirect_dma semaphore(%run_scoped3A_359 : memref<!tpu.dma_semaphore, #tpu.memory_space<semaphore_mem>>) src(%arg10 : memref<128x128xf32, #tpu.memory_space<vmem>>) dst(%dma_wait3A_371 : memref<10240x128xf32, #tpu.memory_space<vmem_shared>>)
        tpu.yield
      }) : () -> ()
      %dma_wait3A_336 = arith.constant 14 : i32
      %dma_wait3A_337 = arith.constant 0 : i32
      %dma_wait3A_338 = tpu.memref_slice %arg7[%dma_wait3A_336, %dma_wait3A_337] : memref<16x128xi32, #tpu.memory_space<vmem>> -> memref<1x128xi32, #tpu.memory_space<vmem>>
      %dma_wait3A_339 = tpu.memref_squeeze %dma_wait3A_338 : memref<1x128xi32, #tpu.memory_space<vmem>> -> memref<128xi32, #tpu.memory_space<vmem>>
      %dma_wait3A_340 = arith.constant 0 : i32
      %dma_wait3A_341 = arith.constant 0 : i32
      %dma_wait3A_342 = tpu.memref_slice %arg2[%dma_wait3A_340, %dma_wait3A_341] : memref<10000x128xf32, #tpu.memory_space<hbm>> -> memref<10000x128xf32, #tpu.memory_space<hbm>>
      tpu.wait_indirect_dma semaphore(%arg11 : memref<!tpu.dma_semaphore, #tpu.memory_space<semaphore_mem>>) src(%dma_wait3A_342 : memref<10000x128xf32, #tpu.memory_space<hbm>>) dst(%arg9 : memref<128x128xf32, #tpu.memory_space<vmem>>)
      %dma_start3A_343 = arith.constant 15 : i32
      %dma_start3A_344 = arith.constant 0 : i32
      %dma_start3A_345 = tpu.memref_slice %arg7[%dma_start3A_343, %dma_start3A_344] : memref<16x128xi32, #tpu.memory_space<vmem>> -> memref<1x128xi32, #tpu.memory_space<vmem>>
      %dma_start3A_346 = tpu.memref_squeeze %dma_start3A_345 : memref<1x128xi32, #tpu.memory_space<vmem>> -> memref<128xi32, #tpu.memory_space<vmem>>
      %dma_start3A_347 = arith.constant 0 : i32
      %dma_start3A_348 = arith.constant 0 : i32
      %dma_start3A_349 = tpu.memref_slice %arg2[%dma_start3A_347, %dma_start3A_348] : memref<10000x128xf32, #tpu.memory_space<hbm>> -> memref<10000x128xf32, #tpu.memory_space<hbm>>
      tpu.enqueue_indirect_dma source(%dma_start3A_349 : memref<10000x128xf32, #tpu.memory_space<hbm>>) target(%arg10 : memref<128x128xf32, #tpu.memory_space<vmem>>) offsets(%dma_start3A_346 : memref<128xi32, #tpu.memory_space<vmem>>) semaphore(%arg12 : memref<!tpu.dma_semaphore, #tpu.memory_space<semaphore_mem>>)
      %run_scoped3A_350 = arith.constant 14 : i32
      "tpu.region"() ({
        %run_scoped3A_359 = tpu.sem_alloc : memref<!tpu.dma_semaphore, #tpu.memory_space<semaphore_mem>>
        %dma_start3A_360 = arith.constant 0 : i32
        %dma_start3A_361 = tpu.memref_slice %arg8[%run_scoped3A_350, %dma_start3A_360] : memref<16x128xi32, #tpu.memory_space<vmem>> -> memref<1x128xi32, #tpu.memory_space<vmem>>
        %dma_start3A_362 = tpu.memref_squeeze %dma_start3A_361 : memref<1x128xi32, #tpu.memory_space<vmem>> -> memref<128xi32, #tpu.memory_space<vmem>>
        %dma_start3A_363 = arith.constant 0 : i32
        %dma_start3A_364 = arith.constant 0 : i32
        %dma_start3A_365 = tpu.memref_slice %arg13[%dma_start3A_363, %dma_start3A_364] : memref<10240x128xf32, #tpu.memory_space<vmem_shared>> -> memref<10240x128xf32, #tpu.memory_space<vmem_shared>>
        tpu.enqueue_indirect_dma source(%arg9 : memref<128x128xf32, #tpu.memory_space<vmem>>) target(%dma_start3A_365 : memref<10240x128xf32, #tpu.memory_space<vmem_shared>>) offsets(%dma_start3A_362 : memref<128xi32, #tpu.memory_space<vmem>>) semaphore(%run_scoped3A_359 : memref<!tpu.dma_semaphore, #tpu.memory_space<semaphore_mem>>) {add = true}
        %dma_wait3A_366 = arith.constant 0 : i32
        %dma_wait3A_367 = tpu.memref_slice %arg8[%run_scoped3A_350, %dma_wait3A_366] : memref<16x128xi32, #tpu.memory_space<vmem>> -> memref<1x128xi32, #tpu.memory_space<vmem>>
        %dma_wait3A_368 = tpu.memref_squeeze %dma_wait3A_367 : memref<1x128xi32, #tpu.memory_space<vmem>> -> memref<128xi32, #tpu.memory_space<vmem>>
        %dma_wait3A_369 = arith.constant 0 : i32
        %dma_wait3A_370 = arith.constant 0 : i32
        %dma_wait3A_371 = tpu.memref_slice %arg13[%dma_wait3A_369, %dma_wait3A_370] : memref<10240x128xf32, #tpu.memory_space<vmem_shared>> -> memref<10240x128xf32, #tpu.memory_space<vmem_shared>>
        tpu.wait_indirect_dma semaphore(%run_scoped3A_359 : memref<!tpu.dma_semaphore, #tpu.memory_space<semaphore_mem>>) src(%arg9 : memref<128x128xf32, #tpu.memory_space<vmem>>) dst(%dma_wait3A_371 : memref<10240x128xf32, #tpu.memory_space<vmem_shared>>)
        tpu.yield
      }) : () -> ()
      %dma_wait3A_351 = arith.constant 15 : i32
      %dma_wait3A_352 = arith.constant 0 : i32
      %dma_wait3A_353 = tpu.memref_slice %arg7[%dma_wait3A_351, %dma_wait3A_352] : memref<16x128xi32, #tpu.memory_space<vmem>> -> memref<1x128xi32, #tpu.memory_space<vmem>>
      %dma_wait3A_354 = tpu.memref_squeeze %dma_wait3A_353 : memref<1x128xi32, #tpu.memory_space<vmem>> -> memref<128xi32, #tpu.memory_space<vmem>>
      %dma_wait3A_355 = arith.constant 0 : i32
      %dma_wait3A_356 = arith.constant 0 : i32
      %dma_wait3A_357 = tpu.memref_slice %arg2[%dma_wait3A_355, %dma_wait3A_356] : memref<10000x128xf32, #tpu.memory_space<hbm>> -> memref<10000x128xf32, #tpu.memory_space<hbm>>
      tpu.wait_indirect_dma semaphore(%arg12 : memref<!tpu.dma_semaphore, #tpu.memory_space<semaphore_mem>>) src(%dma_wait3A_357 : memref<10000x128xf32, #tpu.memory_space<hbm>>) dst(%arg10 : memref<128x128xf32, #tpu.memory_space<vmem>>)
      %run_scoped3A_358 = arith.constant 15 : i32
      "tpu.region"() ({
        %run_scoped3A_359 = tpu.sem_alloc : memref<!tpu.dma_semaphore, #tpu.memory_space<semaphore_mem>>
        %dma_start3A_360 = arith.constant 0 : i32
        %dma_start3A_361 = tpu.memref_slice %arg8[%run_scoped3A_358, %dma_start3A_360] : memref<16x128xi32, #tpu.memory_space<vmem>> -> memref<1x128xi32, #tpu.memory_space<vmem>>
        %dma_start3A_362 = tpu.memref_squeeze %dma_start3A_361 : memref<1x128xi32, #tpu.memory_space<vmem>> -> memref<128xi32, #tpu.memory_space<vmem>>
        %dma_start3A_363 = arith.constant 0 : i32
        %dma_start3A_364 = arith.constant 0 : i32
        %dma_start3A_365 = tpu.memref_slice %arg13[%dma_start3A_363, %dma_start3A_364] : memref<10240x128xf32, #tpu.memory_space<vmem_shared>> -> memref<10240x128xf32, #tpu.memory_space<vmem_shared>>
        tpu.enqueue_indirect_dma source(%arg10 : memref<128x128xf32, #tpu.memory_space<vmem>>) target(%dma_start3A_365 : memref<10240x128xf32, #tpu.memory_space<vmem_shared>>) offsets(%dma_start3A_362 : memref<128xi32, #tpu.memory_space<vmem>>) semaphore(%run_scoped3A_359 : memref<!tpu.dma_semaphore, #tpu.memory_space<semaphore_mem>>) {add = true}
        %dma_wait3A_366 = arith.constant 0 : i32
        %dma_wait3A_367 = tpu.memref_slice %arg8[%run_scoped3A_358, %dma_wait3A_366] : memref<16x128xi32, #tpu.memory_space<vmem>> -> memref<1x128xi32, #tpu.memory_space<vmem>>
        %dma_wait3A_368 = tpu.memref_squeeze %dma_wait3A_367 : memref<1x128xi32, #tpu.memory_space<vmem>> -> memref<128xi32, #tpu.memory_space<vmem>>
        %dma_wait3A_369 = arith.constant 0 : i32
        %dma_wait3A_370 = arith.constant 0 : i32
        %dma_wait3A_371 = tpu.memref_slice %arg13[%dma_wait3A_369, %dma_wait3A_370] : memref<10240x128xf32, #tpu.memory_space<vmem_shared>> -> memref<10240x128xf32, #tpu.memory_space<vmem_shared>>
        tpu.wait_indirect_dma semaphore(%run_scoped3A_359 : memref<!tpu.dma_semaphore, #tpu.memory_space<semaphore_mem>>) src(%arg10 : memref<128x128xf32, #tpu.memory_space<vmem>>) dst(%dma_wait3A_371 : memref<10240x128xf32, #tpu.memory_space<vmem_shared>>)
        tpu.yield
      }) : () -> ()
    }
    %scan3A_34 = arith.constant 5 : i32
    %barrier3A_35 = arith.constant 0 : index
    tpu.barrier barrier_id(%barrier3A_35)
    %mul3A_36 = arith.constant 640 : i32
    %mul3A_37 = arith.muli %arg1, %mul3A_36 : i32
    %add3A_38 = arith.constant 0 : i32
    %add3A_39 = arith.addi %mul3A_37, %add3A_38 : i32
    "tpu.region"() ({
      %run_scoped3A = tpu.sem_alloc : memref<!tpu.dma_semaphore, #tpu.memory_space<semaphore_mem>>
      %dma_start3A = arith.constant 0 : i32
      %dma_start3A_117 = tpu.memref_slice %arg13[%add3A_39, %dma_start3A] : memref<10240x128xf32, #tpu.memory_space<vmem_shared>> -> memref<128x128xf32, #tpu.memory_space<vmem_shared>>
      %dma_start3A_118 = arith.constant 0 : i32
      %dma_start3A_119 = tpu.memref_slice %arg13[%add3A_39, %dma_start3A_118] : memref<10240x128xf32, #tpu.memory_space<vmem_shared>> -> memref<128x128xf32, #tpu.memory_space<vmem_shared>>
      tpu.enqueue_dma source(%dma_start3A_119 : memref<128x128xf32, #tpu.memory_space<vmem_shared>>) target(%arg9 : memref<128x128xf32, #tpu.memory_space<vmem>>) target_semaphore(%run_scoped3A : memref<!tpu.dma_semaphore, #tpu.memory_space<semaphore_mem>>)
      %dma_wait3A = arith.constant 0 : i32
      %dma_wait3A_120 = tpu.memref_slice %arg13[%add3A_39, %dma_wait3A] : memref<10240x128xf32, #tpu.memory_space<vmem_shared>> -> memref<128x128xf32, #tpu.memory_space<vmem_shared>>
      %dma_wait3A_121 = arith.constant 0 : i32
      %dma_wait3A_122 = tpu.memref_slice %arg13[%add3A_39, %dma_wait3A_121] : memref<10240x128xf32, #tpu.memory_space<vmem_shared>> -> memref<128x128xf32, #tpu.memory_space<vmem_shared>>
      tpu.wait_dma2 semaphore(%run_scoped3A : memref<!tpu.dma_semaphore, #tpu.memory_space<semaphore_mem>>) src(%dma_wait3A_122 : memref<128x128xf32, #tpu.memory_space<vmem_shared>>) dst(%arg9 : memref<128x128xf32, #tpu.memory_space<vmem>>)
      tpu.yield
    }) : () -> ()
    "tpu.region"() ({
      %run_scoped3A = tpu.sem_alloc : memref<!tpu.dma_semaphore, #tpu.memory_space<semaphore_mem>>
      %dma_start3A = arith.constant 0 : i32
      %dma_start3A_117 = tpu.memref_slice %arg5[%arg0, %add3A_39, %dma_start3A] : memref<2x10240x128xf32, #tpu.memory_space<hbm>> -> memref<1x128x128xf32, #tpu.memory_space<hbm>>
      %dma_start3A_118 = tpu.memref_squeeze %dma_start3A_117 : memref<1x128x128xf32, #tpu.memory_space<hbm>> -> memref<128x128xf32, #tpu.memory_space<hbm>>
      %dma_start3A_119 = arith.constant 0 : i32
      %dma_start3A_120 = tpu.memref_slice %arg5[%arg0, %add3A_39, %dma_start3A_119] : memref<2x10240x128xf32, #tpu.memory_space<hbm>> -> memref<1x128x128xf32, #tpu.memory_space<hbm>>
      %dma_start3A_121 = tpu.memref_squeeze %dma_start3A_120 : memref<1x128x128xf32, #tpu.memory_space<hbm>> -> memref<128x128xf32, #tpu.memory_space<hbm>>
      tpu.enqueue_dma source(%arg9 : memref<128x128xf32, #tpu.memory_space<vmem>>) target(%dma_start3A_121 : memref<128x128xf32, #tpu.memory_space<hbm>>) target_semaphore(%run_scoped3A : memref<!tpu.dma_semaphore, #tpu.memory_space<semaphore_mem>>)
      %dma_wait3A = arith.constant 0 : i32
      %dma_wait3A_122 = tpu.memref_slice %arg5[%arg0, %add3A_39, %dma_wait3A] : memref<2x10240x128xf32, #tpu.memory_space<hbm>> -> memref<1x128x128xf32, #tpu.memory_space<hbm>>
      %dma_wait3A_123 = tpu.memref_squeeze %dma_wait3A_122 : memref<1x128x128xf32, #tpu.memory_space<hbm>> -> memref<128x128xf32, #tpu.memory_space<hbm>>
      %dma_wait3A_124 = arith.constant 0 : i32
      %dma_wait3A_125 = tpu.memref_slice %arg5[%arg0, %add3A_39, %dma_wait3A_124] : memref<2x10240x128xf32, #tpu.memory_space<hbm>> -> memref<1x128x128xf32, #tpu.memory_space<hbm>>
      %dma_wait3A_126 = tpu.memref_squeeze %dma_wait3A_125 : memref<1x128x128xf32, #tpu.memory_space<hbm>> -> memref<128x128xf32, #tpu.memory_space<hbm>>
      tpu.wait_dma2 semaphore(%run_scoped3A : memref<!tpu.dma_semaphore, #tpu.memory_space<semaphore_mem>>) src(%arg9 : memref<128x128xf32, #tpu.memory_space<vmem>>) dst(%dma_wait3A_126 : memref<128x128xf32, #tpu.memory_space<hbm>>)
      tpu.yield
    }) : () -> ()
    %mul3A_40 = arith.constant 640 : i32
    %mul3A_41 = arith.muli %arg1, %mul3A_40 : i32
    %add3A_42 = arith.constant 128 : i32
    %add3A_43 = arith.addi %mul3A_41, %add3A_42 : i32
    "tpu.region"() ({
      %run_scoped3A = tpu.sem_alloc : memref<!tpu.dma_semaphore, #tpu.memory_space<semaphore_mem>>
      %dma_start3A = arith.constant 0 : i32
      %dma_start3A_117 = tpu.memref_slice %arg13[%add3A_43, %dma_start3A] : memref<10240x128xf32, #tpu.memory_space<vmem_shared>> -> memref<128x128xf32, #tpu.memory_space<vmem_shared>>
      %dma_start3A_118 = arith.constant 0 : i32
      %dma_start3A_119 = tpu.memref_slice %arg13[%add3A_43, %dma_start3A_118] : memref<10240x128xf32, #tpu.memory_space<vmem_shared>> -> memref<128x128xf32, #tpu.memory_space<vmem_shared>>
      tpu.enqueue_dma source(%dma_start3A_119 : memref<128x128xf32, #tpu.memory_space<vmem_shared>>) target(%arg9 : memref<128x128xf32, #tpu.memory_space<vmem>>) target_semaphore(%run_scoped3A : memref<!tpu.dma_semaphore, #tpu.memory_space<semaphore_mem>>)
      %dma_wait3A = arith.constant 0 : i32
      %dma_wait3A_120 = tpu.memref_slice %arg13[%add3A_43, %dma_wait3A] : memref<10240x128xf32, #tpu.memory_space<vmem_shared>> -> memref<128x128xf32, #tpu.memory_space<vmem_shared>>
      %dma_wait3A_121 = arith.constant 0 : i32
      %dma_wait3A_122 = tpu.memref_slice %arg13[%add3A_43, %dma_wait3A_121] : memref<10240x128xf32, #tpu.memory_space<vmem_shared>> -> memref<128x128xf32, #tpu.memory_space<vmem_shared>>
      tpu.wait_dma2 semaphore(%run_scoped3A : memref<!tpu.dma_semaphore, #tpu.memory_space<semaphore_mem>>) src(%dma_wait3A_122 : memref<128x128xf32, #tpu.memory_space<vmem_shared>>) dst(%arg9 : memref<128x128xf32, #tpu.memory_space<vmem>>)
      tpu.yield
    }) : () -> ()
    "tpu.region"() ({
      %run_scoped3A = tpu.sem_alloc : memref<!tpu.dma_semaphore, #tpu.memory_space<semaphore_mem>>
      %dma_start3A = arith.constant 0 : i32
      %dma_start3A_117 = tpu.memref_slice %arg5[%arg0, %add3A_43, %dma_start3A] : memref<2x10240x128xf32, #tpu.memory_space<hbm>> -> memref<1x128x128xf32, #tpu.memory_space<hbm>>
      %dma_start3A_118 = tpu.memref_squeeze %dma_start3A_117 : memref<1x128x128xf32, #tpu.memory_space<hbm>> -> memref<128x128xf32, #tpu.memory_space<hbm>>
      %dma_start3A_119 = arith.constant 0 : i32
      %dma_start3A_120 = tpu.memref_slice %arg5[%arg0, %add3A_43, %dma_start3A_119] : memref<2x10240x128xf32, #tpu.memory_space<hbm>> -> memref<1x128x128xf32, #tpu.memory_space<hbm>>
      %dma_start3A_121 = tpu.memref_squeeze %dma_start3A_120 : memref<1x128x128xf32, #tpu.memory_space<hbm>> -> memref<128x128xf32, #tpu.memory_space<hbm>>
      tpu.enqueue_dma source(%arg9 : memref<128x128xf32, #tpu.memory_space<vmem>>) target(%dma_start3A_121 : memref<128x128xf32, #tpu.memory_space<hbm>>) target_semaphore(%run_scoped3A : memref<!tpu.dma_semaphore, #tpu.memory_space<semaphore_mem>>)
      %dma_wait3A = arith.constant 0 : i32
      %dma_wait3A_122 = tpu.memref_slice %arg5[%arg0, %add3A_43, %dma_wait3A] : memref<2x10240x128xf32, #tpu.memory_space<hbm>> -> memref<1x128x128xf32, #tpu.memory_space<hbm>>
      %dma_wait3A_123 = tpu.memref_squeeze %dma_wait3A_122 : memref<1x128x128xf32, #tpu.memory_space<hbm>> -> memref<128x128xf32, #tpu.memory_space<hbm>>
      %dma_wait3A_124 = arith.constant 0 : i32
      %dma_wait3A_125 = tpu.memref_slice %arg5[%arg0, %add3A_43, %dma_wait3A_124] : memref<2x10240x128xf32, #tpu.memory_space<hbm>> -> memref<1x128x128xf32, #tpu.memory_space<hbm>>
      %dma_wait3A_126 = tpu.memref_squeeze %dma_wait3A_125 : memref<1x128x128xf32, #tpu.memory_space<hbm>> -> memref<128x128xf32, #tpu.memory_space<hbm>>
      tpu.wait_dma2 semaphore(%run_scoped3A : memref<!tpu.dma_semaphore, #tpu.memory_space<semaphore_mem>>) src(%arg9 : memref<128x128xf32, #tpu.memory_space<vmem>>) dst(%dma_wait3A_126 : memref<128x128xf32, #tpu.memory_space<hbm>>)
      tpu.yield
    }) : () -> ()
    %mul3A_44 = arith.constant 640 : i32
    %mul3A_45 = arith.muli %arg1, %mul3A_44 : i32
    %add3A_46 = arith.constant 256 : i32
    %add3A_47 = arith.addi %mul3A_45, %add3A_46 : i32
    "tpu.region"() ({
      %run_scoped3A = tpu.sem_alloc : memref<!tpu.dma_semaphore, #tpu.memory_space<semaphore_mem>>
      %dma_start3A = arith.constant 0 : i32
      %dma_start3A_117 = tpu.memref_slice %arg13[%add3A_47, %dma_start3A] : memref<10240x128xf32, #tpu.memory_space<vmem_shared>> -> memref<128x128xf32, #tpu.memory_space<vmem_shared>>
      %dma_start3A_118 = arith.constant 0 : i32
      %dma_start3A_119 = tpu.memref_slice %arg13[%add3A_47, %dma_start3A_118] : memref<10240x128xf32, #tpu.memory_space<vmem_shared>> -> memref<128x128xf32, #tpu.memory_space<vmem_shared>>
      tpu.enqueue_dma source(%dma_start3A_119 : memref<128x128xf32, #tpu.memory_space<vmem_shared>>) target(%arg9 : memref<128x128xf32, #tpu.memory_space<vmem>>) target_semaphore(%run_scoped3A : memref<!tpu.dma_semaphore, #tpu.memory_space<semaphore_mem>>)
      %dma_wait3A = arith.constant 0 : i32
      %dma_wait3A_120 = tpu.memref_slice %arg13[%add3A_47, %dma_wait3A] : memref<10240x128xf32, #tpu.memory_space<vmem_shared>> -> memref<128x128xf32, #tpu.memory_space<vmem_shared>>
      %dma_wait3A_121 = arith.constant 0 : i32
      %dma_wait3A_122 = tpu.memref_slice %arg13[%add3A_47, %dma_wait3A_121] : memref<10240x128xf32, #tpu.memory_space<vmem_shared>> -> memref<128x128xf32, #tpu.memory_space<vmem_shared>>
      tpu.wait_dma2 semaphore(%run_scoped3A : memref<!tpu.dma_semaphore, #tpu.memory_space<semaphore_mem>>) src(%dma_wait3A_122 : memref<128x128xf32, #tpu.memory_space<vmem_shared>>) dst(%arg9 : memref<128x128xf32, #tpu.memory_space<vmem>>)
      tpu.yield
    }) : () -> ()
    "tpu.region"() ({
      %run_scoped3A = tpu.sem_alloc : memref<!tpu.dma_semaphore, #tpu.memory_space<semaphore_mem>>
      %dma_start3A = arith.constant 0 : i32
      %dma_start3A_117 = tpu.memref_slice %arg5[%arg0, %add3A_47, %dma_start3A] : memref<2x10240x128xf32, #tpu.memory_space<hbm>> -> memref<1x128x128xf32, #tpu.memory_space<hbm>>
      %dma_start3A_118 = tpu.memref_squeeze %dma_start3A_117 : memref<1x128x128xf32, #tpu.memory_space<hbm>> -> memref<128x128xf32, #tpu.memory_space<hbm>>
      %dma_start3A_119 = arith.constant 0 : i32
      %dma_start3A_120 = tpu.memref_slice %arg5[%arg0, %add3A_47, %dma_start3A_119] : memref<2x10240x128xf32, #tpu.memory_space<hbm>> -> memref<1x128x128xf32, #tpu.memory_space<hbm>>
      %dma_start3A_121 = tpu.memref_squeeze %dma_start3A_120 : memref<1x128x128xf32, #tpu.memory_space<hbm>> -> memref<128x128xf32, #tpu.memory_space<hbm>>
      tpu.enqueue_dma source(%arg9 : memref<128x128xf32, #tpu.memory_space<vmem>>) target(%dma_start3A_121 : memref<128x128xf32, #tpu.memory_space<hbm>>) target_semaphore(%run_scoped3A : memref<!tpu.dma_semaphore, #tpu.memory_space<semaphore_mem>>)
      %dma_wait3A = arith.constant 0 : i32
      %dma_wait3A_122 = tpu.memref_slice %arg5[%arg0, %add3A_47, %dma_wait3A] : memref<2x10240x128xf32, #tpu.memory_space<hbm>> -> memref<1x128x128xf32, #tpu.memory_space<hbm>>
      %dma_wait3A_123 = tpu.memref_squeeze %dma_wait3A_122 : memref<1x128x128xf32, #tpu.memory_space<hbm>> -> memref<128x128xf32, #tpu.memory_space<hbm>>
      %dma_wait3A_124 = arith.constant 0 : i32
      %dma_wait3A_125 = tpu.memref_slice %arg5[%arg0, %add3A_47, %dma_wait3A_124] : memref<2x10240x128xf32, #tpu.memory_space<hbm>> -> memref<1x128x128xf32, #tpu.memory_space<hbm>>
      %dma_wait3A_126 = tpu.memref_squeeze %dma_wait3A_125 : memref<1x128x128xf32, #tpu.memory_space<hbm>> -> memref<128x128xf32, #tpu.memory_space<hbm>>
      tpu.wait_dma2 semaphore(%run_scoped3A : memref<!tpu.dma_semaphore, #tpu.memory_space<semaphore_mem>>) src(%arg9 : memref<128x128xf32, #tpu.memory_space<vmem>>) dst(%dma_wait3A_126 : memref<128x128xf32, #tpu.memory_space<hbm>>)
      tpu.yield
    }) : () -> ()
    %mul3A_48 = arith.constant 640 : i32
    %mul3A_49 = arith.muli %arg1, %mul3A_48 : i32
    %add3A_50 = arith.constant 384 : i32
    %add3A_51 = arith.addi %mul3A_49, %add3A_50 : i32
    "tpu.region"() ({
      %run_scoped3A = tpu.sem_alloc : memref<!tpu.dma_semaphore, #tpu.memory_space<semaphore_mem>>
      %dma_start3A = arith.constant 0 : i32
      %dma_start3A_117 = tpu.memref_slice %arg13[%add3A_51, %dma_start3A] : memref<10240x128xf32, #tpu.memory_space<vmem_shared>> -> memref<128x128xf32, #tpu.memory_space<vmem_shared>>
      %dma_start3A_118 = arith.constant 0 : i32
      %dma_start3A_119 = tpu.memref_slice %arg13[%add3A_51, %dma_start3A_118] : memref<10240x128xf32, #tpu.memory_space<vmem_shared>> -> memref<128x128xf32, #tpu.memory_space<vmem_shared>>
      tpu.enqueue_dma source(%dma_start3A_119 : memref<128x128xf32, #tpu.memory_space<vmem_shared>>) target(%arg9 : memref<128x128xf32, #tpu.memory_space<vmem>>) target_semaphore(%run_scoped3A : memref<!tpu.dma_semaphore, #tpu.memory_space<semaphore_mem>>)
      %dma_wait3A = arith.constant 0 : i32
      %dma_wait3A_120 = tpu.memref_slice %arg13[%add3A_51, %dma_wait3A] : memref<10240x128xf32, #tpu.memory_space<vmem_shared>> -> memref<128x128xf32, #tpu.memory_space<vmem_shared>>
      %dma_wait3A_121 = arith.constant 0 : i32
      %dma_wait3A_122 = tpu.memref_slice %arg13[%add3A_51, %dma_wait3A_121] : memref<10240x128xf32, #tpu.memory_space<vmem_shared>> -> memref<128x128xf32, #tpu.memory_space<vmem_shared>>
      tpu.wait_dma2 semaphore(%run_scoped3A : memref<!tpu.dma_semaphore, #tpu.memory_space<semaphore_mem>>) src(%dma_wait3A_122 : memref<128x128xf32, #tpu.memory_space<vmem_shared>>) dst(%arg9 : memref<128x128xf32, #tpu.memory_space<vmem>>)
      tpu.yield
    }) : () -> ()
    "tpu.region"() ({
      %run_scoped3A = tpu.sem_alloc : memref<!tpu.dma_semaphore, #tpu.memory_space<semaphore_mem>>
      %dma_start3A = arith.constant 0 : i32
      %dma_start3A_117 = tpu.memref_slice %arg5[%arg0, %add3A_51, %dma_start3A] : memref<2x10240x128xf32, #tpu.memory_space<hbm>> -> memref<1x128x128xf32, #tpu.memory_space<hbm>>
      %dma_start3A_118 = tpu.memref_squeeze %dma_start3A_117 : memref<1x128x128xf32, #tpu.memory_space<hbm>> -> memref<128x128xf32, #tpu.memory_space<hbm>>
      %dma_start3A_119 = arith.constant 0 : i32
      %dma_start3A_120 = tpu.memref_slice %arg5[%arg0, %add3A_51, %dma_start3A_119] : memref<2x10240x128xf32, #tpu.memory_space<hbm>> -> memref<1x128x128xf32, #tpu.memory_space<hbm>>
      %dma_start3A_121 = tpu.memref_squeeze %dma_start3A_120 : memref<1x128x128xf32, #tpu.memory_space<hbm>> -> memref<128x128xf32, #tpu.memory_space<hbm>>
      tpu.enqueue_dma source(%arg9 : memref<128x128xf32, #tpu.memory_space<vmem>>) target(%dma_start3A_121 : memref<128x128xf32, #tpu.memory_space<hbm>>) target_semaphore(%run_scoped3A : memref<!tpu.dma_semaphore, #tpu.memory_space<semaphore_mem>>)
      %dma_wait3A = arith.constant 0 : i32
      %dma_wait3A_122 = tpu.memref_slice %arg5[%arg0, %add3A_51, %dma_wait3A] : memref<2x10240x128xf32, #tpu.memory_space<hbm>> -> memref<1x128x128xf32, #tpu.memory_space<hbm>>
      %dma_wait3A_123 = tpu.memref_squeeze %dma_wait3A_122 : memref<1x128x128xf32, #tpu.memory_space<hbm>> -> memref<128x128xf32, #tpu.memory_space<hbm>>
      %dma_wait3A_124 = arith.constant 0 : i32
      %dma_wait3A_125 = tpu.memref_slice %arg5[%arg0, %add3A_51, %dma_wait3A_124] : memref<2x10240x128xf32, #tpu.memory_space<hbm>> -> memref<1x128x128xf32, #tpu.memory_space<hbm>>
      %dma_wait3A_126 = tpu.memref_squeeze %dma_wait3A_125 : memref<1x128x128xf32, #tpu.memory_space<hbm>> -> memref<128x128xf32, #tpu.memory_space<hbm>>
      tpu.wait_dma2 semaphore(%run_scoped3A : memref<!tpu.dma_semaphore, #tpu.memory_space<semaphore_mem>>) src(%arg9 : memref<128x128xf32, #tpu.memory_space<vmem>>) dst(%dma_wait3A_126 : memref<128x128xf32, #tpu.memory_space<hbm>>)
      tpu.yield
    }) : () -> ()
    %mul3A_52 = arith.constant 640 : i32
    %mul3A_53 = arith.muli %arg1, %mul3A_52 : i32
    %add3A_54 = arith.constant 512 : i32
    %add3A_55 = arith.addi %mul3A_53, %add3A_54 : i32
    "tpu.region"() ({
      %run_scoped3A = tpu.sem_alloc : memref<!tpu.dma_semaphore, #tpu.memory_space<semaphore_mem>>
      %dma_start3A = arith.constant 0 : i32
      %dma_start3A_117 = tpu.memref_slice %arg13[%add3A_55, %dma_start3A] : memref<10240x128xf32, #tpu.memory_space<vmem_shared>> -> memref<128x128xf32, #tpu.memory_space<vmem_shared>>
      %dma_start3A_118 = arith.constant 0 : i32
      %dma_start3A_119 = tpu.memref_slice %arg13[%add3A_55, %dma_start3A_118] : memref<10240x128xf32, #tpu.memory_space<vmem_shared>> -> memref<128x128xf32, #tpu.memory_space<vmem_shared>>
      tpu.enqueue_dma source(%dma_start3A_119 : memref<128x128xf32, #tpu.memory_space<vmem_shared>>) target(%arg9 : memref<128x128xf32, #tpu.memory_space<vmem>>) target_semaphore(%run_scoped3A : memref<!tpu.dma_semaphore, #tpu.memory_space<semaphore_mem>>)
      %dma_wait3A = arith.constant 0 : i32
      %dma_wait3A_120 = tpu.memref_slice %arg13[%add3A_55, %dma_wait3A] : memref<10240x128xf32, #tpu.memory_space<vmem_shared>> -> memref<128x128xf32, #tpu.memory_space<vmem_shared>>
      %dma_wait3A_121 = arith.constant 0 : i32
      %dma_wait3A_122 = tpu.memref_slice %arg13[%add3A_55, %dma_wait3A_121] : memref<10240x128xf32, #tpu.memory_space<vmem_shared>> -> memref<128x128xf32, #tpu.memory_space<vmem_shared>>
      tpu.wait_dma2 semaphore(%run_scoped3A : memref<!tpu.dma_semaphore, #tpu.memory_space<semaphore_mem>>) src(%dma_wait3A_122 : memref<128x128xf32, #tpu.memory_space<vmem_shared>>) dst(%arg9 : memref<128x128xf32, #tpu.memory_space<vmem>>)
      tpu.yield
    }) : () -> ()
    "tpu.region"() ({
      %run_scoped3A = tpu.sem_alloc : memref<!tpu.dma_semaphore, #tpu.memory_space<semaphore_mem>>
      %dma_start3A = arith.constant 0 : i32
      %dma_start3A_117 = tpu.memref_slice %arg5[%arg0, %add3A_55, %dma_start3A] : memref<2x10240x128xf32, #tpu.memory_space<hbm>> -> memref<1x128x128xf32, #tpu.memory_space<hbm>>
      %dma_start3A_118 = tpu.memref_squeeze %dma_start3A_117 : memref<1x128x128xf32, #tpu.memory_space<hbm>> -> memref<128x128xf32, #tpu.memory_space<hbm>>
      %dma_start3A_119 = arith.constant 0 : i32
      %dma_start3A_120 = tpu.memref_slice %arg5[%arg0, %add3A_55, %dma_start3A_119] : memref<2x10240x128xf32, #tpu.memory_space<hbm>> -> memref<1x128x128xf32, #tpu.memory_space<hbm>>
      %dma_start3A_121 = tpu.memref_squeeze %dma_start3A_120 : memref<1x128x128xf32, #tpu.memory_space<hbm>> -> memref<128x128xf32, #tpu.memory_space<hbm>>
      tpu.enqueue_dma source(%arg9 : memref<128x128xf32, #tpu.memory_space<vmem>>) target(%dma_start3A_121 : memref<128x128xf32, #tpu.memory_space<hbm>>) target_semaphore(%run_scoped3A : memref<!tpu.dma_semaphore, #tpu.memory_space<semaphore_mem>>)
      %dma_wait3A = arith.constant 0 : i32
      %dma_wait3A_122 = tpu.memref_slice %arg5[%arg0, %add3A_55, %dma_wait3A] : memref<2x10240x128xf32, #tpu.memory_space<hbm>> -> memref<1x128x128xf32, #tpu.memory_space<hbm>>
      %dma_wait3A_123 = tpu.memref_squeeze %dma_wait3A_122 : memref<1x128x128xf32, #tpu.memory_space<hbm>> -> memref<128x128xf32, #tpu.memory_space<hbm>>
      %dma_wait3A_124 = arith.constant 0 : i32
      %dma_wait3A_125 = tpu.memref_slice %arg5[%arg0, %add3A_55, %dma_wait3A_124] : memref<2x10240x128xf32, #tpu.memory_space<hbm>> -> memref<1x128x128xf32, #tpu.memory_space<hbm>>
      %dma_wait3A_126 = tpu.memref_squeeze %dma_wait3A_125 : memref<1x128x128xf32, #tpu.memory_space<hbm>> -> memref<128x128xf32, #tpu.memory_space<hbm>>
      tpu.wait_dma2 semaphore(%run_scoped3A : memref<!tpu.dma_semaphore, #tpu.memory_space<semaphore_mem>>) src(%arg9 : memref<128x128xf32, #tpu.memory_space<vmem>>) dst(%dma_wait3A_126 : memref<128x128xf32, #tpu.memory_space<hbm>>)
      tpu.yield
    }) : () -> ()
    %barrier3A_56 = arith.constant 0 : index
    tpu.barrier barrier_id(%barrier3A_56)
    %scan3A_57 = arith.constant 0 : i32
    %scan3A_58 = arith.constant 0 : i32
    %scan3A_59 = arith.constant 128 : i32
    %scan3A_60 = arith.addi %scan3A_58, %scan3A_59 : i32
    %scan3A_61 = arith.constant 1 : i32
    scf.for %scan3A_117 = %scan3A_58 to %scan3A_60 step %scan3A_61  : i32 {
      %swap3A = arith.index_cast %scan3A_117 : i32 to index
      %swap3A_118 = arith.constant 0 : index
      %swap3A_119 = tpu.vector_load %arg9[%swap3A, %swap3A_118] {strides = array<i32>} : memref<128x128xf32, #tpu.memory_space<vmem>>, vector<1x16xf32>,
      %swap3A_120 = vector.shape_cast %swap3A_119 : vector<1x16xf32> to vector<16xf32>
      %swap3A_121 = vector.shape_cast %broadcast_in_dim3A_1 : vector<16xf32> to vector<1x16xf32>
      tpu.vector_store %arg9[%swap3A, %swap3A_118], %swap3A_121 {strides = array<i32>} : memref<128x128xf32, #tpu.memory_space<vmem>>, vector<1x16xf32>,
      %swap3A_122 = arith.index_cast %scan3A_117 : i32 to index
      %swap3A_123 = arith.constant 16 : index
      %swap3A_124 = tpu.vector_load %arg9[%swap3A_122, %swap3A_123] {strides = array<i32>} : memref<128x128xf32, #tpu.memory_space<vmem>>, vector<1x16xf32>,
      %swap3A_125 = vector.shape_cast %swap3A_124 : vector<1x16xf32> to vector<16xf32>
      %swap3A_126 = vector.shape_cast %broadcast_in_dim3A_1 : vector<16xf32> to vector<1x16xf32>
      tpu.vector_store %arg9[%swap3A_122, %swap3A_123], %swap3A_126 {strides = array<i32>} : memref<128x128xf32, #tpu.memory_space<vmem>>, vector<1x16xf32>,
      %swap3A_127 = arith.index_cast %scan3A_117 : i32 to index
      %swap3A_128 = arith.constant 32 : index
      %swap3A_129 = tpu.vector_load %arg9[%swap3A_127, %swap3A_128] {strides = array<i32>} : memref<128x128xf32, #tpu.memory_space<vmem>>, vector<1x16xf32>,
      %swap3A_130 = vector.shape_cast %swap3A_129 : vector<1x16xf32> to vector<16xf32>
      %swap3A_131 = vector.shape_cast %broadcast_in_dim3A_1 : vector<16xf32> to vector<1x16xf32>
      tpu.vector_store %arg9[%swap3A_127, %swap3A_128], %swap3A_131 {strides = array<i32>} : memref<128x128xf32, #tpu.memory_space<vmem>>, vector<1x16xf32>,
      %swap3A_132 = arith.index_cast %scan3A_117 : i32 to index
      %swap3A_133 = arith.constant 48 : index
      %swap3A_134 = tpu.vector_load %arg9[%swap3A_132, %swap3A_133] {strides = array<i32>} : memref<128x128xf32, #tpu.memory_space<vmem>>, vector<1x16xf32>,
      %swap3A_135 = vector.shape_cast %swap3A_134 : vector<1x16xf32> to vector<16xf32>
      %swap3A_136 = vector.shape_cast %broadcast_in_dim3A_1 : vector<16xf32> to vector<1x16xf32>
      tpu.vector_store %arg9[%swap3A_132, %swap3A_133], %swap3A_136 {strides = array<i32>} : memref<128x128xf32, #tpu.memory_space<vmem>>, vector<1x16xf32>,
      %swap3A_137 = arith.index_cast %scan3A_117 : i32 to index
      %swap3A_138 = arith.constant 64 : index
      %swap3A_139 = tpu.vector_load %arg9[%swap3A_137, %swap3A_138] {strides = array<i32>} : memref<128x128xf32, #tpu.memory_space<vmem>>, vector<1x16xf32>,
      %swap3A_140 = vector.shape_cast %swap3A_139 : vector<1x16xf32> to vector<16xf32>
      %swap3A_141 = vector.shape_cast %broadcast_in_dim3A_1 : vector<16xf32> to vector<1x16xf32>
      tpu.vector_store %arg9[%swap3A_137, %swap3A_138], %swap3A_141 {strides = array<i32>} : memref<128x128xf32, #tpu.memory_space<vmem>>, vector<1x16xf32>,
      %swap3A_142 = arith.index_cast %scan3A_117 : i32 to index
      %swap3A_143 = arith.constant 80 : index
      %swap3A_144 = tpu.vector_load %arg9[%swap3A_142, %swap3A_143] {strides = array<i32>} : memref<128x128xf32, #tpu.memory_space<vmem>>, vector<1x16xf32>,
      %swap3A_145 = vector.shape_cast %swap3A_144 : vector<1x16xf32> to vector<16xf32>
      %swap3A_146 = vector.shape_cast %broadcast_in_dim3A_1 : vector<16xf32> to vector<1x16xf32>
      tpu.vector_store %arg9[%swap3A_142, %swap3A_143], %swap3A_146 {strides = array<i32>} : memref<128x128xf32, #tpu.memory_space<vmem>>, vector<1x16xf32>,
      %swap3A_147 = arith.index_cast %scan3A_117 : i32 to index
      %swap3A_148 = arith.constant 96 : index
      %swap3A_149 = tpu.vector_load %arg9[%swap3A_147, %swap3A_148] {strides = array<i32>} : memref<128x128xf32, #tpu.memory_space<vmem>>, vector<1x16xf32>,
      %swap3A_150 = vector.shape_cast %swap3A_149 : vector<1x16xf32> to vector<16xf32>
      %swap3A_151 = vector.shape_cast %broadcast_in_dim3A_1 : vector<16xf32> to vector<1x16xf32>
      tpu.vector_store %arg9[%swap3A_147, %swap3A_148], %swap3A_151 {strides = array<i32>} : memref<128x128xf32, #tpu.memory_space<vmem>>, vector<1x16xf32>,
      %swap3A_152 = arith.index_cast %scan3A_117 : i32 to index
      %swap3A_153 = arith.constant 112 : index
      %swap3A_154 = tpu.vector_load %arg9[%swap3A_152, %swap3A_153] {strides = array<i32>} : memref<128x128xf32, #tpu.memory_space<vmem>>, vector<1x16xf32>,
      %swap3A_155 = vector.shape_cast %swap3A_154 : vector<1x16xf32> to vector<16xf32>
      %swap3A_156 = vector.shape_cast %broadcast_in_dim3A_1 : vector<16xf32> to vector<1x16xf32>
      tpu.vector_store %arg9[%swap3A_152, %swap3A_153], %swap3A_156 {strides = array<i32>} : memref<128x128xf32, #tpu.memory_space<vmem>>, vector<1x16xf32>,
    }
    %scan3A_62 = arith.constant 128 : i32
    %mul3A_63 = arith.constant 640 : i32
    %mul3A_64 = arith.muli %arg1, %mul3A_63 : i32
    %add3A_65 = arith.constant 0 : i32
    %add3A_66 = arith.addi %mul3A_64, %add3A_65 : i32
    "tpu.region"() ({
      %run_scoped3A = tpu.sem_alloc : memref<!tpu.dma_semaphore, #tpu.memory_space<semaphore_mem>>
      %dma_start3A = arith.constant 0 : i32
      %dma_start3A_117 = tpu.memref_slice %arg13[%add3A_66, %dma_start3A] : memref<10240x128xf32, #tpu.memory_space<vmem_shared>> -> memref<128x128xf32, #tpu.memory_space<vmem_shared>>
      %dma_start3A_118 = arith.constant 0 : i32
      %dma_start3A_119 = tpu.memref_slice %arg13[%add3A_66, %dma_start3A_118] : memref<10240x128xf32, #tpu.memory_space<vmem_shared>> -> memref<128x128xf32, #tpu.memory_space<vmem_shared>>
      tpu.enqueue_dma source(%arg9 : memref<128x128xf32, #tpu.memory_space<vmem>>) target(%dma_start3A_119 : memref<128x128xf32, #tpu.memory_space<vmem_shared>>) target_semaphore(%run_scoped3A : memref<!tpu.dma_semaphore, #tpu.memory_space<semaphore_mem>>)
      %dma_wait3A = arith.constant 0 : i32
      %dma_wait3A_120 = tpu.memref_slice %arg13[%add3A_66, %dma_wait3A] : memref<10240x128xf32, #tpu.memory_space<vmem_shared>> -> memref<128x128xf32, #tpu.memory_space<vmem_shared>>
      %dma_wait3A_121 = arith.constant 0 : i32
      %dma_wait3A_122 = tpu.memref_slice %arg13[%add3A_66, %dma_wait3A_121] : memref<10240x128xf32, #tpu.memory_space<vmem_shared>> -> memref<128x128xf32, #tpu.memory_space<vmem_shared>>
      tpu.wait_dma2 semaphore(%run_scoped3A : memref<!tpu.dma_semaphore, #tpu.memory_space<semaphore_mem>>) src(%arg9 : memref<128x128xf32, #tpu.memory_space<vmem>>) dst(%dma_wait3A_122 : memref<128x128xf32, #tpu.memory_space<vmem_shared>>)
      tpu.yield
    }) : () -> ()
    %mul3A_67 = arith.constant 640 : i32
    %mul3A_68 = arith.muli %arg1, %mul3A_67 : i32
    %add3A_69 = arith.constant 128 : i32
    %add3A_70 = arith.addi %mul3A_68, %add3A_69 : i32
    "tpu.region"() ({
      %run_scoped3A = tpu.sem_alloc : memref<!tpu.dma_semaphore, #tpu.memory_space<semaphore_mem>>
      %dma_start3A = arith.constant 0 : i32
      %dma_start3A_117 = tpu.memref_slice %arg13[%add3A_70, %dma_start3A] : memref<10240x128xf32, #tpu.memory_space<vmem_shared>> -> memref<128x128xf32, #tpu.memory_space<vmem_shared>>
      %dma_start3A_118 = arith.constant 0 : i32
      %dma_start3A_119 = tpu.memref_slice %arg13[%add3A_70, %dma_start3A_118] : memref<10240x128xf32, #tpu.memory_space<vmem_shared>> -> memref<128x128xf32, #tpu.memory_space<vmem_shared>>
      tpu.enqueue_dma source(%arg9 : memref<128x128xf32, #tpu.memory_space<vmem>>) target(%dma_start3A_119 : memref<128x128xf32, #tpu.memory_space<vmem_shared>>) target_semaphore(%run_scoped3A : memref<!tpu.dma_semaphore, #tpu.memory_space<semaphore_mem>>)
      %dma_wait3A = arith.constant 0 : i32
      %dma_wait3A_120 = tpu.memref_slice %arg13[%add3A_70, %dma_wait3A] : memref<10240x128xf32, #tpu.memory_space<vmem_shared>> -> memref<128x128xf32, #tpu.memory_space<vmem_shared>>
      %dma_wait3A_121 = arith.constant 0 : i32
      %dma_wait3A_122 = tpu.memref_slice %arg13[%add3A_70, %dma_wait3A_121] : memref<10240x128xf32, #tpu.memory_space<vmem_shared>> -> memref<128x128xf32, #tpu.memory_space<vmem_shared>>
      tpu.wait_dma2 semaphore(%run_scoped3A : memref<!tpu.dma_semaphore, #tpu.memory_space<semaphore_mem>>) src(%arg9 : memref<128x128xf32, #tpu.memory_space<vmem>>) dst(%dma_wait3A_122 : memref<128x128xf32, #tpu.memory_space<vmem_shared>>)
      tpu.yield
    }) : () -> ()
    %mul3A_71 = arith.constant 640 : i32
    %mul3A_72 = arith.muli %arg1, %mul3A_71 : i32
    %add3A_73 = arith.constant 256 : i32
    %add3A_74 = arith.addi %mul3A_72, %add3A_73 : i32
    "tpu.region"() ({
      %run_scoped3A = tpu.sem_alloc : memref<!tpu.dma_semaphore, #tpu.memory_space<semaphore_mem>>
      %dma_start3A = arith.constant 0 : i32
      %dma_start3A_117 = tpu.memref_slice %arg13[%add3A_74, %dma_start3A] : memref<10240x128xf32, #tpu.memory_space<vmem_shared>> -> memref<128x128xf32, #tpu.memory_space<vmem_shared>>
      %dma_start3A_118 = arith.constant 0 : i32
      %dma_start3A_119 = tpu.memref_slice %arg13[%add3A_74, %dma_start3A_118] : memref<10240x128xf32, #tpu.memory_space<vmem_shared>> -> memref<128x128xf32, #tpu.memory_space<vmem_shared>>
      tpu.enqueue_dma source(%arg9 : memref<128x128xf32, #tpu.memory_space<vmem>>) target(%dma_start3A_119 : memref<128x128xf32, #tpu.memory_space<vmem_shared>>) target_semaphore(%run_scoped3A : memref<!tpu.dma_semaphore, #tpu.memory_space<semaphore_mem>>)
      %dma_wait3A = arith.constant 0 : i32
      %dma_wait3A_120 = tpu.memref_slice %arg13[%add3A_74, %dma_wait3A] : memref<10240x128xf32, #tpu.memory_space<vmem_shared>> -> memref<128x128xf32, #tpu.memory_space<vmem_shared>>
      %dma_wait3A_121 = arith.constant 0 : i32
      %dma_wait3A_122 = tpu.memref_slice %arg13[%add3A_74, %dma_wait3A_121] : memref<10240x128xf32, #tpu.memory_space<vmem_shared>> -> memref<128x128xf32, #tpu.memory_space<vmem_shared>>
      tpu.wait_dma2 semaphore(%run_scoped3A : memref<!tpu.dma_semaphore, #tpu.memory_space<semaphore_mem>>) src(%arg9 : memref<128x128xf32, #tpu.memory_space<vmem>>) dst(%dma_wait3A_122 : memref<128x128xf32, #tpu.memory_space<vmem_shared>>)
      tpu.yield
    }) : () -> ()
    %mul3A_75 = arith.constant 640 : i32
    %mul3A_76 = arith.muli %arg1, %mul3A_75 : i32
    %add3A_77 = arith.constant 384 : i32
    %add3A_78 = arith.addi %mul3A_76, %add3A_77 : i32
    "tpu.region"() ({
      %run_scoped3A = tpu.sem_alloc : memref<!tpu.dma_semaphore, #tpu.memory_space<semaphore_mem>>
      %dma_start3A = arith.constant 0 : i32
      %dma_start3A_117 = tpu.memref_slice %arg13[%add3A_78, %dma_start3A] : memref<10240x128xf32, #tpu.memory_space<vmem_shared>> -> memref<128x128xf32, #tpu.memory_space<vmem_shared>>
      %dma_start3A_118 = arith.constant 0 : i32
      %dma_start3A_119 = tpu.memref_slice %arg13[%add3A_78, %dma_start3A_118] : memref<10240x128xf32, #tpu.memory_space<vmem_shared>> -> memref<128x128xf32, #tpu.memory_space<vmem_shared>>
      tpu.enqueue_dma source(%arg9 : memref<128x128xf32, #tpu.memory_space<vmem>>) target(%dma_start3A_119 : memref<128x128xf32, #tpu.memory_space<vmem_shared>>) target_semaphore(%run_scoped3A : memref<!tpu.dma_semaphore, #tpu.memory_space<semaphore_mem>>)
      %dma_wait3A = arith.constant 0 : i32
      %dma_wait3A_120 = tpu.memref_slice %arg13[%add3A_78, %dma_wait3A] : memref<10240x128xf32, #tpu.memory_space<vmem_shared>> -> memref<128x128xf32, #tpu.memory_space<vmem_shared>>
      %dma_wait3A_121 = arith.constant 0 : i32
      %dma_wait3A_122 = tpu.memref_slice %arg13[%add3A_78, %dma_wait3A_121] : memref<10240x128xf32, #tpu.memory_space<vmem_shared>> -> memref<128x128xf32, #tpu.memory_space<vmem_shared>>
      tpu.wait_dma2 semaphore(%run_scoped3A : memref<!tpu.dma_semaphore, #tpu.memory_space<semaphore_mem>>) src(%arg9 : memref<128x128xf32, #tpu.memory_space<vmem>>) dst(%dma_wait3A_122 : memref<128x128xf32, #tpu.memory_space<vmem_shared>>)
      tpu.yield
    }) : () -> ()
    %mul3A_79 = arith.constant 640 : i32
    %mul3A_80 = arith.muli %arg1, %mul3A_79 : i32
    %add3A_81 = arith.constant 512 : i32
    %add3A_82 = arith.addi %mul3A_80, %add3A_81 : i32
    "tpu.region"() ({
      %run_scoped3A = tpu.sem_alloc : memref<!tpu.dma_semaphore, #tpu.memory_space<semaphore_mem>>
      %dma_start3A = arith.constant 0 : i32
      %dma_start3A_117 = tpu.memref_slice %arg13[%add3A_82, %dma_start3A] : memref<10240x128xf32, #tpu.memory_space<vmem_shared>> -> memref<128x128xf32, #tpu.memory_space<vmem_shared>>
      %dma_start3A_118 = arith.constant 0 : i32
      %dma_start3A_119 = tpu.memref_slice %arg13[%add3A_82, %dma_start3A_118] : memref<10240x128xf32, #tpu.memory_space<vmem_shared>> -> memref<128x128xf32, #tpu.memory_space<vmem_shared>>
      tpu.enqueue_dma source(%arg9 : memref<128x128xf32, #tpu.memory_space<vmem>>) target(%dma_start3A_119 : memref<128x128xf32, #tpu.memory_space<vmem_shared>>) target_semaphore(%run_scoped3A : memref<!tpu.dma_semaphore, #tpu.memory_space<semaphore_mem>>)
      %dma_wait3A = arith.constant 0 : i32
      %dma_wait3A_120 = tpu.memref_slice %arg13[%add3A_82, %dma_wait3A] : memref<10240x128xf32, #tpu.memory_space<vmem_shared>> -> memref<128x128xf32, #tpu.memory_space<vmem_shared>>
      %dma_wait3A_121 = arith.constant 0 : i32
      %dma_wait3A_122 = tpu.memref_slice %arg13[%add3A_82, %dma_wait3A_121] : memref<10240x128xf32, #tpu.memory_space<vmem_shared>> -> memref<128x128xf32, #tpu.memory_space<vmem_shared>>
      tpu.wait_dma2 semaphore(%run_scoped3A : memref<!tpu.dma_semaphore, #tpu.memory_space<semaphore_mem>>) src(%arg9 : memref<128x128xf32, #tpu.memory_space<vmem>>) dst(%dma_wait3A_122 : memref<128x128xf32, #tpu.memory_space<vmem_shared>>)
      tpu.yield
    }) : () -> ()
    %barrier3A_83 = arith.constant 0 : index
    tpu.barrier barrier_id(%barrier3A_83)
    %scan3A_84 = arith.constant 0 : i32
    %scan3A_85 = arith.constant 0 : i32
    %scan3A_86 = arith.constant 128 : i32
    %scan3A_87 = arith.addi %scan3A_85, %scan3A_86 : i32
    %scan3A_88 = arith.constant 1 : i32
    scf.for %scan3A_117 = %scan3A_85 to %scan3A_87 step %scan3A_88  : i32 {
      %swap3A = arith.index_cast %scan3A_117 : i32 to index
      %swap3A_118 = arith.constant 0 : index
      %swap3A_119 = tpu.vector_load %arg9[%swap3A, %swap3A_118] {strides = array<i32>} : memref<128x128xf32, #tpu.memory_space<vmem>>, vector<1x16xf32>,
      %swap3A_120 = vector.shape_cast %swap3A_119 : vector<1x16xf32> to vector<16xf32>
      %swap3A_121 = vector.shape_cast %broadcast_in_dim3A_3 : vector<16xf32> to vector<1x16xf32>
      tpu.vector_store %arg9[%swap3A, %swap3A_118], %swap3A_121 {strides = array<i32>} : memref<128x128xf32, #tpu.memory_space<vmem>>, vector<1x16xf32>,
      %swap3A_122 = arith.index_cast %scan3A_117 : i32 to index
      %swap3A_123 = arith.constant 16 : index
      %swap3A_124 = tpu.vector_load %arg9[%swap3A_122, %swap3A_123] {strides = array<i32>} : memref<128x128xf32, #tpu.memory_space<vmem>>, vector<1x16xf32>,
      %swap3A_125 = vector.shape_cast %swap3A_124 : vector<1x16xf32> to vector<16xf32>
      %swap3A_126 = vector.shape_cast %broadcast_in_dim3A_3 : vector<16xf32> to vector<1x16xf32>
      tpu.vector_store %arg9[%swap3A_122, %swap3A_123], %swap3A_126 {strides = array<i32>} : memref<128x128xf32, #tpu.memory_space<vmem>>, vector<1x16xf32>,
      %swap3A_127 = arith.index_cast %scan3A_117 : i32 to index
      %swap3A_128 = arith.constant 32 : index
      %swap3A_129 = tpu.vector_load %arg9[%swap3A_127, %swap3A_128] {strides = array<i32>} : memref<128x128xf32, #tpu.memory_space<vmem>>, vector<1x16xf32>,
      %swap3A_130 = vector.shape_cast %swap3A_129 : vector<1x16xf32> to vector<16xf32>
      %swap3A_131 = vector.shape_cast %broadcast_in_dim3A_3 : vector<16xf32> to vector<1x16xf32>
      tpu.vector_store %arg9[%swap3A_127, %swap3A_128], %swap3A_131 {strides = array<i32>} : memref<128x128xf32, #tpu.memory_space<vmem>>, vector<1x16xf32>,
      %swap3A_132 = arith.index_cast %scan3A_117 : i32 to index
      %swap3A_133 = arith.constant 48 : index
      %swap3A_134 = tpu.vector_load %arg9[%swap3A_132, %swap3A_133] {strides = array<i32>} : memref<128x128xf32, #tpu.memory_space<vmem>>, vector<1x16xf32>,
      %swap3A_135 = vector.shape_cast %swap3A_134 : vector<1x16xf32> to vector<16xf32>
      %swap3A_136 = vector.shape_cast %broadcast_in_dim3A_3 : vector<16xf32> to vector<1x16xf32>
      tpu.vector_store %arg9[%swap3A_132, %swap3A_133], %swap3A_136 {strides = array<i32>} : memref<128x128xf32, #tpu.memory_space<vmem>>, vector<1x16xf32>,
      %swap3A_137 = arith.index_cast %scan3A_117 : i32 to index
      %swap3A_138 = arith.constant 64 : index
      %swap3A_139 = tpu.vector_load %arg9[%swap3A_137, %swap3A_138] {strides = array<i32>} : memref<128x128xf32, #tpu.memory_space<vmem>>, vector<1x16xf32>,
      %swap3A_140 = vector.shape_cast %swap3A_139 : vector<1x16xf32> to vector<16xf32>
      %swap3A_141 = vector.shape_cast %broadcast_in_dim3A_3 : vector<16xf32> to vector<1x16xf32>
      tpu.vector_store %arg9[%swap3A_137, %swap3A_138], %swap3A_141 {strides = array<i32>} : memref<128x128xf32, #tpu.memory_space<vmem>>, vector<1x16xf32>,
      %swap3A_142 = arith.index_cast %scan3A_117 : i32 to index
      %swap3A_143 = arith.constant 80 : index
      %swap3A_144 = tpu.vector_load %arg9[%swap3A_142, %swap3A_143] {strides = array<i32>} : memref<128x128xf32, #tpu.memory_space<vmem>>, vector<1x16xf32>,
      %swap3A_145 = vector.shape_cast %swap3A_144 : vector<1x16xf32> to vector<16xf32>
      %swap3A_146 = vector.shape_cast %broadcast_in_dim3A_3 : vector<16xf32> to vector<1x16xf32>
      tpu.vector_store %arg9[%swap3A_142, %swap3A_143], %swap3A_146 {strides = array<i32>} : memref<128x128xf32, #tpu.memory_space<vmem>>, vector<1x16xf32>,
      %swap3A_147 = arith.index_cast %scan3A_117 : i32 to index
      %swap3A_148 = arith.constant 96 : index
      %swap3A_149 = tpu.vector_load %arg9[%swap3A_147, %swap3A_148] {strides = array<i32>} : memref<128x128xf32, #tpu.memory_space<vmem>>, vector<1x16xf32>,
      %swap3A_150 = vector.shape_cast %swap3A_149 : vector<1x16xf32> to vector<16xf32>
      %swap3A_151 = vector.shape_cast %broadcast_in_dim3A_3 : vector<16xf32> to vector<1x16xf32>
      tpu.vector_store %arg9[%swap3A_147, %swap3A_148], %swap3A_151 {strides = array<i32>} : memref<128x128xf32, #tpu.memory_space<vmem>>, vector<1x16xf32>,
      %swap3A_152 = arith.index_cast %scan3A_117 : i32 to index
      %swap3A_153 = arith.constant 112 : index
      %swap3A_154 = tpu.vector_load %arg9[%swap3A_152, %swap3A_153] {strides = array<i32>} : memref<128x128xf32, #tpu.memory_space<vmem>>, vector<1x16xf32>,
      %swap3A_155 = vector.shape_cast %swap3A_154 : vector<1x16xf32> to vector<16xf32>
      %swap3A_156 = vector.shape_cast %broadcast_in_dim3A_3 : vector<16xf32> to vector<1x16xf32>
      tpu.vector_store %arg9[%swap3A_152, %swap3A_153], %swap3A_156 {strides = array<i32>} : memref<128x128xf32, #tpu.memory_space<vmem>>, vector<1x16xf32>,
    }
    %scan3A_89 = arith.constant 128 : i32
    %scan3A_90 = arith.constant 0 : i32
    %scan3A_91 = arith.constant 0 : i32
    %scan3A_92 = arith.constant 5 : i32
    %scan3A_93 = arith.addi %scan3A_91, %scan3A_92 : i32
    %scan3A_94 = arith.constant 1 : i32
    scf.for %scan3A_117 = %scan3A_91 to %scan3A_93 step %scan3A_94  : i32 {
      %mul3A_118 = arith.constant 16 : i32
      %mul3A_119 = arith.muli %scan3A_117, %mul3A_118 : i32
      "tpu.region"() ({
        %run_scoped3A = tpu.sem_alloc : memref<!tpu.dma_semaphore, #tpu.memory_space<semaphore_mem>>
        %dma_start3A_342 = arith.constant 0 : i32
        %dma_start3A_343 = tpu.memref_slice %arg4[%add3A, %mul3A_119, %dma_start3A_342] : memref<32x80x128xi32, #tpu.memory_space<hbm>> -> memref<1x16x128xi32, #tpu.memory_space<hbm>>
        %dma_start3A_344 = tpu.memref_squeeze %dma_start3A_343 : memref<1x16x128xi32, #tpu.memory_space<hbm>> -> memref<16x128xi32, #tpu.memory_space<hbm>>
        %dma_start3A_345 = arith.constant 0 : i32
        %dma_start3A_346 = tpu.memref_slice %arg4[%add3A, %mul3A_119, %dma_start3A_345] : memref<32x80x128xi32, #tpu.memory_space<hbm>> -> memref<1x16x128xi32, #tpu.memory_space<hbm>>
        %dma_start3A_347 = tpu.memref_squeeze %dma_start3A_346 : memref<1x16x128xi32, #tpu.memory_space<hbm>> -> memref<16x128xi32, #tpu.memory_space<hbm>>
        tpu.enqueue_dma source(%dma_start3A_347 : memref<16x128xi32, #tpu.memory_space<hbm>>) target(%arg8 : memref<16x128xi32, #tpu.memory_space<vmem>>) target_semaphore(%run_scoped3A : memref<!tpu.dma_semaphore, #tpu.memory_space<semaphore_mem>>)
        %dma_wait3A_348 = arith.constant 0 : i32
        %dma_wait3A_349 = tpu.memref_slice %arg4[%add3A, %mul3A_119, %dma_wait3A_348] : memref<32x80x128xi32, #tpu.memory_space<hbm>> -> memref<1x16x128xi32, #tpu.memory_space<hbm>>
        %dma_wait3A_350 = tpu.memref_squeeze %dma_wait3A_349 : memref<1x16x128xi32, #tpu.memory_space<hbm>> -> memref<16x128xi32, #tpu.memory_space<hbm>>
        %dma_wait3A_351 = arith.constant 0 : i32
        %dma_wait3A_352 = tpu.memref_slice %arg4[%add3A, %mul3A_119, %dma_wait3A_351] : memref<32x80x128xi32, #tpu.memory_space<hbm>> -> memref<1x16x128xi32, #tpu.memory_space<hbm>>
        %dma_wait3A_353 = tpu.memref_squeeze %dma_wait3A_352 : memref<1x16x128xi32, #tpu.memory_space<hbm>> -> memref<16x128xi32, #tpu.memory_space<hbm>>
        tpu.wait_dma2 semaphore(%run_scoped3A : memref<!tpu.dma_semaphore, #tpu.memory_space<semaphore_mem>>) src(%dma_wait3A_353 : memref<16x128xi32, #tpu.memory_space<hbm>>) dst(%arg8 : memref<16x128xi32, #tpu.memory_space<vmem>>)
        tpu.yield
      }) : () -> ()
      %dma_start3A = arith.constant 0 : i32
      %dma_start3A_120 = arith.constant 0 : i32
      %dma_start3A_121 = tpu.memref_slice %arg8[%dma_start3A, %dma_start3A_120] : memref<16x128xi32, #tpu.memory_space<vmem>> -> memref<1x128xi32, #tpu.memory_space<vmem>>
      %dma_start3A_122 = tpu.memref_squeeze %dma_start3A_121 : memref<1x128xi32, #tpu.memory_space<vmem>> -> memref<128xi32, #tpu.memory_space<vmem>>
      %dma_start3A_123 = arith.constant 0 : i32
      %dma_start3A_124 = arith.constant 0 : i32
      %dma_start3A_125 = tpu.memref_slice %arg13[%dma_start3A_123, %dma_start3A_124] : memref<10240x128xf32, #tpu.memory_space<vmem_shared>> -> memref<10240x128xf32, #tpu.memory_space<vmem_shared>>
      tpu.enqueue_indirect_dma source(%arg9 : memref<128x128xf32, #tpu.memory_space<vmem>>) target(%dma_start3A_125 : memref<10240x128xf32, #tpu.memory_space<vmem_shared>>) offsets(%dma_start3A_122 : memref<128xi32, #tpu.memory_space<vmem>>) semaphore(%arg11 : memref<!tpu.dma_semaphore, #tpu.memory_space<semaphore_mem>>) {add = true}
      %dma_start3A_126 = arith.constant 1 : i32
      %dma_start3A_127 = arith.constant 0 : i32
      %dma_start3A_128 = tpu.memref_slice %arg8[%dma_start3A_126, %dma_start3A_127] : memref<16x128xi32, #tpu.memory_space<vmem>> -> memref<1x128xi32, #tpu.memory_space<vmem>>
      %dma_start3A_129 = tpu.memref_squeeze %dma_start3A_128 : memref<1x128xi32, #tpu.memory_space<vmem>> -> memref<128xi32, #tpu.memory_space<vmem>>
      %dma_start3A_130 = arith.constant 0 : i32
      %dma_start3A_131 = arith.constant 0 : i32
      %dma_start3A_132 = tpu.memref_slice %arg13[%dma_start3A_130, %dma_start3A_131] : memref<10240x128xf32, #tpu.memory_space<vmem_shared>> -> memref<10240x128xf32, #tpu.memory_space<vmem_shared>>
      tpu.enqueue_indirect_dma source(%arg9 : memref<128x128xf32, #tpu.memory_space<vmem>>) target(%dma_start3A_132 : memref<10240x128xf32, #tpu.memory_space<vmem_shared>>) offsets(%dma_start3A_129 : memref<128xi32, #tpu.memory_space<vmem>>) semaphore(%arg11 : memref<!tpu.dma_semaphore, #tpu.memory_space<semaphore_mem>>) {add = true}
      %dma_start3A_133 = arith.constant 2 : i32
      %dma_start3A_134 = arith.constant 0 : i32
      %dma_start3A_135 = tpu.memref_slice %arg8[%dma_start3A_133, %dma_start3A_134] : memref<16x128xi32, #tpu.memory_space<vmem>> -> memref<1x128xi32, #tpu.memory_space<vmem>>
      %dma_start3A_136 = tpu.memref_squeeze %dma_start3A_135 : memref<1x128xi32, #tpu.memory_space<vmem>> -> memref<128xi32, #tpu.memory_space<vmem>>
      %dma_start3A_137 = arith.constant 0 : i32
      %dma_start3A_138 = arith.constant 0 : i32
      %dma_start3A_139 = tpu.memref_slice %arg13[%dma_start3A_137, %dma_start3A_138] : memref<10240x128xf32, #tpu.memory_space<vmem_shared>> -> memref<10240x128xf32, #tpu.memory_space<vmem_shared>>
      tpu.enqueue_indirect_dma source(%arg9 : memref<128x128xf32, #tpu.memory_space<vmem>>) target(%dma_start3A_139 : memref<10240x128xf32, #tpu.memory_space<vmem_shared>>) offsets(%dma_start3A_136 : memref<128xi32, #tpu.memory_space<vmem>>) semaphore(%arg11 : memref<!tpu.dma_semaphore, #tpu.memory_space<semaphore_mem>>) {add = true}
      %dma_start3A_140 = arith.constant 3 : i32
      %dma_start3A_141 = arith.constant 0 : i32
      %dma_start3A_142 = tpu.memref_slice %arg8[%dma_start3A_140, %dma_start3A_141] : memref<16x128xi32, #tpu.memory_space<vmem>> -> memref<1x128xi32, #tpu.memory_space<vmem>>
      %dma_start3A_143 = tpu.memref_squeeze %dma_start3A_142 : memref<1x128xi32, #tpu.memory_space<vmem>> -> memref<128xi32, #tpu.memory_space<vmem>>
      %dma_start3A_144 = arith.constant 0 : i32
      %dma_start3A_145 = arith.constant 0 : i32
      %dma_start3A_146 = tpu.memref_slice %arg13[%dma_start3A_144, %dma_start3A_145] : memref<10240x128xf32, #tpu.memory_space<vmem_shared>> -> memref<10240x128xf32, #tpu.memory_space<vmem_shared>>
      tpu.enqueue_indirect_dma source(%arg9 : memref<128x128xf32, #tpu.memory_space<vmem>>) target(%dma_start3A_146 : memref<10240x128xf32, #tpu.memory_space<vmem_shared>>) offsets(%dma_start3A_143 : memref<128xi32, #tpu.memory_space<vmem>>) semaphore(%arg11 : memref<!tpu.dma_semaphore, #tpu.memory_space<semaphore_mem>>) {add = true}
      %dma_start3A_147 = arith.constant 4 : i32
      %dma_start3A_148 = arith.constant 0 : i32
      %dma_start3A_149 = tpu.memref_slice %arg8[%dma_start3A_147, %dma_start3A_148] : memref<16x128xi32, #tpu.memory_space<vmem>> -> memref<1x128xi32, #tpu.memory_space<vmem>>
      %dma_start3A_150 = tpu.memref_squeeze %dma_start3A_149 : memref<1x128xi32, #tpu.memory_space<vmem>> -> memref<128xi32, #tpu.memory_space<vmem>>
      %dma_start3A_151 = arith.constant 0 : i32
      %dma_start3A_152 = arith.constant 0 : i32
      %dma_start3A_153 = tpu.memref_slice %arg13[%dma_start3A_151, %dma_start3A_152] : memref<10240x128xf32, #tpu.memory_space<vmem_shared>> -> memref<10240x128xf32, #tpu.memory_space<vmem_shared>>
      tpu.enqueue_indirect_dma source(%arg9 : memref<128x128xf32, #tpu.memory_space<vmem>>) target(%dma_start3A_153 : memref<10240x128xf32, #tpu.memory_space<vmem_shared>>) offsets(%dma_start3A_150 : memref<128xi32, #tpu.memory_space<vmem>>) semaphore(%arg11 : memref<!tpu.dma_semaphore, #tpu.memory_space<semaphore_mem>>) {add = true}
      %dma_start3A_154 = arith.constant 5 : i32
      %dma_start3A_155 = arith.constant 0 : i32
      %dma_start3A_156 = tpu.memref_slice %arg8[%dma_start3A_154, %dma_start3A_155] : memref<16x128xi32, #tpu.memory_space<vmem>> -> memref<1x128xi32, #tpu.memory_space<vmem>>
      %dma_start3A_157 = tpu.memref_squeeze %dma_start3A_156 : memref<1x128xi32, #tpu.memory_space<vmem>> -> memref<128xi32, #tpu.memory_space<vmem>>
      %dma_start3A_158 = arith.constant 0 : i32
      %dma_start3A_159 = arith.constant 0 : i32
      %dma_start3A_160 = tpu.memref_slice %arg13[%dma_start3A_158, %dma_start3A_159] : memref<10240x128xf32, #tpu.memory_space<vmem_shared>> -> memref<10240x128xf32, #tpu.memory_space<vmem_shared>>
      tpu.enqueue_indirect_dma source(%arg9 : memref<128x128xf32, #tpu.memory_space<vmem>>) target(%dma_start3A_160 : memref<10240x128xf32, #tpu.memory_space<vmem_shared>>) offsets(%dma_start3A_157 : memref<128xi32, #tpu.memory_space<vmem>>) semaphore(%arg11 : memref<!tpu.dma_semaphore, #tpu.memory_space<semaphore_mem>>) {add = true}
      %dma_start3A_161 = arith.constant 6 : i32
      %dma_start3A_162 = arith.constant 0 : i32
      %dma_start3A_163 = tpu.memref_slice %arg8[%dma_start3A_161, %dma_start3A_162] : memref<16x128xi32, #tpu.memory_space<vmem>> -> memref<1x128xi32, #tpu.memory_space<vmem>>
      %dma_start3A_164 = tpu.memref_squeeze %dma_start3A_163 : memref<1x128xi32, #tpu.memory_space<vmem>> -> memref<128xi32, #tpu.memory_space<vmem>>
      %dma_start3A_165 = arith.constant 0 : i32
      %dma_start3A_166 = arith.constant 0 : i32
      %dma_start3A_167 = tpu.memref_slice %arg13[%dma_start3A_165, %dma_start3A_166] : memref<10240x128xf32, #tpu.memory_space<vmem_shared>> -> memref<10240x128xf32, #tpu.memory_space<vmem_shared>>
      tpu.enqueue_indirect_dma source(%arg9 : memref<128x128xf32, #tpu.memory_space<vmem>>) target(%dma_start3A_167 : memref<10240x128xf32, #tpu.memory_space<vmem_shared>>) offsets(%dma_start3A_164 : memref<128xi32, #tpu.memory_space<vmem>>) semaphore(%arg11 : memref<!tpu.dma_semaphore, #tpu.memory_space<semaphore_mem>>) {add = true}
      %dma_start3A_168 = arith.constant 7 : i32
      %dma_start3A_169 = arith.constant 0 : i32
      %dma_start3A_170 = tpu.memref_slice %arg8[%dma_start3A_168, %dma_start3A_169] : memref<16x128xi32, #tpu.memory_space<vmem>> -> memref<1x128xi32, #tpu.memory_space<vmem>>
      %dma_start3A_171 = tpu.memref_squeeze %dma_start3A_170 : memref<1x128xi32, #tpu.memory_space<vmem>> -> memref<128xi32, #tpu.memory_space<vmem>>
      %dma_start3A_172 = arith.constant 0 : i32
      %dma_start3A_173 = arith.constant 0 : i32
      %dma_start3A_174 = tpu.memref_slice %arg13[%dma_start3A_172, %dma_start3A_173] : memref<10240x128xf32, #tpu.memory_space<vmem_shared>> -> memref<10240x128xf32, #tpu.memory_space<vmem_shared>>
      tpu.enqueue_indirect_dma source(%arg9 : memref<128x128xf32, #tpu.memory_space<vmem>>) target(%dma_start3A_174 : memref<10240x128xf32, #tpu.memory_space<vmem_shared>>) offsets(%dma_start3A_171 : memref<128xi32, #tpu.memory_space<vmem>>) semaphore(%arg11 : memref<!tpu.dma_semaphore, #tpu.memory_space<semaphore_mem>>) {add = true}
      %dma_start3A_175 = arith.constant 8 : i32
      %dma_start3A_176 = arith.constant 0 : i32
      %dma_start3A_177 = tpu.memref_slice %arg8[%dma_start3A_175, %dma_start3A_176] : memref<16x128xi32, #tpu.memory_space<vmem>> -> memref<1x128xi32, #tpu.memory_space<vmem>>
      %dma_start3A_178 = tpu.memref_squeeze %dma_start3A_177 : memref<1x128xi32, #tpu.memory_space<vmem>> -> memref<128xi32, #tpu.memory_space<vmem>>
      %dma_start3A_179 = arith.constant 0 : i32
      %dma_start3A_180 = arith.constant 0 : i32
      %dma_start3A_181 = tpu.memref_slice %arg13[%dma_start3A_179, %dma_start3A_180] : memref<10240x128xf32, #tpu.memory_space<vmem_shared>> -> memref<10240x128xf32, #tpu.memory_space<vmem_shared>>
      tpu.enqueue_indirect_dma source(%arg9 : memref<128x128xf32, #tpu.memory_space<vmem>>) target(%dma_start3A_181 : memref<10240x128xf32, #tpu.memory_space<vmem_shared>>) offsets(%dma_start3A_178 : memref<128xi32, #tpu.memory_space<vmem>>) semaphore(%arg11 : memref<!tpu.dma_semaphore, #tpu.memory_space<semaphore_mem>>) {add = true}
      %dma_start3A_182 = arith.constant 9 : i32
      %dma_start3A_183 = arith.constant 0 : i32
      %dma_start3A_184 = tpu.memref_slice %arg8[%dma_start3A_182, %dma_start3A_183] : memref<16x128xi32, #tpu.memory_space<vmem>> -> memref<1x128xi32, #tpu.memory_space<vmem>>
      %dma_start3A_185 = tpu.memref_squeeze %dma_start3A_184 : memref<1x128xi32, #tpu.memory_space<vmem>> -> memref<128xi32, #tpu.memory_space<vmem>>
      %dma_start3A_186 = arith.constant 0 : i32
      %dma_start3A_187 = arith.constant 0 : i32
      %dma_start3A_188 = tpu.memref_slice %arg13[%dma_start3A_186, %dma_start3A_187] : memref<10240x128xf32, #tpu.memory_space<vmem_shared>> -> memref<10240x128xf32, #tpu.memory_space<vmem_shared>>
      tpu.enqueue_indirect_dma source(%arg9 : memref<128x128xf32, #tpu.memory_space<vmem>>) target(%dma_start3A_188 : memref<10240x128xf32, #tpu.memory_space<vmem_shared>>) offsets(%dma_start3A_185 : memref<128xi32, #tpu.memory_space<vmem>>) semaphore(%arg11 : memref<!tpu.dma_semaphore, #tpu.memory_space<semaphore_mem>>) {add = true}
      %dma_start3A_189 = arith.constant 10 : i32
      %dma_start3A_190 = arith.constant 0 : i32
      %dma_start3A_191 = tpu.memref_slice %arg8[%dma_start3A_189, %dma_start3A_190] : memref<16x128xi32, #tpu.memory_space<vmem>> -> memref<1x128xi32, #tpu.memory_space<vmem>>
      %dma_start3A_192 = tpu.memref_squeeze %dma_start3A_191 : memref<1x128xi32, #tpu.memory_space<vmem>> -> memref<128xi32, #tpu.memory_space<vmem>>
      %dma_start3A_193 = arith.constant 0 : i32
      %dma_start3A_194 = arith.constant 0 : i32
      %dma_start3A_195 = tpu.memref_slice %arg13[%dma_start3A_193, %dma_start3A_194] : memref<10240x128xf32, #tpu.memory_space<vmem_shared>> -> memref<10240x128xf32, #tpu.memory_space<vmem_shared>>
      tpu.enqueue_indirect_dma source(%arg9 : memref<128x128xf32, #tpu.memory_space<vmem>>) target(%dma_start3A_195 : memref<10240x128xf32, #tpu.memory_space<vmem_shared>>) offsets(%dma_start3A_192 : memref<128xi32, #tpu.memory_space<vmem>>) semaphore(%arg11 : memref<!tpu.dma_semaphore, #tpu.memory_space<semaphore_mem>>) {add = true}
      %dma_start3A_196 = arith.constant 11 : i32
      %dma_start3A_197 = arith.constant 0 : i32
      %dma_start3A_198 = tpu.memref_slice %arg8[%dma_start3A_196, %dma_start3A_197] : memref<16x128xi32, #tpu.memory_space<vmem>> -> memref<1x128xi32, #tpu.memory_space<vmem>>
      %dma_start3A_199 = tpu.memref_squeeze %dma_start3A_198 : memref<1x128xi32, #tpu.memory_space<vmem>> -> memref<128xi32, #tpu.memory_space<vmem>>
      %dma_start3A_200 = arith.constant 0 : i32
      %dma_start3A_201 = arith.constant 0 : i32
      %dma_start3A_202 = tpu.memref_slice %arg13[%dma_start3A_200, %dma_start3A_201] : memref<10240x128xf32, #tpu.memory_space<vmem_shared>> -> memref<10240x128xf32, #tpu.memory_space<vmem_shared>>
      tpu.enqueue_indirect_dma source(%arg9 : memref<128x128xf32, #tpu.memory_space<vmem>>) target(%dma_start3A_202 : memref<10240x128xf32, #tpu.memory_space<vmem_shared>>) offsets(%dma_start3A_199 : memref<128xi32, #tpu.memory_space<vmem>>) semaphore(%arg11 : memref<!tpu.dma_semaphore, #tpu.memory_space<semaphore_mem>>) {add = true}
      %dma_start3A_203 = arith.constant 12 : i32
      %dma_start3A_204 = arith.constant 0 : i32
      %dma_start3A_205 = tpu.memref_slice %arg8[%dma_start3A_203, %dma_start3A_204] : memref<16x128xi32, #tpu.memory_space<vmem>> -> memref<1x128xi32, #tpu.memory_space<vmem>>
      %dma_start3A_206 = tpu.memref_squeeze %dma_start3A_205 : memref<1x128xi32, #tpu.memory_space<vmem>> -> memref<128xi32, #tpu.memory_space<vmem>>
      %dma_start3A_207 = arith.constant 0 : i32
      %dma_start3A_208 = arith.constant 0 : i32
      %dma_start3A_209 = tpu.memref_slice %arg13[%dma_start3A_207, %dma_start3A_208] : memref<10240x128xf32, #tpu.memory_space<vmem_shared>> -> memref<10240x128xf32, #tpu.memory_space<vmem_shared>>
      tpu.enqueue_indirect_dma source(%arg9 : memref<128x128xf32, #tpu.memory_space<vmem>>) target(%dma_start3A_209 : memref<10240x128xf32, #tpu.memory_space<vmem_shared>>) offsets(%dma_start3A_206 : memref<128xi32, #tpu.memory_space<vmem>>) semaphore(%arg11 : memref<!tpu.dma_semaphore, #tpu.memory_space<semaphore_mem>>) {add = true}
      %dma_start3A_210 = arith.constant 13 : i32
      %dma_start3A_211 = arith.constant 0 : i32
      %dma_start3A_212 = tpu.memref_slice %arg8[%dma_start3A_210, %dma_start3A_211] : memref<16x128xi32, #tpu.memory_space<vmem>> -> memref<1x128xi32, #tpu.memory_space<vmem>>
      %dma_start3A_213 = tpu.memref_squeeze %dma_start3A_212 : memref<1x128xi32, #tpu.memory_space<vmem>> -> memref<128xi32, #tpu.memory_space<vmem>>
      %dma_start3A_214 = arith.constant 0 : i32
      %dma_start3A_215 = arith.constant 0 : i32
      %dma_start3A_216 = tpu.memref_slice %arg13[%dma_start3A_214, %dma_start3A_215] : memref<10240x128xf32, #tpu.memory_space<vmem_shared>> -> memref<10240x128xf32, #tpu.memory_space<vmem_shared>>
      tpu.enqueue_indirect_dma source(%arg9 : memref<128x128xf32, #tpu.memory_space<vmem>>) target(%dma_start3A_216 : memref<10240x128xf32, #tpu.memory_space<vmem_shared>>) offsets(%dma_start3A_213 : memref<128xi32, #tpu.memory_space<vmem>>) semaphore(%arg11 : memref<!tpu.dma_semaphore, #tpu.memory_space<semaphore_mem>>) {add = true}
      %dma_start3A_217 = arith.constant 14 : i32
      %dma_start3A_218 = arith.constant 0 : i32
      %dma_start3A_219 = tpu.memref_slice %arg8[%dma_start3A_217, %dma_start3A_218] : memref<16x128xi32, #tpu.memory_space<vmem>> -> memref<1x128xi32, #tpu.memory_space<vmem>>
      %dma_start3A_220 = tpu.memref_squeeze %dma_start3A_219 : memref<1x128xi32, #tpu.memory_space<vmem>> -> memref<128xi32, #tpu.memory_space<vmem>>
      %dma_start3A_221 = arith.constant 0 : i32
      %dma_start3A_222 = arith.constant 0 : i32
      %dma_start3A_223 = tpu.memref_slice %arg13[%dma_start3A_221, %dma_start3A_222] : memref<10240x128xf32, #tpu.memory_space<vmem_shared>> -> memref<10240x128xf32, #tpu.memory_space<vmem_shared>>
      tpu.enqueue_indirect_dma source(%arg9 : memref<128x128xf32, #tpu.memory_space<vmem>>) target(%dma_start3A_223 : memref<10240x128xf32, #tpu.memory_space<vmem_shared>>) offsets(%dma_start3A_220 : memref<128xi32, #tpu.memory_space<vmem>>) semaphore(%arg11 : memref<!tpu.dma_semaphore, #tpu.memory_space<semaphore_mem>>) {add = true}
      %dma_start3A_224 = arith.constant 15 : i32
      %dma_start3A_225 = arith.constant 0 : i32
      %dma_start3A_226 = tpu.memref_slice %arg8[%dma_start3A_224, %dma_start3A_225] : memref<16x128xi32, #tpu.memory_space<vmem>> -> memref<1x128xi32, #tpu.memory_space<vmem>>
      %dma_start3A_227 = tpu.memref_squeeze %dma_start3A_226 : memref<1x128xi32, #tpu.memory_space<vmem>> -> memref<128xi32, #tpu.memory_space<vmem>>
      %dma_start3A_228 = arith.constant 0 : i32
      %dma_start3A_229 = arith.constant 0 : i32
      %dma_start3A_230 = tpu.memref_slice %arg13[%dma_start3A_228, %dma_start3A_229] : memref<10240x128xf32, #tpu.memory_space<vmem_shared>> -> memref<10240x128xf32, #tpu.memory_space<vmem_shared>>
      tpu.enqueue_indirect_dma source(%arg9 : memref<128x128xf32, #tpu.memory_space<vmem>>) target(%dma_start3A_230 : memref<10240x128xf32, #tpu.memory_space<vmem_shared>>) offsets(%dma_start3A_227 : memref<128xi32, #tpu.memory_space<vmem>>) semaphore(%arg11 : memref<!tpu.dma_semaphore, #tpu.memory_space<semaphore_mem>>) {add = true}
      %dma_wait3A = arith.constant 0 : i32
      %dma_wait3A_231 = arith.constant 0 : i32
      %dma_wait3A_232 = tpu.memref_slice %arg8[%dma_wait3A, %dma_wait3A_231] : memref<16x128xi32, #tpu.memory_space<vmem>> -> memref<1x128xi32, #tpu.memory_space<vmem>>
      %dma_wait3A_233 = tpu.memref_squeeze %dma_wait3A_232 : memref<1x128xi32, #tpu.memory_space<vmem>> -> memref<128xi32, #tpu.memory_space<vmem>>
      %dma_wait3A_234 = arith.constant 0 : i32
      %dma_wait3A_235 = arith.constant 0 : i32
      %dma_wait3A_236 = tpu.memref_slice %arg13[%dma_wait3A_234, %dma_wait3A_235] : memref<10240x128xf32, #tpu.memory_space<vmem_shared>> -> memref<10240x128xf32, #tpu.memory_space<vmem_shared>>
      tpu.wait_indirect_dma semaphore(%arg11 : memref<!tpu.dma_semaphore, #tpu.memory_space<semaphore_mem>>) src(%arg9 : memref<128x128xf32, #tpu.memory_space<vmem>>) dst(%dma_wait3A_236 : memref<10240x128xf32, #tpu.memory_space<vmem_shared>>)
      %dma_wait3A_237 = arith.constant 1 : i32
      %dma_wait3A_238 = arith.constant 0 : i32
      %dma_wait3A_239 = tpu.memref_slice %arg8[%dma_wait3A_237, %dma_wait3A_238] : memref<16x128xi32, #tpu.memory_space<vmem>> -> memref<1x128xi32, #tpu.memory_space<vmem>>
      %dma_wait3A_240 = tpu.memref_squeeze %dma_wait3A_239 : memref<1x128xi32, #tpu.memory_space<vmem>> -> memref<128xi32, #tpu.memory_space<vmem>>
      %dma_wait3A_241 = arith.constant 0 : i32
      %dma_wait3A_242 = arith.constant 0 : i32
      %dma_wait3A_243 = tpu.memref_slice %arg13[%dma_wait3A_241, %dma_wait3A_242] : memref<10240x128xf32, #tpu.memory_space<vmem_shared>> -> memref<10240x128xf32, #tpu.memory_space<vmem_shared>>
      tpu.wait_indirect_dma semaphore(%arg11 : memref<!tpu.dma_semaphore, #tpu.memory_space<semaphore_mem>>) src(%arg9 : memref<128x128xf32, #tpu.memory_space<vmem>>) dst(%dma_wait3A_243 : memref<10240x128xf32, #tpu.memory_space<vmem_shared>>)
      %dma_wait3A_244 = arith.constant 2 : i32
      %dma_wait3A_245 = arith.constant 0 : i32
      %dma_wait3A_246 = tpu.memref_slice %arg8[%dma_wait3A_244, %dma_wait3A_245] : memref<16x128xi32, #tpu.memory_space<vmem>> -> memref<1x128xi32, #tpu.memory_space<vmem>>
      %dma_wait3A_247 = tpu.memref_squeeze %dma_wait3A_246 : memref<1x128xi32, #tpu.memory_space<vmem>> -> memref<128xi32, #tpu.memory_space<vmem>>
      %dma_wait3A_248 = arith.constant 0 : i32
      %dma_wait3A_249 = arith.constant 0 : i32
      %dma_wait3A_250 = tpu.memref_slice %arg13[%dma_wait3A_248, %dma_wait3A_249] : memref<10240x128xf32, #tpu.memory_space<vmem_shared>> -> memref<10240x128xf32, #tpu.memory_space<vmem_shared>>
      tpu.wait_indirect_dma semaphore(%arg11 : memref<!tpu.dma_semaphore, #tpu.memory_space<semaphore_mem>>) src(%arg9 : memref<128x128xf32, #tpu.memory_space<vmem>>) dst(%dma_wait3A_250 : memref<10240x128xf32, #tpu.memory_space<vmem_shared>>)
      %dma_wait3A_251 = arith.constant 3 : i32
      %dma_wait3A_252 = arith.constant 0 : i32
      %dma_wait3A_253 = tpu.memref_slice %arg8[%dma_wait3A_251, %dma_wait3A_252] : memref<16x128xi32, #tpu.memory_space<vmem>> -> memref<1x128xi32, #tpu.memory_space<vmem>>
      %dma_wait3A_254 = tpu.memref_squeeze %dma_wait3A_253 : memref<1x128xi32, #tpu.memory_space<vmem>> -> memref<128xi32, #tpu.memory_space<vmem>>
      %dma_wait3A_255 = arith.constant 0 : i32
      %dma_wait3A_256 = arith.constant 0 : i32
      %dma_wait3A_257 = tpu.memref_slice %arg13[%dma_wait3A_255, %dma_wait3A_256] : memref<10240x128xf32, #tpu.memory_space<vmem_shared>> -> memref<10240x128xf32, #tpu.memory_space<vmem_shared>>
      tpu.wait_indirect_dma semaphore(%arg11 : memref<!tpu.dma_semaphore, #tpu.memory_space<semaphore_mem>>) src(%arg9 : memref<128x128xf32, #tpu.memory_space<vmem>>) dst(%dma_wait3A_257 : memref<10240x128xf32, #tpu.memory_space<vmem_shared>>)
      %dma_wait3A_258 = arith.constant 4 : i32
      %dma_wait3A_259 = arith.constant 0 : i32
      %dma_wait3A_260 = tpu.memref_slice %arg8[%dma_wait3A_258, %dma_wait3A_259] : memref<16x128xi32, #tpu.memory_space<vmem>> -> memref<1x128xi32, #tpu.memory_space<vmem>>
      %dma_wait3A_261 = tpu.memref_squeeze %dma_wait3A_260 : memref<1x128xi32, #tpu.memory_space<vmem>> -> memref<128xi32, #tpu.memory_space<vmem>>
      %dma_wait3A_262 = arith.constant 0 : i32
      %dma_wait3A_263 = arith.constant 0 : i32
      %dma_wait3A_264 = tpu.memref_slice %arg13[%dma_wait3A_262, %dma_wait3A_263] : memref<10240x128xf32, #tpu.memory_space<vmem_shared>> -> memref<10240x128xf32, #tpu.memory_space<vmem_shared>>
      tpu.wait_indirect_dma semaphore(%arg11 : memref<!tpu.dma_semaphore, #tpu.memory_space<semaphore_mem>>) src(%arg9 : memref<128x128xf32, #tpu.memory_space<vmem>>) dst(%dma_wait3A_264 : memref<10240x128xf32, #tpu.memory_space<vmem_shared>>)
      %dma_wait3A_265 = arith.constant 5 : i32
      %dma_wait3A_266 = arith.constant 0 : i32
      %dma_wait3A_267 = tpu.memref_slice %arg8[%dma_wait3A_265, %dma_wait3A_266] : memref<16x128xi32, #tpu.memory_space<vmem>> -> memref<1x128xi32, #tpu.memory_space<vmem>>
      %dma_wait3A_268 = tpu.memref_squeeze %dma_wait3A_267 : memref<1x128xi32, #tpu.memory_space<vmem>> -> memref<128xi32, #tpu.memory_space<vmem>>
      %dma_wait3A_269 = arith.constant 0 : i32
      %dma_wait3A_270 = arith.constant 0 : i32
      %dma_wait3A_271 = tpu.memref_slice %arg13[%dma_wait3A_269, %dma_wait3A_270] : memref<10240x128xf32, #tpu.memory_space<vmem_shared>> -> memref<10240x128xf32, #tpu.memory_space<vmem_shared>>
      tpu.wait_indirect_dma semaphore(%arg11 : memref<!tpu.dma_semaphore, #tpu.memory_space<semaphore_mem>>) src(%arg9 : memref<128x128xf32, #tpu.memory_space<vmem>>) dst(%dma_wait3A_271 : memref<10240x128xf32, #tpu.memory_space<vmem_shared>>)
      %dma_wait3A_272 = arith.constant 6 : i32
      %dma_wait3A_273 = arith.constant 0 : i32
      %dma_wait3A_274 = tpu.memref_slice %arg8[%dma_wait3A_272, %dma_wait3A_273] : memref<16x128xi32, #tpu.memory_space<vmem>> -> memref<1x128xi32, #tpu.memory_space<vmem>>
      %dma_wait3A_275 = tpu.memref_squeeze %dma_wait3A_274 : memref<1x128xi32, #tpu.memory_space<vmem>> -> memref<128xi32, #tpu.memory_space<vmem>>
      %dma_wait3A_276 = arith.constant 0 : i32
      %dma_wait3A_277 = arith.constant 0 : i32
      %dma_wait3A_278 = tpu.memref_slice %arg13[%dma_wait3A_276, %dma_wait3A_277] : memref<10240x128xf32, #tpu.memory_space<vmem_shared>> -> memref<10240x128xf32, #tpu.memory_space<vmem_shared>>
      tpu.wait_indirect_dma semaphore(%arg11 : memref<!tpu.dma_semaphore, #tpu.memory_space<semaphore_mem>>) src(%arg9 : memref<128x128xf32, #tpu.memory_space<vmem>>) dst(%dma_wait3A_278 : memref<10240x128xf32, #tpu.memory_space<vmem_shared>>)
      %dma_wait3A_279 = arith.constant 7 : i32
      %dma_wait3A_280 = arith.constant 0 : i32
      %dma_wait3A_281 = tpu.memref_slice %arg8[%dma_wait3A_279, %dma_wait3A_280] : memref<16x128xi32, #tpu.memory_space<vmem>> -> memref<1x128xi32, #tpu.memory_space<vmem>>
      %dma_wait3A_282 = tpu.memref_squeeze %dma_wait3A_281 : memref<1x128xi32, #tpu.memory_space<vmem>> -> memref<128xi32, #tpu.memory_space<vmem>>
      %dma_wait3A_283 = arith.constant 0 : i32
      %dma_wait3A_284 = arith.constant 0 : i32
      %dma_wait3A_285 = tpu.memref_slice %arg13[%dma_wait3A_283, %dma_wait3A_284] : memref<10240x128xf32, #tpu.memory_space<vmem_shared>> -> memref<10240x128xf32, #tpu.memory_space<vmem_shared>>
      tpu.wait_indirect_dma semaphore(%arg11 : memref<!tpu.dma_semaphore, #tpu.memory_space<semaphore_mem>>) src(%arg9 : memref<128x128xf32, #tpu.memory_space<vmem>>) dst(%dma_wait3A_285 : memref<10240x128xf32, #tpu.memory_space<vmem_shared>>)
      %dma_wait3A_286 = arith.constant 8 : i32
      %dma_wait3A_287 = arith.constant 0 : i32
      %dma_wait3A_288 = tpu.memref_slice %arg8[%dma_wait3A_286, %dma_wait3A_287] : memref<16x128xi32, #tpu.memory_space<vmem>> -> memref<1x128xi32, #tpu.memory_space<vmem>>
      %dma_wait3A_289 = tpu.memref_squeeze %dma_wait3A_288 : memref<1x128xi32, #tpu.memory_space<vmem>> -> memref<128xi32, #tpu.memory_space<vmem>>
      %dma_wait3A_290 = arith.constant 0 : i32
      %dma_wait3A_291 = arith.constant 0 : i32
      %dma_wait3A_292 = tpu.memref_slice %arg13[%dma_wait3A_290, %dma_wait3A_291] : memref<10240x128xf32, #tpu.memory_space<vmem_shared>> -> memref<10240x128xf32, #tpu.memory_space<vmem_shared>>
      tpu.wait_indirect_dma semaphore(%arg11 : memref<!tpu.dma_semaphore, #tpu.memory_space<semaphore_mem>>) src(%arg9 : memref<128x128xf32, #tpu.memory_space<vmem>>) dst(%dma_wait3A_292 : memref<10240x128xf32, #tpu.memory_space<vmem_shared>>)
      %dma_wait3A_293 = arith.constant 9 : i32
      %dma_wait3A_294 = arith.constant 0 : i32
      %dma_wait3A_295 = tpu.memref_slice %arg8[%dma_wait3A_293, %dma_wait3A_294] : memref<16x128xi32, #tpu.memory_space<vmem>> -> memref<1x128xi32, #tpu.memory_space<vmem>>
      %dma_wait3A_296 = tpu.memref_squeeze %dma_wait3A_295 : memref<1x128xi32, #tpu.memory_space<vmem>> -> memref<128xi32, #tpu.memory_space<vmem>>
      %dma_wait3A_297 = arith.constant 0 : i32
      %dma_wait3A_298 = arith.constant 0 : i32
      %dma_wait3A_299 = tpu.memref_slice %arg13[%dma_wait3A_297, %dma_wait3A_298] : memref<10240x128xf32, #tpu.memory_space<vmem_shared>> -> memref<10240x128xf32, #tpu.memory_space<vmem_shared>>
      tpu.wait_indirect_dma semaphore(%arg11 : memref<!tpu.dma_semaphore, #tpu.memory_space<semaphore_mem>>) src(%arg9 : memref<128x128xf32, #tpu.memory_space<vmem>>) dst(%dma_wait3A_299 : memref<10240x128xf32, #tpu.memory_space<vmem_shared>>)
      %dma_wait3A_300 = arith.constant 10 : i32
      %dma_wait3A_301 = arith.constant 0 : i32
      %dma_wait3A_302 = tpu.memref_slice %arg8[%dma_wait3A_300, %dma_wait3A_301] : memref<16x128xi32, #tpu.memory_space<vmem>> -> memref<1x128xi32, #tpu.memory_space<vmem>>
      %dma_wait3A_303 = tpu.memref_squeeze %dma_wait3A_302 : memref<1x128xi32, #tpu.memory_space<vmem>> -> memref<128xi32, #tpu.memory_space<vmem>>
      %dma_wait3A_304 = arith.constant 0 : i32
      %dma_wait3A_305 = arith.constant 0 : i32
      %dma_wait3A_306 = tpu.memref_slice %arg13[%dma_wait3A_304, %dma_wait3A_305] : memref<10240x128xf32, #tpu.memory_space<vmem_shared>> -> memref<10240x128xf32, #tpu.memory_space<vmem_shared>>
      tpu.wait_indirect_dma semaphore(%arg11 : memref<!tpu.dma_semaphore, #tpu.memory_space<semaphore_mem>>) src(%arg9 : memref<128x128xf32, #tpu.memory_space<vmem>>) dst(%dma_wait3A_306 : memref<10240x128xf32, #tpu.memory_space<vmem_shared>>)
      %dma_wait3A_307 = arith.constant 11 : i32
      %dma_wait3A_308 = arith.constant 0 : i32
      %dma_wait3A_309 = tpu.memref_slice %arg8[%dma_wait3A_307, %dma_wait3A_308] : memref<16x128xi32, #tpu.memory_space<vmem>> -> memref<1x128xi32, #tpu.memory_space<vmem>>
      %dma_wait3A_310 = tpu.memref_squeeze %dma_wait3A_309 : memref<1x128xi32, #tpu.memory_space<vmem>> -> memref<128xi32, #tpu.memory_space<vmem>>
      %dma_wait3A_311 = arith.constant 0 : i32
      %dma_wait3A_312 = arith.constant 0 : i32
      %dma_wait3A_313 = tpu.memref_slice %arg13[%dma_wait3A_311, %dma_wait3A_312] : memref<10240x128xf32, #tpu.memory_space<vmem_shared>> -> memref<10240x128xf32, #tpu.memory_space<vmem_shared>>
      tpu.wait_indirect_dma semaphore(%arg11 : memref<!tpu.dma_semaphore, #tpu.memory_space<semaphore_mem>>) src(%arg9 : memref<128x128xf32, #tpu.memory_space<vmem>>) dst(%dma_wait3A_313 : memref<10240x128xf32, #tpu.memory_space<vmem_shared>>)
      %dma_wait3A_314 = arith.constant 12 : i32
      %dma_wait3A_315 = arith.constant 0 : i32
      %dma_wait3A_316 = tpu.memref_slice %arg8[%dma_wait3A_314, %dma_wait3A_315] : memref<16x128xi32, #tpu.memory_space<vmem>> -> memref<1x128xi32, #tpu.memory_space<vmem>>
      %dma_wait3A_317 = tpu.memref_squeeze %dma_wait3A_316 : memref<1x128xi32, #tpu.memory_space<vmem>> -> memref<128xi32, #tpu.memory_space<vmem>>
      %dma_wait3A_318 = arith.constant 0 : i32
      %dma_wait3A_319 = arith.constant 0 : i32
      %dma_wait3A_320 = tpu.memref_slice %arg13[%dma_wait3A_318, %dma_wait3A_319] : memref<10240x128xf32, #tpu.memory_space<vmem_shared>> -> memref<10240x128xf32, #tpu.memory_space<vmem_shared>>
      tpu.wait_indirect_dma semaphore(%arg11 : memref<!tpu.dma_semaphore, #tpu.memory_space<semaphore_mem>>) src(%arg9 : memref<128x128xf32, #tpu.memory_space<vmem>>) dst(%dma_wait3A_320 : memref<10240x128xf32, #tpu.memory_space<vmem_shared>>)
      %dma_wait3A_321 = arith.constant 13 : i32
      %dma_wait3A_322 = arith.constant 0 : i32
      %dma_wait3A_323 = tpu.memref_slice %arg8[%dma_wait3A_321, %dma_wait3A_322] : memref<16x128xi32, #tpu.memory_space<vmem>> -> memref<1x128xi32, #tpu.memory_space<vmem>>
      %dma_wait3A_324 = tpu.memref_squeeze %dma_wait3A_323 : memref<1x128xi32, #tpu.memory_space<vmem>> -> memref<128xi32, #tpu.memory_space<vmem>>
      %dma_wait3A_325 = arith.constant 0 : i32
      %dma_wait3A_326 = arith.constant 0 : i32
      %dma_wait3A_327 = tpu.memref_slice %arg13[%dma_wait3A_325, %dma_wait3A_326] : memref<10240x128xf32, #tpu.memory_space<vmem_shared>> -> memref<10240x128xf32, #tpu.memory_space<vmem_shared>>
      tpu.wait_indirect_dma semaphore(%arg11 : memref<!tpu.dma_semaphore, #tpu.memory_space<semaphore_mem>>) src(%arg9 : memref<128x128xf32, #tpu.memory_space<vmem>>) dst(%dma_wait3A_327 : memref<10240x128xf32, #tpu.memory_space<vmem_shared>>)
      %dma_wait3A_328 = arith.constant 14 : i32
      %dma_wait3A_329 = arith.constant 0 : i32
      %dma_wait3A_330 = tpu.memref_slice %arg8[%dma_wait3A_328, %dma_wait3A_329] : memref<16x128xi32, #tpu.memory_space<vmem>> -> memref<1x128xi32, #tpu.memory_space<vmem>>
      %dma_wait3A_331 = tpu.memref_squeeze %dma_wait3A_330 : memref<1x128xi32, #tpu.memory_space<vmem>> -> memref<128xi32, #tpu.memory_space<vmem>>
      %dma_wait3A_332 = arith.constant 0 : i32
      %dma_wait3A_333 = arith.constant 0 : i32
      %dma_wait3A_334 = tpu.memref_slice %arg13[%dma_wait3A_332, %dma_wait3A_333] : memref<10240x128xf32, #tpu.memory_space<vmem_shared>> -> memref<10240x128xf32, #tpu.memory_space<vmem_shared>>
      tpu.wait_indirect_dma semaphore(%arg11 : memref<!tpu.dma_semaphore, #tpu.memory_space<semaphore_mem>>) src(%arg9 : memref<128x128xf32, #tpu.memory_space<vmem>>) dst(%dma_wait3A_334 : memref<10240x128xf32, #tpu.memory_space<vmem_shared>>)
      %dma_wait3A_335 = arith.constant 15 : i32
      %dma_wait3A_336 = arith.constant 0 : i32
      %dma_wait3A_337 = tpu.memref_slice %arg8[%dma_wait3A_335, %dma_wait3A_336] : memref<16x128xi32, #tpu.memory_space<vmem>> -> memref<1x128xi32, #tpu.memory_space<vmem>>
      %dma_wait3A_338 = tpu.memref_squeeze %dma_wait3A_337 : memref<1x128xi32, #tpu.memory_space<vmem>> -> memref<128xi32, #tpu.memory_space<vmem>>
      %dma_wait3A_339 = arith.constant 0 : i32
      %dma_wait3A_340 = arith.constant 0 : i32
      %dma_wait3A_341 = tpu.memref_slice %arg13[%dma_wait3A_339, %dma_wait3A_340] : memref<10240x128xf32, #tpu.memory_space<vmem_shared>> -> memref<10240x128xf32, #tpu.memory_space<vmem_shared>>
      tpu.wait_indirect_dma semaphore(%arg11 : memref<!tpu.dma_semaphore, #tpu.memory_space<semaphore_mem>>) src(%arg9 : memref<128x128xf32, #tpu.memory_space<vmem>>) dst(%dma_wait3A_341 : memref<10240x128xf32, #tpu.memory_space<vmem_shared>>)
    }
    %scan3A_95 = arith.constant 5 : i32
    %barrier3A_96 = arith.constant 0 : index
    tpu.barrier barrier_id(%barrier3A_96)
    %mul3A_97 = arith.constant 640 : i32
    %mul3A_98 = arith.muli %arg1, %mul3A_97 : i32
    %add3A_99 = arith.constant 0 : i32
    %add3A_100 = arith.addi %mul3A_98, %add3A_99 : i32
    "tpu.region"() ({
      %run_scoped3A = tpu.sem_alloc : memref<!tpu.dma_semaphore, #tpu.memory_space<semaphore_mem>>
      %dma_start3A = arith.constant 0 : i32
      %dma_start3A_117 = tpu.memref_slice %arg13[%add3A_100, %dma_start3A] : memref<10240x128xf32, #tpu.memory_space<vmem_shared>> -> memref<128x128xf32, #tpu.memory_space<vmem_shared>>
      %dma_start3A_118 = arith.constant 0 : i32
      %dma_start3A_119 = tpu.memref_slice %arg13[%add3A_100, %dma_start3A_118] : memref<10240x128xf32, #tpu.memory_space<vmem_shared>> -> memref<128x128xf32, #tpu.memory_space<vmem_shared>>
      tpu.enqueue_dma source(%dma_start3A_119 : memref<128x128xf32, #tpu.memory_space<vmem_shared>>) target(%arg9 : memref<128x128xf32, #tpu.memory_space<vmem>>) target_semaphore(%run_scoped3A : memref<!tpu.dma_semaphore, #tpu.memory_space<semaphore_mem>>)
      %dma_wait3A = arith.constant 0 : i32
      %dma_wait3A_120 = tpu.memref_slice %arg13[%add3A_100, %dma_wait3A] : memref<10240x128xf32, #tpu.memory_space<vmem_shared>> -> memref<128x128xf32, #tpu.memory_space<vmem_shared>>
      %dma_wait3A_121 = arith.constant 0 : i32
      %dma_wait3A_122 = tpu.memref_slice %arg13[%add3A_100, %dma_wait3A_121] : memref<10240x128xf32, #tpu.memory_space<vmem_shared>> -> memref<128x128xf32, #tpu.memory_space<vmem_shared>>
      tpu.wait_dma2 semaphore(%run_scoped3A : memref<!tpu.dma_semaphore, #tpu.memory_space<semaphore_mem>>) src(%dma_wait3A_122 : memref<128x128xf32, #tpu.memory_space<vmem_shared>>) dst(%arg9 : memref<128x128xf32, #tpu.memory_space<vmem>>)
      tpu.yield
    }) : () -> ()
    "tpu.region"() ({
      %run_scoped3A = tpu.sem_alloc : memref<!tpu.dma_semaphore, #tpu.memory_space<semaphore_mem>>
      %dma_start3A = arith.constant 0 : i32
      %dma_start3A_117 = tpu.memref_slice %arg6[%arg0, %add3A_100, %dma_start3A] : memref<2x10240x128xf32, #tpu.memory_space<hbm>> -> memref<1x128x128xf32, #tpu.memory_space<hbm>>
      %dma_start3A_118 = tpu.memref_squeeze %dma_start3A_117 : memref<1x128x128xf32, #tpu.memory_space<hbm>> -> memref<128x128xf32, #tpu.memory_space<hbm>>
      %dma_start3A_119 = arith.constant 0 : i32
      %dma_start3A_120 = tpu.memref_slice %arg6[%arg0, %add3A_100, %dma_start3A_119] : memref<2x10240x128xf32, #tpu.memory_space<hbm>> -> memref<1x128x128xf32, #tpu.memory_space<hbm>>
      %dma_start3A_121 = tpu.memref_squeeze %dma_start3A_120 : memref<1x128x128xf32, #tpu.memory_space<hbm>> -> memref<128x128xf32, #tpu.memory_space<hbm>>
      tpu.enqueue_dma source(%arg9 : memref<128x128xf32, #tpu.memory_space<vmem>>) target(%dma_start3A_121 : memref<128x128xf32, #tpu.memory_space<hbm>>) target_semaphore(%run_scoped3A : memref<!tpu.dma_semaphore, #tpu.memory_space<semaphore_mem>>)
      %dma_wait3A = arith.constant 0 : i32
      %dma_wait3A_122 = tpu.memref_slice %arg6[%arg0, %add3A_100, %dma_wait3A] : memref<2x10240x128xf32, #tpu.memory_space<hbm>> -> memref<1x128x128xf32, #tpu.memory_space<hbm>>
      %dma_wait3A_123 = tpu.memref_squeeze %dma_wait3A_122 : memref<1x128x128xf32, #tpu.memory_space<hbm>> -> memref<128x128xf32, #tpu.memory_space<hbm>>
      %dma_wait3A_124 = arith.constant 0 : i32
      %dma_wait3A_125 = tpu.memref_slice %arg6[%arg0, %add3A_100, %dma_wait3A_124] : memref<2x10240x128xf32, #tpu.memory_space<hbm>> -> memref<1x128x128xf32, #tpu.memory_space<hbm>>
      %dma_wait3A_126 = tpu.memref_squeeze %dma_wait3A_125 : memref<1x128x128xf32, #tpu.memory_space<hbm>> -> memref<128x128xf32, #tpu.memory_space<hbm>>
      tpu.wait_dma2 semaphore(%run_scoped3A : memref<!tpu.dma_semaphore, #tpu.memory_space<semaphore_mem>>) src(%arg9 : memref<128x128xf32, #tpu.memory_space<vmem>>) dst(%dma_wait3A_126 : memref<128x128xf32, #tpu.memory_space<hbm>>)
      tpu.yield
    }) : () -> ()
    %mul3A_101 = arith.constant 640 : i32
    %mul3A_102 = arith.muli %arg1, %mul3A_101 : i32
    %add3A_103 = arith.constant 128 : i32
    %add3A_104 = arith.addi %mul3A_102, %add3A_103 : i32
    "tpu.region"() ({
      %run_scoped3A = tpu.sem_alloc : memref<!tpu.dma_semaphore, #tpu.memory_space<semaphore_mem>>
      %dma_start3A = arith.constant 0 : i32
      %dma_start3A_117 = tpu.memref_slice %arg13[%add3A_104, %dma_start3A] : memref<10240x128xf32, #tpu.memory_space<vmem_shared>> -> memref<128x128xf32, #tpu.memory_space<vmem_shared>>
      %dma_start3A_118 = arith.constant 0 : i32
      %dma_start3A_119 = tpu.memref_slice %arg13[%add3A_104, %dma_start3A_118] : memref<10240x128xf32, #tpu.memory_space<vmem_shared>> -> memref<128x128xf32, #tpu.memory_space<vmem_shared>>
      tpu.enqueue_dma source(%dma_start3A_119 : memref<128x128xf32, #tpu.memory_space<vmem_shared>>) target(%arg9 : memref<128x128xf32, #tpu.memory_space<vmem>>) target_semaphore(%run_scoped3A : memref<!tpu.dma_semaphore, #tpu.memory_space<semaphore_mem>>)
      %dma_wait3A = arith.constant 0 : i32
      %dma_wait3A_120 = tpu.memref_slice %arg13[%add3A_104, %dma_wait3A] : memref<10240x128xf32, #tpu.memory_space<vmem_shared>> -> memref<128x128xf32, #tpu.memory_space<vmem_shared>>
      %dma_wait3A_121 = arith.constant 0 : i32
      %dma_wait3A_122 = tpu.memref_slice %arg13[%add3A_104, %dma_wait3A_121] : memref<10240x128xf32, #tpu.memory_space<vmem_shared>> -> memref<128x128xf32, #tpu.memory_space<vmem_shared>>
      tpu.wait_dma2 semaphore(%run_scoped3A : memref<!tpu.dma_semaphore, #tpu.memory_space<semaphore_mem>>) src(%dma_wait3A_122 : memref<128x128xf32, #tpu.memory_space<vmem_shared>>) dst(%arg9 : memref<128x128xf32, #tpu.memory_space<vmem>>)
      tpu.yield
    }) : () -> ()
    "tpu.region"() ({
      %run_scoped3A = tpu.sem_alloc : memref<!tpu.dma_semaphore, #tpu.memory_space<semaphore_mem>>
      %dma_start3A = arith.constant 0 : i32
      %dma_start3A_117 = tpu.memref_slice %arg6[%arg0, %add3A_104, %dma_start3A] : memref<2x10240x128xf32, #tpu.memory_space<hbm>> -> memref<1x128x128xf32, #tpu.memory_space<hbm>>
      %dma_start3A_118 = tpu.memref_squeeze %dma_start3A_117 : memref<1x128x128xf32, #tpu.memory_space<hbm>> -> memref<128x128xf32, #tpu.memory_space<hbm>>
      %dma_start3A_119 = arith.constant 0 : i32
      %dma_start3A_120 = tpu.memref_slice %arg6[%arg0, %add3A_104, %dma_start3A_119] : memref<2x10240x128xf32, #tpu.memory_space<hbm>> -> memref<1x128x128xf32, #tpu.memory_space<hbm>>
      %dma_start3A_121 = tpu.memref_squeeze %dma_start3A_120 : memref<1x128x128xf32, #tpu.memory_space<hbm>> -> memref<128x128xf32, #tpu.memory_space<hbm>>
      tpu.enqueue_dma source(%arg9 : memref<128x128xf32, #tpu.memory_space<vmem>>) target(%dma_start3A_121 : memref<128x128xf32, #tpu.memory_space<hbm>>) target_semaphore(%run_scoped3A : memref<!tpu.dma_semaphore, #tpu.memory_space<semaphore_mem>>)
      %dma_wait3A = arith.constant 0 : i32
      %dma_wait3A_122 = tpu.memref_slice %arg6[%arg0, %add3A_104, %dma_wait3A] : memref<2x10240x128xf32, #tpu.memory_space<hbm>> -> memref<1x128x128xf32, #tpu.memory_space<hbm>>
      %dma_wait3A_123 = tpu.memref_squeeze %dma_wait3A_122 : memref<1x128x128xf32, #tpu.memory_space<hbm>> -> memref<128x128xf32, #tpu.memory_space<hbm>>
      %dma_wait3A_124 = arith.constant 0 : i32
      %dma_wait3A_125 = tpu.memref_slice %arg6[%arg0, %add3A_104, %dma_wait3A_124] : memref<2x10240x128xf32, #tpu.memory_space<hbm>> -> memref<1x128x128xf32, #tpu.memory_space<hbm>>
      %dma_wait3A_126 = tpu.memref_squeeze %dma_wait3A_125 : memref<1x128x128xf32, #tpu.memory_space<hbm>> -> memref<128x128xf32, #tpu.memory_space<hbm>>
      tpu.wait_dma2 semaphore(%run_scoped3A : memref<!tpu.dma_semaphore, #tpu.memory_space<semaphore_mem>>) src(%arg9 : memref<128x128xf32, #tpu.memory_space<vmem>>) dst(%dma_wait3A_126 : memref<128x128xf32, #tpu.memory_space<hbm>>)
      tpu.yield
    }) : () -> ()
    %mul3A_105 = arith.constant 640 : i32
    %mul3A_106 = arith.muli %arg1, %mul3A_105 : i32
    %add3A_107 = arith.constant 256 : i32
    %add3A_108 = arith.addi %mul3A_106, %add3A_107 : i32
    "tpu.region"() ({
      %run_scoped3A = tpu.sem_alloc : memref<!tpu.dma_semaphore, #tpu.memory_space<semaphore_mem>>
      %dma_start3A = arith.constant 0 : i32
      %dma_start3A_117 = tpu.memref_slice %arg13[%add3A_108, %dma_start3A] : memref<10240x128xf32, #tpu.memory_space<vmem_shared>> -> memref<128x128xf32, #tpu.memory_space<vmem_shared>>
      %dma_start3A_118 = arith.constant 0 : i32
      %dma_start3A_119 = tpu.memref_slice %arg13[%add3A_108, %dma_start3A_118] : memref<10240x128xf32, #tpu.memory_space<vmem_shared>> -> memref<128x128xf32, #tpu.memory_space<vmem_shared>>
      tpu.enqueue_dma source(%dma_start3A_119 : memref<128x128xf32, #tpu.memory_space<vmem_shared>>) target(%arg9 : memref<128x128xf32, #tpu.memory_space<vmem>>) target_semaphore(%run_scoped3A : memref<!tpu.dma_semaphore, #tpu.memory_space<semaphore_mem>>)
      %dma_wait3A = arith.constant 0 : i32
      %dma_wait3A_120 = tpu.memref_slice %arg13[%add3A_108, %dma_wait3A] : memref<10240x128xf32, #tpu.memory_space<vmem_shared>> -> memref<128x128xf32, #tpu.memory_space<vmem_shared>>
      %dma_wait3A_121 = arith.constant 0 : i32
      %dma_wait3A_122 = tpu.memref_slice %arg13[%add3A_108, %dma_wait3A_121] : memref<10240x128xf32, #tpu.memory_space<vmem_shared>> -> memref<128x128xf32, #tpu.memory_space<vmem_shared>>
      tpu.wait_dma2 semaphore(%run_scoped3A : memref<!tpu.dma_semaphore, #tpu.memory_space<semaphore_mem>>) src(%dma_wait3A_122 : memref<128x128xf32, #tpu.memory_space<vmem_shared>>) dst(%arg9 : memref<128x128xf32, #tpu.memory_space<vmem>>)
      tpu.yield
    }) : () -> ()
    "tpu.region"() ({
      %run_scoped3A = tpu.sem_alloc : memref<!tpu.dma_semaphore, #tpu.memory_space<semaphore_mem>>
      %dma_start3A = arith.constant 0 : i32
      %dma_start3A_117 = tpu.memref_slice %arg6[%arg0, %add3A_108, %dma_start3A] : memref<2x10240x128xf32, #tpu.memory_space<hbm>> -> memref<1x128x128xf32, #tpu.memory_space<hbm>>
      %dma_start3A_118 = tpu.memref_squeeze %dma_start3A_117 : memref<1x128x128xf32, #tpu.memory_space<hbm>> -> memref<128x128xf32, #tpu.memory_space<hbm>>
      %dma_start3A_119 = arith.constant 0 : i32
      %dma_start3A_120 = tpu.memref_slice %arg6[%arg0, %add3A_108, %dma_start3A_119] : memref<2x10240x128xf32, #tpu.memory_space<hbm>> -> memref<1x128x128xf32, #tpu.memory_space<hbm>>
      %dma_start3A_121 = tpu.memref_squeeze %dma_start3A_120 : memref<1x128x128xf32, #tpu.memory_space<hbm>> -> memref<128x128xf32, #tpu.memory_space<hbm>>
      tpu.enqueue_dma source(%arg9 : memref<128x128xf32, #tpu.memory_space<vmem>>) target(%dma_start3A_121 : memref<128x128xf32, #tpu.memory_space<hbm>>) target_semaphore(%run_scoped3A : memref<!tpu.dma_semaphore, #tpu.memory_space<semaphore_mem>>)
      %dma_wait3A = arith.constant 0 : i32
      %dma_wait3A_122 = tpu.memref_slice %arg6[%arg0, %add3A_108, %dma_wait3A] : memref<2x10240x128xf32, #tpu.memory_space<hbm>> -> memref<1x128x128xf32, #tpu.memory_space<hbm>>
      %dma_wait3A_123 = tpu.memref_squeeze %dma_wait3A_122 : memref<1x128x128xf32, #tpu.memory_space<hbm>> -> memref<128x128xf32, #tpu.memory_space<hbm>>
      %dma_wait3A_124 = arith.constant 0 : i32
      %dma_wait3A_125 = tpu.memref_slice %arg6[%arg0, %add3A_108, %dma_wait3A_124] : memref<2x10240x128xf32, #tpu.memory_space<hbm>> -> memref<1x128x128xf32, #tpu.memory_space<hbm>>
      %dma_wait3A_126 = tpu.memref_squeeze %dma_wait3A_125 : memref<1x128x128xf32, #tpu.memory_space<hbm>> -> memref<128x128xf32, #tpu.memory_space<hbm>>
      tpu.wait_dma2 semaphore(%run_scoped3A : memref<!tpu.dma_semaphore, #tpu.memory_space<semaphore_mem>>) src(%arg9 : memref<128x128xf32, #tpu.memory_space<vmem>>) dst(%dma_wait3A_126 : memref<128x128xf32, #tpu.memory_space<hbm>>)
      tpu.yield
    }) : () -> ()
    %mul3A_109 = arith.constant 640 : i32
    %mul3A_110 = arith.muli %arg1, %mul3A_109 : i32
    %add3A_111 = arith.constant 384 : i32
    %add3A_112 = arith.addi %mul3A_110, %add3A_111 : i32
    "tpu.region"() ({
      %run_scoped3A = tpu.sem_alloc : memref<!tpu.dma_semaphore, #tpu.memory_space<semaphore_mem>>
      %dma_start3A = arith.constant 0 : i32
      %dma_start3A_117 = tpu.memref_slice %arg13[%add3A_112, %dma_start3A] : memref<10240x128xf32, #tpu.memory_space<vmem_shared>> -> memref<128x128xf32, #tpu.memory_space<vmem_shared>>
      %dma_start3A_118 = arith.constant 0 : i32
      %dma_start3A_119 = tpu.memref_slice %arg13[%add3A_112, %dma_start3A_118] : memref<10240x128xf32, #tpu.memory_space<vmem_shared>> -> memref<128x128xf32, #tpu.memory_space<vmem_shared>>
      tpu.enqueue_dma source(%dma_start3A_119 : memref<128x128xf32, #tpu.memory_space<vmem_shared>>) target(%arg9 : memref<128x128xf32, #tpu.memory_space<vmem>>) target_semaphore(%run_scoped3A : memref<!tpu.dma_semaphore, #tpu.memory_space<semaphore_mem>>)
      %dma_wait3A = arith.constant 0 : i32
      %dma_wait3A_120 = tpu.memref_slice %arg13[%add3A_112, %dma_wait3A] : memref<10240x128xf32, #tpu.memory_space<vmem_shared>> -> memref<128x128xf32, #tpu.memory_space<vmem_shared>>
      %dma_wait3A_121 = arith.constant 0 : i32
      %dma_wait3A_122 = tpu.memref_slice %arg13[%add3A_112, %dma_wait3A_121] : memref<10240x128xf32, #tpu.memory_space<vmem_shared>> -> memref<128x128xf32, #tpu.memory_space<vmem_shared>>
      tpu.wait_dma2 semaphore(%run_scoped3A : memref<!tpu.dma_semaphore, #tpu.memory_space<semaphore_mem>>) src(%dma_wait3A_122 : memref<128x128xf32, #tpu.memory_space<vmem_shared>>) dst(%arg9 : memref<128x128xf32, #tpu.memory_space<vmem>>)
      tpu.yield
    }) : () -> ()
    "tpu.region"() ({
      %run_scoped3A = tpu.sem_alloc : memref<!tpu.dma_semaphore, #tpu.memory_space<semaphore_mem>>
      %dma_start3A = arith.constant 0 : i32
      %dma_start3A_117 = tpu.memref_slice %arg6[%arg0, %add3A_112, %dma_start3A] : memref<2x10240x128xf32, #tpu.memory_space<hbm>> -> memref<1x128x128xf32, #tpu.memory_space<hbm>>
      %dma_start3A_118 = tpu.memref_squeeze %dma_start3A_117 : memref<1x128x128xf32, #tpu.memory_space<hbm>> -> memref<128x128xf32, #tpu.memory_space<hbm>>
      %dma_start3A_119 = arith.constant 0 : i32
      %dma_start3A_120 = tpu.memref_slice %arg6[%arg0, %add3A_112, %dma_start3A_119] : memref<2x10240x128xf32, #tpu.memory_space<hbm>> -> memref<1x128x128xf32, #tpu.memory_space<hbm>>
      %dma_start3A_121 = tpu.memref_squeeze %dma_start3A_120 : memref<1x128x128xf32, #tpu.memory_space<hbm>> -> memref<128x128xf32, #tpu.memory_space<hbm>>
      tpu.enqueue_dma source(%arg9 : memref<128x128xf32, #tpu.memory_space<vmem>>) target(%dma_start3A_121 : memref<128x128xf32, #tpu.memory_space<hbm>>) target_semaphore(%run_scoped3A : memref<!tpu.dma_semaphore, #tpu.memory_space<semaphore_mem>>)
      %dma_wait3A = arith.constant 0 : i32
      %dma_wait3A_122 = tpu.memref_slice %arg6[%arg0, %add3A_112, %dma_wait3A] : memref<2x10240x128xf32, #tpu.memory_space<hbm>> -> memref<1x128x128xf32, #tpu.memory_space<hbm>>
      %dma_wait3A_123 = tpu.memref_squeeze %dma_wait3A_122 : memref<1x128x128xf32, #tpu.memory_space<hbm>> -> memref<128x128xf32, #tpu.memory_space<hbm>>
      %dma_wait3A_124 = arith.constant 0 : i32
      %dma_wait3A_125 = tpu.memref_slice %arg6[%arg0, %add3A_112, %dma_wait3A_124] : memref<2x10240x128xf32, #tpu.memory_space<hbm>> -> memref<1x128x128xf32, #tpu.memory_space<hbm>>
      %dma_wait3A_126 = tpu.memref_squeeze %dma_wait3A_125 : memref<1x128x128xf32, #tpu.memory_space<hbm>> -> memref<128x128xf32, #tpu.memory_space<hbm>>
      tpu.wait_dma2 semaphore(%run_scoped3A : memref<!tpu.dma_semaphore, #tpu.memory_space<semaphore_mem>>) src(%arg9 : memref<128x128xf32, #tpu.memory_space<vmem>>) dst(%dma_wait3A_126 : memref<128x128xf32, #tpu.memory_space<hbm>>)
      tpu.yield
    }) : () -> ()
    %mul3A_113 = arith.constant 640 : i32
    %mul3A_114 = arith.muli %arg1, %mul3A_113 : i32
    %add3A_115 = arith.constant 512 : i32
    %add3A_116 = arith.addi %mul3A_114, %add3A_115 : i32
    "tpu.region"() ({
      %run_scoped3A = tpu.sem_alloc : memref<!tpu.dma_semaphore, #tpu.memory_space<semaphore_mem>>
      %dma_start3A = arith.constant 0 : i32
      %dma_start3A_117 = tpu.memref_slice %arg13[%add3A_116, %dma_start3A] : memref<10240x128xf32, #tpu.memory_space<vmem_shared>> -> memref<128x128xf32, #tpu.memory_space<vmem_shared>>
      %dma_start3A_118 = arith.constant 0 : i32
      %dma_start3A_119 = tpu.memref_slice %arg13[%add3A_116, %dma_start3A_118] : memref<10240x128xf32, #tpu.memory_space<vmem_shared>> -> memref<128x128xf32, #tpu.memory_space<vmem_shared>>
      tpu.enqueue_dma source(%dma_start3A_119 : memref<128x128xf32, #tpu.memory_space<vmem_shared>>) target(%arg9 : memref<128x128xf32, #tpu.memory_space<vmem>>) target_semaphore(%run_scoped3A : memref<!tpu.dma_semaphore, #tpu.memory_space<semaphore_mem>>)
      %dma_wait3A = arith.constant 0 : i32
      %dma_wait3A_120 = tpu.memref_slice %arg13[%add3A_116, %dma_wait3A] : memref<10240x128xf32, #tpu.memory_space<vmem_shared>> -> memref<128x128xf32, #tpu.memory_space<vmem_shared>>
      %dma_wait3A_121 = arith.constant 0 : i32
      %dma_wait3A_122 = tpu.memref_slice %arg13[%add3A_116, %dma_wait3A_121] : memref<10240x128xf32, #tpu.memory_space<vmem_shared>> -> memref<128x128xf32, #tpu.memory_space<vmem_shared>>
      tpu.wait_dma2 semaphore(%run_scoped3A : memref<!tpu.dma_semaphore, #tpu.memory_space<semaphore_mem>>) src(%dma_wait3A_122 : memref<128x128xf32, #tpu.memory_space<vmem_shared>>) dst(%arg9 : memref<128x128xf32, #tpu.memory_space<vmem>>)
      tpu.yield
    }) : () -> ()
    "tpu.region"() ({
      %run_scoped3A = tpu.sem_alloc : memref<!tpu.dma_semaphore, #tpu.memory_space<semaphore_mem>>
      %dma_start3A = arith.constant 0 : i32
      %dma_start3A_117 = tpu.memref_slice %arg6[%arg0, %add3A_116, %dma_start3A] : memref<2x10240x128xf32, #tpu.memory_space<hbm>> -> memref<1x128x128xf32, #tpu.memory_space<hbm>>
      %dma_start3A_118 = tpu.memref_squeeze %dma_start3A_117 : memref<1x128x128xf32, #tpu.memory_space<hbm>> -> memref<128x128xf32, #tpu.memory_space<hbm>>
      %dma_start3A_119 = arith.constant 0 : i32
      %dma_start3A_120 = tpu.memref_slice %arg6[%arg0, %add3A_116, %dma_start3A_119] : memref<2x10240x128xf32, #tpu.memory_space<hbm>> -> memref<1x128x128xf32, #tpu.memory_space<hbm>>
      %dma_start3A_121 = tpu.memref_squeeze %dma_start3A_120 : memref<1x128x128xf32, #tpu.memory_space<hbm>> -> memref<128x128xf32, #tpu.memory_space<hbm>>
      tpu.enqueue_dma source(%arg9 : memref<128x128xf32, #tpu.memory_space<vmem>>) target(%dma_start3A_121 : memref<128x128xf32, #tpu.memory_space<hbm>>) target_semaphore(%run_scoped3A : memref<!tpu.dma_semaphore, #tpu.memory_space<semaphore_mem>>)
      %dma_wait3A = arith.constant 0 : i32
      %dma_wait3A_122 = tpu.memref_slice %arg6[%arg0, %add3A_116, %dma_wait3A] : memref<2x10240x128xf32, #tpu.memory_space<hbm>> -> memref<1x128x128xf32, #tpu.memory_space<hbm>>
      %dma_wait3A_123 = tpu.memref_squeeze %dma_wait3A_122 : memref<1x128x128xf32, #tpu.memory_space<hbm>> -> memref<128x128xf32, #tpu.memory_space<hbm>>
      %dma_wait3A_124 = arith.constant 0 : i32
      %dma_wait3A_125 = tpu.memref_slice %arg6[%arg0, %add3A_116, %dma_wait3A_124] : memref<2x10240x128xf32, #tpu.memory_space<hbm>> -> memref<1x128x128xf32, #tpu.memory_space<hbm>>
      %dma_wait3A_126 = tpu.memref_squeeze %dma_wait3A_125 : memref<1x128x128xf32, #tpu.memory_space<hbm>> -> memref<128x128xf32, #tpu.memory_space<hbm>>
      tpu.wait_dma2 semaphore(%run_scoped3A : memref<!tpu.dma_semaphore, #tpu.memory_space<semaphore_mem>>) src(%arg9 : memref<128x128xf32, #tpu.memory_space<vmem>>) dst(%dma_wait3A_126 : memref<128x128xf32, #tpu.memory_space<hbm>>)
      tpu.yield
    }) : () -> ()
    return
  }
}

module attributes {stable_mosaic.version = 14 : i64} {
  func.func @_tc1_body(%arg0: i32, %arg1: memref<1000x128xf32, #tpu.memory_space<vmem>>, %arg2: memref<1000x128xf32, #tpu.memory_space<vmem>>, %arg3: memref<1000x128xf32, #tpu.memory_space<vmem>>, %arg4: memref<1000x128xf32, #tpu.memory_space<vmem>>, %arg5: memref<1000x128xf32, #tpu.memory_space<vmem>>, %arg6: memref<128x256xf32, #tpu.memory_space<vmem>>, %arg7: memref<1x128xf32, #tpu.memory_space<vmem>>, %arg8: memref<1000x128xf32, #tpu.memory_space<vmem>>) attributes {dimension_semantics = [#tpu.dimension_semantics<arbitrary>], iteration_bounds = array<i64: 10>, scalar_prefetch = 0 : i64, scratch_operands = 0 : i64, tpu.core_type = #tpu.core_type<tc>, window_params = [{transform_indices = @transform_0, window_bounds = array<i64: 1000, 128>}, {transform_indices = @transform_1, window_bounds = array<i64: 1000, 128>}, {transform_indices = @transform_2, window_bounds = array<i64: 1000, 128>}, {transform_indices = @transform_3, window_bounds = array<i64: 1000, 128>}, {transform_indices = @transform_4, window_bounds = array<i64: 1000, 128>}, {pipeline_mode = #tpu.pipeline_mode<synchronous>, transform_indices = @transform_5, window_bounds = array<i64: 128, 256>}, {pipeline_mode = #tpu.pipeline_mode<synchronous>, transform_indices = @transform_6, window_bounds = array<i64: 1, 128>}, {transform_indices = @transform_7, window_bounds = array<i64: 1000, 128>}]} {
    %get3A = arith.constant 0 : index
    %get3A_0 = arith.constant 0 : index
    %get3A_1 = vector.load %arg4[%get3A, %get3A_0] : memref<1000x128xf32, #tpu.memory_space<vmem>>, vector<1000x128xf32>
    %get3A_2 = arith.constant 0 : index
    %get3A_3 = arith.constant 0 : index
    %get3A_4 = vector.load %arg5[%get3A_2, %get3A_3] : memref<1000x128xf32, #tpu.memory_space<vmem>>, vector<1000x128xf32>
    %add3A = arith.addf %get3A_1, %get3A_4 : vector<1000x128xf32>
    %max3A = arith.constant 1.000000e+00 : f32
    %max3A_5 = vector.broadcast %max3A : f32 to vector<1000x128xf32>
    %max3A_6 = arith.maximumf %add3A, %max3A_5 : vector<1000x128xf32>
    %div3A = arith.constant 1.000000e+00 : f32
    %div3A_7 = vector.broadcast %div3A : f32 to vector<1000x128xf32>
    %div3A_8 = arith.divf %div3A_7, %max3A_6 : vector<1000x128xf32>
    %gt3A = arith.constant 0.000000e+00 : f32
    %gt3A_9 = vector.broadcast %gt3A : f32 to vector<1000x128xf32>
    %gt3A_10 = arith.cmpf ogt, %add3A, %gt3A_9 : vector<1000x128xf32>
    %jit3A = arith.constant 1.000000e+00 : f32
    %jit3A_11 = arith.constant 0.000000e+00 : f32
    %broadcast_in_dim3A = vector.broadcast %jit3A : f32 to vector<1000x128xf32>
    %broadcast_in_dim3A_12 = vector.broadcast %jit3A_11 : f32 to vector<1000x128xf32>
    %select_n3A = arith.select %gt3A_10, %broadcast_in_dim3A, %broadcast_in_dim3A_12 : vector<1000x128xi1>, vector<1000x128xf32>
    %get3A_13 = arith.constant 0 : index
    %get3A_14 = arith.constant 0 : index
    %get3A_15 = vector.load %arg2[%get3A_13, %get3A_14] : memref<1000x128xf32, #tpu.memory_space<vmem>>, vector<1000x128xf32>
    %get3A_16 = arith.constant 0 : index
    %get3A_17 = arith.constant 0 : index
    %get3A_18 = vector.load %arg3[%get3A_16, %get3A_17] : memref<1000x128xf32, #tpu.memory_space<vmem>>, vector<1000x128xf32>
    %add3A_19 = arith.addf %get3A_15, %get3A_18 : vector<1000x128xf32>
    %mul3A = arith.mulf %add3A_19, %div3A_8 : vector<1000x128xf32>
    %get3A_20 = arith.constant 0 : index
    %get3A_21 = arith.constant 0 : index
    %get3A_22 = vector.load %arg6[%get3A_20, %get3A_21] : memref<128x256xf32, #tpu.memory_space<vmem>>, vector<128x256xf32>
    %get3A_23 = arith.constant 0 : index
    %get3A_24 = arith.constant 0 : index
    %get3A_25 = vector.load %arg1[%get3A_23, %get3A_24] : memref<1000x128xf32, #tpu.memory_space<vmem>>, vector<1000x128xf32>
    %slice3A = vector.extract_strided_slice %get3A_22 {offsets = [0, 0], sizes = [128, 128], strides = [1, 1]} : vector<128x256xf32> to vector<128x128xf32>
    %slice3A_26 = vector.extract_strided_slice %get3A_22 {offsets = [0, 128], sizes = [128, 128], strides = [1, 1]} : vector<128x256xf32> to vector<128x128xf32>
    %sub3A = arith.subf %slice3A, %slice3A_26 : vector<128x128xf32>
    %dot_general3A = arith.constant dense<0.000000e+00> : vector<1000x128xf32>
    %dot_general3A_27 = tpu.matmul %get3A_25, %sub3A, %dot_general3A {dimension_numbers = #tpu.dot_dimension_numbers<[1], [1], [0], [0], [0, 0, 1, 0], [], []>, precision = #tpu.contract_precision<fp32>, transpose_lhs_hint = false} : vector<1000x128xf32>, vector<128x128xf32>, vector<1000x128xf32> -> vector<1000x128xf32>
    %slice3A_28 = vector.extract_strided_slice %get3A_22 {offsets = [0, 128], sizes = [128, 128], strides = [1, 1]} : vector<128x256xf32> to vector<128x128xf32>
    %dot_general3A_29 = arith.constant dense<0.000000e+00> : vector<1000x128xf32>
    %dot_general3A_30 = tpu.matmul %mul3A, %slice3A_28, %dot_general3A_29 {dimension_numbers = #tpu.dot_dimension_numbers<[1], [1], [0], [0], [0, 0, 1, 0], [], []>, precision = #tpu.contract_precision<fp32>, transpose_lhs_hint = false} : vector<1000x128xf32>, vector<128x128xf32>, vector<1000x128xf32> -> vector<1000x128xf32>
    %add3A_31 = arith.addf %dot_general3A_27, %dot_general3A_30 : vector<1000x128xf32>
    %get3A_32 = arith.constant 0 : index
    %get3A_33 = arith.constant 0 : index
    %get3A_34 = vector.load %arg7[%get3A_32, %get3A_33] : memref<1x128xf32, #tpu.memory_space<vmem>>, vector<1x128xf32>
    %add3A_35 = vector.broadcast %get3A_34 : vector<1x128xf32> to vector<1000x128xf32>
    %add3A_36 = arith.addf %add3A_31, %add3A_35 : vector<1000x128xf32>
    %mul3A_37 = arith.mulf %add3A_36, %select_n3A : vector<1000x128xf32>
    %max3A_38 = arith.constant 0.000000e+00 : f32
    %max3A_39 = vector.broadcast %max3A_38 : f32 to vector<1000x128xf32>
    %max3A_40 = arith.maximumf %mul3A_37, %max3A_39 : vector<1000x128xf32>
    %swap3A = arith.constant 0 : index
    %swap3A_41 = arith.constant 0 : index
    %swap3A_42 = vector.load %arg8[%swap3A, %swap3A_41] : memref<1000x128xf32, #tpu.memory_space<vmem>>, vector<1000x128xf32>
    tpu.vector_store %arg8[%swap3A, %swap3A_41], %max3A_40 {strides = array<i32>} : memref<1000x128xf32, #tpu.memory_space<vmem>>, vector<1000x128xf32>,
    return
  }
  func.func @transform_0(%arg0: i32) -> (i32, i32) {
    %c0_i32 = arith.constant 0 : i32
    %c0_i32_0 = arith.constant 0 : i32
    return %arg0, %c0_i32 : i32, i32
  }
  func.func @transform_1(%arg0: i32) -> (i32, i32) {
    %c0_i32 = arith.constant 0 : i32
    %c0_i32_0 = arith.constant 0 : i32
    return %arg0, %c0_i32 : i32, i32
  }
  func.func @transform_2(%arg0: i32) -> (i32, i32) {
    %c0_i32 = arith.constant 0 : i32
    %c0_i32_0 = arith.constant 0 : i32
    return %arg0, %c0_i32 : i32, i32
  }
  func.func @transform_3(%arg0: i32) -> (i32, i32) {
    %c0_i32 = arith.constant 0 : i32
    %c0_i32_0 = arith.constant 0 : i32
    return %arg0, %c0_i32 : i32, i32
  }
  func.func @transform_4(%arg0: i32) -> (i32, i32) {
    %c0_i32 = arith.constant 0 : i32
    %c0_i32_0 = arith.constant 0 : i32
    return %arg0, %c0_i32 : i32, i32
  }
  func.func @transform_5(%arg0: i32) -> (i32, i32) {
    %c0_i32 = arith.constant 0 : i32
    %c0_i32_0 = arith.constant 0 : i32
    %c0_i32_1 = arith.constant 0 : i32
    return %c0_i32, %c0_i32_0 : i32, i32
  }
  func.func @transform_6(%arg0: i32) -> (i32, i32) {
    %c0_i32 = arith.constant 0 : i32
    %c0_i32_0 = arith.constant 0 : i32
    %c0_i32_1 = arith.constant 0 : i32
    return %c0_i32, %c0_i32_0 : i32, i32
  }
  func.func @transform_7(%arg0: i32) -> (i32, i32) {
    %c0_i32 = arith.constant 0 : i32
    %c0_i32_0 = arith.constant 0 : i32
    return %arg0, %c0_i32 : i32, i32
  }
}

module attributes {stable_mosaic.version = 14 : i64} {
  func.func @_tc2_body(%arg0: i32, %arg1: memref<1000x128xf32, #tpu.memory_space<vmem>>, %arg2: memref<1000x128xf32, #tpu.memory_space<vmem>>, %arg3: memref<1000x128xf32, #tpu.memory_space<vmem>>, %arg4: memref<1000x128xf32, #tpu.memory_space<vmem>>, %arg5: memref<1000x128xf32, #tpu.memory_space<vmem>>, %arg6: memref<1000x128xf32, #tpu.memory_space<vmem>>, %arg7: memref<128x256xf32, #tpu.memory_space<vmem>>, %arg8: memref<1x128xf32, #tpu.memory_space<vmem>>, %arg9: memref<128x384xf32, #tpu.memory_space<vmem>>, %arg10: memref<1x128xf32, #tpu.memory_space<vmem>>, %arg11: memref<1000x128xf32, #tpu.memory_space<vmem>>) attributes {dimension_semantics = [#tpu.dimension_semantics<arbitrary>], iteration_bounds = array<i64: 10>, scalar_prefetch = 0 : i64, scratch_operands = 0 : i64, tpu.core_type = #tpu.core_type<tc>, window_params = [{transform_indices = @transform_0, window_bounds = array<i64: 1000, 128>}, {transform_indices = @transform_1, window_bounds = array<i64: 1000, 128>}, {transform_indices = @transform_2, window_bounds = array<i64: 1000, 128>}, {transform_indices = @transform_3, window_bounds = array<i64: 1000, 128>}, {transform_indices = @transform_4, window_bounds = array<i64: 1000, 128>}, {transform_indices = @transform_5, window_bounds = array<i64: 1000, 128>}, {pipeline_mode = #tpu.pipeline_mode<synchronous>, transform_indices = @transform_6, window_bounds = array<i64: 128, 256>}, {pipeline_mode = #tpu.pipeline_mode<synchronous>, transform_indices = @transform_7, window_bounds = array<i64: 1, 128>}, {pipeline_mode = #tpu.pipeline_mode<synchronous>, transform_indices = @transform_8, window_bounds = array<i64: 128, 384>}, {pipeline_mode = #tpu.pipeline_mode<synchronous>, transform_indices = @transform_9, window_bounds = array<i64: 1, 128>}, {transform_indices = @transform_10, window_bounds = array<i64: 1000, 128>}]} {
    %get3A = arith.constant 0 : index
    %get3A_0 = arith.constant 0 : index
    %get3A_1 = vector.load %arg5[%get3A, %get3A_0] : memref<1000x128xf32, #tpu.memory_space<vmem>>, vector<1000x128xf32>
    %get3A_2 = arith.constant 0 : index
    %get3A_3 = arith.constant 0 : index
    %get3A_4 = vector.load %arg6[%get3A_2, %get3A_3] : memref<1000x128xf32, #tpu.memory_space<vmem>>, vector<1000x128xf32>
    %add3A = arith.addf %get3A_1, %get3A_4 : vector<1000x128xf32>
    %max3A = arith.constant 1.000000e+00 : f32
    %max3A_5 = vector.broadcast %max3A : f32 to vector<1000x128xf32>
    %max3A_6 = arith.maximumf %add3A, %max3A_5 : vector<1000x128xf32>
    %div3A = arith.constant 1.000000e+00 : f32
    %div3A_7 = vector.broadcast %div3A : f32 to vector<1000x128xf32>
    %div3A_8 = arith.divf %div3A_7, %max3A_6 : vector<1000x128xf32>
    %gt3A = arith.constant 0.000000e+00 : f32
    %gt3A_9 = vector.broadcast %gt3A : f32 to vector<1000x128xf32>
    %gt3A_10 = arith.cmpf ogt, %add3A, %gt3A_9 : vector<1000x128xf32>
    %jit3A = arith.constant 1.000000e+00 : f32
    %jit3A_11 = arith.constant 0.000000e+00 : f32
    %broadcast_in_dim3A = vector.broadcast %jit3A : f32 to vector<1000x128xf32>
    %broadcast_in_dim3A_12 = vector.broadcast %jit3A_11 : f32 to vector<1000x128xf32>
    %select_n3A = arith.select %gt3A_10, %broadcast_in_dim3A, %broadcast_in_dim3A_12 : vector<1000x128xi1>, vector<1000x128xf32>
    %get3A_13 = arith.constant 0 : index
    %get3A_14 = arith.constant 0 : index
    %get3A_15 = vector.load %arg3[%get3A_13, %get3A_14] : memref<1000x128xf32, #tpu.memory_space<vmem>>, vector<1000x128xf32>
    %get3A_16 = arith.constant 0 : index
    %get3A_17 = arith.constant 0 : index
    %get3A_18 = vector.load %arg4[%get3A_16, %get3A_17] : memref<1000x128xf32, #tpu.memory_space<vmem>>, vector<1000x128xf32>
    %add3A_19 = arith.addf %get3A_15, %get3A_18 : vector<1000x128xf32>
    %mul3A = arith.mulf %add3A_19, %div3A_8 : vector<1000x128xf32>
    %get3A_20 = arith.constant 0 : index
    %get3A_21 = arith.constant 0 : index
    %get3A_22 = vector.load %arg7[%get3A_20, %get3A_21] : memref<128x256xf32, #tpu.memory_space<vmem>>, vector<128x256xf32>
    %get3A_23 = arith.constant 0 : index
    %get3A_24 = arith.constant 0 : index
    %get3A_25 = vector.load %arg2[%get3A_23, %get3A_24] : memref<1000x128xf32, #tpu.memory_space<vmem>>, vector<1000x128xf32>
    %slice3A = vector.extract_strided_slice %get3A_22 {offsets = [0, 0], sizes = [128, 128], strides = [1, 1]} : vector<128x256xf32> to vector<128x128xf32>
    %slice3A_26 = vector.extract_strided_slice %get3A_22 {offsets = [0, 128], sizes = [128, 128], strides = [1, 1]} : vector<128x256xf32> to vector<128x128xf32>
    %sub3A = arith.subf %slice3A, %slice3A_26 : vector<128x128xf32>
    %dot_general3A = arith.constant dense<0.000000e+00> : vector<1000x128xf32>
    %dot_general3A_27 = tpu.matmul %get3A_25, %sub3A, %dot_general3A {dimension_numbers = #tpu.dot_dimension_numbers<[1], [1], [0], [0], [0, 0, 1, 0], [], []>, precision = #tpu.contract_precision<fp32>, transpose_lhs_hint = false} : vector<1000x128xf32>, vector<128x128xf32>, vector<1000x128xf32> -> vector<1000x128xf32>
    %slice3A_28 = vector.extract_strided_slice %get3A_22 {offsets = [0, 128], sizes = [128, 128], strides = [1, 1]} : vector<128x256xf32> to vector<128x128xf32>
    %dot_general3A_29 = arith.constant dense<0.000000e+00> : vector<1000x128xf32>
    %dot_general3A_30 = tpu.matmul %mul3A, %slice3A_28, %dot_general3A_29 {dimension_numbers = #tpu.dot_dimension_numbers<[1], [1], [0], [0], [0, 0, 1, 0], [], []>, precision = #tpu.contract_precision<fp32>, transpose_lhs_hint = false} : vector<1000x128xf32>, vector<128x128xf32>, vector<1000x128xf32> -> vector<1000x128xf32>
    %add3A_31 = arith.addf %dot_general3A_27, %dot_general3A_30 : vector<1000x128xf32>
    %get3A_32 = arith.constant 0 : index
    %get3A_33 = arith.constant 0 : index
    %get3A_34 = vector.load %arg8[%get3A_32, %get3A_33] : memref<1x128xf32, #tpu.memory_space<vmem>>, vector<1x128xf32>
    %add3A_35 = vector.broadcast %get3A_34 : vector<1x128xf32> to vector<1000x128xf32>
    %add3A_36 = arith.addf %add3A_31, %add3A_35 : vector<1000x128xf32>
    %mul3A_37 = arith.mulf %add3A_36, %select_n3A : vector<1000x128xf32>
    %max3A_38 = arith.constant 0.000000e+00 : f32
    %max3A_39 = vector.broadcast %max3A_38 : f32 to vector<1000x128xf32>
    %max3A_40 = arith.maximumf %mul3A_37, %max3A_39 : vector<1000x128xf32>
    %get3A_41 = arith.constant 0 : index
    %get3A_42 = arith.constant 0 : index
    %get3A_43 = vector.load %arg9[%get3A_41, %get3A_42] : memref<128x384xf32, #tpu.memory_space<vmem>>, vector<128x384xf32>
    %get3A_44 = arith.constant 0 : index
    %get3A_45 = arith.constant 0 : index
    %get3A_46 = vector.load %arg1[%get3A_44, %get3A_45] : memref<1000x128xf32, #tpu.memory_space<vmem>>, vector<1000x128xf32>
    %slice3A_47 = vector.extract_strided_slice %get3A_43 {offsets = [0, 0], sizes = [128, 128], strides = [1, 1]} : vector<128x384xf32> to vector<128x128xf32>
    %dot_general3A_48 = arith.constant dense<0.000000e+00> : vector<1000x128xf32>
    %dot_general3A_49 = tpu.matmul %get3A_46, %slice3A_47, %dot_general3A_48 {dimension_numbers = #tpu.dot_dimension_numbers<[1], [1], [0], [0], [0, 0, 1, 0], [], []>, precision = #tpu.contract_precision<fp32>, transpose_lhs_hint = false} : vector<1000x128xf32>, vector<128x128xf32>, vector<1000x128xf32> -> vector<1000x128xf32>
    %slice3A_50 = vector.extract_strided_slice %get3A_43 {offsets = [0, 128], sizes = [128, 128], strides = [1, 1]} : vector<128x384xf32> to vector<128x128xf32>
    %dot_general3A_51 = arith.constant dense<0.000000e+00> : vector<1000x128xf32>
    %dot_general3A_52 = tpu.matmul %get3A_25, %slice3A_50, %dot_general3A_51 {dimension_numbers = #tpu.dot_dimension_numbers<[1], [1], [0], [0], [0, 0, 1, 0], [], []>, precision = #tpu.contract_precision<fp32>, transpose_lhs_hint = false} : vector<1000x128xf32>, vector<128x128xf32>, vector<1000x128xf32> -> vector<1000x128xf32>
    %add3A_53 = arith.addf %dot_general3A_49, %dot_general3A_52 : vector<1000x128xf32>
    %slice3A_54 = vector.extract_strided_slice %get3A_43 {offsets = [0, 256], sizes = [128, 128], strides = [1, 1]} : vector<128x384xf32> to vector<128x128xf32>
    %dot_general3A_55 = arith.constant dense<0.000000e+00> : vector<1000x128xf32>
    %dot_general3A_56 = tpu.matmul %max3A_40, %slice3A_54, %dot_general3A_55 {dimension_numbers = #tpu.dot_dimension_numbers<[1], [1], [0], [0], [0, 0, 1, 0], [], []>, precision = #tpu.contract_precision<fp32>, transpose_lhs_hint = false} : vector<1000x128xf32>, vector<128x128xf32>, vector<1000x128xf32> -> vector<1000x128xf32>
    %add3A_57 = arith.addf %add3A_53, %dot_general3A_56 : vector<1000x128xf32>
    %get3A_58 = arith.constant 0 : index
    %get3A_59 = arith.constant 0 : index
    %get3A_60 = vector.load %arg10[%get3A_58, %get3A_59] : memref<1x128xf32, #tpu.memory_space<vmem>>, vector<1x128xf32>
    %add3A_61 = vector.broadcast %get3A_60 : vector<1x128xf32> to vector<1000x128xf32>
    %add3A_62 = arith.addf %add3A_57, %add3A_61 : vector<1000x128xf32>
    %swap3A = arith.constant 0 : index
    %swap3A_63 = arith.constant 0 : index
    %swap3A_64 = vector.load %arg11[%swap3A, %swap3A_63] : memref<1000x128xf32, #tpu.memory_space<vmem>>, vector<1000x128xf32>
    tpu.vector_store %arg11[%swap3A, %swap3A_63], %add3A_62 {strides = array<i32>} : memref<1000x128xf32, #tpu.memory_space<vmem>>, vector<1000x128xf32>,
    return
  }
  func.func @transform_0(%arg0: i32) -> (i32, i32) {
    %c0_i32 = arith.constant 0 : i32
    %c0_i32_0 = arith.constant 0 : i32
    return %arg0, %c0_i32 : i32, i32
  }
  func.func @transform_1(%arg0: i32) -> (i32, i32) {
    %c0_i32 = arith.constant 0 : i32
    %c0_i32_0 = arith.constant 0 : i32
    return %arg0, %c0_i32 : i32, i32
  }
  func.func @transform_2(%arg0: i32) -> (i32, i32) {
    %c0_i32 = arith.constant 0 : i32
    %c0_i32_0 = arith.constant 0 : i32
    return %arg0, %c0_i32 : i32, i32
  }
  func.func @transform_3(%arg0: i32) -> (i32, i32) {
    %c0_i32 = arith.constant 0 : i32
    %c0_i32_0 = arith.constant 0 : i32
    return %arg0, %c0_i32 : i32, i32
  }
  func.func @transform_4(%arg0: i32) -> (i32, i32) {
    %c0_i32 = arith.constant 0 : i32
    %c0_i32_0 = arith.constant 0 : i32
    return %arg0, %c0_i32 : i32, i32
  }
  func.func @transform_5(%arg0: i32) -> (i32, i32) {
    %c0_i32 = arith.constant 0 : i32
    %c0_i32_0 = arith.constant 0 : i32
    return %arg0, %c0_i32 : i32, i32
  }
  func.func @transform_6(%arg0: i32) -> (i32, i32) {
    %c0_i32 = arith.constant 0 : i32
    %c0_i32_0 = arith.constant 0 : i32
    %c0_i32_1 = arith.constant 0 : i32
    return %c0_i32, %c0_i32_0 : i32, i32
  }
  func.func @transform_7(%arg0: i32) -> (i32, i32) {
    %c0_i32 = arith.constant 0 : i32
    %c0_i32_0 = arith.constant 0 : i32
    %c0_i32_1 = arith.constant 0 : i32
    return %c0_i32, %c0_i32_0 : i32, i32
  }
  func.func @transform_8(%arg0: i32) -> (i32, i32) {
    %c0_i32 = arith.constant 0 : i32
    %c0_i32_0 = arith.constant 0 : i32
    %c0_i32_1 = arith.constant 0 : i32
    return %c0_i32, %c0_i32_0 : i32, i32
  }
  func.func @transform_9(%arg0: i32) -> (i32, i32) {
    %c0_i32 = arith.constant 0 : i32
    %c0_i32_0 = arith.constant 0 : i32
    %c0_i32_1 = arith.constant 0 : i32
    return %c0_i32, %c0_i32_0 : i32, i32
  }
  func.func @transform_10(%arg0: i32) -> (i32, i32) {
    %c0_i32 = arith.constant 0 : i32
    %c0_i32_0 = arith.constant 0 : i32
    return %arg0, %c0_i32 : i32, i32
  }
}

</mosaic_0001>

<sc_bundles>
// kernel: kernel.6.cloned.1.call-start
scs
__scs_entry_jumppad:
0x0: {  	(pc) =	sbr.rel $0x88, $3  }
0x1: {  	(tag) =	ssettag $0x0;
	lr =	simm.s32 $0x1  }
0x2: {  	[smem:$0x3F99] =	sst lr;
	_ =	strace $0xD0000000  }
0x3: {  	_ = 	snop  }
0x4: {  	_ = 	snop  }
0x5: {  	_ = 	snop  }
0x6: {  	_ = 	snop  }
0x7: {  	_ = 	snop  }
__scs_overlays_trampoline_lowered:
0x8: {  	[smem:$0x3FA8] =	sst s0  }
0x9: {  	[smem:$0x3FA9] =	sst s1  }
0xa: {  	[smem:$0x3FAA] =	sst s2  }
0xb: {  	[smem:$0x3FAB] =	sst s3  }
0xc: {  	[smem:$0x3FAC] =	sst s4  }
0xd: {  	[smem:$0x3FAD] =	sst s5  }
0xe: {  	[smem:$0x3FAE] =	sst s6  }
0xf: {  	[smem:$0x3FAF] =	sst s7  }
0x10: {  	[smem:$0x3FB0] =	sst s8  }
0x11: {  	[smem:$0x3FB1] =	sst s9;
	s0 =	simm.s32 @!p0 $0x0  }
0x12: {  	s1 =	sld [smem:$0x3F97];
	s0 =	simm.s32 @p0 $0x1  }
0x13: {  	[smem:$0x3FB2] =	sst s0;
	s0 =	simm.s32 @!p1 $0x0  }
0x14: {  	s2 =	sld [smem:$0x3F96];
	s0 =	simm.s32 @p1 $0x1  }
0x15: {  	[smem:$0x3FB3] =	sst s0;
	s0 =	simm.s32 @!p2 $0x0  }
0x16: {  	s3 =	sld [smem:$0x3FDB];
	s0 =	simm.s32 @p2 $0x1  }
0x17: {  	s4 =	simm.s32 $0x1BF5;
	[smem:$0x3FB5] =	sst s0  }
0x18: {  	s0 =	sld [smem:$0x3F98];
	_ =	swait.ge [sflag:s4], $0x0  }
0x19: {  	s7 =	sld [smem:$0x3F99]  }
0x1a: {  	s8 =	sadd.s32 $0xFFFFE003, lr  }
0x1b: {  	s9 =	sadd.s32 $0xFFFFFEF7, lr;
	s5 =	simm.s32 $0xFFFFFFFF;
	p2 =	slt.u32 s8, $0xFFFFF086  }
0x1c: {  	p1 =	slt.u32 s9, $0xF7A;
	s5 =	simm.s32 @!p2 $0x0  }
0x1d: {  	s5 =	simm.s32 @p1 $0x1;
	p0 =	seq.s32 s7, s2  }
0x1e: {  	s7 =	smul.u32 @!p0 $0xF7A, s2;
	p2 =	seq.s32 @!p0 s5, $0x0  }
0x1f: {  	s9 =	smul.u32 $0xF7A, s1;
	s8 =	simm.s32 @!p0 $0x1BF5;
	p2 =	por !p2, p0  }
0x20: {  	[sflag:s8] =	ssyncset.s32 @!p0 $0xFFFFF086;
	s6 =	sadd.s32 @!p0 s3, s7;
	s7 =	simm.s32 @!p0 $0x108  }
0x21: {  	s3 =	sadd.s32 s3, s9;
	s6 =	sadd.s32 @!p0 $0x88, s6;
	s7 =	simm.s32 @p2 $0x1082  }
0x22: {  	[simem:s7], [sflag:s8] =	dma.local @!p0 [hbm:s6], $0xF7A  }
0x23: {  	s9 =	sor.u32 $0xD0000000, s2;
	s6 =	simm.s32 $0x108;
	_ =	swait.ge @!p0 [sflag:s8], $0x0  }
0x24: {  	s3 =	sadd.s32 $0x88, s3;
	s6 =	simm.s32 @!p1 $0x1082;
	[sflag:s4] =	ssyncset.s32 $0xFFFFF086  }
0x25: {  	[simem:s6], [sflag:s4] =	dma.local [hbm:s3], $0xF7A  }
0x26: {  	[smem:$0x3F99] =	sst s1;
	(tag) =	ssettag s2;
	_ =	strace s9  }
0x27: {  	s1 =	sld [smem:$0x3FA9]  }
0x28: {  	s2 =	sld [smem:$0x3FAA]  }
0x29: {  	s4 =	sld [smem:$0x3FAC]  }
0x2a: {  	p0 =	seq.s32 s5, $0x0;
	s5 =	sld [smem:$0x3FAD]  }
0x2b: {  	s6 =	sld [smem:$0x3FAE]  }
0x2c: {  	s7 =	sld [smem:$0x3FAF]  }
0x2d: {  	s3 =	simm.s32 $0x108;
	s8 =	sld [smem:$0x3FB0]  }
0x2e: {  	s3 =	simm.s32 @!p0 $0x1082;
	s9 =	sld [smem:$0x3FB1]  }
0x2f: {  	lr =	sadd.s32 s0, s3;
	s0 =	sld [smem:$0x3FA8]  }
0x30: {  	s3 =	sld [smem:$0x3FAB]  }
0x31: {  	[smem:$0x3FB4] =	sst s10  }
0x32: {  	s10 =	sld [smem:$0x3FB2];
	_ =	sdelay $0x3  }
0x33: {  	p0 =	seq.s32 s10, $0x1;
	s10 =	sld [smem:$0x3FB4];
	_ =	sdelay $0x3  }
0x34: {  	[smem:$0x3FB4] =	sst s10  }
0x35: {  	s10 =	sld [smem:$0x3FB3];
	_ =	sdelay $0x3  }
0x36: {  	p1 =	seq.s32 s10, $0x1;
	s10 =	sld [smem:$0x3FB4];
	_ =	sdelay $0x3  }
0x37: {  	[smem:$0x3FB4] =	sst s10  }
0x38: {  	s10 =	sld [smem:$0x3FB5]  }
0x39: {  	_ = 	snop;
	(pc) =	sbr.ind lr, $3  }
0x3a: {  	_ = 	snop  }
0x3b: {  	_ = 	snop  }
0x3c: {  	p2 =	seq.s32 s10, $0x1;
	s10 =	sld [smem:$0x3FB4]  }
0x3d: {  	_ =	shalt  }
0x3e: {  	_ =	shalt  }
0x3f: {  	_ =	shalt  }
0x40: {  	_ =	shalt  }
0x41: {  	_ =	shalt  }
0x42: {  	_ =	shalt  }
0x43: {  	_ =	shalt  }
0x44: {  	_ =	shalt  }
0x45: {  	_ =	shalt  }
0x46: {  	_ =	shalt  }
0x47: {  	_ =	shalt  }
0x48: {  	_ =	shalt  }
0x49: {  	_ =	shalt  }
0x4a: {  	_ =	shalt  }
0x4b: {  	_ =	shalt  }
0x4c: {  	_ =	shalt  }
0x4d: {  	_ =	shalt  }
0x4e: {  	_ =	shalt  }
0x4f: {  	_ =	shalt  }
0x50: {  	_ =	shalt  }
0x51: {  	_ =	shalt  }
0x52: {  	_ =	shalt  }
0x53: {  	_ =	shalt  }
0x54: {  	_ =	shalt  }
0x55: {  	_ =	shalt  }
0x56: {  	_ =	shalt  }
0x57: {  	_ =	shalt  }
0x58: {  	_ =	shalt  }
0x59: {  	_ =	shalt  }
0x5a: {  	_ =	shalt  }
0x5b: {  	_ =	shalt  }
0x5c: {  	_ =	shalt  }
0x5d: {  	_ =	shalt  }
0x5e: {  	_ =	shalt  }
0x5f: {  	_ =	shalt  }
0x60: {  	_ =	shalt  }
0x61: {  	_ =	shalt  }
0x62: {  	_ =	shalt  }
0x63: {  	_ =	shalt  }
0x64: {  	_ =	shalt  }
0x65: {  	_ =	shalt  }
0x66: {  	_ =	shalt  }
0x67: {  	_ =	shalt  }
0x68: {  	_ =	shalt  }
0x69: {  	_ =	shalt  }
0x6a: {  	_ =	shalt  }
0x6b: {  	_ =	shalt  }
0x6c: {  	_ =	shalt  }
0x6d: {  	_ =	shalt  }
0x6e: {  	_ =	shalt  }
0x6f: {  	_ =	shalt  }
0x70: {  	_ =	shalt  }
0x71: {  	_ =	shalt  }
0x72: {  	_ =	shalt  }
0x73: {  	_ =	shalt  }
0x74: {  	_ =	shalt  }
0x75: {  	_ =	shalt  }
0x76: {  	_ =	shalt  }
0x77: {  	_ =	shalt  }
0x78: {  	_ =	shalt  }
0x79: {  	_ =	shalt  }
0x7a: {  	_ =	shalt  }
0x7b: {  	_ =	shalt  }
0x7c: {  	_ =	shalt  }
0x7d: {  	_ =	shalt  }
0x7e: {  	_ =	shalt  }
0x7f: {  	_ =	shalt  }
0x80: {  	_ =	shalt  }
0x81: {  	_ =	shalt  }
0x82: {  	_ =	shalt  }
0x83: {  	_ =	shalt  }
0x84: {  	_ =	shalt  }
0x85: {  	_ =	shalt  }
0x86: {  	_ =	shalt  }
0x87: {  	_ =	shalt  }
.Lfunc_end0:
.L_simem_size_0:
called_computation_lowered:
.L_overlay_start_0:
0x88: {  	s2 =	sld [smem:$0x3FD9]  }
0x89: {  	s3 =	sld [smem:$0x3FFE];
	_ =	sdelay $0x1  }
0x8a: {  	s1 =	srdreg.scid  }
0x8b: {  	s0 =	sand.u32 $0x1, s1  }
0x8c: {  	s17 =	sshll.u32 s0, $0xA;
	s2 =	sadd.s32 s3, s2  }
0x8d: {  	s2 =	sadd.s32 s2, s17  }
0x8e: {  	[smem:$0x3FC0] =	sst s2  }
0x8f: {  	_ = 	snop  }
0x90: {  	s2 =	sld [smem:$0x3FC9];
	(tm) =	ssettm $0x1  }
0x91: {  	s18 =	sld [smem:$0x3FFB];
	_ =	sdelay $0x3  }
0x92: {  	_ =	strace s18  }
0x93: {  	s3 =	sld [smem:$0x3FFC];
	_ =	sdelay $0x3  }
0x94: {  	_ =	strace s3  }
0x95: {  	s3 =	sld [smem:$0x3FFD];
	_ =	sdelay $0x3  }
0x96: {  	_ =	strace s3  }
0x97: {  	_ =	strace $0x8FFFFFFF  }
0x98: {  	s19 =	sld [smem:$0x3FDB];
	_ =	sdelay $0x1  }
0x99: {  	s4 =	simm.s32 $_scs_section_size  }
0x9a: {  	s5 =	simm.s32 $_size__tile_overlayer_lowered;
	s6 =	simm.s32 $_tile_overlayer_lowered  }
0x9b: {  	s22 =	simm.s32 $0x1BFF;
	s21 =	sshll.u32 s6, $0x1;
	s3 =	sadd.s32 s4, s19  }
0x9c: {  	s7 =	simm.s32 $0x0;
	s20 =	sshll.u32 s5, $0x1;
	s5 =	sadd.s32 s21, s3  }
0x9d: {  	[timem:s7], [sflag:s22] =	dma.local [hbm:s5], s20  }
0x9e: {  	_ =	swait.ge [sflag:s22], s20  }
0x9f: {  	s4 =	ssub.s32 $0x0, s20;
	[sflag:s22] =	ssyncset.done $0x0  }
0xa0: {  	[sflag:s22] =	ssyncadd.s32 s4;
	_ =	sdelay $0x1  }
0xa1: {  	s23 =	simm.s32 $0x1B8B  }
0xa2: {  	_ =	swait.ge [sflag:s23], $0x1  }
0xa3: {  	[sflag:s23] =	ssyncset.done $0x0  }
0xa4: {  	s25 =	simm.s32 $0x1B8E;
	s24 =	sld [smem:$0x3FFE];
	[sflag:s23] =	ssyncadd.s32 $0xFFFFFFFF  }
0xa5: {  	s26 =	simm.s32 $execute0_lowered;
	[smem:$0x3FD2] =	sst s25  }
0xa6: {  	s5 =	sshll.u32 s26, $0x1;
	_ =	strace $0x80000046;
	[dreg:$0x1] =	wrdreg $0xFFFFFFFF  }
0xa7: {  	s28 =	simm.s32 $_size_execute0_lowered;
	s3 =	sadd.s32 s3, s5;
	[dreg:$0x0] =	wrdreg $0x0  }
0xa8: {  	s5 =	sshll.u32 s28, $0x1;
	[dreg:$0x2] =	wrdreg s3  }
0xa9: {  	[dreg:$0x3] =	wrdreg s5  }
0xaa: {  	[dreg:$0x4] =	wrdreg $0xC0  }
0xab: {  	_ =	task [dreg:s7], $0x5FFFF  }
0xac: {  	[dreg:$0x1] =	wrdreg $0xFFFFFFFF  }
0xad: {  	[dreg:$0x0] =	wrdreg $0x60  }
0xae: {  	[dreg:$0x2] =	wrdreg s2  }
0xaf: {  	[dreg:$0x3] =	wrdreg s24  }
0xb0: {  	[dreg:$0x4] =	wrdreg $0x90000  }
0xb1: {  	[dreg:$0x5] =	wrdreg $0x9  }
0xb2: {  	_ =	task.clear_ibuf [dreg:s7], $0x6FFFF;
	_ =	strace $0x90000046  }
0xb3: {  	s29 =	simm.s32 $0x9;
	_ =	strace $0x80000048  }
0xb4: {  	_ =	swait.ge [sflag:s29], $0x1  }
0xb5: {  	[sflag:s29] =	ssyncadd.s32 $0xFFFFFFFF  }
0xb6: {  	_ =	strace $0x90000048  }
0xb7: {  	_ =	sfence  }
0xb8: {  	s30 =	sld [smem:$0x0];
	_ =	sdelay $0x2  }
0xb9: {  	s31 =	sshll.u32 s1, $0xD;
	s1 =	sshrl.u32 s1, $0x2  }
0xba: {  	s3 =	sand.u32 $0x4000, s31;
	s1 =	sadd.s32 s1, s30  }
0xbb: {  	s0 =	sor.u32 s3, s0;
	s1 =	sshll.u32 s1, $0x11  }
0xbc: {  	s0 =	sor.u32 s1, s0  }
0xbd: {  	s0 =	sadd.s32 $0x8F2B, s0  }
0xbe: {  	[sflag:s0] =	ssyncadd.remote.s32 $0x1  }
0xbf: {  	_ =	sfence.sel $0xFFFF  }
0xc0: {  	[dreg:$0x0] =	wrdreg $0xFFFFFFFF;
	(pc) =	sbr.abs _section_cstart, $3  }
0xc1: {  	[dreg:$0x1] =	wrdreg $0xFFFFFFFF  }
0xc2: {  	_ =	task.clear_ibuf [dreg:s7], $0x2FFFF;
	_ =	strace $0x9FFFFFFF  }
0xc3: {  	(tm) =	ssettm $0x7FFFFFFF  }
tec
execute0_lowered:
.L_overlay_start_1:
0x0: {  	(tag) =	ssettag $0x1  }
0x1: {  	s1 =	rddreg [dreg:$0x0]  }
0x2: {  	s0 =	srdreg.scid;
	s5 =	rddreg [dreg:$0x1]  }
0x3: {  	s7 =	stileid.u32;
	s3 =	rddreg [dreg:$0x2]  }
0x4: {  	s4 =	simm.s32 $0x0;
	s25 =	simm.s32 $0x100;
	s26 =	simm.s32 $0x180  }
0x5: {  	s28 =	simm.s32 $0x5000;
	s29 =	simm.s32 $0x2;
	s6 =	smul.u32 $0x2800, s7  }
0x6: {  	s30 =	simm.s32 $0x880;
	s31 =	simm.s32 $0x900;
	s15 =	smul.u32 $0x50000, s7  }
0x7: {  	s0 =	sand.u32 $0x1, s0;
	[smem:$0x7FF] =	sst s4;
	s7 =	smul.u32 $0x14000, s7  }
0x8: {  	s8 =	sadd.s32 $0x16000, s5;
	s2 =	smul.u32 $0x28000, s0;
	_ =	strace $0x80000047  }
0x9: {  	s9 =	ssub.s32 $0x2, s0;
	s0 =	smul.u32 $0x140000, s0;
	[dreg:$0x5] =	wrdreg s25  }
0xa: {  	[dreg:$0x6] =	wrdreg s26;
	s25 =	simm.s32 $0x680;
	s26 =	simm.s32 $0x700  }
0xb: {  	s10 =	sshrl.u32 s9, $0x1;
	s11 =	sadd.s32 $0x4000, s7;
	s17 =	sadd.s32 $0x8000, s7  }
0xc: {  	s18 =	sadd.s32 $0xC000, s7;
	s20 =	sadd.s32 $0x10000, s7;
	[dreg:$0x10] =	wrdreg s25  }
0xd: {  	[dreg:$0x11] =	wrdreg s26;
	s25 =	simm.s32 $0x80;
	s26 =	simm.s32 $0x1  }
0xe: {  	s2 =	sadd.s32 s6, s2;
	s6 =	sshrl.u32 s15, $0x2;
	s9 =	ssub.s32 s9, s10  }
0xf: {  	s16 =	sadd.s32 s11, s3;
	s12 =	sadd.s32 s17, s3;
	s19 =	sadd.s32 s18, s3  }
0x10: {  	s13 =	sadd.s32 s20, s3;
	s7 =	sadd.s32 s7, s0;
	[dreg:$0x13] =	wrdreg s16  }
0x11: {  	s11 =	sadd.s32 s0, s11;
	s10 =	sadd.s32 s0, s18;
	[dreg:$0x14] =	wrdreg s12  }
0x12: {  	s15 =	simm.s32 $0x300;
	s18 =	simm.s32 $0x400;
	[dreg:$0x15] =	wrdreg s19  }
0x13: {  	s2 =	sshrl.u32 s2, $0x3;
	s6 =	sadd.s32 s6, s3;
	[dreg:$0x16] =	wrdreg s13  }
0x14: {  	s7 =	sshrl.u32 s7, $0x3;
	s11 =	sshrl.u32 s11, $0x3;
	s10 =	sshrl.u32 s10, $0x3  }
0x15: {  	s13 =	simm.s32 $0x200;
	[dreg:$0x9] =	wrdreg s15;
	s16 =	simm.s32 $0x380  }
0x16: {  	[dreg:$0xb] =	wrdreg s18;
	s19 =	simm.s32 $0x480;
	s12 =	simm.s32 $0xB80  }
0x17: {  	s15 =	simm.s32 $0xD00;
	s18 =	simm.s32 $0xE80;
	[dreg:$0x12] =	wrdreg s6  }
0x18: {  	s2 =	sadd.s32 s2, s5;
	s5 =	sadd.s32 $0x66000, s5;
	[dreg:$0x7] =	wrdreg s13  }
0x19: {  	s6 =	sadd.s32 s0, s17;
	s21 =	sadd.s32 s8, s7;
	[dreg:$0xa] =	wrdreg s16  }
0x1a: {  	s22 =	sadd.s32 s8, s11;
	s14 =	sadd.s32 s8, s10;
	[dreg:$0xc] =	wrdreg s19  }
0x1b: {  	s0 =	sadd.s32 s0, s20;
	s13 =	simm.s32 $0xC00;
	[dreg:$0x17] =	wrdreg s21  }
0x1c: {  	s16 =	simm.s32 $0xD80;
	s19 =	simm.s32 $0x780;
	[dreg:$0x18] =	wrdreg s22  }
0x1d: {  	s6 =	sshrl.u32 s6, $0x3;
	s24 =	sadd.s32 $0xC000, s2;
	[dreg:$0x1a] =	wrdreg s14  }
0x1e: {  	s0 =	sshrl.u32 s0, $0x3;
	s14 =	simm.s32 $0x280;
	[dreg:$0x4] =	wrdreg s24  }
0x1f: {  	s7 =	sadd.s32 s5, s7;
	s17 =	sadd.s32 s5, s11;
	[dreg:$0x8] =	wrdreg s14  }
0x20: {  	s20 =	sadd.s32 s5, s10;
	s21 =	simm.s32 $0x500;
	[dreg:$0x1c] =	wrdreg s7  }
0x21: {  	s22 =	simm.s32 $0x580;
	s10 =	simm.s32 $0xA80;
	[dreg:$0x1d] =	wrdreg s17  }
0x22: {  	s11 =	simm.s32 $0xB00;
	s23 =	sadd.s32 s8, s6;
	[dreg:$0x1f] =	wrdreg s20  }
0x23: {  	s8 =	sadd.s32 s8, s0;
	s6 =	sadd.s32 s5, s6;
	[dreg:$0xd] =	wrdreg s21  }
0x24: {  	s0 =	sadd.s32 s5, s0;
	[dreg:$0xe] =	wrdreg s22;
	s24 =	simm.s32 $0x600  }
0x25: {  	s21 =	sadd.s32 $0x2000, s2;
	s22 =	simm.s32 $0x1000;
	[dreg:$0x19] =	wrdreg s23  }
0x26: {  	s2 =	simm.s32 $0x980;
	s14 =	simm.s32 $0xC80;
	[dreg:$0x1b] =	wrdreg s8  }
0x27: {  	s17 =	simm.s32 $0xE00;
	s20 =	simm.s32 $0xF00;
	[dreg:$0x1e] =	wrdreg s6  }
0x28: {  	s5 =	simm.s32 $0xF80;
	s7 =	simm.s32 $0x0;
	[smem:$0x7FC] =	sst s0  }
0x29: {  	s23 =	smax.u32 s9, $0x1;
	[dreg:$0xf] =	wrdreg s24;
	s24 =	simm.s32 $0x800  }
0x2a: {  	v0 =	vimm.f32 $0.0e+00;
	v1 =	vimm.f32 $1.000000000e+00;
	s0 =	simm.s32 $0xA00;
	[smem:$0x7FD] =	sst s23;
	s23 =	simm.s32 $0x3  }
.LBB2_1:
0x2b: {  	[smem:$0x7FB] =	sst s7;
	s7 =	simm.s32 $0x0;
	s8 =	simm.s32 $0x200  }
.LBB2_2:
0x2c: {  	p0 =	sne.s32 s8, $0xFE00;
	[tilespmem:s7+$0x1070] =	vst v0  }
0x2d: {  	[tilespmem:s7+$0x1000] =	vst v0  }
0x2e: {  	[tilespmem:s7+$0x1010] =	vst v0  }
.Ltmp0:
0x2f: {  	[tilespmem:s7+$0x1020] =	vst v0;
	(pc) =	sbr.rel @p0 .LBB2_2-.Ltmp0, $4  }
0x30: {  	[tilespmem:s7+$0x1030] =	vst v0  }
0x31: {  	[tilespmem:s7+$0x1040] =	vst v0  }
0x32: {  	[tilespmem:s7+$0x1050] =	vst v0  }
0x33: {  	[tilespmem:s7+$0x1060] =	vst v0;
	s7 =	sshra.s32 s8, $0x2;
	s8 =	sadd.s32 $0x200, s8  }
0x34: {  	[tilespmem:s7+$0x1070] =	vst v0  }
0x35: {  	[tilespmem:s7+$0x1000] =	vst v0  }
0x36: {  	[tilespmem:s7+$0x1010] =	vst v0  }
0x37: {  	[tilespmem:s7+$0x1020] =	vst v0  }
0x38: {  	[tilespmem:s7+$0x1030] =	vst v0  }
0x39: {  	[tilespmem:s7+$0x1040] =	vst v0  }
0x3a: {  	[tilespmem:s7+$0x1050] =	vst v0  }
0x3b: {  	[tilespmem:s7+$0x1060] =	vst v0;
	s6 =	rddreg [dreg:$0x12]  }
0x3c: {  	[spmem:s6] =	stream.linear.scatter [tilespmem:s22], [sflag:$0x3], $0x4000, $0x38;
	[tilespmem:$0x1D000] =	vst v63  }
0x3d: {  	_ =	swait.ge [sflag:s23], $0x4000  }
0x3e: {  	[sflag:s23] =	ssyncset.done $0x0  }
0x3f: {  	s9 =	rddreg [dreg:$0x13];
	[sflag:s23] =	ssyncadd.s32 $0xFFFFC000  }
0x40: {  	[spmem:s9] =	stream.linear.scatter [tilespmem:s22], [sflag:$0x3], $0x4000, $0x38;
	[tilespmem:$0x1D000] =	vst v63  }
0x41: {  	_ =	swait.ge [sflag:s23], $0x4000  }
0x42: {  	[sflag:s23] =	ssyncset.done $0x0  }
0x43: {  	s7 =	rddreg [dreg:$0x14];
	[sflag:s23] =	ssyncadd.s32 $0xFFFFC000  }
0x44: {  	[spmem:s7] =	stream.linear.scatter [tilespmem:s22], [sflag:$0x3], $0x4000, $0x38;
	[tilespmem:$0x1D000] =	vst v63  }
0x45: {  	_ =	swait.ge [sflag:s23], $0x4000  }
0x46: {  	[sflag:s23] =	ssyncset.done $0x0  }
0x47: {  	s8 =	rddreg [dreg:$0x15];
	[sflag:s23] =	ssyncadd.s32 $0xFFFFC000  }
0x48: {  	[spmem:s8] =	stream.linear.scatter [tilespmem:s22], [sflag:$0x3], $0x4000, $0x38;
	[tilespmem:$0x1D000] =	vst v63  }
0x49: {  	_ =	swait.ge [sflag:s23], $0x4000  }
0x4a: {  	[sflag:s23] =	ssyncset.done $0x0  }
0x4b: {  	s9 =	rddreg [dreg:$0x16];
	[sflag:s23] =	ssyncadd.s32 $0xFFFFC000  }
0x4c: {  	[spmem:s9] =	stream.linear.scatter [tilespmem:s22], [sflag:$0x3], $0x4000, $0x38;
	[tilespmem:$0x1D000] =	vst v63  }
0x4d: {  	_ =	swait.ge [sflag:s23], $0x4000  }
0x4e: {  	[sflag:s23] =	ssyncset.done $0x0  }
0x4f: {  	[sflag:s23] =	ssyncadd.s32 $0xFFFFC000  }
0x50: {  	[bflag:$0x0] =	sbarrier.arrive $0xFFFF  }
0x51: {  	s6 =	rddreg [dreg:$0x4]  }
0x52: {  	s7 =	sadd.s32 $0x0, s6  }
0x53: {  	[tilespmem:s4], [sflag:$0x3] =	stream.linear.gather [hbm4b:s7+s4], $0x800, $0x38;
	[tilespmem:$0x1D000] =	vst v63  }
0x54: {  	_ =	swait.ge [sflag:s23], $0x800  }
0x55: {  	[sflag:s23] =	ssyncset.done $0x0  }
0x56: {  	s8 =	sadd.s32 $0x0, s21;
	[sflag:s23] =	ssyncadd.s32 $0xFFFFF800  }
0x57: {  	[tilespmem:s24], [sflag:$0x3] =	stream.linear.gather [hbm4b:s8+s4], $0x800, $0x38;
	[tilespmem:$0x1D000] =	vst v63  }
0x58: {  	_ =	swait.ge [sflag:s23], $0x800  }
0x59: {  	[sflag:s23] =	ssyncset.done $0x0  }
0x5a: {  	[sflag:s23] =	ssyncadd.s32 $0xFFFFF800  }
0x5b: {  	[tilespmem:s22], [sflag:$0x1] =	stream.indirect.gather [hbm4b:s1+s25], $0x80, s4, s25, $0xb8;
	[tilespmem:$0x1D000] =	vst v63  }
0x5c: {  	_ =	swait.ge [sflag:s26], $0x4000  }
0x5d: {  	[sflag:s26] =	ssyncset.done $0x0  }
0x5e: {  	[sflag:s26] =	ssyncadd.s32 $0xFFFFC000  }
0x5f: {  	[tilespmem:s28], [sflag:$0x2] =	stream.indirect.gather [hbm4b:s1+s25], $0x80, s25, s25, $0xb8;
	[tilespmem:$0x1D000] =	vst v63  }
0x60: {  	_ = 	snop  }
0x61: {  	[spmem:s3] =	stream.indirect.scatter.add.f32 [tilespmem:s22], [sflag:$0x3], $0x80, s24, s25, $0xb8;
	[tilespmem:$0x1D000] =	vst v63  }
0x62: {  	_ =	swait.ge [sflag:s23], $0x4000  }
0x63: {  	[sflag:s23] =	ssyncset.done $0x0  }
0x64: {  	[sflag:s23] =	ssyncadd.s32 $0xFFFFC000  }
0x65: {  	_ =	swait.ge [sflag:s29], $0x4000  }
0x66: {  	[sflag:s29] =	ssyncset.done $0x0  }
0x67: {  	s9 =	rddreg [dreg:$0x5];
	[sflag:s29] =	ssyncadd.s32 $0xFFFFC000  }
0x68: {  	[tilespmem:s22], [sflag:$0x1] =	stream.indirect.gather [hbm4b:s1+s25], $0x80, s9, s25, $0xb8;
	[tilespmem:$0x1D000] =	vst v63  }
0x69: {  	_ = 	snop  }
0x6a: {  	[spmem:s3] =	stream.indirect.scatter.add.f32 [tilespmem:s28], [sflag:$0x3], $0x80, s30, s25, $0xb8;
	[tilespmem:$0x1D000] =	vst v63  }
0x6b: {  	_ =	swait.ge [sflag:s23], $0x4000  }
0x6c: {  	[sflag:s23] =	ssyncset.done $0x0  }
0x6d: {  	[sflag:s23] =	ssyncadd.s32 $0xFFFFC000  }
0x6e: {  	_ =	swait.ge [sflag:s26], $0x4000  }
0x6f: {  	[sflag:s26] =	ssyncset.done $0x0  }
0x70: {  	s6 =	rddreg [dreg:$0x6];
	[sflag:s26] =	ssyncadd.s32 $0xFFFFC000  }
0x71: {  	[tilespmem:s28], [sflag:$0x2] =	stream.indirect.gather [hbm4b:s1+s25], $0x80, s6, s25, $0xb8;
	[tilespmem:$0x1D000] =	vst v63  }
0x72: {  	_ = 	snop  }
0x73: {  	[spmem:s3] =	stream.indirect.scatter.add.f32 [tilespmem:s22], [sflag:$0x3], $0x80, s31, s25, $0xb8;
	[tilespmem:$0x1D000] =	vst v63  }
0x74: {  	_ =	swait.ge [sflag:s23], $0x4000  }
0x75: {  	[sflag:s23] =	ssyncset.done $0x0  }
0x76: {  	[sflag:s23] =	ssyncadd.s32 $0xFFFFC000  }
0x77: {  	_ =	swait.ge [sflag:s29], $0x4000  }
0x78: {  	[sflag:s29] =	ssyncset.done $0x0  }
0x79: {  	s8 =	rddreg [dreg:$0x7];
	[sflag:s29] =	ssyncadd.s32 $0xFFFFC000  }
0x7a: {  	[tilespmem:s22], [sflag:$0x1] =	stream.indirect.gather [hbm4b:s1+s25], $0x80, s8, s25, $0xb8;
	[tilespmem:$0x1D000] =	vst v63  }
0x7b: {  	_ = 	snop  }
0x7c: {  	[spmem:s3] =	stream.indirect.scatter.add.f32 [tilespmem:s28], [sflag:$0x3], $0x80, s2, s25, $0xb8;
	[tilespmem:$0x1D000] =	vst v63  }
0x7d: {  	_ =	swait.ge [sflag:s23], $0x4000  }
0x7e: {  	[sflag:s23] =	ssyncset.done $0x0  }
0x7f: {  	[sflag:s23] =	ssyncadd.s32 $0xFFFFC000  }
0x80: {  	_ =	swait.ge [sflag:s26], $0x4000  }
0x81: {  	[sflag:s26] =	ssyncset.done $0x0  }
0x82: {  	s9 =	rddreg [dreg:$0x8];
	[sflag:s26] =	ssyncadd.s32 $0xFFFFC000  }
0x83: {  	[tilespmem:s28], [sflag:$0x2] =	stream.indirect.gather [hbm4b:s1+s25], $0x80, s9, s25, $0xb8;
	[tilespmem:$0x1D000] =	vst v63  }
0x84: {  	_ = 	snop  }
0x85: {  	[spmem:s3] =	stream.indirect.scatter.add.f32 [tilespmem:s22], [sflag:$0x3], $0x80, s0, s25, $0xb8;
	[tilespmem:$0x1D000] =	vst v63  }
0x86: {  	_ =	swait.ge [sflag:s23], $0x4000  }
0x87: {  	[sflag:s23] =	ssyncset.done $0x0  }
0x88: {  	[sflag:s23] =	ssyncadd.s32 $0xFFFFC000  }
0x89: {  	_ =	swait.ge [sflag:s29], $0x4000  }
0x8a: {  	[sflag:s29] =	ssyncset.done $0x0  }
0x8b: {  	s6 =	rddreg [dreg:$0x9];
	[sflag:s29] =	ssyncadd.s32 $0xFFFFC000  }
0x8c: {  	[tilespmem:s22], [sflag:$0x1] =	stream.indirect.gather [hbm4b:s1+s25], $0x80, s6, s25, $0xb8;
	[tilespmem:$0x1D000] =	vst v63  }
0x8d: {  	_ = 	snop  }
0x8e: {  	[spmem:s3] =	stream.indirect.scatter.add.f32 [tilespmem:s28], [sflag:$0x3], $0x80, s10, s25, $0xb8;
	[tilespmem:$0x1D000] =	vst v63  }
0x8f: {  	_ =	swait.ge [sflag:s23], $0x4000  }
0x90: {  	[sflag:s23] =	ssyncset.done $0x0  }
0x91: {  	[sflag:s23] =	ssyncadd.s32 $0xFFFFC000  }
0x92: {  	_ =	swait.ge [sflag:s26], $0x4000  }
0x93: {  	[sflag:s26] =	ssyncset.done $0x0  }
0x94: {  	s8 =	rddreg [dreg:$0xa];
	[sflag:s26] =	ssyncadd.s32 $0xFFFFC000  }
0x95: {  	[tilespmem:s28], [sflag:$0x2] =	stream.indirect.gather [hbm4b:s1+s25], $0x80, s8, s25, $0xb8;
	[tilespmem:$0x1D000] =	vst v63  }
0x96: {  	_ = 	snop  }
0x97: {  	[spmem:s3] =	stream.indirect.scatter.add.f32 [tilespmem:s22], [sflag:$0x3], $0x80, s11, s25, $0xb8;
	[tilespmem:$0x1D000] =	vst v63  }
0x98: {  	_ =	swait.ge [sflag:s23], $0x4000  }
0x99: {  	[sflag:s23] =	ssyncset.done $0x0  }
0x9a: {  	[sflag:s23] =	ssyncadd.s32 $0xFFFFC000  }
0x9b: {  	_ =	swait.ge [sflag:s29], $0x4000  }
0x9c: {  	[sflag:s29] =	ssyncset.done $0x0  }
0x9d: {  	s9 =	rddreg [dreg:$0xb];
	[sflag:s29] =	ssyncadd.s32 $0xFFFFC000  }
0x9e: {  	[tilespmem:s22], [sflag:$0x1] =	stream.indirect.gather [hbm4b:s1+s25], $0x80, s9, s25, $0xb8;
	[tilespmem:$0x1D000] =	vst v63  }
0x9f: {  	_ = 	snop  }
0xa0: {  	[spmem:s3] =	stream.indirect.scatter.add.f32 [tilespmem:s28], [sflag:$0x3], $0x80, s12, s25, $0xb8;
	[tilespmem:$0x1D000] =	vst v63  }
0xa1: {  	_ =	swait.ge [sflag:s23], $0x4000  }
0xa2: {  	[sflag:s23] =	ssyncset.done $0x0  }
0xa3: {  	[sflag:s23] =	ssyncadd.s32 $0xFFFFC000  }
0xa4: {  	_ =	swait.ge [sflag:s26], $0x4000  }
0xa5: {  	[sflag:s26] =	ssyncset.done $0x0  }
0xa6: {  	s6 =	rddreg [dreg:$0xc];
	[sflag:s26] =	ssyncadd.s32 $0xFFFFC000  }
0xa7: {  	[tilespmem:s28], [sflag:$0x2] =	stream.indirect.gather [hbm4b:s1+s25], $0x80, s6, s25, $0xb8;
	[tilespmem:$0x1D000] =	vst v63  }
0xa8: {  	_ = 	snop  }
0xa9: {  	[spmem:s3] =	stream.indirect.scatter.add.f32 [tilespmem:s22], [sflag:$0x3], $0x80, s13, s25, $0xb8;
	[tilespmem:$0x1D000] =	vst v63  }
0xaa: {  	_ =	swait.ge [sflag:s23], $0x4000  }
0xab: {  	[sflag:s23] =	ssyncset.done $0x0  }
0xac: {  	[sflag:s23] =	ssyncadd.s32 $0xFFFFC000  }
0xad: {  	_ =	swait.ge [sflag:s29], $0x4000  }
0xae: {  	[sflag:s29] =	ssyncset.done $0x0  }
0xaf: {  	s8 =	rddreg [dreg:$0xd];
	[sflag:s29] =	ssyncadd.s32 $0xFFFFC000  }
0xb0: {  	[tilespmem:s22], [sflag:$0x1] =	stream.indirect.gather [hbm4b:s1+s25], $0x80, s8, s25, $0xb8;
	[tilespmem:$0x1D000] =	vst v63  }
0xb1: {  	_ = 	snop  }
0xb2: {  	[spmem:s3] =	stream.indirect.scatter.add.f32 [tilespmem:s28], [sflag:$0x3], $0x80, s14, s25, $0xb8;
	[tilespmem:$0x1D000] =	vst v63  }
0xb3: {  	_ =	swait.ge [sflag:s23], $0x4000  }
0xb4: {  	[sflag:s23] =	ssyncset.done $0x0  }
0xb5: {  	[sflag:s23] =	ssyncadd.s32 $0xFFFFC000  }
0xb6: {  	_ =	swait.ge [sflag:s26], $0x4000  }
0xb7: {  	[sflag:s26] =	ssyncset.done $0x0  }
0xb8: {  	s9 =	rddreg [dreg:$0xe];
	[sflag:s26] =	ssyncadd.s32 $0xFFFFC000  }
0xb9: {  	[tilespmem:s28], [sflag:$0x2] =	stream.indirect.gather [hbm4b:s1+s25], $0x80, s9, s25, $0xb8;
	[tilespmem:$0x1D000] =	vst v63  }
0xba: {  	_ = 	snop  }
0xbb: {  	[spmem:s3] =	stream.indirect.scatter.add.f32 [tilespmem:s22], [sflag:$0x3], $0x80, s15, s25, $0xb8;
	[tilespmem:$0x1D000] =	vst v63  }
0xbc: {  	_ =	swait.ge [sflag:s23], $0x4000  }
0xbd: {  	[sflag:s23] =	ssyncset.done $0x0  }
0xbe: {  	[sflag:s23] =	ssyncadd.s32 $0xFFFFC000  }
0xbf: {  	_ =	swait.ge [sflag:s29], $0x4000  }
0xc0: {  	[sflag:s29] =	ssyncset.done $0x0  }
0xc1: {  	s6 =	rddreg [dreg:$0xf];
	[sflag:s29] =	ssyncadd.s32 $0xFFFFC000  }
0xc2: {  	[tilespmem:s22], [sflag:$0x1] =	stream.indirect.gather [hbm4b:s1+s25], $0x80, s6, s25, $0xb8;
	[tilespmem:$0x1D000] =	vst v63  }
0xc3: {  	_ = 	snop  }
0xc4: {  	[spmem:s3] =	stream.indirect.scatter.add.f32 [tilespmem:s28], [sflag:$0x3], $0x80, s16, s25, $0xb8;
	[tilespmem:$0x1D000] =	vst v63  }
0xc5: {  	_ =	swait.ge [sflag:s23], $0x4000  }
0xc6: {  	[sflag:s23] =	ssyncset.done $0x0  }
0xc7: {  	[sflag:s23] =	ssyncadd.s32 $0xFFFFC000  }
0xc8: {  	_ =	swait.ge [sflag:s26], $0x4000  }
0xc9: {  	[sflag:s26] =	ssyncset.done $0x0  }
0xca: {  	s8 =	rddreg [dreg:$0x10];
	[sflag:s26] =	ssyncadd.s32 $0xFFFFC000  }
0xcb: {  	[tilespmem:s28], [sflag:$0x2] =	stream.indirect.gather [hbm4b:s1+s25], $0x80, s8, s25, $0xb8;
	[tilespmem:$0x1D000] =	vst v63  }
0xcc: {  	_ = 	snop  }
0xcd: {  	[spmem:s3] =	stream.indirect.scatter.add.f32 [tilespmem:s22], [sflag:$0x3], $0x80, s17, s25, $0xb8;
	[tilespmem:$0x1D000] =	vst v63  }
0xce: {  	_ =	swait.ge [sflag:s23], $0x4000  }
0xcf: {  	[sflag:s23] =	ssyncset.done $0x0  }
0xd0: {  	[sflag:s23] =	ssyncadd.s32 $0xFFFFC000  }
0xd1: {  	_ =	swait.ge [sflag:s29], $0x4000  }
0xd2: {  	[sflag:s29] =	ssyncset.done $0x0  }
0xd3: {  	s9 =	rddreg [dreg:$0x11];
	[sflag:s29] =	ssyncadd.s32 $0xFFFFC000  }
0xd4: {  	[tilespmem:s22], [sflag:$0x1] =	stream.indirect.gather [hbm4b:s1+s25], $0x80, s9, s25, $0xb8;
	[tilespmem:$0x1D000] =	vst v63  }
0xd5: {  	_ = 	snop  }
0xd6: {  	[spmem:s3] =	stream.indirect.scatter.add.f32 [tilespmem:s28], [sflag:$0x3], $0x80, s18, s25, $0xb8;
	[tilespmem:$0x1D000] =	vst v63  }
0xd7: {  	_ =	swait.ge [sflag:s23], $0x4000  }
0xd8: {  	[sflag:s23] =	ssyncset.done $0x0  }
0xd9: {  	[sflag:s23] =	ssyncadd.s32 $0xFFFFC000  }
0xda: {  	_ =	swait.ge [sflag:s26], $0x4000  }
0xdb: {  	[sflag:s26] =	ssyncset.done $0x0  }
0xdc: {  	[sflag:s26] =	ssyncadd.s32 $0xFFFFC000  }
0xdd: {  	[tilespmem:s28], [sflag:$0x2] =	stream.indirect.gather [hbm4b:s1+s25], $0x80, s19, s25, $0xb8;
	[tilespmem:$0x1D000] =	vst v63  }
0xde: {  	_ = 	snop  }
0xdf: {  	[spmem:s3] =	stream.indirect.scatter.add.f32 [tilespmem:s22], [sflag:$0x3], $0x80, s20, s25, $0xb8;
	[tilespmem:$0x1D000] =	vst v63  }
0xe0: {  	_ =	swait.ge [sflag:s23], $0x4000  }
0xe1: {  	[sflag:s23] =	ssyncset.done $0x0  }
0xe2: {  	[sflag:s23] =	ssyncadd.s32 $0xFFFFC000  }
0xe3: {  	_ =	swait.ge [sflag:s29], $0x4000  }
0xe4: {  	[sflag:s29] =	ssyncset.done $0x0  }
0xe5: {  	[sflag:s29] =	ssyncadd.s32 $0xFFFFC000  }
0xe6: {  	[spmem:s3] =	stream.indirect.scatter.add.f32 [tilespmem:s28], [sflag:$0x3], $0x80, s5, s25, $0xb8;
	[tilespmem:$0x1D000] =	vst v63  }
0xe7: {  	s7 =	simm.s32 $0x100;
	_ =	swait.ge [sflag:s23], $0x4000  }
0xe8: {  	s8 =	simm.s32 $0x200;
	s9 =	rddreg [dreg:$0x4];
	[sflag:s23] =	ssyncset.done $0x0  }
.LBB2_4:
0xe9: {  	[sflag:s23] =	ssyncadd.s32 $0xFFFFC000;
	s9 =	sadd.s32 s7, s9  }
0xea: {  	[tilespmem:s4], [sflag:$0x3] =	stream.linear.gather [hbm4b:s9+s4], $0x800, $0x38;
	[tilespmem:$0x1D000] =	vst v63  }
0xeb: {  	_ =	swait.ge [sflag:s23], $0x800  }
0xec: {  	[sflag:s23] =	ssyncset.done $0x0  }
0xed: {  	s9 =	sadd.s32 s7, s21;
	[sflag:s23] =	ssyncadd.s32 $0xFFFFF800  }
0xee: {  	[tilespmem:s24], [sflag:$0x3] =	stream.linear.gather [hbm4b:s9+s4], $0x800, $0x38;
	[tilespmem:$0x1D000] =	vst v63  }
0xef: {  	_ =	swait.ge [sflag:s23], $0x800  }
0xf0: {  	[sflag:s23] =	ssyncset.done $0x0  }
0xf1: {  	[sflag:s23] =	ssyncadd.s32 $0xFFFFF800  }
0xf2: {  	[tilespmem:s22], [sflag:$0x1] =	stream.indirect.gather [hbm4b:s1+s25], $0x80, s4, s25, $0xb8;
	[tilespmem:$0x1D000] =	vst v63  }
0xf3: {  	_ =	swait.ge [sflag:s26], $0x4000  }
0xf4: {  	[sflag:s26] =	ssyncset.done $0x0  }
0xf5: {  	[sflag:s26] =	ssyncadd.s32 $0xFFFFC000  }
0xf6: {  	[tilespmem:s28], [sflag:$0x2] =	stream.indirect.gather [hbm4b:s1+s25], $0x80, s25, s25, $0xb8;
	[tilespmem:$0x1D000] =	vst v63  }
0xf7: {  	_ = 	snop  }
0xf8: {  	[spmem:s3] =	stream.indirect.scatter.add.f32 [tilespmem:s22], [sflag:$0x3], $0x80, s24, s25, $0xb8;
	[tilespmem:$0x1D000] =	vst v63  }
0xf9: {  	_ =	swait.ge [sflag:s23], $0x4000  }
0xfa: {  	[sflag:s23] =	ssyncset.done $0x0  }
0xfb: {  	[sflag:s23] =	ssyncadd.s32 $0xFFFFC000  }
0xfc: {  	_ =	swait.ge [sflag:s29], $0x4000  }
0xfd: {  	[sflag:s29] =	ssyncset.done $0x0  }
0xfe: {  	s9 =	rddreg [dreg:$0x5];
	[sflag:s29] =	ssyncadd.s32 $0xFFFFC000  }
0xff: {  	[tilespmem:s22], [sflag:$0x1] =	stream.indirect.gather [hbm4b:s1+s25], $0x80, s9, s25, $0xb8;
	[tilespmem:$0x1D000] =	vst v63  }
0x100: {  	_ = 	snop  }
0x101: {  	[spmem:s3] =	stream.indirect.scatter.add.f32 [tilespmem:s28], [sflag:$0x3], $0x80, s30, s25, $0xb8;
	[tilespmem:$0x1D000] =	vst v63  }
0x102: {  	_ =	swait.ge [sflag:s23], $0x4000  }
0x103: {  	[sflag:s23] =	ssyncset.done $0x0  }
0x104: {  	[sflag:s23] =	ssyncadd.s32 $0xFFFFC000  }
0x105: {  	_ =	swait.ge [sflag:s26], $0x4000  }
0x106: {  	[sflag:s26] =	ssyncset.done $0x0  }
0x107: {  	s9 =	rddreg [dreg:$0x6];
	[sflag:s26] =	ssyncadd.s32 $0xFFFFC000  }
0x108: {  	[tilespmem:s28], [sflag:$0x2] =	stream.indirect.gather [hbm4b:s1+s25], $0x80, s9, s25, $0xb8;
	[tilespmem:$0x1D000] =	vst v63  }
0x109: {  	_ = 	snop  }
0x10a: {  	[spmem:s3] =	stream.indirect.scatter.add.f32 [tilespmem:s22], [sflag:$0x3], $0x80, s31, s25, $0xb8;
	[tilespmem:$0x1D000] =	vst v63  }
0x10b: {  	_ =	swait.ge [sflag:s23], $0x4000  }
0x10c: {  	[sflag:s23] =	ssyncset.done $0x0  }
0x10d: {  	[sflag:s23] =	ssyncadd.s32 $0xFFFFC000  }
0x10e: {  	_ =	swait.ge [sflag:s29], $0x4000  }
0x10f: {  	[sflag:s29] =	ssyncset.done $0x0  }
0x110: {  	s9 =	rddreg [dreg:$0x7];
	[sflag:s29] =	ssyncadd.s32 $0xFFFFC000  }
0x111: {  	[tilespmem:s22], [sflag:$0x1] =	stream.indirect.gather [hbm4b:s1+s25], $0x80, s9, s25, $0xb8;
	[tilespmem:$0x1D000] =	vst v63  }
0x112: {  	_ = 	snop  }
0x113: {  	[spmem:s3] =	stream.indirect.scatter.add.f32 [tilespmem:s28], [sflag:$0x3], $0x80, s2, s25, $0xb8;
	[tilespmem:$0x1D000] =	vst v63  }
0x114: {  	_ =	swait.ge [sflag:s23], $0x4000  }
0x115: {  	[sflag:s23] =	ssyncset.done $0x0  }
0x116: {  	[sflag:s23] =	ssyncadd.s32 $0xFFFFC000  }
0x117: {  	_ =	swait.ge [sflag:s26], $0x4000  }
0x118: {  	[sflag:s26] =	ssyncset.done $0x0  }
0x119: {  	s9 =	rddreg [dreg:$0x8];
	[sflag:s26] =	ssyncadd.s32 $0xFFFFC000  }
0x11a: {  	[tilespmem:s28], [sflag:$0x2] =	stream.indirect.gather [hbm4b:s1+s25], $0x80, s9, s25, $0xb8;
	[tilespmem:$0x1D000] =	vst v63  }
0x11b: {  	_ = 	snop  }
0x11c: {  	[spmem:s3] =	stream.indirect.scatter.add.f32 [tilespmem:s22], [sflag:$0x3], $0x80, s0, s25, $0xb8;
	[tilespmem:$0x1D000] =	vst v63  }
0x11d: {  	_ =	swait.ge [sflag:s23], $0x4000  }
0x11e: {  	[sflag:s23] =	ssyncset.done $0x0  }
0x11f: {  	[sflag:s23] =	ssyncadd.s32 $0xFFFFC000  }
0x120: {  	_ =	swait.ge [sflag:s29], $0x4000  }
0x121: {  	[sflag:s29] =	ssyncset.done $0x0  }
0x122: {  	s9 =	rddreg [dreg:$0x9];
	[sflag:s29] =	ssyncadd.s32 $0xFFFFC000  }
0x123: {  	[tilespmem:s22], [sflag:$0x1] =	stream.indirect.gather [hbm4b:s1+s25], $0x80, s9, s25, $0xb8;
	[tilespmem:$0x1D000] =	vst v63  }
0x124: {  	_ = 	snop  }
0x125: {  	[spmem:s3] =	stream.indirect.scatter.add.f32 [tilespmem:s28], [sflag:$0x3], $0x80, s10, s25, $0xb8;
	[tilespmem:$0x1D000] =	vst v63  }
0x126: {  	_ =	swait.ge [sflag:s23], $0x4000  }
0x127: {  	[sflag:s23] =	ssyncset.done $0x0  }
0x128: {  	[sflag:s23] =	ssyncadd.s32 $0xFFFFC000  }
0x129: {  	_ =	swait.ge [sflag:s26], $0x4000  }
0x12a: {  	[sflag:s26] =	ssyncset.done $0x0  }
0x12b: {  	s9 =	rddreg [dreg:$0xa];
	[sflag:s26] =	ssyncadd.s32 $0xFFFFC000  }
0x12c: {  	[tilespmem:s28], [sflag:$0x2] =	stream.indirect.gather [hbm4b:s1+s25], $0x80, s9, s25, $0xb8;
	[tilespmem:$0x1D000] =	vst v63  }
0x12d: {  	_ = 	snop  }
0x12e: {  	[spmem:s3] =	stream.indirect.scatter.add.f32 [tilespmem:s22], [sflag:$0x3], $0x80, s11, s25, $0xb8;
	[tilespmem:$0x1D000] =	vst v63  }
0x12f: {  	_ =	swait.ge [sflag:s23], $0x4000  }
0x130: {  	[sflag:s23] =	ssyncset.done $0x0  }
0x131: {  	[sflag:s23] =	ssyncadd.s32 $0xFFFFC000  }
0x132: {  	_ =	swait.ge [sflag:s29], $0x4000  }
0x133: {  	[sflag:s29] =	ssyncset.done $0x0  }
0x134: {  	s9 =	rddreg [dreg:$0xb];
	[sflag:s29] =	ssyncadd.s32 $0xFFFFC000  }
0x135: {  	[tilespmem:s22], [sflag:$0x1] =	stream.indirect.gather [hbm4b:s1+s25], $0x80, s9, s25, $0xb8;
	[tilespmem:$0x1D000] =	vst v63  }
0x136: {  	_ = 	snop  }
0x137: {  	[spmem:s3] =	stream.indirect.scatter.add.f32 [tilespmem:s28], [sflag:$0x3], $0x80, s12, s25, $0xb8;
	[tilespmem:$0x1D000] =	vst v63  }
0x138: {  	_ =	swait.ge [sflag:s23], $0x4000  }
0x139: {  	[sflag:s23] =	ssyncset.done $0x0  }
0x13a: {  	[sflag:s23] =	ssyncadd.s32 $0xFFFFC000  }
0x13b: {  	_ =	swait.ge [sflag:s26], $0x4000  }
0x13c: {  	[sflag:s26] =	ssyncset.done $0x0  }
0x13d: {  	s9 =	rddreg [dreg:$0xc];
	[sflag:s26] =	ssyncadd.s32 $0xFFFFC000  }
0x13e: {  	[tilespmem:s28], [sflag:$0x2] =	stream.indirect.gather [hbm4b:s1+s25], $0x80, s9, s25, $0xb8;
	[tilespmem:$0x1D000] =	vst v63  }
0x13f: {  	_ = 	snop  }
0x140: {  	[spmem:s3] =	stream.indirect.scatter.add.f32 [tilespmem:s22], [sflag:$0x3], $0x80, s13, s25, $0xb8;
	[tilespmem:$0x1D000] =	vst v63  }
0x141: {  	_ =	swait.ge [sflag:s23], $0x4000  }
0x142: {  	[sflag:s23] =	ssyncset.done $0x0  }
0x143: {  	[sflag:s23] =	ssyncadd.s32 $0xFFFFC000  }
0x144: {  	_ =	swait.ge [sflag:s29], $0x4000  }
0x145: {  	[sflag:s29] =	ssyncset.done $0x0  }
0x146: {  	s9 =	rddreg [dreg:$0xd];
	[sflag:s29] =	ssyncadd.s32 $0xFFFFC000  }
0x147: {  	[tilespmem:s22], [sflag:$0x1] =	stream.indirect.gather [hbm4b:s1+s25], $0x80, s9, s25, $0xb8;
	[tilespmem:$0x1D000] =	vst v63  }
0x148: {  	_ = 	snop  }
0x149: {  	[spmem:s3] =	stream.indirect.scatter.add.f32 [tilespmem:s28], [sflag:$0x3], $0x80, s14, s25, $0xb8;
	[tilespmem:$0x1D000] =	vst v63  }
0x14a: {  	_ =	swait.ge [sflag:s23], $0x4000  }
0x14b: {  	[sflag:s23] =	ssyncset.done $0x0  }
0x14c: {  	[sflag:s23] =	ssyncadd.s32 $0xFFFFC000  }
0x14d: {  	_ =	swait.ge [sflag:s26], $0x4000  }
0x14e: {  	[sflag:s26] =	ssyncset.done $0x0  }
0x14f: {  	s9 =	rddreg [dreg:$0xe];
	[sflag:s26] =	ssyncadd.s32 $0xFFFFC000  }
0x150: {  	[tilespmem:s28], [sflag:$0x2] =	stream.indirect.gather [hbm4b:s1+s25], $0x80, s9, s25, $0xb8;
	[tilespmem:$0x1D000] =	vst v63  }
0x151: {  	_ = 	snop  }
0x152: {  	[spmem:s3] =	stream.indirect.scatter.add.f32 [tilespmem:s22], [sflag:$0x3], $0x80, s15, s25, $0xb8;
	[tilespmem:$0x1D000] =	vst v63  }
0x153: {  	_ =	swait.ge [sflag:s23], $0x4000  }
0x154: {  	[sflag:s23] =	ssyncset.done $0x0  }
0x155: {  	[sflag:s23] =	ssyncadd.s32 $0xFFFFC000  }
0x156: {  	_ =	swait.ge [sflag:s29], $0x4000  }
0x157: {  	[sflag:s29] =	ssyncset.done $0x0  }
0x158: {  	s9 =	rddreg [dreg:$0xf];
	[sflag:s29] =	ssyncadd.s32 $0xFFFFC000  }
0x159: {  	[tilespmem:s22], [sflag:$0x1] =	stream.indirect.gather [hbm4b:s1+s25], $0x80, s9, s25, $0xb8;
	[tilespmem:$0x1D000] =	vst v63  }
0x15a: {  	_ = 	snop  }
0x15b: {  	[spmem:s3] =	stream.indirect.scatter.add.f32 [tilespmem:s28], [sflag:$0x3], $0x80, s16, s25, $0xb8;
	[tilespmem:$0x1D000] =	vst v63  }
0x15c: {  	_ =	swait.ge [sflag:s23], $0x4000  }
0x15d: {  	[sflag:s23] =	ssyncset.done $0x0  }
0x15e: {  	[sflag:s23] =	ssyncadd.s32 $0xFFFFC000  }
0x15f: {  	_ =	swait.ge [sflag:s26], $0x4000  }
0x160: {  	[sflag:s26] =	ssyncset.done $0x0  }
0x161: {  	s9 =	rddreg [dreg:$0x10];
	[sflag:s26] =	ssyncadd.s32 $0xFFFFC000  }
0x162: {  	[tilespmem:s28], [sflag:$0x2] =	stream.indirect.gather [hbm4b:s1+s25], $0x80, s9, s25, $0xb8;
	[tilespmem:$0x1D000] =	vst v63  }
0x163: {  	_ = 	snop  }
0x164: {  	[spmem:s3] =	stream.indirect.scatter.add.f32 [tilespmem:s22], [sflag:$0x3], $0x80, s17, s25, $0xb8;
	[tilespmem:$0x1D000] =	vst v63  }
0x165: {  	_ =	swait.ge [sflag:s23], $0x4000  }
0x166: {  	[sflag:s23] =	ssyncset.done $0x0  }
0x167: {  	[sflag:s23] =	ssyncadd.s32 $0xFFFFC000  }
0x168: {  	_ =	swait.ge [sflag:s29], $0x4000  }
0x169: {  	[sflag:s29] =	ssyncset.done $0x0  }
0x16a: {  	s9 =	rddreg [dreg:$0x11];
	[sflag:s29] =	ssyncadd.s32 $0xFFFFC000  }
0x16b: {  	[tilespmem:s22], [sflag:$0x1] =	stream.indirect.gather [hbm4b:s1+s25], $0x80, s9, s25, $0xb8;
	[tilespmem:$0x1D000] =	vst v63  }
0x16c: {  	_ = 	snop  }
0x16d: {  	[spmem:s3] =	stream.indirect.scatter.add.f32 [tilespmem:s28], [sflag:$0x3], $0x80, s18, s25, $0xb8;
	[tilespmem:$0x1D000] =	vst v63  }
0x16e: {  	_ =	swait.ge [sflag:s23], $0x4000  }
0x16f: {  	[sflag:s23] =	ssyncset.done $0x0  }
0x170: {  	[sflag:s23] =	ssyncadd.s32 $0xFFFFC000  }
0x171: {  	_ =	swait.ge [sflag:s26], $0x4000  }
0x172: {  	[sflag:s26] =	ssyncset.done $0x0  }
0x173: {  	[sflag:s26] =	ssyncadd.s32 $0xFFFFC000  }
0x174: {  	[tilespmem:s28], [sflag:$0x2] =	stream.indirect.gather [hbm4b:s1+s25], $0x80, s19, s25, $0xb8;
	[tilespmem:$0x1D000] =	vst v63  }
0x175: {  	_ = 	snop  }
0x176: {  	[spmem:s3] =	stream.indirect.scatter.add.f32 [tilespmem:s22], [sflag:$0x3], $0x80, s20, s25, $0xb8;
	[tilespmem:$0x1D000] =	vst v63  }
0x177: {  	_ =	swait.ge [sflag:s23], $0x4000  }
0x178: {  	[sflag:s23] =	ssyncset.done $0x0  }
0x179: {  	[sflag:s23] =	ssyncadd.s32 $0xFFFFC000  }
0x17a: {  	p0 =	sne.s32 s8, $0x400;
	_ =	swait.ge [sflag:s29], $0x4000  }
.Ltmp1:
0x17b: {  	[sflag:s29] =	ssyncset.done $0x0;
	(pc) =	sbr.rel @p0 .LBB2_4-.Ltmp1, $4  }
0x17c: {  	[sflag:s29] =	ssyncadd.s32 $0xFFFFC000  }
0x17d: {  	[spmem:s3] =	stream.indirect.scatter.add.f32 [tilespmem:s28], [sflag:$0x3], $0x80, s5, s25, $0xb8;
	[tilespmem:$0x1D000] =	vst v63  }
0x17e: {  	s6 =	smov.u32 s8;
	s8 =	sadd.s32 $0x100, s8;
	_ =	swait.ge [sflag:s23], $0x4000  }
0x17f: {  	s7 =	smov.u32 s6;
	s9 =	rddreg [dreg:$0x4];
	[sflag:s23] =	ssyncset.done $0x0  }
0x180: {  	[sflag:s23] =	ssyncadd.s32 $0xFFFFC000;
	s6 =	sadd.s32 s7, s9  }
0x181: {  	[tilespmem:s4], [sflag:$0x3] =	stream.linear.gather [hbm4b:s6+s4], $0x800, $0x38;
	[tilespmem:$0x1D000] =	vst v63  }
0x182: {  	_ =	swait.ge [sflag:s23], $0x800  }
0x183: {  	[sflag:s23] =	ssyncset.done $0x0  }
0x184: {  	s9 =	sadd.s32 s7, s21;
	[sflag:s23] =	ssyncadd.s32 $0xFFFFF800  }
0x185: {  	[tilespmem:s24], [sflag:$0x3] =	stream.linear.gather [hbm4b:s9+s4], $0x800, $0x38;
	[tilespmem:$0x1D000] =	vst v63  }
0x186: {  	_ =	swait.ge [sflag:s23], $0x800  }
0x187: {  	[sflag:s23] =	ssyncset.done $0x0  }
0x188: {  	[sflag:s23] =	ssyncadd.s32 $0xFFFFF800  }
0x189: {  	[tilespmem:s22], [sflag:$0x1] =	stream.indirect.gather [hbm4b:s1+s25], $0x80, s4, s25, $0xb8;
	[tilespmem:$0x1D000] =	vst v63  }
0x18a: {  	_ =	swait.ge [sflag:s26], $0x4000  }
0x18b: {  	[sflag:s26] =	ssyncset.done $0x0  }
0x18c: {  	[sflag:s26] =	ssyncadd.s32 $0xFFFFC000  }
0x18d: {  	[tilespmem:s28], [sflag:$0x2] =	stream.indirect.gather [hbm4b:s1+s25], $0x80, s25, s25, $0xb8;
	[tilespmem:$0x1D000] =	vst v63  }
0x18e: {  	_ = 	snop  }
0x18f: {  	[spmem:s3] =	stream.indirect.scatter.add.f32 [tilespmem:s22], [sflag:$0x3], $0x80, s24, s25, $0xb8;
	[tilespmem:$0x1D000] =	vst v63  }
0x190: {  	_ =	swait.ge [sflag:s23], $0x4000  }
0x191: {  	[sflag:s23] =	ssyncset.done $0x0  }
0x192: {  	[sflag:s23] =	ssyncadd.s32 $0xFFFFC000  }
0x193: {  	_ =	swait.ge [sflag:s29], $0x4000  }
0x194: {  	[sflag:s29] =	ssyncset.done $0x0  }
0x195: {  	s7 =	rddreg [dreg:$0x5];
	[sflag:s29] =	ssyncadd.s32 $0xFFFFC000  }
0x196: {  	[tilespmem:s22], [sflag:$0x1] =	stream.indirect.gather [hbm4b:s1+s25], $0x80, s7, s25, $0xb8;
	[tilespmem:$0x1D000] =	vst v63  }
0x197: {  	_ = 	snop  }
0x198: {  	[spmem:s3] =	stream.indirect.scatter.add.f32 [tilespmem:s28], [sflag:$0x3], $0x80, s30, s25, $0xb8;
	[tilespmem:$0x1D000] =	vst v63  }
0x199: {  	_ =	swait.ge [sflag:s23], $0x4000  }
0x19a: {  	[sflag:s23] =	ssyncset.done $0x0  }
0x19b: {  	[sflag:s23] =	ssyncadd.s32 $0xFFFFC000  }
0x19c: {  	_ =	swait.ge [sflag:s26], $0x4000  }
0x19d: {  	[sflag:s26] =	ssyncset.done $0x0  }
0x19e: {  	s8 =	rddreg [dreg:$0x6];
	[sflag:s26] =	ssyncadd.s32 $0xFFFFC000  }
0x19f: {  	[tilespmem:s28], [sflag:$0x2] =	stream.indirect.gather [hbm4b:s1+s25], $0x80, s8, s25, $0xb8;
	[tilespmem:$0x1D000] =	vst v63  }
0x1a0: {  	_ = 	snop  }
0x1a1: {  	[spmem:s3] =	stream.indirect.scatter.add.f32 [tilespmem:s22], [sflag:$0x3], $0x80, s31, s25, $0xb8;
	[tilespmem:$0x1D000] =	vst v63  }
0x1a2: {  	_ =	swait.ge [sflag:s23], $0x4000  }
0x1a3: {  	[sflag:s23] =	ssyncset.done $0x0  }
0x1a4: {  	[sflag:s23] =	ssyncadd.s32 $0xFFFFC000  }
0x1a5: {  	_ =	swait.ge [sflag:s29], $0x4000  }
0x1a6: {  	[sflag:s29] =	ssyncset.done $0x0  }
0x1a7: {  	s9 =	rddreg [dreg:$0x7];
	[sflag:s29] =	ssyncadd.s32 $0xFFFFC000  }
0x1a8: {  	[tilespmem:s22], [sflag:$0x1] =	stream.indirect.gather [hbm4b:s1+s25], $0x80, s9, s25, $0xb8;
	[tilespmem:$0x1D000] =	vst v63  }
0x1a9: {  	_ = 	snop  }
0x1aa: {  	[spmem:s3] =	stream.indirect.scatter.add.f32 [tilespmem:s28], [sflag:$0x3], $0x80, s2, s25, $0xb8;
	[tilespmem:$0x1D000] =	vst v63  }
0x1ab: {  	_ =	swait.ge [sflag:s23], $0x4000  }
0x1ac: {  	[sflag:s23] =	ssyncset.done $0x0  }
0x1ad: {  	[sflag:s23] =	ssyncadd.s32 $0xFFFFC000  }
0x1ae: {  	_ =	swait.ge [sflag:s26], $0x4000  }
0x1af: {  	[sflag:s26] =	ssyncset.done $0x0  }
0x1b0: {  	s7 =	rddreg [dreg:$0x8];
	[sflag:s26] =	ssyncadd.s32 $0xFFFFC000  }
0x1b1: {  	[tilespmem:s28], [sflag:$0x2] =	stream.indirect.gather [hbm4b:s1+s25], $0x80, s7, s25, $0xb8;
	[tilespmem:$0x1D000] =	vst v63  }
0x1b2: {  	_ = 	snop  }
0x1b3: {  	[spmem:s3] =	stream.indirect.scatter.add.f32 [tilespmem:s22], [sflag:$0x3], $0x80, s0, s25, $0xb8;
	[tilespmem:$0x1D000] =	vst v63  }
0x1b4: {  	_ =	swait.ge [sflag:s23], $0x4000  }
0x1b5: {  	[sflag:s23] =	ssyncset.done $0x0  }
0x1b6: {  	[sflag:s23] =	ssyncadd.s32 $0xFFFFC000  }
0x1b7: {  	_ =	swait.ge [sflag:s29], $0x4000  }
0x1b8: {  	[sflag:s29] =	ssyncset.done $0x0  }
0x1b9: {  	s8 =	rddreg [dreg:$0x9];
	[sflag:s29] =	ssyncadd.s32 $0xFFFFC000  }
0x1ba: {  	[tilespmem:s22], [sflag:$0x1] =	stream.indirect.gather [hbm4b:s1+s25], $0x80, s8, s25, $0xb8;
	[tilespmem:$0x1D000] =	vst v63  }
0x1bb: {  	_ = 	snop  }
0x1bc: {  	[spmem:s3] =	stream.indirect.scatter.add.f32 [tilespmem:s28], [sflag:$0x3], $0x80, s10, s25, $0xb8;
	[tilespmem:$0x1D000] =	vst v63  }
0x1bd: {  	_ =	swait.ge [sflag:s23], $0x4000  }
0x1be: {  	[sflag:s23] =	ssyncset.done $0x0  }
0x1bf: {  	[sflag:s23] =	ssyncadd.s32 $0xFFFFC000  }
0x1c0: {  	_ =	swait.ge [sflag:s26], $0x4000  }
0x1c1: {  	[sflag:s26] =	ssyncset.done $0x0  }
0x1c2: {  	s9 =	rddreg [dreg:$0xa];
	[sflag:s26] =	ssyncadd.s32 $0xFFFFC000  }
0x1c3: {  	[tilespmem:s28], [sflag:$0x2] =	stream.indirect.gather [hbm4b:s1+s25], $0x80, s9, s25, $0xb8;
	[tilespmem:$0x1D000] =	vst v63  }
0x1c4: {  	_ = 	snop  }
0x1c5: {  	[spmem:s3] =	stream.indirect.scatter.add.f32 [tilespmem:s22], [sflag:$0x3], $0x80, s11, s25, $0xb8;
	[tilespmem:$0x1D000] =	vst v63  }
0x1c6: {  	_ =	swait.ge [sflag:s23], $0x4000  }
0x1c7: {  	[sflag:s23] =	ssyncset.done $0x0  }
0x1c8: {  	[sflag:s23] =	ssyncadd.s32 $0xFFFFC000  }
0x1c9: {  	_ =	swait.ge [sflag:s29], $0x4000  }
0x1ca: {  	[sflag:s29] =	ssyncset.done $0x0  }
0x1cb: {  	s7 =	rddreg [dreg:$0xb];
	[sflag:s29] =	ssyncadd.s32 $0xFFFFC000  }
0x1cc: {  	[tilespmem:s22], [sflag:$0x1] =	stream.indirect.gather [hbm4b:s1+s25], $0x80, s7, s25, $0xb8;
	[tilespmem:$0x1D000] =	vst v63  }
0x1cd: {  	_ = 	snop  }
0x1ce: {  	[spmem:s3] =	stream.indirect.scatter.add.f32 [tilespmem:s28], [sflag:$0x3], $0x80, s12, s25, $0xb8;
	[tilespmem:$0x1D000] =	vst v63  }
0x1cf: {  	_ =	swait.ge [sflag:s23], $0x4000  }
0x1d0: {  	[sflag:s23] =	ssyncset.done $0x0  }
0x1d1: {  	[sflag:s23] =	ssyncadd.s32 $0xFFFFC000  }
0x1d2: {  	_ =	swait.ge [sflag:s26], $0x4000  }
0x1d3: {  	[sflag:s26] =	ssyncset.done $0x0  }
0x1d4: {  	s8 =	rddreg [dreg:$0xc];
	[sflag:s26] =	ssyncadd.s32 $0xFFFFC000  }
0x1d5: {  	[tilespmem:s28], [sflag:$0x2] =	stream.indirect.gather [hbm4b:s1+s25], $0x80, s8, s25, $0xb8;
	[tilespmem:$0x1D000] =	vst v63  }
0x1d6: {  	_ = 	snop  }
0x1d7: {  	[spmem:s3] =	stream.indirect.scatter.add.f32 [tilespmem:s22], [sflag:$0x3], $0x80, s13, s25, $0xb8;
	[tilespmem:$0x1D000] =	vst v63  }
0x1d8: {  	_ =	swait.ge [sflag:s23], $0x4000  }
0x1d9: {  	[sflag:s23] =	ssyncset.done $0x0  }
0x1da: {  	[sflag:s23] =	ssyncadd.s32 $0xFFFFC000  }
0x1db: {  	_ =	swait.ge [sflag:s29], $0x4000  }
0x1dc: {  	[sflag:s29] =	ssyncset.done $0x0  }
0x1dd: {  	s9 =	rddreg [dreg:$0xd];
	[sflag:s29] =	ssyncadd.s32 $0xFFFFC000  }
0x1de: {  	[tilespmem:s22], [sflag:$0x1] =	stream.indirect.gather [hbm4b:s1+s25], $0x80, s9, s25, $0xb8;
	[tilespmem:$0x1D000] =	vst v63  }
0x1df: {  	_ = 	snop  }
0x1e0: {  	[spmem:s3] =	stream.indirect.scatter.add.f32 [tilespmem:s28], [sflag:$0x3], $0x80, s14, s25, $0xb8;
	[tilespmem:$0x1D000] =	vst v63  }
0x1e1: {  	_ =	swait.ge [sflag:s23], $0x4000  }
0x1e2: {  	[sflag:s23] =	ssyncset.done $0x0  }
0x1e3: {  	[sflag:s23] =	ssyncadd.s32 $0xFFFFC000  }
0x1e4: {  	_ =	swait.ge [sflag:s26], $0x4000  }
0x1e5: {  	[sflag:s26] =	ssyncset.done $0x0  }
0x1e6: {  	s7 =	rddreg [dreg:$0xe];
	[sflag:s26] =	ssyncadd.s32 $0xFFFFC000  }
0x1e7: {  	[tilespmem:s28], [sflag:$0x2] =	stream.indirect.gather [hbm4b:s1+s25], $0x80, s7, s25, $0xb8;
	[tilespmem:$0x1D000] =	vst v63  }
0x1e8: {  	_ = 	snop  }
0x1e9: {  	[spmem:s3] =	stream.indirect.scatter.add.f32 [tilespmem:s22], [sflag:$0x3], $0x80, s15, s25, $0xb8;
	[tilespmem:$0x1D000] =	vst v63  }
0x1ea: {  	_ =	swait.ge [sflag:s23], $0x4000  }
0x1eb: {  	[sflag:s23] =	ssyncset.done $0x0  }
0x1ec: {  	[sflag:s23] =	ssyncadd.s32 $0xFFFFC000  }
0x1ed: {  	_ =	swait.ge [sflag:s29], $0x4000  }
0x1ee: {  	[sflag:s29] =	ssyncset.done $0x0  }
0x1ef: {  	s8 =	rddreg [dreg:$0xf];
	[sflag:s29] =	ssyncadd.s32 $0xFFFFC000  }
0x1f0: {  	[tilespmem:s22], [sflag:$0x1] =	stream.indirect.gather [hbm4b:s1+s25], $0x80, s8, s25, $0xb8;
	[tilespmem:$0x1D000] =	vst v63  }
0x1f1: {  	_ = 	snop  }
0x1f2: {  	[spmem:s3] =	stream.indirect.scatter.add.f32 [tilespmem:s28], [sflag:$0x3], $0x80, s16, s25, $0xb8;
	[tilespmem:$0x1D000] =	vst v63  }
0x1f3: {  	_ =	swait.ge [sflag:s23], $0x4000  }
0x1f4: {  	[sflag:s23] =	ssyncset.done $0x0  }
0x1f5: {  	[sflag:s23] =	ssyncadd.s32 $0xFFFFC000  }
0x1f6: {  	_ =	swait.ge [sflag:s26], $0x4000  }
0x1f7: {  	[sflag:s26] =	ssyncset.done $0x0  }
0x1f8: {  	s9 =	rddreg [dreg:$0x10];
	[sflag:s26] =	ssyncadd.s32 $0xFFFFC000  }
0x1f9: {  	[tilespmem:s28], [sflag:$0x2] =	stream.indirect.gather [hbm4b:s1+s25], $0x80, s9, s25, $0xb8;
	[tilespmem:$0x1D000] =	vst v63  }
0x1fa: {  	_ = 	snop  }
0x1fb: {  	[spmem:s3] =	stream.indirect.scatter.add.f32 [tilespmem:s22], [sflag:$0x3], $0x80, s17, s25, $0xb8;
	[tilespmem:$0x1D000] =	vst v63  }
0x1fc: {  	_ =	swait.ge [sflag:s23], $0x4000  }
0x1fd: {  	[sflag:s23] =	ssyncset.done $0x0  }
0x1fe: {  	[sflag:s23] =	ssyncadd.s32 $0xFFFFC000  }
0x1ff: {  	_ =	swait.ge [sflag:s29], $0x4000  }
0x200: {  	[sflag:s29] =	ssyncset.done $0x0  }
0x201: {  	s7 =	rddreg [dreg:$0x11];
	[sflag:s29] =	ssyncadd.s32 $0xFFFFC000  }
0x202: {  	[tilespmem:s22], [sflag:$0x1] =	stream.indirect.gather [hbm4b:s1+s25], $0x80, s7, s25, $0xb8;
	[tilespmem:$0x1D000] =	vst v63  }
0x203: {  	_ = 	snop  }
0x204: {  	[spmem:s3] =	stream.indirect.scatter.add.f32 [tilespmem:s28], [sflag:$0x3], $0x80, s18, s25, $0xb8;
	[tilespmem:$0x1D000] =	vst v63  }
0x205: {  	_ =	swait.ge [sflag:s23], $0x4000  }
0x206: {  	[sflag:s23] =	ssyncset.done $0x0  }
0x207: {  	[sflag:s23] =	ssyncadd.s32 $0xFFFFC000  }
0x208: {  	_ =	swait.ge [sflag:s26], $0x4000  }
0x209: {  	[sflag:s26] =	ssyncset.done $0x0  }
0x20a: {  	[sflag:s26] =	ssyncadd.s32 $0xFFFFC000  }
0x20b: {  	[tilespmem:s28], [sflag:$0x2] =	stream.indirect.gather [hbm4b:s1+s25], $0x80, s19, s25, $0xb8;
	[tilespmem:$0x1D000] =	vst v63  }
0x20c: {  	_ = 	snop  }
0x20d: {  	[spmem:s3] =	stream.indirect.scatter.add.f32 [tilespmem:s22], [sflag:$0x3], $0x80, s20, s25, $0xb8;
	[tilespmem:$0x1D000] =	vst v63  }
0x20e: {  	_ =	swait.ge [sflag:s23], $0x4000  }
0x20f: {  	[sflag:s23] =	ssyncset.done $0x0  }
0x210: {  	[sflag:s23] =	ssyncadd.s32 $0xFFFFC000  }
0x211: {  	_ =	swait.ge [sflag:s29], $0x4000  }
0x212: {  	[sflag:s29] =	ssyncset.done $0x0  }
0x213: {  	[sflag:s29] =	ssyncadd.s32 $0xFFFFC000  }
0x214: {  	[spmem:s3] =	stream.indirect.scatter.add.f32 [tilespmem:s28], [sflag:$0x3], $0x80, s5, s25, $0xb8;
	[tilespmem:$0x1D000] =	vst v63  }
0x215: {  	_ =	swait.ge [sflag:s23], $0x4000  }
0x216: {  	[sflag:s23] =	ssyncset.done $0x0  }
0x217: {  	[sflag:s23] =	ssyncadd.s32 $0xFFFFC000  }
0x218: {  	[bflag:$0x0] =	sbarrier.arrive $0xFFFF  }
0x219: {  	s8 =	rddreg [dreg:$0x12]  }
0x21a: {  	[tilespmem:s22], [sflag:$0x3] =	stream.linear.gather [spmem:s8], $0x4000, $0x38;
	[tilespmem:$0x1D000] =	vst v63  }
0x21b: {  	_ =	swait.ge [sflag:s23], $0x4000  }
0x21c: {  	[sflag:s23] =	ssyncset.done $0x0  }
0x21d: {  	s6 =	simm.s32 $0x0;
	s9 =	rddreg [dreg:$0x17];
	[sflag:s23] =	ssyncadd.s32 $0xFFFFC000  }
0x21e: {  	[hbm4b:s9+s6] =	stream.linear.scatter [tilespmem:s22], [sflag:$0x3], $0x4000, $0x38;
	[tilespmem:$0x1D000] =	vst v63  }
0x21f: {  	_ =	swait.ge [sflag:s23], $0x4000  }
0x220: {  	[sflag:s23] =	ssyncset.done $0x0  }
0x221: {  	s8 =	rddreg [dreg:$0x13];
	[sflag:s23] =	ssyncadd.s32 $0xFFFFC000  }
0x222: {  	[tilespmem:s22], [sflag:$0x3] =	stream.linear.gather [spmem:s8], $0x4000, $0x38;
	[tilespmem:$0x1D000] =	vst v63  }
0x223: {  	_ =	swait.ge [sflag:s23], $0x4000  }
0x224: {  	[sflag:s23] =	ssyncset.done $0x0  }
0x225: {  	s9 =	rddreg [dreg:$0x18];
	[sflag:s23] =	ssyncadd.s32 $0xFFFFC000  }
0x226: {  	[hbm4b:s9+s6] =	stream.linear.scatter [tilespmem:s22], [sflag:$0x3], $0x4000, $0x38;
	[tilespmem:$0x1D000] =	vst v63  }
0x227: {  	_ =	swait.ge [sflag:s23], $0x4000  }
0x228: {  	[sflag:s23] =	ssyncset.done $0x0  }
0x229: {  	s8 =	rddreg [dreg:$0x14];
	[sflag:s23] =	ssyncadd.s32 $0xFFFFC000  }
0x22a: {  	[tilespmem:s22], [sflag:$0x3] =	stream.linear.gather [spmem:s8], $0x4000, $0x38;
	[tilespmem:$0x1D000] =	vst v63  }
0x22b: {  	_ =	swait.ge [sflag:s23], $0x4000  }
0x22c: {  	[sflag:s23] =	ssyncset.done $0x0  }
0x22d: {  	s9 =	rddreg [dreg:$0x19];
	[sflag:s23] =	ssyncadd.s32 $0xFFFFC000  }
0x22e: {  	[hbm4b:s9+s6] =	stream.linear.scatter [tilespmem:s22], [sflag:$0x3], $0x4000, $0x38;
	[tilespmem:$0x1D000] =	vst v63  }
0x22f: {  	_ =	swait.ge [sflag:s23], $0x4000  }
0x230: {  	[sflag:s23] =	ssyncset.done $0x0  }
0x231: {  	s8 =	rddreg [dreg:$0x15];
	[sflag:s23] =	ssyncadd.s32 $0xFFFFC000  }
0x232: {  	[tilespmem:s22], [sflag:$0x3] =	stream.linear.gather [spmem:s8], $0x4000, $0x38;
	[tilespmem:$0x1D000] =	vst v63  }
0x233: {  	_ =	swait.ge [sflag:s23], $0x4000  }
0x234: {  	[sflag:s23] =	ssyncset.done $0x0  }
0x235: {  	s9 =	rddreg [dreg:$0x1a];
	[sflag:s23] =	ssyncadd.s32 $0xFFFFC000  }
0x236: {  	[hbm4b:s9+s6] =	stream.linear.scatter [tilespmem:s22], [sflag:$0x3], $0x4000, $0x38;
	[tilespmem:$0x1D000] =	vst v63  }
0x237: {  	_ =	swait.ge [sflag:s23], $0x4000  }
0x238: {  	[sflag:s23] =	ssyncset.done $0x0  }
0x239: {  	s8 =	rddreg [dreg:$0x16];
	[sflag:s23] =	ssyncadd.s32 $0xFFFFC000  }
0x23a: {  	[tilespmem:s22], [sflag:$0x3] =	stream.linear.gather [spmem:s8], $0x4000, $0x38;
	[tilespmem:$0x1D000] =	vst v63  }
0x23b: {  	_ =	swait.ge [sflag:s23], $0x4000  }
0x23c: {  	[sflag:s23] =	ssyncset.done $0x0  }
0x23d: {  	s9 =	rddreg [dreg:$0x1b];
	[sflag:s23] =	ssyncadd.s32 $0xFFFFC000  }
0x23e: {  	[hbm4b:s9+s6] =	stream.linear.scatter [tilespmem:s22], [sflag:$0x3], $0x4000, $0x38;
	[tilespmem:$0x1D000] =	vst v63  }
0x23f: {  	_ =	swait.ge [sflag:s23], $0x4000  }
0x240: {  	[sflag:s23] =	ssyncset.done $0x0  }
0x241: {  	[sflag:s23] =	ssyncadd.s32 $0xFFFFC000  }
0x242: {  	s7 =	simm.s32 $0x0;
	s8 =	simm.s32 $0x200;
	[bflag:$0x0] =	sbarrier.arrive $0xFFFF  }
.LBB2_6:
0x243: {  	p0 =	sne.s32 s8, $0xFE00;
	[tilespmem:s7+$0x1070] =	vst v0  }
0x244: {  	[tilespmem:s7+$0x1000] =	vst v0  }
0x245: {  	[tilespmem:s7+$0x1010] =	vst v0  }
.Ltmp2:
0x246: {  	[tilespmem:s7+$0x1020] =	vst v0;
	(pc) =	sbr.rel @p0 .LBB2_6-.Ltmp2, $4  }
0x247: {  	[tilespmem:s7+$0x1030] =	vst v0  }
0x248: {  	[tilespmem:s7+$0x1040] =	vst v0  }
0x249: {  	[tilespmem:s7+$0x1050] =	vst v0  }
0x24a: {  	[tilespmem:s7+$0x1060] =	vst v0;
	s7 =	sshra.s32 s8, $0x2;
	s8 =	sadd.s32 $0x200, s8  }
0x24b: {  	[tilespmem:s7+$0x1070] =	vst v0  }
0x24c: {  	[tilespmem:s7+$0x1000] =	vst v0  }
0x24d: {  	[tilespmem:s7+$0x1010] =	vst v0  }
0x24e: {  	[tilespmem:s7+$0x1020] =	vst v0  }
0x24f: {  	[tilespmem:s7+$0x1030] =	vst v0  }
0x250: {  	[tilespmem:s7+$0x1040] =	vst v0  }
0x251: {  	[tilespmem:s7+$0x1050] =	vst v0  }
0x252: {  	[tilespmem:s7+$0x1060] =	vst v0;
	s6 =	rddreg [dreg:$0x12]  }
0x253: {  	[spmem:s6] =	stream.linear.scatter [tilespmem:s22], [sflag:$0x3], $0x4000, $0x38;
	[tilespmem:$0x1D000] =	vst v63  }
0x254: {  	_ =	swait.ge [sflag:s23], $0x4000  }
0x255: {  	[sflag:s23] =	ssyncset.done $0x0  }
0x256: {  	s9 =	rddreg [dreg:$0x13];
	[sflag:s23] =	ssyncadd.s32 $0xFFFFC000  }
0x257: {  	[spmem:s9] =	stream.linear.scatter [tilespmem:s22], [sflag:$0x3], $0x4000, $0x38;
	[tilespmem:$0x1D000] =	vst v63  }
0x258: {  	_ =	swait.ge [sflag:s23], $0x4000  }
0x259: {  	[sflag:s23] =	ssyncset.done $0x0  }
0x25a: {  	s7 =	rddreg [dreg:$0x14];
	[sflag:s23] =	ssyncadd.s32 $0xFFFFC000  }
0x25b: {  	[spmem:s7] =	stream.linear.scatter [tilespmem:s22], [sflag:$0x3], $0x4000, $0x38;
	[tilespmem:$0x1D000] =	vst v63  }
0x25c: {  	_ =	swait.ge [sflag:s23], $0x4000  }
0x25d: {  	[sflag:s23] =	ssyncset.done $0x0  }
0x25e: {  	s8 =	rddreg [dreg:$0x15];
	[sflag:s23] =	ssyncadd.s32 $0xFFFFC000  }
0x25f: {  	[spmem:s8] =	stream.linear.scatter [tilespmem:s22], [sflag:$0x3], $0x4000, $0x38;
	[tilespmem:$0x1D000] =	vst v63  }
0x260: {  	_ =	swait.ge [sflag:s23], $0x4000  }
0x261: {  	[sflag:s23] =	ssyncset.done $0x0  }
0x262: {  	s9 =	rddreg [dreg:$0x16];
	[sflag:s23] =	ssyncadd.s32 $0xFFFFC000  }
0x263: {  	[spmem:s9] =	stream.linear.scatter [tilespmem:s22], [sflag:$0x3], $0x4000, $0x38;
	[tilespmem:$0x1D000] =	vst v63  }
0x264: {  	_ =	swait.ge [sflag:s23], $0x4000  }
0x265: {  	[sflag:s23] =	ssyncset.done $0x0  }
0x266: {  	[sflag:s23] =	ssyncadd.s32 $0xFFFFC000  }
0x267: {  	s7 =	simm.s32 $0x0;
	s8 =	simm.s32 $0x200;
	[bflag:$0x0] =	sbarrier.arrive $0xFFFF  }
.LBB2_8:
0x268: {  	p0 =	sne.s32 s8, $0xFE00;
	[tilespmem:s7+$0x1070] =	vst v1  }
0x269: {  	[tilespmem:s7+$0x1000] =	vst v1  }
0x26a: {  	[tilespmem:s7+$0x1010] =	vst v1  }
.Ltmp3:
0x26b: {  	[tilespmem:s7+$0x1020] =	vst v1;
	(pc) =	sbr.rel @p0 .LBB2_8-.Ltmp3, $4  }
0x26c: {  	[tilespmem:s7+$0x1030] =	vst v1  }
0x26d: {  	[tilespmem:s7+$0x1040] =	vst v1  }
0x26e: {  	[tilespmem:s7+$0x1050] =	vst v1  }
0x26f: {  	[tilespmem:s7+$0x1060] =	vst v1;
	s7 =	sshra.s32 s8, $0x2;
	s8 =	sadd.s32 $0x200, s8  }
0x270: {  	[tilespmem:s7+$0x1070] =	vst v1  }
0x271: {  	[tilespmem:s7+$0x1000] =	vst v1  }
0x272: {  	[tilespmem:s7+$0x1010] =	vst v1  }
0x273: {  	[tilespmem:s7+$0x1020] =	vst v1  }
0x274: {  	[tilespmem:s7+$0x1030] =	vst v1  }
0x275: {  	[tilespmem:s7+$0x1040] =	vst v1  }
0x276: {  	[tilespmem:s7+$0x1050] =	vst v1  }
0x277: {  	[tilespmem:s7+$0x1060] =	vst v1;
	s6 =	sadd.s32 $0x0, s21  }
0x278: {  	[tilespmem:s24], [sflag:$0x3] =	stream.linear.gather [hbm4b:s6+s4], $0x800, $0x38;
	[tilespmem:$0x1D000] =	vst v63  }
0x279: {  	_ =	swait.ge [sflag:s23], $0x800  }
0x27a: {  	[sflag:s23] =	ssyncset.done $0x0  }
0x27b: {  	[sflag:s23] =	ssyncadd.s32 $0xFFFFF800  }
0x27c: {  	[spmem:s3] =	stream.indirect.scatter.add.f32 [tilespmem:s22], [sflag:$0x1], $0x80, s24, s25, $0xb8;
	[tilespmem:$0x1D000] =	vst v63  }
0x27d: {  	_ = 	snop  }
0x27e: {  	[spmem:s3] =	stream.indirect.scatter.add.f32 [tilespmem:s22], [sflag:$0x1], $0x80, s30, s25, $0xb8;
	[tilespmem:$0x1D000] =	vst v63  }
0x27f: {  	_ = 	snop  }
0x280: {  	[spmem:s3] =	stream.indirect.scatter.add.f32 [tilespmem:s22], [sflag:$0x1], $0x80, s31, s25, $0xb8;
	[tilespmem:$0x1D000] =	vst v63  }
0x281: {  	_ = 	snop  }
0x282: {  	[spmem:s3] =	stream.indirect.scatter.add.f32 [tilespmem:s22], [sflag:$0x1], $0x80, s2, s25, $0xb8;
	[tilespmem:$0x1D000] =	vst v63  }
0x283: {  	_ = 	snop  }
0x284: {  	[spmem:s3] =	stream.indirect.scatter.add.f32 [tilespmem:s22], [sflag:$0x1], $0x80, s0, s25, $0xb8;
	[tilespmem:$0x1D000] =	vst v63  }
0x285: {  	_ = 	snop  }
0x286: {  	[spmem:s3] =	stream.indirect.scatter.add.f32 [tilespmem:s22], [sflag:$0x1], $0x80, s10, s25, $0xb8;
	[tilespmem:$0x1D000] =	vst v63  }
0x287: {  	_ = 	snop  }
0x288: {  	[spmem:s3] =	stream.indirect.scatter.add.f32 [tilespmem:s22], [sflag:$0x1], $0x80, s11, s25, $0xb8;
	[tilespmem:$0x1D000] =	vst v63  }
0x289: {  	_ = 	snop  }
0x28a: {  	[spmem:s3] =	stream.indirect.scatter.add.f32 [tilespmem:s22], [sflag:$0x1], $0x80, s12, s25, $0xb8;
	[tilespmem:$0x1D000] =	vst v63  }
0x28b: {  	_ = 	snop  }
0x28c: {  	[spmem:s3] =	stream.indirect.scatter.add.f32 [tilespmem:s22], [sflag:$0x1], $0x80, s13, s25, $0xb8;
	[tilespmem:$0x1D000] =	vst v63  }
0x28d: {  	_ = 	snop  }
0x28e: {  	[spmem:s3] =	stream.indirect.scatter.add.f32 [tilespmem:s22], [sflag:$0x1], $0x80, s14, s25, $0xb8;
	[tilespmem:$0x1D000] =	vst v63  }
0x28f: {  	_ = 	snop  }
0x290: {  	[spmem:s3] =	stream.indirect.scatter.add.f32 [tilespmem:s22], [sflag:$0x1], $0x80, s15, s25, $0xb8;
	[tilespmem:$0x1D000] =	vst v63  }
0x291: {  	_ = 	snop  }
0x292: {  	[spmem:s3] =	stream.indirect.scatter.add.f32 [tilespmem:s22], [sflag:$0x1], $0x80, s16, s25, $0xb8;
	[tilespmem:$0x1D000] =	vst v63  }
0x293: {  	_ = 	snop  }
0x294: {  	[spmem:s3] =	stream.indirect.scatter.add.f32 [tilespmem:s22], [sflag:$0x1], $0x80, s17, s25, $0xb8;
	[tilespmem:$0x1D000] =	vst v63  }
0x295: {  	_ = 	snop  }
0x296: {  	[spmem:s3] =	stream.indirect.scatter.add.f32 [tilespmem:s22], [sflag:$0x1], $0x80, s18, s25, $0xb8;
	[tilespmem:$0x1D000] =	vst v63  }
0x297: {  	_ = 	snop  }
0x298: {  	[spmem:s3] =	stream.indirect.scatter.add.f32 [tilespmem:s22], [sflag:$0x1], $0x80, s20, s25, $0xb8;
	[tilespmem:$0x1D000] =	vst v63  }
0x299: {  	_ = 	snop  }
0x29a: {  	[spmem:s3] =	stream.indirect.scatter.add.f32 [tilespmem:s22], [sflag:$0x1], $0x80, s5, s25, $0xb8;
	[tilespmem:$0x1D000] =	vst v63  }
0x29b: {  	_ =	swait.ge [sflag:s26], $0x4000  }
0x29c: {  	[sflag:s26] =	ssyncset.done $0x0  }
0x29d: {  	[sflag:s26] =	ssyncadd.s32 $0xFFFFC000  }
0x29e: {  	_ =	swait.ge [sflag:s26], $0x4000  }
0x29f: {  	[sflag:s26] =	ssyncset.done $0x0  }
0x2a0: {  	[sflag:s26] =	ssyncadd.s32 $0xFFFFC000  }
0x2a1: {  	_ =	swait.ge [sflag:s26], $0x4000  }
0x2a2: {  	[sflag:s26] =	ssyncset.done $0x0  }
0x2a3: {  	[sflag:s26] =	ssyncadd.s32 $0xFFFFC000  }
0x2a4: {  	_ =	swait.ge [sflag:s26], $0x4000  }
0x2a5: {  	[sflag:s26] =	ssyncset.done $0x0  }
0x2a6: {  	[sflag:s26] =	ssyncadd.s32 $0xFFFFC000  }
0x2a7: {  	_ =	swait.ge [sflag:s26], $0x4000  }
0x2a8: {  	[sflag:s26] =	ssyncset.done $0x0  }
0x2a9: {  	[sflag:s26] =	ssyncadd.s32 $0xFFFFC000  }
0x2aa: {  	_ =	swait.ge [sflag:s26], $0x4000  }
0x2ab: {  	[sflag:s26] =	ssyncset.done $0x0  }
0x2ac: {  	[sflag:s26] =	ssyncadd.s32 $0xFFFFC000  }
0x2ad: {  	_ =	swait.ge [sflag:s26], $0x4000  }
0x2ae: {  	[sflag:s26] =	ssyncset.done $0x0  }
0x2af: {  	[sflag:s26] =	ssyncadd.s32 $0xFFFFC000  }
0x2b0: {  	_ =	swait.ge [sflag:s26], $0x4000  }
0x2b1: {  	[sflag:s26] =	ssyncset.done $0x0  }
0x2b2: {  	[sflag:s26] =	ssyncadd.s32 $0xFFFFC000  }
0x2b3: {  	_ =	swait.ge [sflag:s26], $0x4000  }
0x2b4: {  	[sflag:s26] =	ssyncset.done $0x0  }
0x2b5: {  	[sflag:s26] =	ssyncadd.s32 $0xFFFFC000  }
0x2b6: {  	_ =	swait.ge [sflag:s26], $0x4000  }
0x2b7: {  	[sflag:s26] =	ssyncset.done $0x0  }
0x2b8: {  	[sflag:s26] =	ssyncadd.s32 $0xFFFFC000  }
0x2b9: {  	_ =	swait.ge [sflag:s26], $0x4000  }
0x2ba: {  	[sflag:s26] =	ssyncset.done $0x0  }
0x2bb: {  	[sflag:s26] =	ssyncadd.s32 $0xFFFFC000  }
0x2bc: {  	_ =	swait.ge [sflag:s26], $0x4000  }
0x2bd: {  	[sflag:s26] =	ssyncset.done $0x0  }
0x2be: {  	[sflag:s26] =	ssyncadd.s32 $0xFFFFC000  }
0x2bf: {  	_ =	swait.ge [sflag:s26], $0x4000  }
0x2c0: {  	[sflag:s26] =	ssyncset.done $0x0  }
0x2c1: {  	[sflag:s26] =	ssyncadd.s32 $0xFFFFC000  }
0x2c2: {  	_ =	swait.ge [sflag:s26], $0x4000  }
0x2c3: {  	[sflag:s26] =	ssyncset.done $0x0  }
0x2c4: {  	[sflag:s26] =	ssyncadd.s32 $0xFFFFC000  }
0x2c5: {  	_ =	swait.ge [sflag:s26], $0x4000  }
0x2c6: {  	[sflag:s26] =	ssyncset.done $0x0  }
0x2c7: {  	[sflag:s26] =	ssyncadd.s32 $0xFFFFC000  }
0x2c8: {  	_ =	swait.ge [sflag:s26], $0x4000  }
0x2c9: {  	s7 =	simm.s32 $0x100;
	s9 =	simm.s32 $0x200;
	[sflag:s26] =	ssyncset.done $0x0  }
.LBB2_10:
0x2ca: {  	s6 =	sadd.s32 s7, s21  }
0x2cb: {  	[sflag:s26] =	ssyncadd.s32 $0xFFFFC000;
	s7 =	smov.u32 s9;
	s8 =	sadd.s32 $0x100, s9  }
0x2cc: {  	[tilespmem:s24], [sflag:$0x3] =	stream.linear.gather [hbm4b:s6+s4], $0x800, $0x38;
	[tilespmem:$0x1D000] =	vst v63  }
0x2cd: {  	p0 =	sne.s32 s9, $0x400;
	_ =	swait.ge [sflag:s23], $0x800  }
0x2ce: {  	[sflag:s23] =	ssyncset.done $0x0  }
0x2cf: {  	[sflag:s23] =	ssyncadd.s32 $0xFFFFF800  }
0x2d0: {  	[spmem:s3] =	stream.indirect.scatter.add.f32 [tilespmem:s22], [sflag:$0x1], $0x80, s24, s25, $0xb8;
	[tilespmem:$0x1D000] =	vst v63  }
0x2d1: {  	_ = 	snop  }
0x2d2: {  	[spmem:s3] =	stream.indirect.scatter.add.f32 [tilespmem:s22], [sflag:$0x1], $0x80, s30, s25, $0xb8;
	[tilespmem:$0x1D000] =	vst v63  }
0x2d3: {  	_ = 	snop  }
0x2d4: {  	[spmem:s3] =	stream.indirect.scatter.add.f32 [tilespmem:s22], [sflag:$0x1], $0x80, s31, s25, $0xb8;
	[tilespmem:$0x1D000] =	vst v63  }
0x2d5: {  	_ = 	snop  }
0x2d6: {  	[spmem:s3] =	stream.indirect.scatter.add.f32 [tilespmem:s22], [sflag:$0x1], $0x80, s2, s25, $0xb8;
	[tilespmem:$0x1D000] =	vst v63  }
0x2d7: {  	_ = 	snop  }
0x2d8: {  	[spmem:s3] =	stream.indirect.scatter.add.f32 [tilespmem:s22], [sflag:$0x1], $0x80, s0, s25, $0xb8;
	[tilespmem:$0x1D000] =	vst v63  }
0x2d9: {  	_ = 	snop  }
0x2da: {  	[spmem:s3] =	stream.indirect.scatter.add.f32 [tilespmem:s22], [sflag:$0x1], $0x80, s10, s25, $0xb8;
	[tilespmem:$0x1D000] =	vst v63  }
0x2db: {  	_ = 	snop  }
0x2dc: {  	[spmem:s3] =	stream.indirect.scatter.add.f32 [tilespmem:s22], [sflag:$0x1], $0x80, s11, s25, $0xb8;
	[tilespmem:$0x1D000] =	vst v63  }
0x2dd: {  	_ = 	snop  }
0x2de: {  	[spmem:s3] =	stream.indirect.scatter.add.f32 [tilespmem:s22], [sflag:$0x1], $0x80, s12, s25, $0xb8;
	[tilespmem:$0x1D000] =	vst v63  }
0x2df: {  	_ = 	snop  }
0x2e0: {  	[spmem:s3] =	stream.indirect.scatter.add.f32 [tilespmem:s22], [sflag:$0x1], $0x80, s13, s25, $0xb8;
	[tilespmem:$0x1D000] =	vst v63  }
0x2e1: {  	_ = 	snop  }
0x2e2: {  	[spmem:s3] =	stream.indirect.scatter.add.f32 [tilespmem:s22], [sflag:$0x1], $0x80, s14, s25, $0xb8;
	[tilespmem:$0x1D000] =	vst v63  }
0x2e3: {  	_ = 	snop  }
0x2e4: {  	[spmem:s3] =	stream.indirect.scatter.add.f32 [tilespmem:s22], [sflag:$0x1], $0x80, s15, s25, $0xb8;
	[tilespmem:$0x1D000] =	vst v63  }
0x2e5: {  	_ = 	snop  }
0x2e6: {  	[spmem:s3] =	stream.indirect.scatter.add.f32 [tilespmem:s22], [sflag:$0x1], $0x80, s16, s25, $0xb8;
	[tilespmem:$0x1D000] =	vst v63  }
0x2e7: {  	_ = 	snop  }
0x2e8: {  	[spmem:s3] =	stream.indirect.scatter.add.f32 [tilespmem:s22], [sflag:$0x1], $0x80, s17, s25, $0xb8;
	[tilespmem:$0x1D000] =	vst v63  }
0x2e9: {  	_ = 	snop  }
0x2ea: {  	[spmem:s3] =	stream.indirect.scatter.add.f32 [tilespmem:s22], [sflag:$0x1], $0x80, s18, s25, $0xb8;
	[tilespmem:$0x1D000] =	vst v63  }
0x2eb: {  	_ = 	snop  }
0x2ec: {  	[spmem:s3] =	stream.indirect.scatter.add.f32 [tilespmem:s22], [sflag:$0x1], $0x80, s20, s25, $0xb8;
	[tilespmem:$0x1D000] =	vst v63  }
0x2ed: {  	_ = 	snop  }
0x2ee: {  	[spmem:s3] =	stream.indirect.scatter.add.f32 [tilespmem:s22], [sflag:$0x1], $0x80, s5, s25, $0xb8;
	[tilespmem:$0x1D000] =	vst v63  }
0x2ef: {  	_ =	swait.ge [sflag:s26], $0x4000  }
0x2f0: {  	[sflag:s26] =	ssyncset.done $0x0  }
0x2f1: {  	[sflag:s26] =	ssyncadd.s32 $0xFFFFC000  }
0x2f2: {  	_ =	swait.ge [sflag:s26], $0x4000  }
0x2f3: {  	[sflag:s26] =	ssyncset.done $0x0  }
0x2f4: {  	[sflag:s26] =	ssyncadd.s32 $0xFFFFC000  }
0x2f5: {  	_ =	swait.ge [sflag:s26], $0x4000  }
0x2f6: {  	[sflag:s26] =	ssyncset.done $0x0  }
0x2f7: {  	[sflag:s26] =	ssyncadd.s32 $0xFFFFC000  }
0x2f8: {  	_ =	swait.ge [sflag:s26], $0x4000  }
0x2f9: {  	[sflag:s26] =	ssyncset.done $0x0  }
0x2fa: {  	[sflag:s26] =	ssyncadd.s32 $0xFFFFC000  }
0x2fb: {  	_ =	swait.ge [sflag:s26], $0x4000  }
0x2fc: {  	[sflag:s26] =	ssyncset.done $0x0  }
0x2fd: {  	[sflag:s26] =	ssyncadd.s32 $0xFFFFC000  }
0x2fe: {  	_ =	swait.ge [sflag:s26], $0x4000  }
0x2ff: {  	[sflag:s26] =	ssyncset.done $0x0  }
0x300: {  	[sflag:s26] =	ssyncadd.s32 $0xFFFFC000  }
0x301: {  	_ =	swait.ge [sflag:s26], $0x4000  }
0x302: {  	[sflag:s26] =	ssyncset.done $0x0  }
0x303: {  	[sflag:s26] =	ssyncadd.s32 $0xFFFFC000  }
0x304: {  	_ =	swait.ge [sflag:s26], $0x4000  }
0x305: {  	[sflag:s26] =	ssyncset.done $0x0  }
0x306: {  	[sflag:s26] =	ssyncadd.s32 $0xFFFFC000  }
0x307: {  	_ =	swait.ge [sflag:s26], $0x4000  }
0x308: {  	[sflag:s26] =	ssyncset.done $0x0  }
0x309: {  	[sflag:s26] =	ssyncadd.s32 $0xFFFFC000  }
0x30a: {  	_ =	swait.ge [sflag:s26], $0x4000  }
0x30b: {  	[sflag:s26] =	ssyncset.done $0x0  }
0x30c: {  	[sflag:s26] =	ssyncadd.s32 $0xFFFFC000  }
0x30d: {  	_ =	swait.ge [sflag:s26], $0x4000  }
0x30e: {  	[sflag:s26] =	ssyncset.done $0x0  }
0x30f: {  	[sflag:s26] =	ssyncadd.s32 $0xFFFFC000  }
0x310: {  	_ =	swait.ge [sflag:s26], $0x4000  }
0x311: {  	[sflag:s26] =	ssyncset.done $0x0  }
0x312: {  	[sflag:s26] =	ssyncadd.s32 $0xFFFFC000  }
0x313: {  	_ =	swait.ge [sflag:s26], $0x4000  }
0x314: {  	[sflag:s26] =	ssyncset.done $0x0  }
0x315: {  	[sflag:s26] =	ssyncadd.s32 $0xFFFFC000  }
0x316: {  	_ =	swait.ge [sflag:s26], $0x4000  }
0x317: {  	[sflag:s26] =	ssyncset.done $0x0  }
0x318: {  	[sflag:s26] =	ssyncadd.s32 $0xFFFFC000  }
.Ltmp4:
0x319: {  	_ =	swait.ge [sflag:s26], $0x4000;
	(pc) =	sbr.rel @p0 .LBB2_10-.Ltmp4, $4  }
0x31a: {  	[sflag:s26] =	ssyncset.done $0x0  }
0x31b: {  	[sflag:s26] =	ssyncadd.s32 $0xFFFFC000  }
0x31c: {  	_ =	swait.ge [sflag:s26], $0x4000  }
0x31d: {  	s9 =	smov.u32 s8;
	[sflag:s26] =	ssyncset.done $0x0  }
0x31e: {  	s6 =	sadd.s32 s7, s21;
	[sflag:s26] =	ssyncadd.s32 $0xFFFFC000  }
0x31f: {  	[tilespmem:s24], [sflag:$0x3] =	stream.linear.gather [hbm4b:s6+s4], $0x800, $0x38;
	[tilespmem:$0x1D000] =	vst v63  }
0x320: {  	_ =	swait.ge [sflag:s23], $0x800  }
0x321: {  	[sflag:s23] =	ssyncset.done $0x0  }
0x322: {  	[sflag:s23] =	ssyncadd.s32 $0xFFFFF800  }
0x323: {  	[spmem:s3] =	stream.indirect.scatter.add.f32 [tilespmem:s22], [sflag:$0x1], $0x80, s24, s25, $0xb8;
	[tilespmem:$0x1D000] =	vst v63  }
0x324: {  	_ = 	snop  }
0x325: {  	[spmem:s3] =	stream.indirect.scatter.add.f32 [tilespmem:s22], [sflag:$0x1], $0x80, s30, s25, $0xb8;
	[tilespmem:$0x1D000] =	vst v63  }
0x326: {  	_ = 	snop  }
0x327: {  	[spmem:s3] =	stream.indirect.scatter.add.f32 [tilespmem:s22], [sflag:$0x1], $0x80, s31, s25, $0xb8;
	[tilespmem:$0x1D000] =	vst v63  }
0x328: {  	_ = 	snop  }
0x329: {  	[spmem:s3] =	stream.indirect.scatter.add.f32 [tilespmem:s22], [sflag:$0x1], $0x80, s2, s25, $0xb8;
	[tilespmem:$0x1D000] =	vst v63  }
0x32a: {  	_ = 	snop  }
0x32b: {  	[spmem:s3] =	stream.indirect.scatter.add.f32 [tilespmem:s22], [sflag:$0x1], $0x80, s0, s25, $0xb8;
	[tilespmem:$0x1D000] =	vst v63  }
0x32c: {  	_ = 	snop  }
0x32d: {  	[spmem:s3] =	stream.indirect.scatter.add.f32 [tilespmem:s22], [sflag:$0x1], $0x80, s10, s25, $0xb8;
	[tilespmem:$0x1D000] =	vst v63  }
0x32e: {  	_ = 	snop  }
0x32f: {  	[spmem:s3] =	stream.indirect.scatter.add.f32 [tilespmem:s22], [sflag:$0x1], $0x80, s11, s25, $0xb8;
	[tilespmem:$0x1D000] =	vst v63  }
0x330: {  	_ = 	snop  }
0x331: {  	[spmem:s3] =	stream.indirect.scatter.add.f32 [tilespmem:s22], [sflag:$0x1], $0x80, s12, s25, $0xb8;
	[tilespmem:$0x1D000] =	vst v63  }
0x332: {  	_ = 	snop  }
0x333: {  	[spmem:s3] =	stream.indirect.scatter.add.f32 [tilespmem:s22], [sflag:$0x1], $0x80, s13, s25, $0xb8;
	[tilespmem:$0x1D000] =	vst v63  }
0x334: {  	_ = 	snop  }
0x335: {  	[spmem:s3] =	stream.indirect.scatter.add.f32 [tilespmem:s22], [sflag:$0x1], $0x80, s14, s25, $0xb8;
	[tilespmem:$0x1D000] =	vst v63  }
0x336: {  	_ = 	snop  }
0x337: {  	[spmem:s3] =	stream.indirect.scatter.add.f32 [tilespmem:s22], [sflag:$0x1], $0x80, s15, s25, $0xb8;
	[tilespmem:$0x1D000] =	vst v63  }
0x338: {  	_ = 	snop  }
0x339: {  	[spmem:s3] =	stream.indirect.scatter.add.f32 [tilespmem:s22], [sflag:$0x1], $0x80, s16, s25, $0xb8;
	[tilespmem:$0x1D000] =	vst v63  }
0x33a: {  	_ = 	snop  }
0x33b: {  	[spmem:s3] =	stream.indirect.scatter.add.f32 [tilespmem:s22], [sflag:$0x1], $0x80, s17, s25, $0xb8;
	[tilespmem:$0x1D000] =	vst v63  }
0x33c: {  	_ = 	snop  }
0x33d: {  	[spmem:s3] =	stream.indirect.scatter.add.f32 [tilespmem:s22], [sflag:$0x1], $0x80, s18, s25, $0xb8;
	[tilespmem:$0x1D000] =	vst v63  }
0x33e: {  	_ = 	snop  }
0x33f: {  	[spmem:s3] =	stream.indirect.scatter.add.f32 [tilespmem:s22], [sflag:$0x1], $0x80, s20, s25, $0xb8;
	[tilespmem:$0x1D000] =	vst v63  }
0x340: {  	_ = 	snop  }
0x341: {  	[spmem:s3] =	stream.indirect.scatter.add.f32 [tilespmem:s22], [sflag:$0x1], $0x80, s5, s25, $0xb8;
	[tilespmem:$0x1D000] =	vst v63  }
0x342: {  	_ =	swait.ge [sflag:s26], $0x4000  }
0x343: {  	[sflag:s26] =	ssyncset.done $0x0  }
0x344: {  	[sflag:s26] =	ssyncadd.s32 $0xFFFFC000  }
0x345: {  	_ =	swait.ge [sflag:s26], $0x4000  }
0x346: {  	[sflag:s26] =	ssyncset.done $0x0  }
0x347: {  	[sflag:s26] =	ssyncadd.s32 $0xFFFFC000  }
0x348: {  	_ =	swait.ge [sflag:s26], $0x4000  }
0x349: {  	[sflag:s26] =	ssyncset.done $0x0  }
0x34a: {  	[sflag:s26] =	ssyncadd.s32 $0xFFFFC000  }
0x34b: {  	_ =	swait.ge [sflag:s26], $0x4000  }
0x34c: {  	[sflag:s26] =	ssyncset.done $0x0  }
0x34d: {  	[sflag:s26] =	ssyncadd.s32 $0xFFFFC000  }
0x34e: {  	_ =	swait.ge [sflag:s26], $0x4000  }
0x34f: {  	[sflag:s26] =	ssyncset.done $0x0  }
0x350: {  	[sflag:s26] =	ssyncadd.s32 $0xFFFFC000  }
0x351: {  	_ =	swait.ge [sflag:s26], $0x4000  }
0x352: {  	[sflag:s26] =	ssyncset.done $0x0  }
0x353: {  	[sflag:s26] =	ssyncadd.s32 $0xFFFFC000  }
0x354: {  	_ =	swait.ge [sflag:s26], $0x4000  }
0x355: {  	[sflag:s26] =	ssyncset.done $0x0  }
0x356: {  	[sflag:s26] =	ssyncadd.s32 $0xFFFFC000  }
0x357: {  	_ =	swait.ge [sflag:s26], $0x4000  }
0x358: {  	[sflag:s26] =	ssyncset.done $0x0  }
0x359: {  	[sflag:s26] =	ssyncadd.s32 $0xFFFFC000  }
0x35a: {  	_ =	swait.ge [sflag:s26], $0x4000  }
0x35b: {  	[sflag:s26] =	ssyncset.done $0x0  }
0x35c: {  	[sflag:s26] =	ssyncadd.s32 $0xFFFFC000  }
0x35d: {  	_ =	swait.ge [sflag:s26], $0x4000  }
0x35e: {  	[sflag:s26] =	ssyncset.done $0x0  }
0x35f: {  	[sflag:s26] =	ssyncadd.s32 $0xFFFFC000  }
0x360: {  	_ =	swait.ge [sflag:s26], $0x4000  }
0x361: {  	[sflag:s26] =	ssyncset.done $0x0  }
0x362: {  	[sflag:s26] =	ssyncadd.s32 $0xFFFFC000  }
0x363: {  	_ =	swait.ge [sflag:s26], $0x4000  }
0x364: {  	[sflag:s26] =	ssyncset.done $0x0  }
0x365: {  	[sflag:s26] =	ssyncadd.s32 $0xFFFFC000  }
0x366: {  	_ =	swait.ge [sflag:s26], $0x4000  }
0x367: {  	[sflag:s26] =	ssyncset.done $0x0  }
0x368: {  	[sflag:s26] =	ssyncadd.s32 $0xFFFFC000  }
0x369: {  	_ =	swait.ge [sflag:s26], $0x4000  }
0x36a: {  	[sflag:s26] =	ssyncset.done $0x0  }
0x36b: {  	[sflag:s26] =	ssyncadd.s32 $0xFFFFC000  }
0x36c: {  	_ =	swait.ge [sflag:s26], $0x4000  }
0x36d: {  	[sflag:s26] =	ssyncset.done $0x0  }
0x36e: {  	[sflag:s26] =	ssyncadd.s32 $0xFFFFC000  }
0x36f: {  	_ =	swait.ge [sflag:s26], $0x4000  }
0x370: {  	[sflag:s26] =	ssyncset.done $0x0  }
0x371: {  	[sflag:s26] =	ssyncadd.s32 $0xFFFFC000  }
0x372: {  	[bflag:$0x0] =	sbarrier.arrive $0xFFFF  }
0x373: {  	s7 =	rddreg [dreg:$0x12]  }
0x374: {  	[tilespmem:s22], [sflag:$0x3] =	stream.linear.gather [spmem:s7], $0x4000, $0x38;
	[tilespmem:$0x1D000] =	vst v63  }
0x375: {  	_ =	swait.ge [sflag:s23], $0x4000  }
0x376: {  	[sflag:s23] =	ssyncset.done $0x0  }
0x377: {  	s8 =	rddreg [dreg:$0x1c];
	[sflag:s23] =	ssyncadd.s32 $0xFFFFC000  }
0x378: {  	[hbm4b:s8+s4] =	stream.linear.scatter [tilespmem:s22], [sflag:$0x3], $0x4000, $0x38;
	[tilespmem:$0x1D000] =	vst v63  }
0x379: {  	_ =	swait.ge [sflag:s23], $0x4000  }
0x37a: {  	[sflag:s23] =	ssyncset.done $0x0  }
0x37b: {  	s9 =	rddreg [dreg:$0x13];
	[sflag:s23] =	ssyncadd.s32 $0xFFFFC000  }
0x37c: {  	[tilespmem:s22], [sflag:$0x3] =	stream.linear.gather [spmem:s9], $0x4000, $0x38;
	[tilespmem:$0x1D000] =	vst v63  }
0x37d: {  	_ =	swait.ge [sflag:s23], $0x4000  }
0x37e: {  	[sflag:s23] =	ssyncset.done $0x0  }
0x37f: {  	s7 =	rddreg [dreg:$0x1d];
	[sflag:s23] =	ssyncadd.s32 $0xFFFFC000  }
0x380: {  	[hbm4b:s7+s4] =	stream.linear.scatter [tilespmem:s22], [sflag:$0x3], $0x4000, $0x38;
	[tilespmem:$0x1D000] =	vst v63  }
0x381: {  	_ =	swait.ge [sflag:s23], $0x4000  }
0x382: {  	[sflag:s23] =	ssyncset.done $0x0  }
0x383: {  	s8 =	rddreg [dreg:$0x14];
	[sflag:s23] =	ssyncadd.s32 $0xFFFFC000  }
0x384: {  	[tilespmem:s22], [sflag:$0x3] =	stream.linear.gather [spmem:s8], $0x4000, $0x38;
	[tilespmem:$0x1D000] =	vst v63  }
0x385: {  	_ =	swait.ge [sflag:s23], $0x4000  }
0x386: {  	[sflag:s23] =	ssyncset.done $0x0  }
0x387: {  	s9 =	rddreg [dreg:$0x1e];
	[sflag:s23] =	ssyncadd.s32 $0xFFFFC000  }
0x388: {  	[hbm4b:s9+s4] =	stream.linear.scatter [tilespmem:s22], [sflag:$0x3], $0x4000, $0x38;
	[tilespmem:$0x1D000] =	vst v63  }
0x389: {  	_ =	swait.ge [sflag:s23], $0x4000  }
0x38a: {  	[sflag:s23] =	ssyncset.done $0x0  }
0x38b: {  	s7 =	rddreg [dreg:$0x15];
	[sflag:s23] =	ssyncadd.s32 $0xFFFFC000  }
0x38c: {  	[tilespmem:s22], [sflag:$0x3] =	stream.linear.gather [spmem:s7], $0x4000, $0x38;
	[tilespmem:$0x1D000] =	vst v63  }
0x38d: {  	_ =	swait.ge [sflag:s23], $0x4000  }
0x38e: {  	[sflag:s23] =	ssyncset.done $0x0  }
0x38f: {  	s8 =	rddreg [dreg:$0x1f];
	[sflag:s23] =	ssyncadd.s32 $0xFFFFC000  }
0x390: {  	[hbm4b:s8+s4] =	stream.linear.scatter [tilespmem:s22], [sflag:$0x3], $0x4000, $0x38;
	[tilespmem:$0x1D000] =	vst v63  }
0x391: {  	_ =	swait.ge [sflag:s23], $0x4000  }
0x392: {  	[sflag:s23] =	ssyncset.done $0x0  }
0x393: {  	s9 =	rddreg [dreg:$0x16];
	[sflag:s23] =	ssyncadd.s32 $0xFFFFC000  }
0x394: {  	[tilespmem:s22], [sflag:$0x3] =	stream.linear.gather [spmem:s9], $0x4000, $0x38;
	[tilespmem:$0x1D000] =	vst v63  }
0x395: {  	_ =	swait.ge [sflag:s23], $0x4000  }
0x396: {  	s7 =	sld [smem:$0x7FC]  }
0x397: {  	[sflag:s23] =	ssyncset.done $0x0  }
0x398: {  	[sflag:s23] =	ssyncadd.s32 $0xFFFFC000  }
0x399: {  	[hbm4b:s7+s4] =	stream.linear.scatter [tilespmem:s22], [sflag:$0x3], $0x4000, $0x38;
	[tilespmem:$0x1D000] =	vst v63  }
0x39a: {  	_ =	swait.ge [sflag:s23], $0x4000  }
0x39b: {  	s8 =	sld [smem:$0x7FB]  }
0x39c: {  	s9 =	sld [smem:$0x7FD];
	_ =	sdelay $0x1  }
0x39d: {  	s7 =	sadd.s32 $0x1, s8  }
0x39e: {  	p0 =	sne.s32 s7, s9  }
.Ltmp5:
0x39f: {  	_ = 	snop;
	(pc) =	sbr.rel @p0 .LBB2_1-.Ltmp5, $3  }
0x3a0: {  	_ =	sdelay $0x1  }
0x3a1: {  	[sflag:s23] =	ssyncset.done $0x0  }
0x3a2: {  	[sflag:s23] =	ssyncadd.s32 $0xFFFFC000  }
0x3a3: {  	_ =	sfence.sel $0x180000  }
0x3a4: {  	[bflag:$0x0] =	sbarrier.arrive $0xFFFF  }
0x3a5: {  	_ =	strace $0x90000047  }
0x3a6: {  	s0 =	stileid.u32;
	[bflag:$0x2] =	sbarrier.arrive $0xFFFF  }
0x3a7: {  	p0 =	sne.s32 s0, $0x0;
	s0 =	rddreg [dreg:$0x3]  }
0x3a8: {  	s0 =	sadd.s32 @!p0 $0x100000, s0  }
0x3a9: {  	[sflag:s0] =	ssyncadd.tile.s32 @!p0 $0x1;
	_ =	shalt  }
.Lfunc_end2:
_tile_overlayer_lowered:
.L_overlay_start_2:
0x3aa: {  	(tag) =	ssettag $0x2  }
0x3ab: {  	s0 =	rddreg [dreg:$0x0];
	s2 =	stileid.u32  }
0x3ac: {  	s1 =	rddreg [dreg:$0x1];
	p0 =	sne.s32 s2, $0x0  }
0x3ad: {  	s3 =	rddreg [dreg:$0x2];
	[bflag:$0x3] =	sbarrier.arrive $0xFFFF;
	s2 =	simm.s32 @!p0 $0x1C03  }
0x3ae: {  	[timem:s3], [sflag:s2] =	dma.local @!p0 [hbm:s0], s1  }
0x3af: {  	s0 =	simm.s32 @!p0 $0x3  }
0x3b0: {  	_ =	swait.ge @!p0 [sflag:s0], s1  }
0x3b1: {  	s1 =	ssub.s32 @!p0 $0x0, s1;
	[sflag:s0] =	ssyncset.done @!p0 $0x0  }
0x3b2: {  	[sflag:s0] =	ssyncadd.s32 @!p0 s1  }
0x3b3: {  	[bflag:$0x3] =	sbarrier.arrive $0xFFFF  }
0x3b4: {  	_ =	shalt  }

// kernel: kernel.9.cloned.1.call-start
scs
__scs_entry_jumppad:
0x0: {  	(pc) =	sbr.rel $0x88, $3  }
0x1: {  	(tag) =	ssettag $0x0;
	lr =	simm.s32 $0x1  }
0x2: {  	[smem:$0x3F99] =	sst lr;
	_ =	strace $0xD0000000  }
0x3: {  	_ = 	snop  }
0x4: {  	_ = 	snop  }
0x5: {  	_ = 	snop  }
0x6: {  	_ = 	snop  }
0x7: {  	_ = 	snop  }
__scs_overlays_trampoline_lowered:
0x8: {  	[smem:$0x3FA8] =	sst s0  }
0x9: {  	[smem:$0x3FA9] =	sst s1  }
0xa: {  	[smem:$0x3FAA] =	sst s2  }
0xb: {  	[smem:$0x3FAB] =	sst s3  }
0xc: {  	[smem:$0x3FAC] =	sst s4  }
0xd: {  	[smem:$0x3FAD] =	sst s5  }
0xe: {  	[smem:$0x3FAE] =	sst s6  }
0xf: {  	[smem:$0x3FAF] =	sst s7  }
0x10: {  	[smem:$0x3FB0] =	sst s8  }
0x11: {  	[smem:$0x3FB1] =	sst s9;
	s0 =	simm.s32 @!p0 $0x0  }
0x12: {  	s1 =	sld [smem:$0x3F97];
	s0 =	simm.s32 @p0 $0x1  }
0x13: {  	[smem:$0x3FB2] =	sst s0;
	s0 =	simm.s32 @!p1 $0x0  }
0x14: {  	s2 =	sld [smem:$0x3F96];
	s0 =	simm.s32 @p1 $0x1  }
0x15: {  	[smem:$0x3FB3] =	sst s0;
	s0 =	simm.s32 @!p2 $0x0  }
0x16: {  	s3 =	sld [smem:$0x3FDB];
	s0 =	simm.s32 @p2 $0x1  }
0x17: {  	s4 =	simm.s32 $0x1BF5;
	[smem:$0x3FB5] =	sst s0  }
0x18: {  	s0 =	sld [smem:$0x3F98];
	_ =	swait.ge [sflag:s4], $0x0  }
0x19: {  	s7 =	sld [smem:$0x3F99]  }
0x1a: {  	s8 =	sadd.s32 $0xFFFFE003, lr  }
0x1b: {  	s9 =	sadd.s32 $0xFFFFFEF7, lr;
	s5 =	simm.s32 $0xFFFFFFFF;
	p2 =	slt.u32 s8, $0xFFFFF086  }
0x1c: {  	p1 =	slt.u32 s9, $0xF7A;
	s5 =	simm.s32 @!p2 $0x0  }
0x1d: {  	s5 =	simm.s32 @p1 $0x1;
	p0 =	seq.s32 s7, s2  }
0x1e: {  	s7 =	smul.u32 @!p0 $0xF7A, s2;
	p2 =	seq.s32 @!p0 s5, $0x0  }
0x1f: {  	s9 =	smul.u32 $0xF7A, s1;
	s8 =	simm.s32 @!p0 $0x1BF5;
	p2 =	por !p2, p0  }
0x20: {  	[sflag:s8] =	ssyncset.s32 @!p0 $0xFFFFF086;
	s6 =	sadd.s32 @!p0 s3, s7;
	s7 =	simm.s32 @!p0 $0x108  }
0x21: {  	s3 =	sadd.s32 s3, s9;
	s6 =	sadd.s32 @!p0 $0x88, s6;
	s7 =	simm.s32 @p2 $0x1082  }
0x22: {  	[simem:s7], [sflag:s8] =	dma.local @!p0 [hbm:s6], $0xF7A  }
0x23: {  	s9 =	sor.u32 $0xD0000000, s2;
	s6 =	simm.s32 $0x108;
	_ =	swait.ge @!p0 [sflag:s8], $0x0  }
0x24: {  	s3 =	sadd.s32 $0x88, s3;
	s6 =	simm.s32 @!p1 $0x1082;
	[sflag:s4] =	ssyncset.s32 $0xFFFFF086  }
0x25: {  	[simem:s6], [sflag:s4] =	dma.local [hbm:s3], $0xF7A  }
0x26: {  	[smem:$0x3F99] =	sst s1;
	(tag) =	ssettag s2;
	_ =	strace s9  }
0x27: {  	s1 =	sld [smem:$0x3FA9]  }
0x28: {  	s2 =	sld [smem:$0x3FAA]  }
0x29: {  	s4 =	sld [smem:$0x3FAC]  }
0x2a: {  	p0 =	seq.s32 s5, $0x0;
	s5 =	sld [smem:$0x3FAD]  }
0x2b: {  	s6 =	sld [smem:$0x3FAE]  }
0x2c: {  	s7 =	sld [smem:$0x3FAF]  }
0x2d: {  	s3 =	simm.s32 $0x108;
	s8 =	sld [smem:$0x3FB0]  }
0x2e: {  	s3 =	simm.s32 @!p0 $0x1082;
	s9 =	sld [smem:$0x3FB1]  }
0x2f: {  	lr =	sadd.s32 s0, s3;
	s0 =	sld [smem:$0x3FA8]  }
0x30: {  	s3 =	sld [smem:$0x3FAB]  }
0x31: {  	[smem:$0x3FB4] =	sst s10  }
0x32: {  	s10 =	sld [smem:$0x3FB2];
	_ =	sdelay $0x3  }
0x33: {  	p0 =	seq.s32 s10, $0x1;
	s10 =	sld [smem:$0x3FB4];
	_ =	sdelay $0x3  }
0x34: {  	[smem:$0x3FB4] =	sst s10  }
0x35: {  	s10 =	sld [smem:$0x3FB3];
	_ =	sdelay $0x3  }
0x36: {  	p1 =	seq.s32 s10, $0x1;
	s10 =	sld [smem:$0x3FB4];
	_ =	sdelay $0x3  }
0x37: {  	[smem:$0x3FB4] =	sst s10  }
0x38: {  	s10 =	sld [smem:$0x3FB5]  }
0x39: {  	_ = 	snop;
	(pc) =	sbr.ind lr, $3  }
0x3a: {  	_ = 	snop  }
0x3b: {  	_ = 	snop  }
0x3c: {  	p2 =	seq.s32 s10, $0x1;
	s10 =	sld [smem:$0x3FB4]  }
0x3d: {  	_ =	shalt  }
0x3e: {  	_ =	shalt  }
0x3f: {  	_ =	shalt  }
0x40: {  	_ =	shalt  }
0x41: {  	_ =	shalt  }
0x42: {  	_ =	shalt  }
0x43: {  	_ =	shalt  }
0x44: {  	_ =	shalt  }
0x45: {  	_ =	shalt  }
0x46: {  	_ =	shalt  }
0x47: {  	_ =	shalt  }
0x48: {  	_ =	shalt  }
0x49: {  	_ =	shalt  }
0x4a: {  	_ =	shalt  }
0x4b: {  	_ =	shalt  }
0x4c: {  	_ =	shalt  }
0x4d: {  	_ =	shalt  }
0x4e: {  	_ =	shalt  }
0x4f: {  	_ =	shalt  }
0x50: {  	_ =	shalt  }
0x51: {  	_ =	shalt  }
0x52: {  	_ =	shalt  }
0x53: {  	_ =	shalt  }
0x54: {  	_ =	shalt  }
0x55: {  	_ =	shalt  }
0x56: {  	_ =	shalt  }
0x57: {  	_ =	shalt  }
0x58: {  	_ =	shalt  }
0x59: {  	_ =	shalt  }
0x5a: {  	_ =	shalt  }
0x5b: {  	_ =	shalt  }
0x5c: {  	_ =	shalt  }
0x5d: {  	_ =	shalt  }
0x5e: {  	_ =	shalt  }
0x5f: {  	_ =	shalt  }
0x60: {  	_ =	shalt  }
0x61: {  	_ =	shalt  }
0x62: {  	_ =	shalt  }
0x63: {  	_ =	shalt  }
0x64: {  	_ =	shalt  }
0x65: {  	_ =	shalt  }
0x66: {  	_ =	shalt  }
0x67: {  	_ =	shalt  }
0x68: {  	_ =	shalt  }
0x69: {  	_ =	shalt  }
0x6a: {  	_ =	shalt  }
0x6b: {  	_ =	shalt  }
0x6c: {  	_ =	shalt  }
0x6d: {  	_ =	shalt  }
0x6e: {  	_ =	shalt  }
0x6f: {  	_ =	shalt  }
0x70: {  	_ =	shalt  }
0x71: {  	_ =	shalt  }
0x72: {  	_ =	shalt  }
0x73: {  	_ =	shalt  }
0x74: {  	_ =	shalt  }
0x75: {  	_ =	shalt  }
0x76: {  	_ =	shalt  }
0x77: {  	_ =	shalt  }
0x78: {  	_ =	shalt  }
0x79: {  	_ =	shalt  }
0x7a: {  	_ =	shalt  }
0x7b: {  	_ =	shalt  }
0x7c: {  	_ =	shalt  }
0x7d: {  	_ =	shalt  }
0x7e: {  	_ =	shalt  }
0x7f: {  	_ =	shalt  }
0x80: {  	_ =	shalt  }
0x81: {  	_ =	shalt  }
0x82: {  	_ =	shalt  }
0x83: {  	_ =	shalt  }
0x84: {  	_ =	shalt  }
0x85: {  	_ =	shalt  }
0x86: {  	_ =	shalt  }
0x87: {  	_ =	shalt  }
.Lfunc_end0:
.L_simem_size_0:
called_computation.1_lowered:
.L_overlay_start_0:
0x88: {  	s2 =	sld [smem:$0x3FD9]  }
0x89: {  	s3 =	sld [smem:$0x3FFE];
	_ =	sdelay $0x1  }
0x8a: {  	s1 =	srdreg.scid  }
0x8b: {  	s0 =	sand.u32 $0x1, s1  }
0x8c: {  	s17 =	sshll.u32 s0, $0xA;
	s2 =	sadd.s32 s3, s2  }
0x8d: {  	s2 =	sadd.s32 s2, s17  }
0x8e: {  	[smem:$0x3FC0] =	sst s2  }
0x8f: {  	_ = 	snop  }
0x90: {  	s2 =	sld [smem:$0x3FD0];
	(tm) =	ssettm $0x1  }
0x91: {  	s18 =	sld [smem:$0x3FFB];
	_ =	sdelay $0x3  }
0x92: {  	_ =	strace s18  }
0x93: {  	s3 =	sld [smem:$0x3FFC];
	_ =	sdelay $0x3  }
0x94: {  	_ =	strace s3  }
0x95: {  	s3 =	sld [smem:$0x3FFD];
	_ =	sdelay $0x3  }
0x96: {  	_ =	strace s3  }
0x97: {  	_ =	strace $0x8FFFFFFF  }
0x98: {  	s19 =	sld [smem:$0x3FDB];
	_ =	sdelay $0x1  }
0x99: {  	s4 =	simm.s32 $_scs_section_size  }
0x9a: {  	s5 =	simm.s32 $_size__tile_overlayer_lowered;
	s6 =	simm.s32 $_tile_overlayer_lowered  }
0x9b: {  	s22 =	simm.s32 $0x1BFF;
	s21 =	sshll.u32 s6, $0x1;
	s3 =	sadd.s32 s4, s19  }
0x9c: {  	s7 =	simm.s32 $0x0;
	s20 =	sshll.u32 s5, $0x1;
	s5 =	sadd.s32 s21, s3  }
0x9d: {  	[timem:s7], [sflag:s22] =	dma.local [hbm:s5], s20  }
0x9e: {  	_ =	swait.ge [sflag:s22], s20  }
0x9f: {  	s4 =	ssub.s32 $0x0, s20;
	[sflag:s22] =	ssyncset.done $0x0  }
0xa0: {  	[sflag:s22] =	ssyncadd.s32 s4;
	_ =	sdelay $0x1  }
0xa1: {  	s23 =	simm.s32 $0x1B8B  }
0xa2: {  	_ =	swait.ge [sflag:s23], $0x1  }
0xa3: {  	[sflag:s23] =	ssyncset.done $0x0  }
0xa4: {  	s25 =	simm.s32 $0x1B8E;
	s24 =	sld [smem:$0x3FFE];
	[sflag:s23] =	ssyncadd.s32 $0xFFFFFFFF  }
0xa5: {  	s26 =	simm.s32 $execute0_lowered;
	[smem:$0x3FD2] =	sst s25  }
0xa6: {  	s5 =	sshll.u32 s26, $0x1;
	_ =	strace $0x80000049;
	[dreg:$0x1] =	wrdreg $0xFFFFFFFF  }
0xa7: {  	s28 =	simm.s32 $_size_execute0_lowered;
	s3 =	sadd.s32 s3, s5;
	[dreg:$0x0] =	wrdreg $0x0  }
0xa8: {  	s5 =	sshll.u32 s28, $0x1;
	[dreg:$0x2] =	wrdreg s3  }
0xa9: {  	[dreg:$0x3] =	wrdreg s5  }
0xaa: {  	[dreg:$0x4] =	wrdreg $0xC0  }
0xab: {  	_ =	task [dreg:s7], $0x5FFFF  }
0xac: {  	[dreg:$0x1] =	wrdreg $0xFFFFFFFF  }
0xad: {  	[dreg:$0x0] =	wrdreg $0x60  }
0xae: {  	[dreg:$0x2] =	wrdreg s2  }
0xaf: {  	[dreg:$0x3] =	wrdreg s24  }
0xb0: {  	[dreg:$0x4] =	wrdreg $0x90000  }
0xb1: {  	[dreg:$0x5] =	wrdreg $0x9  }
0xb2: {  	_ =	task.clear_ibuf [dreg:s7], $0x6FFFF;
	_ =	strace $0x90000049  }
0xb3: {  	s29 =	simm.s32 $0x9;
	_ =	strace $0x8000004B  }
0xb4: {  	_ =	swait.ge [sflag:s29], $0x1  }
0xb5: {  	[sflag:s29] =	ssyncadd.s32 $0xFFFFFFFF  }
0xb6: {  	_ =	strace $0x9000004B  }
0xb7: {  	_ =	sfence  }
0xb8: {  	s30 =	sld [smem:$0x0];
	_ =	sdelay $0x2  }
0xb9: {  	s31 =	sshll.u32 s1, $0xD;
	s1 =	sshrl.u32 s1, $0x2  }
0xba: {  	s3 =	sand.u32 $0x4000, s31;
	s1 =	sadd.s32 s1, s30  }
0xbb: {  	s0 =	sor.u32 s3, s0;
	s1 =	sshll.u32 s1, $0x11  }
0xbc: {  	s0 =	sor.u32 s1, s0  }
0xbd: {  	s0 =	sadd.s32 $0x8F2B, s0  }
0xbe: {  	[sflag:s0] =	ssyncadd.remote.s32 $0x1  }
0xbf: {  	_ =	sfence.sel $0xFFFF  }
0xc0: {  	[dreg:$0x0] =	wrdreg $0xFFFFFFFF;
	(pc) =	sbr.abs _section_cstart, $3  }
0xc1: {  	[dreg:$0x1] =	wrdreg $0xFFFFFFFF  }
0xc2: {  	_ =	task.clear_ibuf [dreg:s7], $0x2FFFF;
	_ =	strace $0x9FFFFFFF  }
0xc3: {  	(tm) =	ssettm $0x7FFFFFFF  }
tec
execute0_lowered:
.L_overlay_start_1:
0x0: {  	(tag) =	ssettag $0x1  }
0x1: {  	s1 =	rddreg [dreg:$0x0]  }
0x2: {  	s0 =	srdreg.scid;
	s5 =	rddreg [dreg:$0x1]  }
0x3: {  	s9 =	stileid.u32;
	s3 =	rddreg [dreg:$0x2];
	s4 =	simm.s32 $0x0  }
0x4: {  	s14 =	simm.s32 $0x100;
	s15 =	simm.s32 $0x880;
	s16 =	simm.s32 $0x180  }
0x5: {  	s17 =	simm.s32 $0x900;
	s18 =	simm.s32 $0x200;
	s19 =	simm.s32 $0x980  }
0x6: {  	s28 =	simm.s32 $0x500;
	s29 =	simm.s32 $0xC80;
	[smem:$0x7FF] =	sst s4  }
0x7: {  	s6 =	smul.u32 $0x2800, s9;
	_ =	strace $0x8000004A;
	[dreg:$0x6] =	wrdreg s14  }
0x8: {  	s30 =	simm.s32 $0x580;
	s21 =	smul.u32 $0x50000, s9;
	[dreg:$0x7] =	wrdreg s15  }
0x9: {  	s0 =	sand.u32 $0x1, s0;
	s9 =	smul.u32 $0x14000, s9;
	[dreg:$0x8] =	wrdreg s16  }
0xa: {  	s31 =	simm.s32 $0xD00;
	s2 =	smul.u32 $0x28000, s0;
	[dreg:$0x9] =	wrdreg s17  }
0xb: {  	s7 =	ssub.s32 $0x2, s0;
	s0 =	smul.u32 $0x140000, s0;
	[dreg:$0xa] =	wrdreg s18  }
0xc: {  	[dreg:$0xb] =	wrdreg s19;
	s16 =	simm.s32 $0x1000;
	s17 =	simm.s32 $0x3  }
0xd: {  	s18 =	simm.s32 $0x800;
	s19 =	simm.s32 $0x80;
	s14 =	simm.s32 $0x780  }
0xe: {  	s15 =	simm.s32 $0xF00;
	s8 =	sshrl.u32 s7, $0x1;
	s22 =	sadd.s32 $0x4000, s9  }
0xf: {  	s23 =	sadd.s32 $0x8000, s9;
	s25 =	sadd.s32 $0xC000, s9;
	s26 =	sadd.s32 $0x10000, s9  }
0x10: {  	s2 =	sadd.s32 s6, s2;
	s6 =	sshrl.u32 s21, $0x2;
	s7 =	ssub.s32 s7, s8  }
0x11: {  	s10 =	sadd.s32 s22, s3;
	s24 =	sadd.s32 s23, s3;
	s11 =	sadd.s32 s25, s3  }
0x12: {  	s9 =	sadd.s32 s9, s0;
	s12 =	sadd.s32 s26, s3;
	[dreg:$0x13] =	wrdreg s10  }
0x13: {  	s8 =	sadd.s32 s0, s23;
	s13 =	sadd.s32 s0, s25;
	[dreg:$0x14] =	wrdreg s24  }
0x14: {  	s21 =	simm.s32 $0x280;
	s23 =	simm.s32 $0x300;
	[dreg:$0x15] =	wrdreg s11  }
0x15: {  	s25 =	simm.s32 $0x380;
	s2 =	sshrl.u32 s2, $0x3;
	[dreg:$0x16] =	wrdreg s12  }
0x16: {  	s6 =	sadd.s32 s6, s3;
	s9 =	sshrl.u32 s9, $0x3;
	[dreg:$0xc] =	wrdreg s21  }
0x17: {  	s20 =	smax.u32 s7, $0x1;
	[dreg:$0xe] =	wrdreg s23;
	s24 =	simm.s32 $0xA80  }
0x18: {  	[dreg:$0x10] =	wrdreg s25;
	s21 =	simm.s32 $0x5000;
	s23 =	simm.s32 $0x400  }
0x19: {  	s25 =	simm.s32 $0x480;
	s10 =	simm.s32 $0x680;
	s11 =	simm.s32 $0xE00  }
0x1a: {  	s7 =	simm.s32 $0x0;
	s2 =	sadd.s32 s2, s5;
	[dreg:$0x12] =	wrdreg s6  }
0x1b: {  	s5 =	sadd.s32 $0x16000, s5;
	s6 =	sadd.s32 s0, s22;
	[dreg:$0x1c] =	wrdreg s20  }
0x1c: {  	s0 =	sadd.s32 s0, s26;
	s22 =	simm.s32 $0xA00;
	[dreg:$0xf] =	wrdreg s24  }
0x1d: {  	s20 =	simm.s32 $0x1;
	s26 =	simm.s32 $0xB00;
	s24 =	simm.s32 $0xB80  }
0x1e: {  	s9 =	sadd.s32 s5, s9;
	s6 =	sshrl.u32 s6, $0x3;
	[dreg:$0xd] =	wrdreg s22  }
0x1f: {  	s12 =	sadd.s32 $0x2000, s2;
	s2 =	sadd.s32 $0xC000, s2;
	[dreg:$0x11] =	wrdreg s26  }
0x20: {  	s0 =	sshrl.u32 s0, $0x3;
	s22 =	simm.s32 $0x2;
	[dreg:$0x17] =	wrdreg s9  }
0x21: {  	s26 =	simm.s32 $0xC00;
	s6 =	sadd.s32 s5, s6;
	[dreg:$0x4] =	wrdreg s12  }
0x22: {  	s9 =	sshrl.u32 s8, $0x3;
	[dreg:$0x5] =	wrdreg s2;
	s0 =	sadd.s32 s5, s0  }
0x23: {  	s2 =	simm.s32 $0x600;
	[dreg:$0x18] =	wrdreg s6;
	s6 =	sadd.s32 s5, s9  }
0x24: {  	s12 =	simm.s32 $0x700;
	[dreg:$0x19] =	wrdreg s6;
	s6 =	sshrl.u32 s13, $0x3  }
0x25: {  	[dreg:$0x1b] =	wrdreg s0;
	s0 =	simm.s32 $0xD80;
	s6 =	sadd.s32 s5, s6  }
0x26: {  	v0 =	vimm.f32 $0.0e+00;
	s13 =	simm.s32 $0xE80;
	s5 =	simm.s32 $0xF80;
	[dreg:$0x1a] =	wrdreg s6  }
.LBB2_1:
0x27: {  	[dreg:$0x1d] =	wrdreg s7;
	s7 =	simm.s32 $0x0;
	s8 =	simm.s32 $0x200  }
.LBB2_2:
0x28: {  	p0 =	sne.s32 s8, $0xFE00;
	[tilespmem:s7+$0x1070] =	vst v0  }
0x29: {  	[tilespmem:s7+$0x1000] =	vst v0  }
0x2a: {  	[tilespmem:s7+$0x1010] =	vst v0  }
.Ltmp0:
0x2b: {  	[tilespmem:s7+$0x1020] =	vst v0;
	(pc) =	sbr.rel @p0 .LBB2_2-.Ltmp0, $4  }
0x2c: {  	[tilespmem:s7+$0x1030] =	vst v0  }
0x2d: {  	[tilespmem:s7+$0x1040] =	vst v0  }
0x2e: {  	[tilespmem:s7+$0x1050] =	vst v0  }
0x2f: {  	[tilespmem:s7+$0x1060] =	vst v0;
	s7 =	sshra.s32 s8, $0x2;
	s8 =	sadd.s32 $0x200, s8  }
0x30: {  	[tilespmem:s7+$0x1070] =	vst v0  }
0x31: {  	[tilespmem:s7+$0x1000] =	vst v0  }
0x32: {  	[tilespmem:s7+$0x1010] =	vst v0  }
0x33: {  	[tilespmem:s7+$0x1020] =	vst v0  }
0x34: {  	[tilespmem:s7+$0x1030] =	vst v0  }
0x35: {  	[tilespmem:s7+$0x1040] =	vst v0  }
0x36: {  	[tilespmem:s7+$0x1050] =	vst v0  }
0x37: {  	[tilespmem:s7+$0x1060] =	vst v0;
	s6 =	rddreg [dreg:$0x12]  }
0x38: {  	[spmem:s6] =	stream.linear.scatter [tilespmem:s16], [sflag:$0x3], $0x4000, $0x38;
	[tilespmem:$0x1D000] =	vst v63  }
0x39: {  	_ =	swait.ge [sflag:s17], $0x4000  }
0x3a: {  	[sflag:s17] =	ssyncset.done $0x0  }
0x3b: {  	s7 =	rddreg [dreg:$0x13];
	[sflag:s17] =	ssyncadd.s32 $0xFFFFC000  }
0x3c: {  	[spmem:s7] =	stream.linear.scatter [tilespmem:s16], [sflag:$0x3], $0x4000, $0x38;
	[tilespmem:$0x1D000] =	vst v63  }
0x3d: {  	_ =	swait.ge [sflag:s17], $0x4000  }
0x3e: {  	[sflag:s17] =	ssyncset.done $0x0  }
0x3f: {  	s8 =	rddreg [dreg:$0x14];
	[sflag:s17] =	ssyncadd.s32 $0xFFFFC000  }
0x40: {  	[spmem:s8] =	stream.linear.scatter [tilespmem:s16], [sflag:$0x3], $0x4000, $0x38;
	[tilespmem:$0x1D000] =	vst v63  }
0x41: {  	_ =	swait.ge [sflag:s17], $0x4000  }
0x42: {  	[sflag:s17] =	ssyncset.done $0x0  }
0x43: {  	s9 =	rddreg [dreg:$0x15];
	[sflag:s17] =	ssyncadd.s32 $0xFFFFC000  }
0x44: {  	[spmem:s9] =	stream.linear.scatter [tilespmem:s16], [sflag:$0x3], $0x4000, $0x38;
	[tilespmem:$0x1D000] =	vst v63  }
0x45: {  	_ =	swait.ge [sflag:s17], $0x4000  }
0x46: {  	[sflag:s17] =	ssyncset.done $0x0  }
0x47: {  	s7 =	rddreg [dreg:$0x16];
	[sflag:s17] =	ssyncadd.s32 $0xFFFFC000  }
0x48: {  	[spmem:s7] =	stream.linear.scatter [tilespmem:s16], [sflag:$0x3], $0x4000, $0x38;
	[tilespmem:$0x1D000] =	vst v63  }
0x49: {  	_ =	swait.ge [sflag:s17], $0x4000  }
0x4a: {  	[sflag:s17] =	ssyncset.done $0x0  }
0x4b: {  	[sflag:s17] =	ssyncadd.s32 $0xFFFFC000  }
0x4c: {  	[bflag:$0x0] =	sbarrier.arrive $0xFFFF  }
0x4d: {  	s8 =	rddreg [dreg:$0x5]  }
0x4e: {  	s7 =	sadd.s32 $0x0, s8  }
0x4f: {  	[tilespmem:s4], [sflag:$0x3] =	stream.linear.gather [hbm4b:s7+s4], $0x800, $0x38;
	[tilespmem:$0x1D000] =	vst v63  }
0x50: {  	_ =	swait.ge [sflag:s17], $0x800  }
0x51: {  	s9 =	rddreg [dreg:$0x4];
	[sflag:s17] =	ssyncset.done $0x0  }
0x52: {  	[sflag:s17] =	ssyncadd.s32 $0xFFFFF800;
	s7 =	sadd.s32 $0x0, s9  }
0x53: {  	[tilespmem:s18], [sflag:$0x3] =	stream.linear.gather [hbm4b:s7+s4], $0x800, $0x38;
	[tilespmem:$0x1D000] =	vst v63  }
0x54: {  	_ =	swait.ge [sflag:s17], $0x800  }
0x55: {  	[sflag:s17] =	ssyncset.done $0x0  }
0x56: {  	[sflag:s17] =	ssyncadd.s32 $0xFFFFF800  }
0x57: {  	[tilespmem:s16], [sflag:$0x1] =	stream.indirect.gather [hbm4b:s1+s19], $0x80, s4, s19, $0xb8;
	[tilespmem:$0x1D000] =	vst v63  }
0x58: {  	_ =	swait.ge [sflag:s20], $0x4000  }
0x59: {  	[sflag:s20] =	ssyncset.done $0x0  }
0x5a: {  	[sflag:s20] =	ssyncadd.s32 $0xFFFFC000  }
0x5b: {  	[tilespmem:s21], [sflag:$0x2] =	stream.indirect.gather [hbm4b:s1+s19], $0x80, s19, s19, $0xb8;
	[tilespmem:$0x1D000] =	vst v63  }
0x5c: {  	_ = 	snop  }
0x5d: {  	[spmem:s3] =	stream.indirect.scatter.add.f32 [tilespmem:s16], [sflag:$0x3], $0x80, s18, s19, $0xb8;
	[tilespmem:$0x1D000] =	vst v63  }
0x5e: {  	_ =	swait.ge [sflag:s17], $0x4000  }
0x5f: {  	[sflag:s17] =	ssyncset.done $0x0  }
0x60: {  	[sflag:s17] =	ssyncadd.s32 $0xFFFFC000  }
0x61: {  	_ =	swait.ge [sflag:s22], $0x4000  }
0x62: {  	[sflag:s22] =	ssyncset.done $0x0  }
0x63: {  	s6 =	rddreg [dreg:$0x6];
	[sflag:s22] =	ssyncadd.s32 $0xFFFFC000  }
0x64: {  	[tilespmem:s16], [sflag:$0x1] =	stream.indirect.gather [hbm4b:s1+s19], $0x80, s6, s19, $0xb8;
	[tilespmem:$0x1D000] =	vst v63  }
0x65: {  	s8 =	rddreg [dreg:$0x7]  }
0x66: {  	[spmem:s3] =	stream.indirect.scatter.add.f32 [tilespmem:s21], [sflag:$0x3], $0x80, s8, s19, $0xb8;
	[tilespmem:$0x1D000] =	vst v63  }
0x67: {  	_ =	swait.ge [sflag:s17], $0x4000  }
0x68: {  	[sflag:s17] =	ssyncset.done $0x0  }
0x69: {  	[sflag:s17] =	ssyncadd.s32 $0xFFFFC000  }
0x6a: {  	_ =	swait.ge [sflag:s20], $0x4000  }
0x6b: {  	[sflag:s20] =	ssyncset.done $0x0  }
0x6c: {  	s9 =	rddreg [dreg:$0x8];
	[sflag:s20] =	ssyncadd.s32 $0xFFFFC000  }
0x6d: {  	[tilespmem:s21], [sflag:$0x2] =	stream.indirect.gather [hbm4b:s1+s19], $0x80, s9, s19, $0xb8;
	[tilespmem:$0x1D000] =	vst v63  }
0x6e: {  	s6 =	rddreg [dreg:$0x9]  }
0x6f: {  	[spmem:s3] =	stream.indirect.scatter.add.f32 [tilespmem:s16], [sflag:$0x3], $0x80, s6, s19, $0xb8;
	[tilespmem:$0x1D000] =	vst v63  }
0x70: {  	_ =	swait.ge [sflag:s17], $0x4000  }
0x71: {  	[sflag:s17] =	ssyncset.done $0x0  }
0x72: {  	[sflag:s17] =	ssyncadd.s32 $0xFFFFC000  }
0x73: {  	_ =	swait.ge [sflag:s22], $0x4000  }
0x74: {  	[sflag:s22] =	ssyncset.done $0x0  }
0x75: {  	s9 =	rddreg [dreg:$0xa];
	[sflag:s22] =	ssyncadd.s32 $0xFFFFC000  }
0x76: {  	[tilespmem:s16], [sflag:$0x1] =	stream.indirect.gather [hbm4b:s1+s19], $0x80, s9, s19, $0xb8;
	[tilespmem:$0x1D000] =	vst v63  }
0x77: {  	s6 =	rddreg [dreg:$0xb]  }
0x78: {  	[spmem:s3] =	stream.indirect.scatter.add.f32 [tilespmem:s21], [sflag:$0x3], $0x80, s6, s19, $0xb8;
	[tilespmem:$0x1D000] =	vst v63  }
0x79: {  	_ =	swait.ge [sflag:s17], $0x4000  }
0x7a: {  	[sflag:s17] =	ssyncset.done $0x0  }
0x7b: {  	[sflag:s17] =	ssyncadd.s32 $0xFFFFC000  }
0x7c: {  	_ =	swait.ge [sflag:s20], $0x4000  }
0x7d: {  	[sflag:s20] =	ssyncset.done $0x0  }
0x7e: {  	s9 =	rddreg [dreg:$0xc];
	[sflag:s20] =	ssyncadd.s32 $0xFFFFC000  }
0x7f: {  	[tilespmem:s21], [sflag:$0x2] =	stream.indirect.gather [hbm4b:s1+s19], $0x80, s9, s19, $0xb8;
	[tilespmem:$0x1D000] =	vst v63  }
0x80: {  	s6 =	rddreg [dreg:$0xd]  }
0x81: {  	[spmem:s3] =	stream.indirect.scatter.add.f32 [tilespmem:s16], [sflag:$0x3], $0x80, s6, s19, $0xb8;
	[tilespmem:$0x1D000] =	vst v63  }
0x82: {  	_ =	swait.ge [sflag:s17], $0x4000  }
0x83: {  	[sflag:s17] =	ssyncset.done $0x0  }
0x84: {  	[sflag:s17] =	ssyncadd.s32 $0xFFFFC000  }
0x85: {  	_ =	swait.ge [sflag:s22], $0x4000  }
0x86: {  	[sflag:s22] =	ssyncset.done $0x0  }
0x87: {  	s9 =	rddreg [dreg:$0xe];
	[sflag:s22] =	ssyncadd.s32 $0xFFFFC000  }
0x88: {  	[tilespmem:s16], [sflag:$0x1] =	stream.indirect.gather [hbm4b:s1+s19], $0x80, s9, s19, $0xb8;
	[tilespmem:$0x1D000] =	vst v63  }
0x89: {  	s6 =	rddreg [dreg:$0xf]  }
0x8a: {  	[spmem:s3] =	stream.indirect.scatter.add.f32 [tilespmem:s21], [sflag:$0x3], $0x80, s6, s19, $0xb8;
	[tilespmem:$0x1D000] =	vst v63  }
0x8b: {  	_ =	swait.ge [sflag:s17], $0x4000  }
0x8c: {  	[sflag:s17] =	ssyncset.done $0x0  }
0x8d: {  	[sflag:s17] =	ssyncadd.s32 $0xFFFFC000  }
0x8e: {  	_ =	swait.ge [sflag:s20], $0x4000  }
0x8f: {  	[sflag:s20] =	ssyncset.done $0x0  }
0x90: {  	s8 =	rddreg [dreg:$0x10];
	[sflag:s20] =	ssyncadd.s32 $0xFFFFC000  }
0x91: {  	[tilespmem:s21], [sflag:$0x2] =	stream.indirect.gather [hbm4b:s1+s19], $0x80, s8, s19, $0xb8;
	[tilespmem:$0x1D000] =	vst v63  }
0x92: {  	s9 =	rddreg [dreg:$0x11]  }
0x93: {  	[spmem:s3] =	stream.indirect.scatter.add.f32 [tilespmem:s16], [sflag:$0x3], $0x80, s9, s19, $0xb8;
	[tilespmem:$0x1D000] =	vst v63  }
0x94: {  	_ =	swait.ge [sflag:s17], $0x4000  }
0x95: {  	[sflag:s17] =	ssyncset.done $0x0  }
0x96: {  	[sflag:s17] =	ssyncadd.s32 $0xFFFFC000  }
0x97: {  	_ =	swait.ge [sflag:s22], $0x4000  }
0x98: {  	[sflag:s22] =	ssyncset.done $0x0  }
0x99: {  	[sflag:s22] =	ssyncadd.s32 $0xFFFFC000  }
0x9a: {  	[tilespmem:s16], [sflag:$0x1] =	stream.indirect.gather [hbm4b:s1+s19], $0x80, s23, s19, $0xb8;
	[tilespmem:$0x1D000] =	vst v63  }
0x9b: {  	_ = 	snop  }
0x9c: {  	[spmem:s3] =	stream.indirect.scatter.add.f32 [tilespmem:s21], [sflag:$0x3], $0x80, s24, s19, $0xb8;
	[tilespmem:$0x1D000] =	vst v63  }
0x9d: {  	_ =	swait.ge [sflag:s17], $0x4000  }
0x9e: {  	[sflag:s17] =	ssyncset.done $0x0  }
0x9f: {  	[sflag:s17] =	ssyncadd.s32 $0xFFFFC000  }
0xa0: {  	_ =	swait.ge [sflag:s20], $0x4000  }
0xa1: {  	[sflag:s20] =	ssyncset.done $0x0  }
0xa2: {  	[sflag:s20] =	ssyncadd.s32 $0xFFFFC000  }
0xa3: {  	[tilespmem:s21], [sflag:$0x2] =	stream.indirect.gather [hbm4b:s1+s19], $0x80, s25, s19, $0xb8;
	[tilespmem:$0x1D000] =	vst v63  }
0xa4: {  	_ = 	snop  }
0xa5: {  	[spmem:s3] =	stream.indirect.scatter.add.f32 [tilespmem:s16], [sflag:$0x3], $0x80, s26, s19, $0xb8;
	[tilespmem:$0x1D000] =	vst v63  }
0xa6: {  	_ =	swait.ge [sflag:s17], $0x4000  }
0xa7: {  	[sflag:s17] =	ssyncset.done $0x0  }
0xa8: {  	[sflag:s17] =	ssyncadd.s32 $0xFFFFC000  }
0xa9: {  	_ =	swait.ge [sflag:s22], $0x4000  }
0xaa: {  	[sflag:s22] =	ssyncset.done $0x0  }
0xab: {  	[sflag:s22] =	ssyncadd.s32 $0xFFFFC000  }
0xac: {  	[tilespmem:s16], [sflag:$0x1] =	stream.indirect.gather [hbm4b:s1+s19], $0x80, s28, s19, $0xb8;
	[tilespmem:$0x1D000] =	vst v63  }
0xad: {  	_ = 	snop  }
0xae: {  	[spmem:s3] =	stream.indirect.scatter.add.f32 [tilespmem:s21], [sflag:$0x3], $0x80, s29, s19, $0xb8;
	[tilespmem:$0x1D000] =	vst v63  }
0xaf: {  	_ =	swait.ge [sflag:s17], $0x4000  }
0xb0: {  	[sflag:s17] =	ssyncset.done $0x0  }
0xb1: {  	[sflag:s17] =	ssyncadd.s32 $0xFFFFC000  }
0xb2: {  	_ =	swait.ge [sflag:s20], $0x4000  }
0xb3: {  	[sflag:s20] =	ssyncset.done $0x0  }
0xb4: {  	[sflag:s20] =	ssyncadd.s32 $0xFFFFC000  }
0xb5: {  	[tilespmem:s21], [sflag:$0x2] =	stream.indirect.gather [hbm4b:s1+s19], $0x80, s30, s19, $0xb8;
	[tilespmem:$0x1D000] =	vst v63  }
0xb6: {  	_ = 	snop  }
0xb7: {  	[spmem:s3] =	stream.indirect.scatter.add.f32 [tilespmem:s16], [sflag:$0x3], $0x80, s31, s19, $0xb8;
	[tilespmem:$0x1D000] =	vst v63  }
0xb8: {  	_ =	swait.ge [sflag:s17], $0x4000  }
0xb9: {  	[sflag:s17] =	ssyncset.done $0x0  }
0xba: {  	[sflag:s17] =	ssyncadd.s32 $0xFFFFC000  }
0xbb: {  	_ =	swait.ge [sflag:s22], $0x4000  }
0xbc: {  	[sflag:s22] =	ssyncset.done $0x0  }
0xbd: {  	[sflag:s22] =	ssyncadd.s32 $0xFFFFC000  }
0xbe: {  	[tilespmem:s16], [sflag:$0x1] =	stream.indirect.gather [hbm4b:s1+s19], $0x80, s2, s19, $0xb8;
	[tilespmem:$0x1D000] =	vst v63  }
0xbf: {  	_ = 	snop  }
0xc0: {  	[spmem:s3] =	stream.indirect.scatter.add.f32 [tilespmem:s21], [sflag:$0x3], $0x80, s0, s19, $0xb8;
	[tilespmem:$0x1D000] =	vst v63  }
0xc1: {  	_ =	swait.ge [sflag:s17], $0x4000  }
0xc2: {  	[sflag:s17] =	ssyncset.done $0x0  }
0xc3: {  	[sflag:s17] =	ssyncadd.s32 $0xFFFFC000  }
0xc4: {  	_ =	swait.ge [sflag:s20], $0x4000  }
0xc5: {  	[sflag:s20] =	ssyncset.done $0x0  }
0xc6: {  	[sflag:s20] =	ssyncadd.s32 $0xFFFFC000  }
0xc7: {  	[tilespmem:s21], [sflag:$0x2] =	stream.indirect.gather [hbm4b:s1+s19], $0x80, s10, s19, $0xb8;
	[tilespmem:$0x1D000] =	vst v63  }
0xc8: {  	_ = 	snop  }
0xc9: {  	[spmem:s3] =	stream.indirect.scatter.add.f32 [tilespmem:s16], [sflag:$0x3], $0x80, s11, s19, $0xb8;
	[tilespmem:$0x1D000] =	vst v63  }
0xca: {  	_ =	swait.ge [sflag:s17], $0x4000  }
0xcb: {  	[sflag:s17] =	ssyncset.done $0x0  }
0xcc: {  	[sflag:s17] =	ssyncadd.s32 $0xFFFFC000  }
0xcd: {  	_ =	swait.ge [sflag:s22], $0x4000  }
0xce: {  	[sflag:s22] =	ssyncset.done $0x0  }
0xcf: {  	[sflag:s22] =	ssyncadd.s32 $0xFFFFC000  }
0xd0: {  	[tilespmem:s16], [sflag:$0x1] =	stream.indirect.gather [hbm4b:s1+s19], $0x80, s12, s19, $0xb8;
	[tilespmem:$0x1D000] =	vst v63  }
0xd1: {  	_ = 	snop  }
0xd2: {  	[spmem:s3] =	stream.indirect.scatter.add.f32 [tilespmem:s21], [sflag:$0x3], $0x80, s13, s19, $0xb8;
	[tilespmem:$0x1D000] =	vst v63  }
0xd3: {  	_ =	swait.ge [sflag:s17], $0x4000  }
0xd4: {  	[sflag:s17] =	ssyncset.done $0x0  }
0xd5: {  	[sflag:s17] =	ssyncadd.s32 $0xFFFFC000  }
0xd6: {  	_ =	swait.ge [sflag:s20], $0x4000  }
0xd7: {  	[sflag:s20] =	ssyncset.done $0x0  }
0xd8: {  	[sflag:s20] =	ssyncadd.s32 $0xFFFFC000  }
0xd9: {  	[tilespmem:s21], [sflag:$0x2] =	stream.indirect.gather [hbm4b:s1+s19], $0x80, s14, s19, $0xb8;
	[tilespmem:$0x1D000] =	vst v63  }
0xda: {  	_ = 	snop  }
0xdb: {  	[spmem:s3] =	stream.indirect.scatter.add.f32 [tilespmem:s16], [sflag:$0x3], $0x80, s15, s19, $0xb8;
	[tilespmem:$0x1D000] =	vst v63  }
0xdc: {  	_ =	swait.ge [sflag:s17], $0x4000  }
0xdd: {  	[sflag:s17] =	ssyncset.done $0x0  }
0xde: {  	[sflag:s17] =	ssyncadd.s32 $0xFFFFC000  }
0xdf: {  	_ =	swait.ge [sflag:s22], $0x4000  }
0xe0: {  	[sflag:s22] =	ssyncset.done $0x0  }
0xe1: {  	[sflag:s22] =	ssyncadd.s32 $0xFFFFC000  }
0xe2: {  	[spmem:s3] =	stream.indirect.scatter.add.f32 [tilespmem:s21], [sflag:$0x3], $0x80, s5, s19, $0xb8;
	[tilespmem:$0x1D000] =	vst v63  }
0xe3: {  	s7 =	simm.s32 $0x100;
	_ =	swait.ge [sflag:s17], $0x4000  }
0xe4: {  	s8 =	simm.s32 $0x200;
	s9 =	rddreg [dreg:$0x5];
	[sflag:s17] =	ssyncset.done $0x0  }
.LBB2_4:
0xe5: {  	[sflag:s17] =	ssyncadd.s32 $0xFFFFC000;
	s9 =	sadd.s32 s7, s9  }
0xe6: {  	[tilespmem:s4], [sflag:$0x3] =	stream.linear.gather [hbm4b:s9+s4], $0x800, $0x38;
	[tilespmem:$0x1D000] =	vst v63  }
0xe7: {  	_ =	swait.ge [sflag:s17], $0x800  }
0xe8: {  	s9 =	rddreg [dreg:$0x4];
	[sflag:s17] =	ssyncset.done $0x0  }
0xe9: {  	[sflag:s17] =	ssyncadd.s32 $0xFFFFF800;
	s9 =	sadd.s32 s7, s9  }
0xea: {  	[tilespmem:s18], [sflag:$0x3] =	stream.linear.gather [hbm4b:s9+s4], $0x800, $0x38;
	[tilespmem:$0x1D000] =	vst v63  }
0xeb: {  	_ =	swait.ge [sflag:s17], $0x800  }
0xec: {  	[sflag:s17] =	ssyncset.done $0x0  }
0xed: {  	[sflag:s17] =	ssyncadd.s32 $0xFFFFF800  }
0xee: {  	[tilespmem:s16], [sflag:$0x1] =	stream.indirect.gather [hbm4b:s1+s19], $0x80, s4, s19, $0xb8;
	[tilespmem:$0x1D000] =	vst v63  }
0xef: {  	_ =	swait.ge [sflag:s20], $0x4000  }
0xf0: {  	[sflag:s20] =	ssyncset.done $0x0  }
0xf1: {  	[sflag:s20] =	ssyncadd.s32 $0xFFFFC000  }
0xf2: {  	[tilespmem:s21], [sflag:$0x2] =	stream.indirect.gather [hbm4b:s1+s19], $0x80, s19, s19, $0xb8;
	[tilespmem:$0x1D000] =	vst v63  }
0xf3: {  	_ = 	snop  }
0xf4: {  	[spmem:s3] =	stream.indirect.scatter.add.f32 [tilespmem:s16], [sflag:$0x3], $0x80, s18, s19, $0xb8;
	[tilespmem:$0x1D000] =	vst v63  }
0xf5: {  	_ =	swait.ge [sflag:s17], $0x4000  }
0xf6: {  	[sflag:s17] =	ssyncset.done $0x0  }
0xf7: {  	[sflag:s17] =	ssyncadd.s32 $0xFFFFC000  }
0xf8: {  	_ =	swait.ge [sflag:s22], $0x4000  }
0xf9: {  	s6 =	smov.u32 s8;
	[sflag:s22] =	ssyncset.done $0x0  }
0xfa: {  	s7 =	smov.u32 s6;
	s6 =	rddreg [dreg:$0x6];
	[sflag:s22] =	ssyncadd.s32 $0xFFFFC000  }
0xfb: {  	[tilespmem:s16], [sflag:$0x1] =	stream.indirect.gather [hbm4b:s1+s19], $0x80, s6, s19, $0xb8;
	[tilespmem:$0x1D000] =	vst v63  }
0xfc: {  	s9 =	rddreg [dreg:$0x7]  }
0xfd: {  	[spmem:s3] =	stream.indirect.scatter.add.f32 [tilespmem:s21], [sflag:$0x3], $0x80, s9, s19, $0xb8;
	[tilespmem:$0x1D000] =	vst v63  }
0xfe: {  	_ =	swait.ge [sflag:s17], $0x4000  }
0xff: {  	[sflag:s17] =	ssyncset.done $0x0  }
0x100: {  	[sflag:s17] =	ssyncadd.s32 $0xFFFFC000  }
0x101: {  	_ =	swait.ge [sflag:s20], $0x4000  }
0x102: {  	[sflag:s20] =	ssyncset.done $0x0  }
0x103: {  	s6 =	rddreg [dreg:$0x8];
	[sflag:s20] =	ssyncadd.s32 $0xFFFFC000  }
0x104: {  	[tilespmem:s21], [sflag:$0x2] =	stream.indirect.gather [hbm4b:s1+s19], $0x80, s6, s19, $0xb8;
	[tilespmem:$0x1D000] =	vst v63  }
0x105: {  	s9 =	rddreg [dreg:$0x9]  }
0x106: {  	[spmem:s3] =	stream.indirect.scatter.add.f32 [tilespmem:s16], [sflag:$0x3], $0x80, s9, s19, $0xb8;
	[tilespmem:$0x1D000] =	vst v63  }
0x107: {  	_ =	swait.ge [sflag:s17], $0x4000  }
0x108: {  	[sflag:s17] =	ssyncset.done $0x0  }
0x109: {  	[sflag:s17] =	ssyncadd.s32 $0xFFFFC000  }
0x10a: {  	_ =	swait.ge [sflag:s22], $0x4000  }
0x10b: {  	[sflag:s22] =	ssyncset.done $0x0  }
0x10c: {  	s6 =	rddreg [dreg:$0xa];
	[sflag:s22] =	ssyncadd.s32 $0xFFFFC000  }
0x10d: {  	[tilespmem:s16], [sflag:$0x1] =	stream.indirect.gather [hbm4b:s1+s19], $0x80, s6, s19, $0xb8;
	[tilespmem:$0x1D000] =	vst v63  }
0x10e: {  	s9 =	rddreg [dreg:$0xb]  }
0x10f: {  	[spmem:s3] =	stream.indirect.scatter.add.f32 [tilespmem:s21], [sflag:$0x3], $0x80, s9, s19, $0xb8;
	[tilespmem:$0x1D000] =	vst v63  }
0x110: {  	_ =	swait.ge [sflag:s17], $0x4000  }
0x111: {  	[sflag:s17] =	ssyncset.done $0x0  }
0x112: {  	[sflag:s17] =	ssyncadd.s32 $0xFFFFC000  }
0x113: {  	_ =	swait.ge [sflag:s20], $0x4000  }
0x114: {  	[sflag:s20] =	ssyncset.done $0x0  }
0x115: {  	s6 =	rddreg [dreg:$0xc];
	[sflag:s20] =	ssyncadd.s32 $0xFFFFC000  }
0x116: {  	[tilespmem:s21], [sflag:$0x2] =	stream.indirect.gather [hbm4b:s1+s19], $0x80, s6, s19, $0xb8;
	[tilespmem:$0x1D000] =	vst v63  }
0x117: {  	s9 =	rddreg [dreg:$0xd]  }
0x118: {  	[spmem:s3] =	stream.indirect.scatter.add.f32 [tilespmem:s16], [sflag:$0x3], $0x80, s9, s19, $0xb8;
	[tilespmem:$0x1D000] =	vst v63  }
0x119: {  	_ =	swait.ge [sflag:s17], $0x4000  }
0x11a: {  	[sflag:s17] =	ssyncset.done $0x0  }
0x11b: {  	[sflag:s17] =	ssyncadd.s32 $0xFFFFC000  }
0x11c: {  	_ =	swait.ge [sflag:s22], $0x4000  }
0x11d: {  	[sflag:s22] =	ssyncset.done $0x0  }
0x11e: {  	s6 =	rddreg [dreg:$0xe];
	[sflag:s22] =	ssyncadd.s32 $0xFFFFC000  }
0x11f: {  	[tilespmem:s16], [sflag:$0x1] =	stream.indirect.gather [hbm4b:s1+s19], $0x80, s6, s19, $0xb8;
	[tilespmem:$0x1D000] =	vst v63  }
0x120: {  	s9 =	rddreg [dreg:$0xf]  }
0x121: {  	[spmem:s3] =	stream.indirect.scatter.add.f32 [tilespmem:s21], [sflag:$0x3], $0x80, s9, s19, $0xb8;
	[tilespmem:$0x1D000] =	vst v63  }
0x122: {  	_ =	swait.ge [sflag:s17], $0x4000  }
0x123: {  	[sflag:s17] =	ssyncset.done $0x0  }
0x124: {  	[sflag:s17] =	ssyncadd.s32 $0xFFFFC000  }
0x125: {  	_ =	swait.ge [sflag:s20], $0x4000  }
0x126: {  	[sflag:s20] =	ssyncset.done $0x0  }
0x127: {  	s6 =	rddreg [dreg:$0x10];
	[sflag:s20] =	ssyncadd.s32 $0xFFFFC000  }
0x128: {  	[tilespmem:s21], [sflag:$0x2] =	stream.indirect.gather [hbm4b:s1+s19], $0x80, s6, s19, $0xb8;
	[tilespmem:$0x1D000] =	vst v63  }
0x129: {  	s9 =	rddreg [dreg:$0x11]  }
0x12a: {  	[spmem:s3] =	stream.indirect.scatter.add.f32 [tilespmem:s16], [sflag:$0x3], $0x80, s9, s19, $0xb8;
	[tilespmem:$0x1D000] =	vst v63  }
0x12b: {  	_ =	swait.ge [sflag:s17], $0x4000  }
0x12c: {  	[sflag:s17] =	ssyncset.done $0x0  }
0x12d: {  	[sflag:s17] =	ssyncadd.s32 $0xFFFFC000  }
0x12e: {  	_ =	swait.ge [sflag:s22], $0x4000  }
0x12f: {  	[sflag:s22] =	ssyncset.done $0x0  }
0x130: {  	[sflag:s22] =	ssyncadd.s32 $0xFFFFC000  }
0x131: {  	[tilespmem:s16], [sflag:$0x1] =	stream.indirect.gather [hbm4b:s1+s19], $0x80, s23, s19, $0xb8;
	[tilespmem:$0x1D000] =	vst v63  }
0x132: {  	_ = 	snop  }
0x133: {  	[spmem:s3] =	stream.indirect.scatter.add.f32 [tilespmem:s21], [sflag:$0x3], $0x80, s24, s19, $0xb8;
	[tilespmem:$0x1D000] =	vst v63  }
0x134: {  	_ =	swait.ge [sflag:s17], $0x4000  }
0x135: {  	[sflag:s17] =	ssyncset.done $0x0  }
0x136: {  	[sflag:s17] =	ssyncadd.s32 $0xFFFFC000  }
0x137: {  	_ =	swait.ge [sflag:s20], $0x4000  }
0x138: {  	[sflag:s20] =	ssyncset.done $0x0  }
0x139: {  	[sflag:s20] =	ssyncadd.s32 $0xFFFFC000  }
0x13a: {  	[tilespmem:s21], [sflag:$0x2] =	stream.indirect.gather [hbm4b:s1+s19], $0x80, s25, s19, $0xb8;
	[tilespmem:$0x1D000] =	vst v63  }
0x13b: {  	_ = 	snop  }
0x13c: {  	[spmem:s3] =	stream.indirect.scatter.add.f32 [tilespmem:s16], [sflag:$0x3], $0x80, s26, s19, $0xb8;
	[tilespmem:$0x1D000] =	vst v63  }
0x13d: {  	_ =	swait.ge [sflag:s17], $0x4000  }
0x13e: {  	[sflag:s17] =	ssyncset.done $0x0  }
0x13f: {  	[sflag:s17] =	ssyncadd.s32 $0xFFFFC000  }
0x140: {  	_ =	swait.ge [sflag:s22], $0x4000  }
0x141: {  	[sflag:s22] =	ssyncset.done $0x0  }
0x142: {  	[sflag:s22] =	ssyncadd.s32 $0xFFFFC000  }
0x143: {  	[tilespmem:s16], [sflag:$0x1] =	stream.indirect.gather [hbm4b:s1+s19], $0x80, s28, s19, $0xb8;
	[tilespmem:$0x1D000] =	vst v63  }
0x144: {  	_ = 	snop  }
0x145: {  	[spmem:s3] =	stream.indirect.scatter.add.f32 [tilespmem:s21], [sflag:$0x3], $0x80, s29, s19, $0xb8;
	[tilespmem:$0x1D000] =	vst v63  }
0x146: {  	_ =	swait.ge [sflag:s17], $0x4000  }
0x147: {  	[sflag:s17] =	ssyncset.done $0x0  }
0x148: {  	[sflag:s17] =	ssyncadd.s32 $0xFFFFC000  }
0x149: {  	_ =	swait.ge [sflag:s20], $0x4000  }
0x14a: {  	[sflag:s20] =	ssyncset.done $0x0  }
0x14b: {  	[sflag:s20] =	ssyncadd.s32 $0xFFFFC000  }
0x14c: {  	[tilespmem:s21], [sflag:$0x2] =	stream.indirect.gather [hbm4b:s1+s19], $0x80, s30, s19, $0xb8;
	[tilespmem:$0x1D000] =	vst v63  }
0x14d: {  	_ = 	snop  }
0x14e: {  	[spmem:s3] =	stream.indirect.scatter.add.f32 [tilespmem:s16], [sflag:$0x3], $0x80, s31, s19, $0xb8;
	[tilespmem:$0x1D000] =	vst v63  }
0x14f: {  	_ =	swait.ge [sflag:s17], $0x4000  }
0x150: {  	[sflag:s17] =	ssyncset.done $0x0  }
0x151: {  	[sflag:s17] =	ssyncadd.s32 $0xFFFFC000  }
0x152: {  	_ =	swait.ge [sflag:s22], $0x4000  }
0x153: {  	[sflag:s22] =	ssyncset.done $0x0  }
0x154: {  	[sflag:s22] =	ssyncadd.s32 $0xFFFFC000  }
0x155: {  	[tilespmem:s16], [sflag:$0x1] =	stream.indirect.gather [hbm4b:s1+s19], $0x80, s2, s19, $0xb8;
	[tilespmem:$0x1D000] =	vst v63  }
0x156: {  	_ = 	snop  }
0x157: {  	[spmem:s3] =	stream.indirect.scatter.add.f32 [tilespmem:s21], [sflag:$0x3], $0x80, s0, s19, $0xb8;
	[tilespmem:$0x1D000] =	vst v63  }
0x158: {  	_ =	swait.ge [sflag:s17], $0x4000  }
0x159: {  	[sflag:s17] =	ssyncset.done $0x0  }
0x15a: {  	[sflag:s17] =	ssyncadd.s32 $0xFFFFC000  }
0x15b: {  	_ =	swait.ge [sflag:s20], $0x4000  }
0x15c: {  	[sflag:s20] =	ssyncset.done $0x0  }
0x15d: {  	[sflag:s20] =	ssyncadd.s32 $0xFFFFC000  }
0x15e: {  	[tilespmem:s21], [sflag:$0x2] =	stream.indirect.gather [hbm4b:s1+s19], $0x80, s10, s19, $0xb8;
	[tilespmem:$0x1D000] =	vst v63  }
0x15f: {  	_ = 	snop  }
0x160: {  	[spmem:s3] =	stream.indirect.scatter.add.f32 [tilespmem:s16], [sflag:$0x3], $0x80, s11, s19, $0xb8;
	[tilespmem:$0x1D000] =	vst v63  }
0x161: {  	_ =	swait.ge [sflag:s17], $0x4000  }
0x162: {  	[sflag:s17] =	ssyncset.done $0x0  }
0x163: {  	[sflag:s17] =	ssyncadd.s32 $0xFFFFC000  }
0x164: {  	_ =	swait.ge [sflag:s22], $0x4000  }
0x165: {  	[sflag:s22] =	ssyncset.done $0x0  }
0x166: {  	[sflag:s22] =	ssyncadd.s32 $0xFFFFC000  }
0x167: {  	[tilespmem:s16], [sflag:$0x1] =	stream.indirect.gather [hbm4b:s1+s19], $0x80, s12, s19, $0xb8;
	[tilespmem:$0x1D000] =	vst v63  }
0x168: {  	_ = 	snop  }
0x169: {  	[spmem:s3] =	stream.indirect.scatter.add.f32 [tilespmem:s21], [sflag:$0x3], $0x80, s13, s19, $0xb8;
	[tilespmem:$0x1D000] =	vst v63  }
0x16a: {  	_ =	swait.ge [sflag:s17], $0x4000  }
0x16b: {  	[sflag:s17] =	ssyncset.done $0x0  }
0x16c: {  	[sflag:s17] =	ssyncadd.s32 $0xFFFFC000  }
0x16d: {  	_ =	swait.ge [sflag:s20], $0x4000  }
0x16e: {  	[sflag:s20] =	ssyncset.done $0x0  }
0x16f: {  	[sflag:s20] =	ssyncadd.s32 $0xFFFFC000  }
0x170: {  	[tilespmem:s21], [sflag:$0x2] =	stream.indirect.gather [hbm4b:s1+s19], $0x80, s14, s19, $0xb8;
	[tilespmem:$0x1D000] =	vst v63  }
0x171: {  	_ = 	snop  }
0x172: {  	[spmem:s3] =	stream.indirect.scatter.add.f32 [tilespmem:s16], [sflag:$0x3], $0x80, s15, s19, $0xb8;
	[tilespmem:$0x1D000] =	vst v63  }
0x173: {  	_ =	swait.ge [sflag:s17], $0x4000  }
0x174: {  	[sflag:s17] =	ssyncset.done $0x0  }
0x175: {  	[sflag:s17] =	ssyncadd.s32 $0xFFFFC000  }
0x176: {  	p0 =	sne.s32 s8, $0x400;
	_ =	swait.ge [sflag:s22], $0x4000  }
.Ltmp1:
0x177: {  	[sflag:s22] =	ssyncset.done $0x0;
	(pc) =	sbr.rel @p0 .LBB2_4-.Ltmp1, $4  }
0x178: {  	[sflag:s22] =	ssyncadd.s32 $0xFFFFC000  }
0x179: {  	[spmem:s3] =	stream.indirect.scatter.add.f32 [tilespmem:s21], [sflag:$0x3], $0x80, s5, s19, $0xb8;
	[tilespmem:$0x1D000] =	vst v63  }
0x17a: {  	_ =	swait.ge [sflag:s17], $0x4000  }
0x17b: {  	s8 =	sadd.s32 $0x100, s8;
	s9 =	rddreg [dreg:$0x5];
	[sflag:s17] =	ssyncset.done $0x0  }
0x17c: {  	[sflag:s17] =	ssyncadd.s32 $0xFFFFC000;
	s6 =	sadd.s32 s7, s9  }
0x17d: {  	[tilespmem:s4], [sflag:$0x3] =	stream.linear.gather [hbm4b:s6+s4], $0x800, $0x38;
	[tilespmem:$0x1D000] =	vst v63  }
0x17e: {  	_ =	swait.ge [sflag:s17], $0x800  }
0x17f: {  	s9 =	rddreg [dreg:$0x4];
	[sflag:s17] =	ssyncset.done $0x0  }
0x180: {  	[sflag:s17] =	ssyncadd.s32 $0xFFFFF800;
	s6 =	sadd.s32 s7, s9  }
0x181: {  	[tilespmem:s18], [sflag:$0x3] =	stream.linear.gather [hbm4b:s6+s4], $0x800, $0x38;
	[tilespmem:$0x1D000] =	vst v63  }
0x182: {  	_ =	swait.ge [sflag:s17], $0x800  }
0x183: {  	[sflag:s17] =	ssyncset.done $0x0  }
0x184: {  	[sflag:s17] =	ssyncadd.s32 $0xFFFFF800  }
0x185: {  	[tilespmem:s16], [sflag:$0x1] =	stream.indirect.gather [hbm4b:s1+s19], $0x80, s4, s19, $0xb8;
	[tilespmem:$0x1D000] =	vst v63  }
0x186: {  	_ =	swait.ge [sflag:s20], $0x4000  }
0x187: {  	[sflag:s20] =	ssyncset.done $0x0  }
0x188: {  	[sflag:s20] =	ssyncadd.s32 $0xFFFFC000  }
0x189: {  	[tilespmem:s21], [sflag:$0x2] =	stream.indirect.gather [hbm4b:s1+s19], $0x80, s19, s19, $0xb8;
	[tilespmem:$0x1D000] =	vst v63  }
0x18a: {  	_ = 	snop  }
0x18b: {  	[spmem:s3] =	stream.indirect.scatter.add.f32 [tilespmem:s16], [sflag:$0x3], $0x80, s18, s19, $0xb8;
	[tilespmem:$0x1D000] =	vst v63  }
0x18c: {  	_ =	swait.ge [sflag:s17], $0x4000  }
0x18d: {  	[sflag:s17] =	ssyncset.done $0x0  }
0x18e: {  	[sflag:s17] =	ssyncadd.s32 $0xFFFFC000  }
0x18f: {  	_ =	swait.ge [sflag:s22], $0x4000  }
0x190: {  	[sflag:s22] =	ssyncset.done $0x0  }
0x191: {  	s8 =	rddreg [dreg:$0x6];
	[sflag:s22] =	ssyncadd.s32 $0xFFFFC000  }
0x192: {  	[tilespmem:s16], [sflag:$0x1] =	stream.indirect.gather [hbm4b:s1+s19], $0x80, s8, s19, $0xb8;
	[tilespmem:$0x1D000] =	vst v63  }
0x193: {  	s9 =	rddreg [dreg:$0x7]  }
0x194: {  	[spmem:s3] =	stream.indirect.scatter.add.f32 [tilespmem:s21], [sflag:$0x3], $0x80, s9, s19, $0xb8;
	[tilespmem:$0x1D000] =	vst v63  }
0x195: {  	_ =	swait.ge [sflag:s17], $0x4000  }
0x196: {  	[sflag:s17] =	ssyncset.done $0x0  }
0x197: {  	[sflag:s17] =	ssyncadd.s32 $0xFFFFC000  }
0x198: {  	_ =	swait.ge [sflag:s20], $0x4000  }
0x199: {  	[sflag:s20] =	ssyncset.done $0x0  }
0x19a: {  	s8 =	rddreg [dreg:$0x8];
	[sflag:s20] =	ssyncadd.s32 $0xFFFFC000  }
0x19b: {  	[tilespmem:s21], [sflag:$0x2] =	stream.indirect.gather [hbm4b:s1+s19], $0x80, s8, s19, $0xb8;
	[tilespmem:$0x1D000] =	vst v63  }
0x19c: {  	s9 =	rddreg [dreg:$0x9]  }
0x19d: {  	[spmem:s3] =	stream.indirect.scatter.add.f32 [tilespmem:s16], [sflag:$0x3], $0x80, s9, s19, $0xb8;
	[tilespmem:$0x1D000] =	vst v63  }
0x19e: {  	_ =	swait.ge [sflag:s17], $0x4000  }
0x19f: {  	[sflag:s17] =	ssyncset.done $0x0  }
0x1a0: {  	[sflag:s17] =	ssyncadd.s32 $0xFFFFC000  }
0x1a1: {  	_ =	swait.ge [sflag:s22], $0x4000  }
0x1a2: {  	[sflag:s22] =	ssyncset.done $0x0  }
0x1a3: {  	s8 =	rddreg [dreg:$0xa];
	[sflag:s22] =	ssyncadd.s32 $0xFFFFC000  }
0x1a4: {  	[tilespmem:s16], [sflag:$0x1] =	stream.indirect.gather [hbm4b:s1+s19], $0x80, s8, s19, $0xb8;
	[tilespmem:$0x1D000] =	vst v63  }
0x1a5: {  	s9 =	rddreg [dreg:$0xb]  }
0x1a6: {  	[spmem:s3] =	stream.indirect.scatter.add.f32 [tilespmem:s21], [sflag:$0x3], $0x80, s9, s19, $0xb8;
	[tilespmem:$0x1D000] =	vst v63  }
0x1a7: {  	_ =	swait.ge [sflag:s17], $0x4000  }
0x1a8: {  	[sflag:s17] =	ssyncset.done $0x0  }
0x1a9: {  	[sflag:s17] =	ssyncadd.s32 $0xFFFFC000  }
0x1aa: {  	_ =	swait.ge [sflag:s20], $0x4000  }
0x1ab: {  	[sflag:s20] =	ssyncset.done $0x0  }
0x1ac: {  	s8 =	rddreg [dreg:$0xc];
	[sflag:s20] =	ssyncadd.s32 $0xFFFFC000  }
0x1ad: {  	[tilespmem:s21], [sflag:$0x2] =	stream.indirect.gather [hbm4b:s1+s19], $0x80, s8, s19, $0xb8;
	[tilespmem:$0x1D000] =	vst v63  }
0x1ae: {  	s9 =	rddreg [dreg:$0xd]  }
0x1af: {  	[spmem:s3] =	stream.indirect.scatter.add.f32 [tilespmem:s16], [sflag:$0x3], $0x80, s9, s19, $0xb8;
	[tilespmem:$0x1D000] =	vst v63  }
0x1b0: {  	_ =	swait.ge [sflag:s17], $0x4000  }
0x1b1: {  	[sflag:s17] =	ssyncset.done $0x0  }
0x1b2: {  	[sflag:s17] =	ssyncadd.s32 $0xFFFFC000  }
0x1b3: {  	_ =	swait.ge [sflag:s22], $0x4000  }
0x1b4: {  	[sflag:s22] =	ssyncset.done $0x0  }
0x1b5: {  	s8 =	rddreg [dreg:$0xe];
	[sflag:s22] =	ssyncadd.s32 $0xFFFFC000  }
0x1b6: {  	[tilespmem:s16], [sflag:$0x1] =	stream.indirect.gather [hbm4b:s1+s19], $0x80, s8, s19, $0xb8;
	[tilespmem:$0x1D000] =	vst v63  }
0x1b7: {  	s9 =	rddreg [dreg:$0xf]  }
0x1b8: {  	[spmem:s3] =	stream.indirect.scatter.add.f32 [tilespmem:s21], [sflag:$0x3], $0x80, s9, s19, $0xb8;
	[tilespmem:$0x1D000] =	vst v63  }
0x1b9: {  	_ =	swait.ge [sflag:s17], $0x4000  }
0x1ba: {  	[sflag:s17] =	ssyncset.done $0x0  }
0x1bb: {  	[sflag:s17] =	ssyncadd.s32 $0xFFFFC000  }
0x1bc: {  	_ =	swait.ge [sflag:s20], $0x4000  }
0x1bd: {  	[sflag:s20] =	ssyncset.done $0x0  }
0x1be: {  	s8 =	rddreg [dreg:$0x10];
	[sflag:s20] =	ssyncadd.s32 $0xFFFFC000  }
0x1bf: {  	[tilespmem:s21], [sflag:$0x2] =	stream.indirect.gather [hbm4b:s1+s19], $0x80, s8, s19, $0xb8;
	[tilespmem:$0x1D000] =	vst v63  }
0x1c0: {  	s9 =	rddreg [dreg:$0x11]  }
0x1c1: {  	[spmem:s3] =	stream.indirect.scatter.add.f32 [tilespmem:s16], [sflag:$0x3], $0x80, s9, s19, $0xb8;
	[tilespmem:$0x1D000] =	vst v63  }
0x1c2: {  	_ =	swait.ge [sflag:s17], $0x4000  }
0x1c3: {  	[sflag:s17] =	ssyncset.done $0x0  }
0x1c4: {  	[sflag:s17] =	ssyncadd.s32 $0xFFFFC000  }
0x1c5: {  	_ =	swait.ge [sflag:s22], $0x4000  }
0x1c6: {  	[sflag:s22] =	ssyncset.done $0x0  }
0x1c7: {  	[sflag:s22] =	ssyncadd.s32 $0xFFFFC000  }
0x1c8: {  	[tilespmem:s16], [sflag:$0x1] =	stream.indirect.gather [hbm4b:s1+s19], $0x80, s23, s19, $0xb8;
	[tilespmem:$0x1D000] =	vst v63  }
0x1c9: {  	_ = 	snop  }
0x1ca: {  	[spmem:s3] =	stream.indirect.scatter.add.f32 [tilespmem:s21], [sflag:$0x3], $0x80, s24, s19, $0xb8;
	[tilespmem:$0x1D000] =	vst v63  }
0x1cb: {  	_ =	swait.ge [sflag:s17], $0x4000  }
0x1cc: {  	[sflag:s17] =	ssyncset.done $0x0  }
0x1cd: {  	[sflag:s17] =	ssyncadd.s32 $0xFFFFC000  }
0x1ce: {  	_ =	swait.ge [sflag:s20], $0x4000  }
0x1cf: {  	[sflag:s20] =	ssyncset.done $0x0  }
0x1d0: {  	[sflag:s20] =	ssyncadd.s32 $0xFFFFC000  }
0x1d1: {  	[tilespmem:s21], [sflag:$0x2] =	stream.indirect.gather [hbm4b:s1+s19], $0x80, s25, s19, $0xb8;
	[tilespmem:$0x1D000] =	vst v63  }
0x1d2: {  	_ = 	snop  }
0x1d3: {  	[spmem:s3] =	stream.indirect.scatter.add.f32 [tilespmem:s16], [sflag:$0x3], $0x80, s26, s19, $0xb8;
	[tilespmem:$0x1D000] =	vst v63  }
0x1d4: {  	_ =	swait.ge [sflag:s17], $0x4000  }
0x1d5: {  	[sflag:s17] =	ssyncset.done $0x0  }
0x1d6: {  	[sflag:s17] =	ssyncadd.s32 $0xFFFFC000  }
0x1d7: {  	_ =	swait.ge [sflag:s22], $0x4000  }
0x1d8: {  	[sflag:s22] =	ssyncset.done $0x0  }
0x1d9: {  	[sflag:s22] =	ssyncadd.s32 $0xFFFFC000  }
0x1da: {  	[tilespmem:s16], [sflag:$0x1] =	stream.indirect.gather [hbm4b:s1+s19], $0x80, s28, s19, $0xb8;
	[tilespmem:$0x1D000] =	vst v63  }
0x1db: {  	_ = 	snop  }
0x1dc: {  	[spmem:s3] =	stream.indirect.scatter.add.f32 [tilespmem:s21], [sflag:$0x3], $0x80, s29, s19, $0xb8;
	[tilespmem:$0x1D000] =	vst v63  }
0x1dd: {  	_ =	swait.ge [sflag:s17], $0x4000  }
0x1de: {  	[sflag:s17] =	ssyncset.done $0x0  }
0x1df: {  	[sflag:s17] =	ssyncadd.s32 $0xFFFFC000  }
0x1e0: {  	_ =	swait.ge [sflag:s20], $0x4000  }
0x1e1: {  	[sflag:s20] =	ssyncset.done $0x0  }
0x1e2: {  	[sflag:s20] =	ssyncadd.s32 $0xFFFFC000  }
0x1e3: {  	[tilespmem:s21], [sflag:$0x2] =	stream.indirect.gather [hbm4b:s1+s19], $0x80, s30, s19, $0xb8;
	[tilespmem:$0x1D000] =	vst v63  }
0x1e4: {  	_ = 	snop  }
0x1e5: {  	[spmem:s3] =	stream.indirect.scatter.add.f32 [tilespmem:s16], [sflag:$0x3], $0x80, s31, s19, $0xb8;
	[tilespmem:$0x1D000] =	vst v63  }
0x1e6: {  	_ =	swait.ge [sflag:s17], $0x4000  }
0x1e7: {  	[sflag:s17] =	ssyncset.done $0x0  }
0x1e8: {  	[sflag:s17] =	ssyncadd.s32 $0xFFFFC000  }
0x1e9: {  	_ =	swait.ge [sflag:s22], $0x4000  }
0x1ea: {  	[sflag:s22] =	ssyncset.done $0x0  }
0x1eb: {  	[sflag:s22] =	ssyncadd.s32 $0xFFFFC000  }
0x1ec: {  	[tilespmem:s16], [sflag:$0x1] =	stream.indirect.gather [hbm4b:s1+s19], $0x80, s2, s19, $0xb8;
	[tilespmem:$0x1D000] =	vst v63  }
0x1ed: {  	_ = 	snop  }
0x1ee: {  	[spmem:s3] =	stream.indirect.scatter.add.f32 [tilespmem:s21], [sflag:$0x3], $0x80, s0, s19, $0xb8;
	[tilespmem:$0x1D000] =	vst v63  }
0x1ef: {  	_ =	swait.ge [sflag:s17], $0x4000  }
0x1f0: {  	[sflag:s17] =	ssyncset.done $0x0  }
0x1f1: {  	[sflag:s17] =	ssyncadd.s32 $0xFFFFC000  }
0x1f2: {  	_ =	swait.ge [sflag:s20], $0x4000  }
0x1f3: {  	[sflag:s20] =	ssyncset.done $0x0  }
0x1f4: {  	[sflag:s20] =	ssyncadd.s32 $0xFFFFC000  }
0x1f5: {  	[tilespmem:s21], [sflag:$0x2] =	stream.indirect.gather [hbm4b:s1+s19], $0x80, s10, s19, $0xb8;
	[tilespmem:$0x1D000] =	vst v63  }
0x1f6: {  	_ = 	snop  }
0x1f7: {  	[spmem:s3] =	stream.indirect.scatter.add.f32 [tilespmem:s16], [sflag:$0x3], $0x80, s11, s19, $0xb8;
	[tilespmem:$0x1D000] =	vst v63  }
0x1f8: {  	_ =	swait.ge [sflag:s17], $0x4000  }
0x1f9: {  	[sflag:s17] =	ssyncset.done $0x0  }
0x1fa: {  	[sflag:s17] =	ssyncadd.s32 $0xFFFFC000  }
0x1fb: {  	_ =	swait.ge [sflag:s22], $0x4000  }
0x1fc: {  	[sflag:s22] =	ssyncset.done $0x0  }
0x1fd: {  	[sflag:s22] =	ssyncadd.s32 $0xFFFFC000  }
0x1fe: {  	[tilespmem:s16], [sflag:$0x1] =	stream.indirect.gather [hbm4b:s1+s19], $0x80, s12, s19, $0xb8;
	[tilespmem:$0x1D000] =	vst v63  }
0x1ff: {  	_ = 	snop  }
0x200: {  	[spmem:s3] =	stream.indirect.scatter.add.f32 [tilespmem:s21], [sflag:$0x3], $0x80, s13, s19, $0xb8;
	[tilespmem:$0x1D000] =	vst v63  }
0x201: {  	_ =	swait.ge [sflag:s17], $0x4000  }
0x202: {  	[sflag:s17] =	ssyncset.done $0x0  }
0x203: {  	[sflag:s17] =	ssyncadd.s32 $0xFFFFC000  }
0x204: {  	_ =	swait.ge [sflag:s20], $0x4000  }
0x205: {  	[sflag:s20] =	ssyncset.done $0x0  }
0x206: {  	[sflag:s20] =	ssyncadd.s32 $0xFFFFC000  }
0x207: {  	[tilespmem:s21], [sflag:$0x2] =	stream.indirect.gather [hbm4b:s1+s19], $0x80, s14, s19, $0xb8;
	[tilespmem:$0x1D000] =	vst v63  }
0x208: {  	_ = 	snop  }
0x209: {  	[spmem:s3] =	stream.indirect.scatter.add.f32 [tilespmem:s16], [sflag:$0x3], $0x80, s15, s19, $0xb8;
	[tilespmem:$0x1D000] =	vst v63  }
0x20a: {  	_ =	swait.ge [sflag:s17], $0x4000  }
0x20b: {  	[sflag:s17] =	ssyncset.done $0x0  }
0x20c: {  	[sflag:s17] =	ssyncadd.s32 $0xFFFFC000  }
0x20d: {  	_ =	swait.ge [sflag:s22], $0x4000  }
0x20e: {  	[sflag:s22] =	ssyncset.done $0x0  }
0x20f: {  	[sflag:s22] =	ssyncadd.s32 $0xFFFFC000  }
0x210: {  	[spmem:s3] =	stream.indirect.scatter.add.f32 [tilespmem:s21], [sflag:$0x3], $0x80, s5, s19, $0xb8;
	[tilespmem:$0x1D000] =	vst v63  }
0x211: {  	_ =	swait.ge [sflag:s17], $0x4000  }
0x212: {  	[sflag:s17] =	ssyncset.done $0x0  }
0x213: {  	[sflag:s17] =	ssyncadd.s32 $0xFFFFC000  }
0x214: {  	[bflag:$0x0] =	sbarrier.arrive $0xFFFF  }
0x215: {  	s7 =	rddreg [dreg:$0x12]  }
0x216: {  	[tilespmem:s16], [sflag:$0x3] =	stream.linear.gather [spmem:s7], $0x4000, $0x38;
	[tilespmem:$0x1D000] =	vst v63  }
0x217: {  	_ =	swait.ge [sflag:s17], $0x4000  }
0x218: {  	[sflag:s17] =	ssyncset.done $0x0  }
0x219: {  	s8 =	rddreg [dreg:$0x17];
	[sflag:s17] =	ssyncadd.s32 $0xFFFFC000  }
0x21a: {  	[hbm4b:s8+s4] =	stream.linear.scatter [tilespmem:s16], [sflag:$0x3], $0x4000, $0x38;
	[tilespmem:$0x1D000] =	vst v63  }
0x21b: {  	_ =	swait.ge [sflag:s17], $0x4000  }
0x21c: {  	[sflag:s17] =	ssyncset.done $0x0  }
0x21d: {  	s9 =	rddreg [dreg:$0x13];
	[sflag:s17] =	ssyncadd.s32 $0xFFFFC000  }
0x21e: {  	[tilespmem:s16], [sflag:$0x3] =	stream.linear.gather [spmem:s9], $0x4000, $0x38;
	[tilespmem:$0x1D000] =	vst v63  }
0x21f: {  	_ =	swait.ge [sflag:s17], $0x4000  }
0x220: {  	[sflag:s17] =	ssyncset.done $0x0  }
0x221: {  	s7 =	rddreg [dreg:$0x18];
	[sflag:s17] =	ssyncadd.s32 $0xFFFFC000  }
0x222: {  	[hbm4b:s7+s4] =	stream.linear.scatter [tilespmem:s16], [sflag:$0x3], $0x4000, $0x38;
	[tilespmem:$0x1D000] =	vst v63  }
0x223: {  	_ =	swait.ge [sflag:s17], $0x4000  }
0x224: {  	[sflag:s17] =	ssyncset.done $0x0  }
0x225: {  	s8 =	rddreg [dreg:$0x14];
	[sflag:s17] =	ssyncadd.s32 $0xFFFFC000  }
0x226: {  	[tilespmem:s16], [sflag:$0x3] =	stream.linear.gather [spmem:s8], $0x4000, $0x38;
	[tilespmem:$0x1D000] =	vst v63  }
0x227: {  	_ =	swait.ge [sflag:s17], $0x4000  }
0x228: {  	[sflag:s17] =	ssyncset.done $0x0  }
0x229: {  	s9 =	rddreg [dreg:$0x19];
	[sflag:s17] =	ssyncadd.s32 $0xFFFFC000  }
0x22a: {  	[hbm4b:s9+s4] =	stream.linear.scatter [tilespmem:s16], [sflag:$0x3], $0x4000, $0x38;
	[tilespmem:$0x1D000] =	vst v63  }
0x22b: {  	_ =	swait.ge [sflag:s17], $0x4000  }
0x22c: {  	[sflag:s17] =	ssyncset.done $0x0  }
0x22d: {  	s7 =	rddreg [dreg:$0x15];
	[sflag:s17] =	ssyncadd.s32 $0xFFFFC000  }
0x22e: {  	[tilespmem:s16], [sflag:$0x3] =	stream.linear.gather [spmem:s7], $0x4000, $0x38;
	[tilespmem:$0x1D000] =	vst v63  }
0x22f: {  	_ =	swait.ge [sflag:s17], $0x4000  }
0x230: {  	[sflag:s17] =	ssyncset.done $0x0  }
0x231: {  	s8 =	rddreg [dreg:$0x1a];
	[sflag:s17] =	ssyncadd.s32 $0xFFFFC000  }
0x232: {  	[hbm4b:s8+s4] =	stream.linear.scatter [tilespmem:s16], [sflag:$0x3], $0x4000, $0x38;
	[tilespmem:$0x1D000] =	vst v63  }
0x233: {  	_ =	swait.ge [sflag:s17], $0x4000  }
0x234: {  	[sflag:s17] =	ssyncset.done $0x0  }
0x235: {  	s9 =	rddreg [dreg:$0x16];
	[sflag:s17] =	ssyncadd.s32 $0xFFFFC000  }
0x236: {  	[tilespmem:s16], [sflag:$0x3] =	stream.linear.gather [spmem:s9], $0x4000, $0x38;
	[tilespmem:$0x1D000] =	vst v63  }
0x237: {  	_ =	swait.ge [sflag:s17], $0x4000  }
0x238: {  	[sflag:s17] =	ssyncset.done $0x0  }
0x239: {  	s7 =	rddreg [dreg:$0x1b];
	[sflag:s17] =	ssyncadd.s32 $0xFFFFC000  }
0x23a: {  	[hbm4b:s7+s4] =	stream.linear.scatter [tilespmem:s16], [sflag:$0x3], $0x4000, $0x38;
	[tilespmem:$0x1D000] =	vst v63  }
0x23b: {  	_ =	swait.ge [sflag:s17], $0x4000  }
0x23c: {  	s8 =	rddreg [dreg:$0x1d]  }
0x23d: {  	s9 =	rddreg [dreg:$0x1c];
	s7 =	sadd.s32 $0x1, s8  }
0x23e: {  	p0 =	sne.s32 s7, s9  }
.Ltmp2:
0x23f: {  	_ = 	snop;
	(pc) =	sbr.rel @p0 .LBB2_1-.Ltmp2, $3  }
0x240: {  	_ =	sdelay $0x1  }
0x241: {  	[sflag:s17] =	ssyncset.done $0x0  }
0x242: {  	[sflag:s17] =	ssyncadd.s32 $0xFFFFC000  }
0x243: {  	_ =	sfence.sel $0x180000  }
0x244: {  	[bflag:$0x0] =	sbarrier.arrive $0xFFFF  }
0x245: {  	_ =	strace $0x9000004A  }
0x246: {  	s0 =	stileid.u32;
	[bflag:$0x2] =	sbarrier.arrive $0xFFFF  }
0x247: {  	p0 =	sne.s32 s0, $0x0;
	s0 =	rddreg [dreg:$0x3]  }
0x248: {  	s0 =	sadd.s32 @!p0 $0x100000, s0  }
0x249: {  	[sflag:s0] =	ssyncadd.tile.s32 @!p0 $0x1;
	_ =	shalt  }
.Lfunc_end2:
_tile_overlayer_lowered:
.L_overlay_start_2:
0x24a: {  	(tag) =	ssettag $0x2  }
0x24b: {  	s0 =	rddreg [dreg:$0x0];
	s2 =	stileid.u32  }
0x24c: {  	s1 =	rddreg [dreg:$0x1];
	p0 =	sne.s32 s2, $0x0  }
0x24d: {  	s3 =	rddreg [dreg:$0x2];
	[bflag:$0x3] =	sbarrier.arrive $0xFFFF;
	s2 =	simm.s32 @!p0 $0x1C03  }
0x24e: {  	[timem:s3], [sflag:s2] =	dma.local @!p0 [hbm:s0], s1  }
0x24f: {  	s0 =	simm.s32 @!p0 $0x3  }
0x250: {  	_ =	swait.ge @!p0 [sflag:s0], s1  }
0x251: {  	s1 =	ssub.s32 @!p0 $0x0, s1;
	[sflag:s0] =	ssyncset.done @!p0 $0x0  }
0x252: {  	[sflag:s0] =	ssyncadd.s32 @!p0 s1  }
0x253: {  	[bflag:$0x3] =	sbarrier.arrive $0xFFFF  }
0x254: {  	_ =	shalt  }

</sc_bundles>
